<compile_context>
chip_gen: v7x
topology: tpu7x:2x2x1
jax: 0.10.2.dev20260603
libtpu: 0.0.44.dev20260713+nightly
codegen_flags: <defaults>
</compile_context>

<pallas_src>
import jax
import jax.numpy as jnp
from jax import lax
from jax.experimental import pallas as pl
from jax.experimental.pallas import tpu as pltpu
from jax.experimental.pallas import tpu_sc as plsc

_N_NODES = 10000
_E_TOTAL = 320000
_N_PAD = 10240
_NC, _NS = 2, 16
_NW = _NC * _NS
_EPW = _E_TOTAL // _NW
_CHUNK = 80
_CPW = _EPW // _CHUNK
_ROWS_PT = _N_PAD // _NS


def _sc_propagate(feat_dim, with_degrees):
  nbuf = 2 if feat_dim > 32 else 5
  ngrp = -(-_CPW // nbuf)
  mesh = plsc.VectorSubcoreMesh(
      core_axis_name="c", subcore_axis_name="s",
      num_cores=_NC, num_subcores=_NS)
  out_type = [jax.ShapeDtypeStruct((_NC * _N_PAD, feat_dim), jnp.float32)]
  if with_degrees:
    out_type += [jax.ShapeDtypeStruct((_NC * _N_PAD,), jnp.float32)] * 2
  scratch = [
      pltpu.VMEM((_CPW, _CHUNK), jnp.int32),
      pltpu.VMEM((_CPW, _CHUNK), jnp.int32),
      pltpu.VMEM((nbuf, _CHUNK, feat_dim), jnp.float32),
      pltpu.VMEM_SHARED((_N_PAD, feat_dim), jnp.float32),
  ] + [pltpu.SemaphoreType.DMA] * (nbuf + 10)
  if with_degrees:
    scratch += [
        pltpu.VMEM((_CHUNK,), jnp.float32),
        pltpu.VMEM((_ROWS_PT,), jnp.float32),
        pltpu.VMEM_SHARED((_N_PAD,), jnp.float32),
        pltpu.VMEM_SHARED((_N_PAD,), jnp.float32),
    ]

  def body(table, gsrc, ssrc, *rest):
    if with_degrees:
      (acc_out, dg_out, ds_out, gidx2, sidx2, rows3, acc,
       *sems_rest) = rest
      sems = sems_rest[:nbuf]
      psems = sems_rest[nbuf:nbuf + 10]
      ones, zvec, dg, ds = sems_rest[nbuf + 10:]
    else:
      acc_out, gidx2, sidx2, rows3, acc, *sems_rest = rest
      sems = sems_rest[:nbuf]
      psems = sems_rest[nbuf:nbuf + 10]
    cid = lax.axis_index("c")
    sid = lax.axis_index("s")
    wid = sid * _NC + cid
    zero16 = jnp.zeros((16,), jnp.float32)
    row0 = sid * _ROWS_PT

    pltpu.async_copy(gsrc.at[wid], gidx2, psems[0])
    pltpu.async_copy(ssrc.at[wid], sidx2, psems[1])

    def zrow(i, carry):
      for j in range(feat_dim // 16):
        rows3[0, i, pl.ds(j * 16, 16)] = zero16
      return carry
    lax.fori_loop(0, _CHUNK, zrow, 0)
    nclr = _ROWS_PT // _CHUNK
    for k in range(nclr):
      pltpu.async_copy(rows3.at[0],
                       acc.at[pl.ds(row0 + k * _CHUNK, _CHUNK)], psems[2 + k])
    if with_degrees:
      def zv(i, carry):
        zvec[pl.ds(i * 16, 16)] = zero16
        return carry
      lax.fori_loop(0, _ROWS_PT // 16, zv, 0)
      for j in range(_CHUNK // 16 + 1):
        o = min(j * 16, _CHUNK - 16)
        ones[pl.ds(o, 16)] = jnp.ones((16,), jnp.float32)
      pltpu.async_copy(zvec, dg.at[pl.ds(row0, _ROWS_PT)], sems[0])
      pltpu.async_copy(zvec, ds.at[pl.ds(row0, _ROWS_PT)], sems[1])
    pltpu.make_async_copy(gsrc.at[wid], gidx2, psems[0]).wait()
    pltpu.make_async_copy(ssrc.at[wid], sidx2, psems[1]).wait()
    for k in range(nclr):
      pltpu.make_async_copy(
          rows3.at[0], acc.at[pl.ds(row0 + k * _CHUNK, _CHUNK)],
          psems[2 + k]).wait()
    if with_degrees:
      pltpu.make_async_copy(zvec, dg.at[pl.ds(row0, _ROWS_PT)], sems[0]).wait()
      pltpu.make_async_copy(zvec, ds.at[pl.ds(row0, _ROWS_PT)], sems[1]).wait()
    plsc.subcore_barrier()

    if nbuf >= 5:
      ssems = (psems[8], psems[9])
      for b in range(3):
        pltpu.async_copy(table.at[gidx2.at[b]], rows3.at[b], sems[b])

      def grp(g, carry):
        for b in range(10):
          k = g * 10 + b
          @pl.when(k < _CPW)
          def _():
            @pl.when(k >= 2)
            def _():
              pltpu.make_async_copy(
                  rows3.at[b % 5], acc.at[sidx2.at[k]], ssems[b % 2]).wait()
            @pl.when(k + 3 < _CPW)
            def _():
              pltpu.async_copy(table.at[gidx2.at[k + 3]],
                               rows3.at[(b + 3) % 5], sems[(b + 3) % 5])
            pltpu.make_async_copy(
                table.at[gidx2.at[k]], rows3.at[b % 5], sems[b % 5]).wait()
            pltpu.async_copy(rows3.at[b % 5], acc.at[sidx2.at[k]],
                             ssems[b % 2], add=True)
        return carry
      lax.fori_loop(0, -(-_CPW // 10), grp, 0)
      for k in (_CPW - 2, _CPW - 1):
        pltpu.make_async_copy(
            rows3.at[k % 5], acc.at[sidx2.at[k]], ssems[k % 2]).wait()
    else:
      guard = (_CPW % nbuf) != 0
      if with_degrees:
        dsg, dss = psems[2], psems[3]
      for b in range(nbuf):
        pltpu.async_copy(table.at[gidx2.at[b]], rows3.at[b], sems[b])

      def grp(g, carry):
        for b in range(nbuf):
          k = g * nbuf + b

          def step():
            pltpu.make_async_copy(
                table.at[gidx2.at[b]], rows3.at[b], sems[b]).wait()
            pltpu.sync_copy(rows3.at[b], acc.at[sidx2.at[k]], add=True)
            if with_degrees:
              @pl.when(k >= 1)
              def _():
                pltpu.make_async_copy(ones, dg.at[gidx2.at[k]], dsg).wait()
                pltpu.make_async_copy(ones, ds.at[sidx2.at[k]], dss).wait()
              pltpu.async_copy(ones, dg.at[gidx2.at[k]], dsg, add=True)
              pltpu.async_copy(ones, ds.at[sidx2.at[k]], dss, add=True)
            @pl.when(k + nbuf < _CPW)
            def _():
              pltpu.async_copy(
                  table.at[gidx2.at[k + nbuf]], rows3.at[b], sems[b])

          if guard:
            pl.when(k < _CPW)(step)
          else:
            step()
        return carry
      lax.fori_loop(0, ngrp, grp, 0)
      if with_degrees:
        k = _CPW - 1
        pltpu.make_async_copy(ones, dg.at[gidx2.at[k]], dsg).wait()
        pltpu.make_async_copy(ones, ds.at[sidx2.at[k]], dss).wait()
    plsc.subcore_barrier()

    obase = cid * _N_PAD + row0
    pltpu.sync_copy(acc.at[pl.ds(row0, _ROWS_PT)],
                    acc_out.at[pl.ds(obase, _ROWS_PT)])
    if with_degrees:
      pltpu.sync_copy(dg.at[pl.ds(row0, _ROWS_PT)],
                      dg_out.at[pl.ds(obase, _ROWS_PT)])
      pltpu.sync_copy(ds.at[pl.ds(row0, _ROWS_PT)],
                      ds_out.at[pl.ds(obase, _ROWS_PT)])

  return pl.kernel(
      body,
      out_type=tuple(out_type) if with_degrees else out_type[0],
      mesh=mesh,
      scratch_types=tuple(scratch),
      compiler_params=pltpu.CompilerParams(use_tc_tiling_on_sc=False))


_sc_prop_deg = _sc_propagate(128, True)
_sc_prop128 = _sc_propagate(128, False)
_sc_prop32 = _sc_propagate(32, False)


def _tc_matmul(x, w):
  m, k = x.shape
  n = w.shape[1]
  br = 1000 if m % 1000 == 0 else 1024

  def body(xr, wr, outr):
    outr[...] = jnp.dot(xr[...], wr[...], preferred_element_type=jnp.float32)

  return pl.pallas_call(
      body,
      grid=(m // br,),
      in_specs=[pl.BlockSpec((br, k), lambda i: (i, 0)),
                pl.BlockSpec((k, n), lambda i: (0, 0))],
      out_specs=pl.BlockSpec((br, n), lambda i: (i, 0)),
      out_shape=jax.ShapeDtypeStruct((m, n), jnp.float32),
  )(x, w)


def _tc_edge_scale(acc, deg, feat_dim):
  br = 1024
  acc3 = acc.reshape(_NC, _N_PAD, feat_dim)
  deg3 = deg.reshape(_NC, _N_PAD, 1)

  def body(a0, a1, d0, d1, o):
    s = a0[0] + a1[0]
    b = d0[0] + d1[0]
    o[...] = jnp.where(b > 0, 1.0 / b, 0.0) * s

  return pl.pallas_call(
      body,
      grid=(_N_PAD // br,),
      in_specs=[pl.BlockSpec((1, br, feat_dim), lambda i: (0, i, 0)),
                pl.BlockSpec((1, br, feat_dim), lambda i: (1, i, 0)),
                pl.BlockSpec((1, br, 1), lambda i: (0, i, 0)),
                pl.BlockSpec((1, br, 1), lambda i: (1, i, 0))],
      out_specs=pl.BlockSpec((br, feat_dim), lambda i: (i, 0)),
      out_shape=jax.ShapeDtypeStruct((_N_PAD, feat_dim), jnp.float32),
  )(acc3, acc3, deg3, deg3)


def _tc_node_out(acc, deg, bias, w, feat_dim):
  br = 1024
  acc3 = acc.reshape(_NC, _N_PAD, feat_dim)
  deg3 = deg.reshape(_NC, _N_PAD, 1)
  bias2 = bias.reshape(1, feat_dim)
  n_out = feat_dim if w is None else w.shape[1]

  def body(a0, a1, d0, d1, br_, *rest):
    if w is None:
      (o,) = rest
    else:
      wr, o = rest
    s = a0[0] + a1[0]
    d = d0[0] + d1[0]
    h = jnp.maximum(jnp.where(d > 0, 1.0 / d, 0.0) * s + br_[...], 0.0)
    if w is None:
      o[...] = h
    else:
      o[...] = jnp.dot(h, wr[...], preferred_element_type=jnp.float32)

  in_specs = [pl.BlockSpec((1, br, feat_dim), lambda i: (0, i, 0)),
              pl.BlockSpec((1, br, feat_dim), lambda i: (1, i, 0)),
              pl.BlockSpec((1, br, 1), lambda i: (0, i, 0)),
              pl.BlockSpec((1, br, 1), lambda i: (1, i, 0)),
              pl.BlockSpec((1, feat_dim), lambda i: (0, 0))]
  args = [acc3, acc3, deg3, deg3, bias2]
  if w is not None:
    in_specs.append(pl.BlockSpec(w.shape, lambda i: (0, 0)))
    args.append(w)
  return pl.pallas_call(
      body,
      grid=(_N_PAD // br,),
      in_specs=in_specs,
      out_specs=pl.BlockSpec((br, n_out), lambda i: (i, 0)),
      out_shape=jax.ShapeDtypeStruct((_N_PAD, n_out), jnp.float32),
  )(*args)


def kernel(x, edge, W1, b1, W2, b2):
  nidx = edge[0].reshape(_NW, _CPW, _CHUNK)
  hidx = edge[1].reshape(_NW, _CPW, _CHUNK)

  xl1 = _tc_matmul(x, W1)
  acc1, d_node, d_hedge = _sc_prop_deg(xl1, nidx, hidx)
  ef1 = _tc_edge_scale(acc1, d_hedge, 128)
  acc2 = _sc_prop128(ef1, hidx, nidx)
  xl2 = _tc_node_out(acc2, d_node, b1, W2, 128)

  acc3 = _sc_prop32(xl2, nidx, hidx)
  ef2 = _tc_edge_scale(acc3, d_hedge, 32)
  acc4 = _sc_prop32(ef2, hidx, nidx)
  out = _tc_node_out(acc4, d_node, b2, None, 32)
  return out[:_N_NODES]

# --- scband reference (transcript-rebuilt; emitter-appended) ---
"""Pipeline reference for scband-hgnn-17394617548829 (READ-ONLY COPY).

The authoritative reference and input builder live on the scoring server;
editing this copy changes nothing except your own understanding.
"""

import jax, jax.numpy as jnp
import numpy as np

N_NODES = 10000
N_HYPEREDGES = 10000
E = 320000
D_IN = 128
DIM1 = 128
DIM2 = DIM1 // 4


def setup_inputs(seed: int = 0) -> dict:
    key = jax.random.key(seed)
    k1, k2, k3, k4 = jax.random.split(key, 4)
    x = jax.random.normal(k1, (N_NODES, D_IN), dtype=jnp.float32)
    edge = jax.random.randint(k2, (2, E), 0, N_NODES, dtype=jnp.int32)
    W1 = jax.random.normal(k3, (D_IN, DIM1), dtype=jnp.float32) * (1.0 / np.sqrt(D_IN))
    b1 = jnp.zeros((DIM1,), dtype=jnp.float32)
    W2 = jax.random.normal(k4, (DIM1, DIM2), dtype=jnp.float32) * (1.0 / np.sqrt(DIM1))
    b2 = jnp.zeros((DIM2,), dtype=jnp.float32)
    return {"x": x, "edge": edge, "W1": W1, "b1": b1, "W2": W2, "b2": b2}


def _hypergraph_conv(x, edge, W, b, num_nodes, num_edges):
    # PyG HypergraphConv (no attention): X' = D^{-1} H B^{-1} H^T X Theta + bias
    xl = x @ W
    node_idx = edge[0]
    hedge_idx = edge[1]
    ones_e = jnp.ones((edge.shape[1],), dtype=xl.dtype)
    # node degree D (hyperedge_weight = 1)
    D = jax.ops.segment_sum(ones_e, node_idx, num_segments=num_nodes)
    D_inv = jnp.where(D > 0, 1.0 / D, 0.0)
    # hyperedge degree B
    B = jax.ops.segment_sum(ones_e, hedge_idx, num_segments=num_edges)
    B_inv = jnp.where(B > 0, 1.0 / B, 0.0)
    # node -> hyperedge: message = B_inv[e] * x[n], aggregate at hyperedge
    m1 = B_inv[hedge_idx][:, None] * xl[node_idx]
    edge_feat = jax.ops.segment_sum(m1, hedge_idx, num_segments=num_edges)
    # hyperedge -> node: message = D_inv[n] * edge_feat[e], aggregate at node
    m2 = D_inv[node_idx][:, None] * edge_feat[hedge_idx]
    out = jax.ops.segment_sum(m2, node_idx, num_segments=num_nodes)
    return out + b


def reference(x, edge, W1, b1, W2, b2):
    h = jax.nn.relu(_hypergraph_conv(x, edge, W1, b1, N_NODES, N_HYPEREDGES))
    out = jax.nn.relu(_hypergraph_conv(h, edge, W2, b2, N_NODES, N_HYPEREDGES))
    return out

if __name__ == "__main__":
    import jax
    _d = setup_inputs()
    print(jax.jit(kernel)(*tuple(_d.values())))

</pallas_src>

<mosaic_0001>
#map = affine_map<(d0, d1) -> (0, 0)>
#map1 = affine_map<(d0, d1) -> (0, 0, 0)>
#map2 = affine_map<(d0, d1) -> (0)>
module attributes {stable_mosaic.version = 14 : i64} {
  func.func @body(%arg0: i32, %arg1: i32, %arg2: memref<10000x128xf32, #tpu.memory_space<hbm>>, %arg3: memref<32x125x80xi32, #tpu.memory_space<hbm>>, %arg4: memref<32x125x80xi32, #tpu.memory_space<hbm>>, %arg5: memref<20480x128xf32, #tpu.memory_space<hbm>>, %arg6: memref<20480xf32, #tpu.memory_space<hbm>>, %arg7: memref<20480xf32, #tpu.memory_space<hbm>>, %arg8: memref<125x80xi32, #tpu.memory_space<vmem>>, %arg9: memref<125x80xi32, #tpu.memory_space<vmem>>, %arg10: memref<2x80x128xf32, #tpu.memory_space<vmem>>, %arg11: memref<10240x128xf32, #tpu.memory_space<vmem_shared>>, %arg12: memref<!tpu.dma_semaphore, #tpu.memory_space<semaphore_mem>>, %arg13: memref<!tpu.dma_semaphore, #tpu.memory_space<semaphore_mem>>, %arg14: memref<!tpu.dma_semaphore, #tpu.memory_space<semaphore_mem>>, %arg15: memref<!tpu.dma_semaphore, #tpu.memory_space<semaphore_mem>>, %arg16: memref<!tpu.dma_semaphore, #tpu.memory_space<semaphore_mem>>, %arg17: memref<!tpu.dma_semaphore, #tpu.memory_space<semaphore_mem>>, %arg18: memref<!tpu.dma_semaphore, #tpu.memory_space<semaphore_mem>>, %arg19: memref<!tpu.dma_semaphore, #tpu.memory_space<semaphore_mem>>, %arg20: memref<!tpu.dma_semaphore, #tpu.memory_space<semaphore_mem>>, %arg21: memref<!tpu.dma_semaphore, #tpu.memory_space<semaphore_mem>>, %arg22: memref<!tpu.dma_semaphore, #tpu.memory_space<semaphore_mem>>, %arg23: memref<!tpu.dma_semaphore, #tpu.memory_space<semaphore_mem>>, %arg24: memref<80xf32, #tpu.memory_space<vmem>>, %arg25: memref<640xf32, #tpu.memory_space<vmem>>, %arg26: memref<10240xf32, #tpu.memory_space<vmem_shared>>, %arg27: memref<10240xf32, #tpu.memory_space<vmem_shared>>) attributes {dimension_semantics = [#tpu.dimension_semantics<core_parallel>, #tpu.dimension_semantics<subcore_parallel>], iteration_bounds = array<i64: 2, 16>, scalar_prefetch = 0 : i64, scratch_operands = 20 : i64, tpu.core_type = #tpu.core_type<sc_vector_subcore>, window_params = [{transform_indices = #map}, {transform_indices = #map1}, {transform_indices = #map1}, {transform_indices = #map}, {transform_indices = #map2}, {transform_indices = #map2}]} {
    %mul3A = arith.constant 2 : i32
    %mul3A_0 = arith.muli %arg1, %mul3A : i32
    %add3A = arith.addi %mul3A_0, %arg0 : i32
    %broadcast_in_dim3A = arith.constant 0.000000e+00 : f32
    %broadcast_in_dim3A_1 = vector.broadcast %broadcast_in_dim3A : f32 to vector<16xf32>
    %mul3A_2 = arith.constant 640 : i32
    %mul3A_3 = arith.muli %arg1, %mul3A_2 : i32
    %dma_start3A = arith.constant 0 : i32
    %dma_start3A_4 = arith.constant 0 : i32
    %dma_start3A_5 = tpu.memref_slice %arg3[%add3A, %dma_start3A, %dma_start3A_4] : memref<32x125x80xi32, #tpu.memory_space<hbm>> -> memref<1x125x80xi32, #tpu.memory_space<hbm>>
    %dma_start3A_6 = tpu.memref_squeeze %dma_start3A_5 : memref<1x125x80xi32, #tpu.memory_space<hbm>> -> memref<125x80xi32, #tpu.memory_space<hbm>>
    %dma_start3A_7 = arith.constant 0 : i32
    %dma_start3A_8 = arith.constant 0 : i32
    %dma_start3A_9 = tpu.memref_slice %arg3[%add3A, %dma_start3A_7, %dma_start3A_8] : memref<32x125x80xi32, #tpu.memory_space<hbm>> -> memref<1x125x80xi32, #tpu.memory_space<hbm>>
    %dma_start3A_10 = tpu.memref_squeeze %dma_start3A_9 : memref<1x125x80xi32, #tpu.memory_space<hbm>> -> memref<125x80xi32, #tpu.memory_space<hbm>>
    tpu.enqueue_dma source(%dma_start3A_10 : memref<125x80xi32, #tpu.memory_space<hbm>>) target(%arg8 : memref<125x80xi32, #tpu.memory_space<vmem>>) target_semaphore(%arg14 : memref<!tpu.dma_semaphore, #tpu.memory_space<semaphore_mem>>)
    %dma_start3A_11 = arith.constant 0 : i32
    %dma_start3A_12 = arith.constant 0 : i32
    %dma_start3A_13 = tpu.memref_slice %arg4[%add3A, %dma_start3A_11, %dma_start3A_12] : memref<32x125x80xi32, #tpu.memory_space<hbm>> -> memref<1x125x80xi32, #tpu.memory_space<hbm>>
    %dma_start3A_14 = tpu.memref_squeeze %dma_start3A_13 : memref<1x125x80xi32, #tpu.memory_space<hbm>> -> memref<125x80xi32, #tpu.memory_space<hbm>>
    %dma_start3A_15 = arith.constant 0 : i32
    %dma_start3A_16 = arith.constant 0 : i32
    %dma_start3A_17 = tpu.memref_slice %arg4[%add3A, %dma_start3A_15, %dma_start3A_16] : memref<32x125x80xi32, #tpu.memory_space<hbm>> -> memref<1x125x80xi32, #tpu.memory_space<hbm>>
    %dma_start3A_18 = tpu.memref_squeeze %dma_start3A_17 : memref<1x125x80xi32, #tpu.memory_space<hbm>> -> memref<125x80xi32, #tpu.memory_space<hbm>>
    tpu.enqueue_dma source(%dma_start3A_18 : memref<125x80xi32, #tpu.memory_space<hbm>>) target(%arg9 : memref<125x80xi32, #tpu.memory_space<vmem>>) target_semaphore(%arg15 : memref<!tpu.dma_semaphore, #tpu.memory_space<semaphore_mem>>)
    %scan3A = arith.constant 0 : i32
    %scan3A_19 = arith.constant 0 : i32
    %scan3A_20 = arith.constant 80 : i32
    %scan3A_21 = arith.addi %scan3A_19, %scan3A_20 : i32
    %scan3A_22 = arith.constant 1 : i32
    scf.for %scan3A_374 = %scan3A_19 to %scan3A_21 step %scan3A_22  : i32 {
      %swap3A_375 = arith.constant 0 : i32
      %swap3A_376 = arith.index_cast %swap3A_375 : i32 to index
      %swap3A_377 = arith.index_cast %scan3A_374 : i32 to index
      %swap3A_378 = arith.constant 0 : index
      %swap3A_379 = tpu.vector_load %arg10[%swap3A_376, %swap3A_377, %swap3A_378] {strides = array<i32>} : memref<2x80x128xf32, #tpu.memory_space<vmem>>, vector<1x1x16xf32>,
      %swap3A_380 = vector.shape_cast %swap3A_379 : vector<1x1x16xf32> to vector<16xf32>
      %swap3A_381 = vector.shape_cast %broadcast_in_dim3A_1 : vector<16xf32> to vector<1x1x16xf32>
      tpu.vector_store %arg10[%swap3A_376, %swap3A_377, %swap3A_378], %swap3A_381 {strides = array<i32>} : memref<2x80x128xf32, #tpu.memory_space<vmem>>, vector<1x1x16xf32>,
      %swap3A_382 = arith.constant 0 : i32
      %swap3A_383 = arith.index_cast %swap3A_382 : i32 to index
      %swap3A_384 = arith.index_cast %scan3A_374 : i32 to index
      %swap3A_385 = arith.constant 16 : index
      %swap3A_386 = tpu.vector_load %arg10[%swap3A_383, %swap3A_384, %swap3A_385] {strides = array<i32>} : memref<2x80x128xf32, #tpu.memory_space<vmem>>, vector<1x1x16xf32>,
      %swap3A_387 = vector.shape_cast %swap3A_386 : vector<1x1x16xf32> to vector<16xf32>
      %swap3A_388 = vector.shape_cast %broadcast_in_dim3A_1 : vector<16xf32> to vector<1x1x16xf32>
      tpu.vector_store %arg10[%swap3A_383, %swap3A_384, %swap3A_385], %swap3A_388 {strides = array<i32>} : memref<2x80x128xf32, #tpu.memory_space<vmem>>, vector<1x1x16xf32>,
      %swap3A_389 = arith.constant 0 : i32
      %swap3A_390 = arith.index_cast %swap3A_389 : i32 to index
      %swap3A_391 = arith.index_cast %scan3A_374 : i32 to index
      %swap3A_392 = arith.constant 32 : index
      %swap3A_393 = tpu.vector_load %arg10[%swap3A_390, %swap3A_391, %swap3A_392] {strides = array<i32>} : memref<2x80x128xf32, #tpu.memory_space<vmem>>, vector<1x1x16xf32>,
      %swap3A_394 = vector.shape_cast %swap3A_393 : vector<1x1x16xf32> to vector<16xf32>
      %swap3A_395 = vector.shape_cast %broadcast_in_dim3A_1 : vector<16xf32> to vector<1x1x16xf32>
      tpu.vector_store %arg10[%swap3A_390, %swap3A_391, %swap3A_392], %swap3A_395 {strides = array<i32>} : memref<2x80x128xf32, #tpu.memory_space<vmem>>, vector<1x1x16xf32>,
      %swap3A_396 = arith.constant 0 : i32
      %swap3A_397 = arith.index_cast %swap3A_396 : i32 to index
      %swap3A_398 = arith.index_cast %scan3A_374 : i32 to index
      %swap3A_399 = arith.constant 48 : index
      %swap3A_400 = tpu.vector_load %arg10[%swap3A_397, %swap3A_398, %swap3A_399] {strides = array<i32>} : memref<2x80x128xf32, #tpu.memory_space<vmem>>, vector<1x1x16xf32>,
      %swap3A_401 = vector.shape_cast %swap3A_400 : vector<1x1x16xf32> to vector<16xf32>
      %swap3A_402 = vector.shape_cast %broadcast_in_dim3A_1 : vector<16xf32> to vector<1x1x16xf32>
      tpu.vector_store %arg10[%swap3A_397, %swap3A_398, %swap3A_399], %swap3A_402 {strides = array<i32>} : memref<2x80x128xf32, #tpu.memory_space<vmem>>, vector<1x1x16xf32>,
      %swap3A_403 = arith.constant 0 : i32
      %swap3A_404 = arith.index_cast %swap3A_403 : i32 to index
      %swap3A_405 = arith.index_cast %scan3A_374 : i32 to index
      %swap3A_406 = arith.constant 64 : index
      %swap3A_407 = tpu.vector_load %arg10[%swap3A_404, %swap3A_405, %swap3A_406] {strides = array<i32>} : memref<2x80x128xf32, #tpu.memory_space<vmem>>, vector<1x1x16xf32>,
      %swap3A_408 = vector.shape_cast %swap3A_407 : vector<1x1x16xf32> to vector<16xf32>
      %swap3A_409 = vector.shape_cast %broadcast_in_dim3A_1 : vector<16xf32> to vector<1x1x16xf32>
      tpu.vector_store %arg10[%swap3A_404, %swap3A_405, %swap3A_406], %swap3A_409 {strides = array<i32>} : memref<2x80x128xf32, #tpu.memory_space<vmem>>, vector<1x1x16xf32>,
      %swap3A_410 = arith.constant 0 : i32
      %swap3A_411 = arith.index_cast %swap3A_410 : i32 to index
      %swap3A_412 = arith.index_cast %scan3A_374 : i32 to index
      %swap3A_413 = arith.constant 80 : index
      %swap3A_414 = tpu.vector_load %arg10[%swap3A_411, %swap3A_412, %swap3A_413] {strides = array<i32>} : memref<2x80x128xf32, #tpu.memory_space<vmem>>, vector<1x1x16xf32>,
      %swap3A_415 = vector.shape_cast %swap3A_414 : vector<1x1x16xf32> to vector<16xf32>
      %swap3A_416 = vector.shape_cast %broadcast_in_dim3A_1 : vector<16xf32> to vector<1x1x16xf32>
      tpu.vector_store %arg10[%swap3A_411, %swap3A_412, %swap3A_413], %swap3A_416 {strides = array<i32>} : memref<2x80x128xf32, #tpu.memory_space<vmem>>, vector<1x1x16xf32>,
      %swap3A_417 = arith.constant 0 : i32
      %swap3A_418 = arith.index_cast %swap3A_417 : i32 to index
      %swap3A_419 = arith.index_cast %scan3A_374 : i32 to index
      %swap3A_420 = arith.constant 96 : index
      %swap3A_421 = tpu.vector_load %arg10[%swap3A_418, %swap3A_419, %swap3A_420] {strides = array<i32>} : memref<2x80x128xf32, #tpu.memory_space<vmem>>, vector<1x1x16xf32>,
      %swap3A_422 = vector.shape_cast %swap3A_421 : vector<1x1x16xf32> to vector<16xf32>
      %swap3A_423 = vector.shape_cast %broadcast_in_dim3A_1 : vector<16xf32> to vector<1x1x16xf32>
      tpu.vector_store %arg10[%swap3A_418, %swap3A_419, %swap3A_420], %swap3A_423 {strides = array<i32>} : memref<2x80x128xf32, #tpu.memory_space<vmem>>, vector<1x1x16xf32>,
      %swap3A_424 = arith.constant 0 : i32
      %swap3A_425 = arith.index_cast %swap3A_424 : i32 to index
      %swap3A_426 = arith.index_cast %scan3A_374 : i32 to index
      %swap3A_427 = arith.constant 112 : index
      %swap3A_428 = tpu.vector_load %arg10[%swap3A_425, %swap3A_426, %swap3A_427] {strides = array<i32>} : memref<2x80x128xf32, #tpu.memory_space<vmem>>, vector<1x1x16xf32>,
      %swap3A_429 = vector.shape_cast %swap3A_428 : vector<1x1x16xf32> to vector<16xf32>
      %swap3A_430 = vector.shape_cast %broadcast_in_dim3A_1 : vector<16xf32> to vector<1x1x16xf32>
      tpu.vector_store %arg10[%swap3A_425, %swap3A_426, %swap3A_427], %swap3A_430 {strides = array<i32>} : memref<2x80x128xf32, #tpu.memory_space<vmem>>, vector<1x1x16xf32>,
    }
    %scan3A_23 = arith.constant 80 : i32
    %add3A_24 = arith.constant 0 : i32
    %add3A_25 = arith.addi %mul3A_3, %add3A_24 : i32
    %dma_start3A_26 = arith.constant 0 : i32
    %dma_start3A_27 = arith.constant 0 : i32
    %dma_start3A_28 = arith.constant 0 : i32
    %dma_start3A_29 = tpu.memref_slice %arg10[%dma_start3A_26, %dma_start3A_27, %dma_start3A_28] : memref<2x80x128xf32, #tpu.memory_space<vmem>> -> memref<1x80x128xf32, #tpu.memory_space<vmem>>
    %dma_start3A_30 = tpu.memref_squeeze %dma_start3A_29 : memref<1x80x128xf32, #tpu.memory_space<vmem>> -> memref<80x128xf32, #tpu.memory_space<vmem>>
    %dma_start3A_31 = arith.constant 0 : i32
    %dma_start3A_32 = tpu.memref_slice %arg11[%add3A_25, %dma_start3A_31] : memref<10240x128xf32, #tpu.memory_space<vmem_shared>> -> memref<80x128xf32, #tpu.memory_space<vmem_shared>>
    %dma_start3A_33 = arith.constant 0 : i32
    %dma_start3A_34 = tpu.memref_slice %arg11[%add3A_25, %dma_start3A_33] : memref<10240x128xf32, #tpu.memory_space<vmem_shared>> -> memref<80x128xf32, #tpu.memory_space<vmem_shared>>
    %dma_start3A_35 = arith.constant 0 : i32
    %dma_start3A_36 = arith.constant 0 : i32
    %dma_start3A_37 = tpu.memref_slice %arg10[%dma_start3A_26, %dma_start3A_35, %dma_start3A_36] : memref<2x80x128xf32, #tpu.memory_space<vmem>> -> memref<1x80x128xf32, #tpu.memory_space<vmem>>
    %dma_start3A_38 = tpu.memref_squeeze %dma_start3A_37 : memref<1x80x128xf32, #tpu.memory_space<vmem>> -> memref<80x128xf32, #tpu.memory_space<vmem>>
    tpu.enqueue_dma source(%dma_start3A_38 : memref<80x128xf32, #tpu.memory_space<vmem>>) target(%dma_start3A_34 : memref<80x128xf32, #tpu.memory_space<vmem_shared>>) target_semaphore(%arg16 : memref<!tpu.dma_semaphore, #tpu.memory_space<semaphore_mem>>)
    %add3A_39 = arith.constant 80 : i32
    %add3A_40 = arith.addi %mul3A_3, %add3A_39 : i32
    %dma_start3A_41 = arith.constant 0 : i32
    %dma_start3A_42 = arith.constant 0 : i32
    %dma_start3A_43 = arith.constant 0 : i32
    %dma_start3A_44 = tpu.memref_slice %arg10[%dma_start3A_41, %dma_start3A_42, %dma_start3A_43] : memref<2x80x128xf32, #tpu.memory_space<vmem>> -> memref<1x80x128xf32, #tpu.memory_space<vmem>>
    %dma_start3A_45 = tpu.memref_squeeze %dma_start3A_44 : memref<1x80x128xf32, #tpu.memory_space<vmem>> -> memref<80x128xf32, #tpu.memory_space<vmem>>
    %dma_start3A_46 = arith.constant 0 : i32
    %dma_start3A_47 = tpu.memref_slice %arg11[%add3A_40, %dma_start3A_46] : memref<10240x128xf32, #tpu.memory_space<vmem_shared>> -> memref<80x128xf32, #tpu.memory_space<vmem_shared>>
    %dma_start3A_48 = arith.constant 0 : i32
    %dma_start3A_49 = tpu.memref_slice %arg11[%add3A_40, %dma_start3A_48] : memref<10240x128xf32, #tpu.memory_space<vmem_shared>> -> memref<80x128xf32, #tpu.memory_space<vmem_shared>>
    %dma_start3A_50 = arith.constant 0 : i32
    %dma_start3A_51 = arith.constant 0 : i32
    %dma_start3A_52 = tpu.memref_slice %arg10[%dma_start3A_41, %dma_start3A_50, %dma_start3A_51] : memref<2x80x128xf32, #tpu.memory_space<vmem>> -> memref<1x80x128xf32, #tpu.memory_space<vmem>>
    %dma_start3A_53 = tpu.memref_squeeze %dma_start3A_52 : memref<1x80x128xf32, #tpu.memory_space<vmem>> -> memref<80x128xf32, #tpu.memory_space<vmem>>
    tpu.enqueue_dma source(%dma_start3A_53 : memref<80x128xf32, #tpu.memory_space<vmem>>) target(%dma_start3A_49 : memref<80x128xf32, #tpu.memory_space<vmem_shared>>) target_semaphore(%arg17 : memref<!tpu.dma_semaphore, #tpu.memory_space<semaphore_mem>>)
    %add3A_54 = arith.constant 160 : i32
    %add3A_55 = arith.addi %mul3A_3, %add3A_54 : i32
    %dma_start3A_56 = arith.constant 0 : i32
    %dma_start3A_57 = arith.constant 0 : i32
    %dma_start3A_58 = arith.constant 0 : i32
    %dma_start3A_59 = tpu.memref_slice %arg10[%dma_start3A_56, %dma_start3A_57, %dma_start3A_58] : memref<2x80x128xf32, #tpu.memory_space<vmem>> -> memref<1x80x128xf32, #tpu.memory_space<vmem>>
    %dma_start3A_60 = tpu.memref_squeeze %dma_start3A_59 : memref<1x80x128xf32, #tpu.memory_space<vmem>> -> memref<80x128xf32, #tpu.memory_space<vmem>>
    %dma_start3A_61 = arith.constant 0 : i32
    %dma_start3A_62 = tpu.memref_slice %arg11[%add3A_55, %dma_start3A_61] : memref<10240x128xf32, #tpu.memory_space<vmem_shared>> -> memref<80x128xf32, #tpu.memory_space<vmem_shared>>
    %dma_start3A_63 = arith.constant 0 : i32
    %dma_start3A_64 = tpu.memref_slice %arg11[%add3A_55, %dma_start3A_63] : memref<10240x128xf32, #tpu.memory_space<vmem_shared>> -> memref<80x128xf32, #tpu.memory_space<vmem_shared>>
    %dma_start3A_65 = arith.constant 0 : i32
    %dma_start3A_66 = arith.constant 0 : i32
    %dma_start3A_67 = tpu.memref_slice %arg10[%dma_start3A_56, %dma_start3A_65, %dma_start3A_66] : memref<2x80x128xf32, #tpu.memory_space<vmem>> -> memref<1x80x128xf32, #tpu.memory_space<vmem>>
    %dma_start3A_68 = tpu.memref_squeeze %dma_start3A_67 : memref<1x80x128xf32, #tpu.memory_space<vmem>> -> memref<80x128xf32, #tpu.memory_space<vmem>>
    tpu.enqueue_dma source(%dma_start3A_68 : memref<80x128xf32, #tpu.memory_space<vmem>>) target(%dma_start3A_64 : memref<80x128xf32, #tpu.memory_space<vmem_shared>>) target_semaphore(%arg18 : memref<!tpu.dma_semaphore, #tpu.memory_space<semaphore_mem>>)
    %add3A_69 = arith.constant 240 : i32
    %add3A_70 = arith.addi %mul3A_3, %add3A_69 : i32
    %dma_start3A_71 = arith.constant 0 : i32
    %dma_start3A_72 = arith.constant 0 : i32
    %dma_start3A_73 = arith.constant 0 : i32
    %dma_start3A_74 = tpu.memref_slice %arg10[%dma_start3A_71, %dma_start3A_72, %dma_start3A_73] : memref<2x80x128xf32, #tpu.memory_space<vmem>> -> memref<1x80x128xf32, #tpu.memory_space<vmem>>
    %dma_start3A_75 = tpu.memref_squeeze %dma_start3A_74 : memref<1x80x128xf32, #tpu.memory_space<vmem>> -> memref<80x128xf32, #tpu.memory_space<vmem>>
    %dma_start3A_76 = arith.constant 0 : i32
    %dma_start3A_77 = tpu.memref_slice %arg11[%add3A_70, %dma_start3A_76] : memref<10240x128xf32, #tpu.memory_space<vmem_shared>> -> memref<80x128xf32, #tpu.memory_space<vmem_shared>>
    %dma_start3A_78 = arith.constant 0 : i32
    %dma_start3A_79 = tpu.memref_slice %arg11[%add3A_70, %dma_start3A_78] : memref<10240x128xf32, #tpu.memory_space<vmem_shared>> -> memref<80x128xf32, #tpu.memory_space<vmem_shared>>
    %dma_start3A_80 = arith.constant 0 : i32
    %dma_start3A_81 = arith.constant 0 : i32
    %dma_start3A_82 = tpu.memref_slice %arg10[%dma_start3A_71, %dma_start3A_80, %dma_start3A_81] : memref<2x80x128xf32, #tpu.memory_space<vmem>> -> memref<1x80x128xf32, #tpu.memory_space<vmem>>
    %dma_start3A_83 = tpu.memref_squeeze %dma_start3A_82 : memref<1x80x128xf32, #tpu.memory_space<vmem>> -> memref<80x128xf32, #tpu.memory_space<vmem>>
    tpu.enqueue_dma source(%dma_start3A_83 : memref<80x128xf32, #tpu.memory_space<vmem>>) target(%dma_start3A_79 : memref<80x128xf32, #tpu.memory_space<vmem_shared>>) target_semaphore(%arg19 : memref<!tpu.dma_semaphore, #tpu.memory_space<semaphore_mem>>)
    %add3A_84 = arith.constant 320 : i32
    %add3A_85 = arith.addi %mul3A_3, %add3A_84 : i32
    %dma_start3A_86 = arith.constant 0 : i32
    %dma_start3A_87 = arith.constant 0 : i32
    %dma_start3A_88 = arith.constant 0 : i32
    %dma_start3A_89 = tpu.memref_slice %arg10[%dma_start3A_86, %dma_start3A_87, %dma_start3A_88] : memref<2x80x128xf32, #tpu.memory_space<vmem>> -> memref<1x80x128xf32, #tpu.memory_space<vmem>>
    %dma_start3A_90 = tpu.memref_squeeze %dma_start3A_89 : memref<1x80x128xf32, #tpu.memory_space<vmem>> -> memref<80x128xf32, #tpu.memory_space<vmem>>
    %dma_start3A_91 = arith.constant 0 : i32
    %dma_start3A_92 = tpu.memref_slice %arg11[%add3A_85, %dma_start3A_91] : memref<10240x128xf32, #tpu.memory_space<vmem_shared>> -> memref<80x128xf32, #tpu.memory_space<vmem_shared>>
    %dma_start3A_93 = arith.constant 0 : i32
    %dma_start3A_94 = tpu.memref_slice %arg11[%add3A_85, %dma_start3A_93] : memref<10240x128xf32, #tpu.memory_space<vmem_shared>> -> memref<80x128xf32, #tpu.memory_space<vmem_shared>>
    %dma_start3A_95 = arith.constant 0 : i32
    %dma_start3A_96 = arith.constant 0 : i32
    %dma_start3A_97 = tpu.memref_slice %arg10[%dma_start3A_86, %dma_start3A_95, %dma_start3A_96] : memref<2x80x128xf32, #tpu.memory_space<vmem>> -> memref<1x80x128xf32, #tpu.memory_space<vmem>>
    %dma_start3A_98 = tpu.memref_squeeze %dma_start3A_97 : memref<1x80x128xf32, #tpu.memory_space<vmem>> -> memref<80x128xf32, #tpu.memory_space<vmem>>
    tpu.enqueue_dma source(%dma_start3A_98 : memref<80x128xf32, #tpu.memory_space<vmem>>) target(%dma_start3A_94 : memref<80x128xf32, #tpu.memory_space<vmem_shared>>) target_semaphore(%arg20 : memref<!tpu.dma_semaphore, #tpu.memory_space<semaphore_mem>>)
    %add3A_99 = arith.constant 400 : i32
    %add3A_100 = arith.addi %mul3A_3, %add3A_99 : i32
    %dma_start3A_101 = arith.constant 0 : i32
    %dma_start3A_102 = arith.constant 0 : i32
    %dma_start3A_103 = arith.constant 0 : i32
    %dma_start3A_104 = tpu.memref_slice %arg10[%dma_start3A_101, %dma_start3A_102, %dma_start3A_103] : memref<2x80x128xf32, #tpu.memory_space<vmem>> -> memref<1x80x128xf32, #tpu.memory_space<vmem>>
    %dma_start3A_105 = tpu.memref_squeeze %dma_start3A_104 : memref<1x80x128xf32, #tpu.memory_space<vmem>> -> memref<80x128xf32, #tpu.memory_space<vmem>>
    %dma_start3A_106 = arith.constant 0 : i32
    %dma_start3A_107 = tpu.memref_slice %arg11[%add3A_100, %dma_start3A_106] : memref<10240x128xf32, #tpu.memory_space<vmem_shared>> -> memref<80x128xf32, #tpu.memory_space<vmem_shared>>
    %dma_start3A_108 = arith.constant 0 : i32
    %dma_start3A_109 = tpu.memref_slice %arg11[%add3A_100, %dma_start3A_108] : memref<10240x128xf32, #tpu.memory_space<vmem_shared>> -> memref<80x128xf32, #tpu.memory_space<vmem_shared>>
    %dma_start3A_110 = arith.constant 0 : i32
    %dma_start3A_111 = arith.constant 0 : i32
    %dma_start3A_112 = tpu.memref_slice %arg10[%dma_start3A_101, %dma_start3A_110, %dma_start3A_111] : memref<2x80x128xf32, #tpu.memory_space<vmem>> -> memref<1x80x128xf32, #tpu.memory_space<vmem>>
    %dma_start3A_113 = tpu.memref_squeeze %dma_start3A_112 : memref<1x80x128xf32, #tpu.memory_space<vmem>> -> memref<80x128xf32, #tpu.memory_space<vmem>>
    tpu.enqueue_dma source(%dma_start3A_113 : memref<80x128xf32, #tpu.memory_space<vmem>>) target(%dma_start3A_109 : memref<80x128xf32, #tpu.memory_space<vmem_shared>>) target_semaphore(%arg21 : memref<!tpu.dma_semaphore, #tpu.memory_space<semaphore_mem>>)
    %add3A_114 = arith.constant 480 : i32
    %add3A_115 = arith.addi %mul3A_3, %add3A_114 : i32
    %dma_start3A_116 = arith.constant 0 : i32
    %dma_start3A_117 = arith.constant 0 : i32
    %dma_start3A_118 = arith.constant 0 : i32
    %dma_start3A_119 = tpu.memref_slice %arg10[%dma_start3A_116, %dma_start3A_117, %dma_start3A_118] : memref<2x80x128xf32, #tpu.memory_space<vmem>> -> memref<1x80x128xf32, #tpu.memory_space<vmem>>
    %dma_start3A_120 = tpu.memref_squeeze %dma_start3A_119 : memref<1x80x128xf32, #tpu.memory_space<vmem>> -> memref<80x128xf32, #tpu.memory_space<vmem>>
    %dma_start3A_121 = arith.constant 0 : i32
    %dma_start3A_122 = tpu.memref_slice %arg11[%add3A_115, %dma_start3A_121] : memref<10240x128xf32, #tpu.memory_space<vmem_shared>> -> memref<80x128xf32, #tpu.memory_space<vmem_shared>>
    %dma_start3A_123 = arith.constant 0 : i32
    %dma_start3A_124 = tpu.memref_slice %arg11[%add3A_115, %dma_start3A_123] : memref<10240x128xf32, #tpu.memory_space<vmem_shared>> -> memref<80x128xf32, #tpu.memory_space<vmem_shared>>
    %dma_start3A_125 = arith.constant 0 : i32
    %dma_start3A_126 = arith.constant 0 : i32
    %dma_start3A_127 = tpu.memref_slice %arg10[%dma_start3A_116, %dma_start3A_125, %dma_start3A_126] : memref<2x80x128xf32, #tpu.memory_space<vmem>> -> memref<1x80x128xf32, #tpu.memory_space<vmem>>
    %dma_start3A_128 = tpu.memref_squeeze %dma_start3A_127 : memref<1x80x128xf32, #tpu.memory_space<vmem>> -> memref<80x128xf32, #tpu.memory_space<vmem>>
    tpu.enqueue_dma source(%dma_start3A_128 : memref<80x128xf32, #tpu.memory_space<vmem>>) target(%dma_start3A_124 : memref<80x128xf32, #tpu.memory_space<vmem_shared>>) target_semaphore(%arg22 : memref<!tpu.dma_semaphore, #tpu.memory_space<semaphore_mem>>)
    %add3A_129 = arith.constant 560 : i32
    %add3A_130 = arith.addi %mul3A_3, %add3A_129 : i32
    %dma_start3A_131 = arith.constant 0 : i32
    %dma_start3A_132 = arith.constant 0 : i32
    %dma_start3A_133 = arith.constant 0 : i32
    %dma_start3A_134 = tpu.memref_slice %arg10[%dma_start3A_131, %dma_start3A_132, %dma_start3A_133] : memref<2x80x128xf32, #tpu.memory_space<vmem>> -> memref<1x80x128xf32, #tpu.memory_space<vmem>>
    %dma_start3A_135 = tpu.memref_squeeze %dma_start3A_134 : memref<1x80x128xf32, #tpu.memory_space<vmem>> -> memref<80x128xf32, #tpu.memory_space<vmem>>
    %dma_start3A_136 = arith.constant 0 : i32
    %dma_start3A_137 = tpu.memref_slice %arg11[%add3A_130, %dma_start3A_136] : memref<10240x128xf32, #tpu.memory_space<vmem_shared>> -> memref<80x128xf32, #tpu.memory_space<vmem_shared>>
    %dma_start3A_138 = arith.constant 0 : i32
    %dma_start3A_139 = tpu.memref_slice %arg11[%add3A_130, %dma_start3A_138] : memref<10240x128xf32, #tpu.memory_space<vmem_shared>> -> memref<80x128xf32, #tpu.memory_space<vmem_shared>>
    %dma_start3A_140 = arith.constant 0 : i32
    %dma_start3A_141 = arith.constant 0 : i32
    %dma_start3A_142 = tpu.memref_slice %arg10[%dma_start3A_131, %dma_start3A_140, %dma_start3A_141] : memref<2x80x128xf32, #tpu.memory_space<vmem>> -> memref<1x80x128xf32, #tpu.memory_space<vmem>>
    %dma_start3A_143 = tpu.memref_squeeze %dma_start3A_142 : memref<1x80x128xf32, #tpu.memory_space<vmem>> -> memref<80x128xf32, #tpu.memory_space<vmem>>
    tpu.enqueue_dma source(%dma_start3A_143 : memref<80x128xf32, #tpu.memory_space<vmem>>) target(%dma_start3A_139 : memref<80x128xf32, #tpu.memory_space<vmem_shared>>) target_semaphore(%arg23 : memref<!tpu.dma_semaphore, #tpu.memory_space<semaphore_mem>>)
    %scan3A_144 = arith.constant 0 : i32
    %scan3A_145 = arith.constant 0 : i32
    %scan3A_146 = arith.constant 40 : i32
    %scan3A_147 = arith.addi %scan3A_145, %scan3A_146 : i32
    %scan3A_148 = arith.constant 1 : i32
    scf.for %scan3A_374 = %scan3A_145 to %scan3A_147 step %scan3A_148  : i32 {
      %mul3A_375 = arith.constant 16 : i32
      %mul3A_376 = arith.muli %scan3A_374, %mul3A_375 : i32
      %swap3A_377 = arith.index_cast %mul3A_376 : i32 to index
      %swap3A_378 = tpu.vector_load %arg25[%swap3A_377] {strides = array<i32>} : memref<640xf32, #tpu.memory_space<vmem>>, vector<16xf32>,
      %swap3A_379 = vector.shape_cast %swap3A_378 : vector<16xf32> to vector<16xf32>
      %swap3A_380 = vector.shape_cast %broadcast_in_dim3A_1 : vector<16xf32> to vector<16xf32>
      tpu.vector_store %arg25[%swap3A_377], %swap3A_380 {strides = array<i32>} : memref<640xf32, #tpu.memory_space<vmem>>, vector<16xf32>,
    }
    %scan3A_149 = arith.constant 40 : i32
    %broadcast_in_dim3A_150 = arith.constant 1.000000e+00 : f32
    %broadcast_in_dim3A_151 = vector.broadcast %broadcast_in_dim3A_150 : f32 to vector<16xf32>
    %swap3A = arith.constant 0 : index
    %swap3A_152 = tpu.vector_load %arg24[%swap3A] {strides = array<i32>} : memref<80xf32, #tpu.memory_space<vmem>>, vector<16xf32>,
    %swap3A_153 = vector.shape_cast %swap3A_152 : vector<16xf32> to vector<16xf32>
    %swap3A_154 = vector.shape_cast %broadcast_in_dim3A_151 : vector<16xf32> to vector<16xf32>
    tpu.vector_store %arg24[%swap3A], %swap3A_154 {strides = array<i32>} : memref<80xf32, #tpu.memory_space<vmem>>, vector<16xf32>,
    %broadcast_in_dim3A_155 = arith.constant 1.000000e+00 : f32
    %broadcast_in_dim3A_156 = vector.broadcast %broadcast_in_dim3A_155 : f32 to vector<16xf32>
    %swap3A_157 = arith.constant 16 : index
    %swap3A_158 = tpu.vector_load %arg24[%swap3A_157] {strides = array<i32>} : memref<80xf32, #tpu.memory_space<vmem>>, vector<16xf32>,
    %swap3A_159 = vector.shape_cast %swap3A_158 : vector<16xf32> to vector<16xf32>
    %swap3A_160 = vector.shape_cast %broadcast_in_dim3A_156 : vector<16xf32> to vector<16xf32>
    tpu.vector_store %arg24[%swap3A_157], %swap3A_160 {strides = array<i32>} : memref<80xf32, #tpu.memory_space<vmem>>, vector<16xf32>,
    %broadcast_in_dim3A_161 = arith.constant 1.000000e+00 : f32
    %broadcast_in_dim3A_162 = vector.broadcast %broadcast_in_dim3A_161 : f32 to vector<16xf32>
    %swap3A_163 = arith.constant 32 : index
    %swap3A_164 = tpu.vector_load %arg24[%swap3A_163] {strides = array<i32>} : memref<80xf32, #tpu.memory_space<vmem>>, vector<16xf32>,
    %swap3A_165 = vector.shape_cast %swap3A_164 : vector<16xf32> to vector<16xf32>
    %swap3A_166 = vector.shape_cast %broadcast_in_dim3A_162 : vector<16xf32> to vector<16xf32>
    tpu.vector_store %arg24[%swap3A_163], %swap3A_166 {strides = array<i32>} : memref<80xf32, #tpu.memory_space<vmem>>, vector<16xf32>,
    %broadcast_in_dim3A_167 = arith.constant 1.000000e+00 : f32
    %broadcast_in_dim3A_168 = vector.broadcast %broadcast_in_dim3A_167 : f32 to vector<16xf32>
    %swap3A_169 = arith.constant 48 : index
    %swap3A_170 = tpu.vector_load %arg24[%swap3A_169] {strides = array<i32>} : memref<80xf32, #tpu.memory_space<vmem>>, vector<16xf32>,
    %swap3A_171 = vector.shape_cast %swap3A_170 : vector<16xf32> to vector<16xf32>
    %swap3A_172 = vector.shape_cast %broadcast_in_dim3A_168 : vector<16xf32> to vector<16xf32>
    tpu.vector_store %arg24[%swap3A_169], %swap3A_172 {strides = array<i32>} : memref<80xf32, #tpu.memory_space<vmem>>, vector<16xf32>,
    %broadcast_in_dim3A_173 = arith.constant 1.000000e+00 : f32
    %broadcast_in_dim3A_174 = vector.broadcast %broadcast_in_dim3A_173 : f32 to vector<16xf32>
    %swap3A_175 = arith.constant 64 : index
    %swap3A_176 = tpu.vector_load %arg24[%swap3A_175] {strides = array<i32>} : memref<80xf32, #tpu.memory_space<vmem>>, vector<16xf32>,
    %swap3A_177 = vector.shape_cast %swap3A_176 : vector<16xf32> to vector<16xf32>
    %swap3A_178 = vector.shape_cast %broadcast_in_dim3A_174 : vector<16xf32> to vector<16xf32>
    tpu.vector_store %arg24[%swap3A_175], %swap3A_178 {strides = array<i32>} : memref<80xf32, #tpu.memory_space<vmem>>, vector<16xf32>,
    %broadcast_in_dim3A_179 = arith.constant 1.000000e+00 : f32
    %broadcast_in_dim3A_180 = vector.broadcast %broadcast_in_dim3A_179 : f32 to vector<16xf32>
    %swap3A_181 = arith.constant 64 : index
    %swap3A_182 = tpu.vector_load %arg24[%swap3A_181] {strides = array<i32>} : memref<80xf32, #tpu.memory_space<vmem>>, vector<16xf32>,
    %swap3A_183 = vector.shape_cast %swap3A_182 : vector<16xf32> to vector<16xf32>
    %swap3A_184 = vector.shape_cast %broadcast_in_dim3A_180 : vector<16xf32> to vector<16xf32>
    tpu.vector_store %arg24[%swap3A_181], %swap3A_184 {strides = array<i32>} : memref<80xf32, #tpu.memory_space<vmem>>, vector<16xf32>,
    %dma_start3A_185 = tpu.memref_slice %arg26[%mul3A_3] : memref<10240xf32, #tpu.memory_space<vmem_shared>> -> memref<640xf32, #tpu.memory_space<vmem_shared>>
    %dma_start3A_186 = tpu.memref_slice %arg26[%mul3A_3] : memref<10240xf32, #tpu.memory_space<vmem_shared>> -> memref<640xf32, #tpu.memory_space<vmem_shared>>
    tpu.enqueue_dma source(%arg25 : memref<640xf32, #tpu.memory_space<vmem>>) target(%dma_start3A_186 : memref<640xf32, #tpu.memory_space<vmem_shared>>) target_semaphore(%arg12 : memref<!tpu.dma_semaphore, #tpu.memory_space<semaphore_mem>>)
    %dma_start3A_187 = tpu.memref_slice %arg27[%mul3A_3] : memref<10240xf32, #tpu.memory_space<vmem_shared>> -> memref<640xf32, #tpu.memory_space<vmem_shared>>
    %dma_start3A_188 = tpu.memref_slice %arg27[%mul3A_3] : memref<10240xf32, #tpu.memory_space<vmem_shared>> -> memref<640xf32, #tpu.memory_space<vmem_shared>>
    tpu.enqueue_dma source(%arg25 : memref<640xf32, #tpu.memory_space<vmem>>) target(%dma_start3A_188 : memref<640xf32, #tpu.memory_space<vmem_shared>>) target_semaphore(%arg13 : memref<!tpu.dma_semaphore, #tpu.memory_space<semaphore_mem>>)
    %dma_wait3A = arith.constant 0 : i32
    %dma_wait3A_189 = arith.constant 0 : i32
    %dma_wait3A_190 = tpu.memref_slice %arg3[%add3A, %dma_wait3A, %dma_wait3A_189] : memref<32x125x80xi32, #tpu.memory_space<hbm>> -> memref<1x125x80xi32, #tpu.memory_space<hbm>>
    %dma_wait3A_191 = tpu.memref_squeeze %dma_wait3A_190 : memref<1x125x80xi32, #tpu.memory_space<hbm>> -> memref<125x80xi32, #tpu.memory_space<hbm>>
    %dma_wait3A_192 = arith.constant 0 : i32
    %dma_wait3A_193 = arith.constant 0 : i32
    %dma_wait3A_194 = tpu.memref_slice %arg3[%add3A, %dma_wait3A_192, %dma_wait3A_193] : memref<32x125x80xi32, #tpu.memory_space<hbm>> -> memref<1x125x80xi32, #tpu.memory_space<hbm>>
    %dma_wait3A_195 = tpu.memref_squeeze %dma_wait3A_194 : memref<1x125x80xi32, #tpu.memory_space<hbm>> -> memref<125x80xi32, #tpu.memory_space<hbm>>
    tpu.wait_dma2 semaphore(%arg14 : memref<!tpu.dma_semaphore, #tpu.memory_space<semaphore_mem>>) src(%dma_wait3A_195 : memref<125x80xi32, #tpu.memory_space<hbm>>) dst(%arg8 : memref<125x80xi32, #tpu.memory_space<vmem>>)
    %dma_wait3A_196 = arith.constant 0 : i32
    %dma_wait3A_197 = arith.constant 0 : i32
    %dma_wait3A_198 = tpu.memref_slice %arg4[%add3A, %dma_wait3A_196, %dma_wait3A_197] : memref<32x125x80xi32, #tpu.memory_space<hbm>> -> memref<1x125x80xi32, #tpu.memory_space<hbm>>
    %dma_wait3A_199 = tpu.memref_squeeze %dma_wait3A_198 : memref<1x125x80xi32, #tpu.memory_space<hbm>> -> memref<125x80xi32, #tpu.memory_space<hbm>>
    %dma_wait3A_200 = arith.constant 0 : i32
    %dma_wait3A_201 = arith.constant 0 : i32
    %dma_wait3A_202 = tpu.memref_slice %arg4[%add3A, %dma_wait3A_200, %dma_wait3A_201] : memref<32x125x80xi32, #tpu.memory_space<hbm>> -> memref<1x125x80xi32, #tpu.memory_space<hbm>>
    %dma_wait3A_203 = tpu.memref_squeeze %dma_wait3A_202 : memref<1x125x80xi32, #tpu.memory_space<hbm>> -> memref<125x80xi32, #tpu.memory_space<hbm>>
    tpu.wait_dma2 semaphore(%arg15 : memref<!tpu.dma_semaphore, #tpu.memory_space<semaphore_mem>>) src(%dma_wait3A_203 : memref<125x80xi32, #tpu.memory_space<hbm>>) dst(%arg9 : memref<125x80xi32, #tpu.memory_space<vmem>>)
    %add3A_204 = arith.constant 0 : i32
    %add3A_205 = arith.addi %mul3A_3, %add3A_204 : i32
    %dma_wait3A_206 = arith.constant 0 : i32
    %dma_wait3A_207 = arith.constant 0 : i32
    %dma_wait3A_208 = arith.constant 0 : i32
    %dma_wait3A_209 = tpu.memref_slice %arg10[%dma_wait3A_206, %dma_wait3A_207, %dma_wait3A_208] : memref<2x80x128xf32, #tpu.memory_space<vmem>> -> memref<1x80x128xf32, #tpu.memory_space<vmem>>
    %dma_wait3A_210 = tpu.memref_squeeze %dma_wait3A_209 : memref<1x80x128xf32, #tpu.memory_space<vmem>> -> memref<80x128xf32, #tpu.memory_space<vmem>>
    %dma_wait3A_211 = arith.constant 0 : i32
    %dma_wait3A_212 = tpu.memref_slice %arg11[%add3A_205, %dma_wait3A_211] : memref<10240x128xf32, #tpu.memory_space<vmem_shared>> -> memref<80x128xf32, #tpu.memory_space<vmem_shared>>
    %dma_wait3A_213 = arith.constant 0 : i32
    %dma_wait3A_214 = tpu.memref_slice %arg11[%add3A_205, %dma_wait3A_213] : memref<10240x128xf32, #tpu.memory_space<vmem_shared>> -> memref<80x128xf32, #tpu.memory_space<vmem_shared>>
    %dma_wait3A_215 = arith.constant 0 : i32
    %dma_wait3A_216 = arith.constant 0 : i32
    %dma_wait3A_217 = tpu.memref_slice %arg10[%dma_wait3A_206, %dma_wait3A_215, %dma_wait3A_216] : memref<2x80x128xf32, #tpu.memory_space<vmem>> -> memref<1x80x128xf32, #tpu.memory_space<vmem>>
    %dma_wait3A_218 = tpu.memref_squeeze %dma_wait3A_217 : memref<1x80x128xf32, #tpu.memory_space<vmem>> -> memref<80x128xf32, #tpu.memory_space<vmem>>
    tpu.wait_dma2 semaphore(%arg16 : memref<!tpu.dma_semaphore, #tpu.memory_space<semaphore_mem>>) src(%dma_wait3A_218 : memref<80x128xf32, #tpu.memory_space<vmem>>) dst(%dma_wait3A_214 : memref<80x128xf32, #tpu.memory_space<vmem_shared>>)
    %add3A_219 = arith.constant 80 : i32
    %add3A_220 = arith.addi %mul3A_3, %add3A_219 : i32
    %dma_wait3A_221 = arith.constant 0 : i32
    %dma_wait3A_222 = arith.constant 0 : i32
    %dma_wait3A_223 = arith.constant 0 : i32
    %dma_wait3A_224 = tpu.memref_slice %arg10[%dma_wait3A_221, %dma_wait3A_222, %dma_wait3A_223] : memref<2x80x128xf32, #tpu.memory_space<vmem>> -> memref<1x80x128xf32, #tpu.memory_space<vmem>>
    %dma_wait3A_225 = tpu.memref_squeeze %dma_wait3A_224 : memref<1x80x128xf32, #tpu.memory_space<vmem>> -> memref<80x128xf32, #tpu.memory_space<vmem>>
    %dma_wait3A_226 = arith.constant 0 : i32
    %dma_wait3A_227 = tpu.memref_slice %arg11[%add3A_220, %dma_wait3A_226] : memref<10240x128xf32, #tpu.memory_space<vmem_shared>> -> memref<80x128xf32, #tpu.memory_space<vmem_shared>>
    %dma_wait3A_228 = arith.constant 0 : i32
    %dma_wait3A_229 = tpu.memref_slice %arg11[%add3A_220, %dma_wait3A_228] : memref<10240x128xf32, #tpu.memory_space<vmem_shared>> -> memref<80x128xf32, #tpu.memory_space<vmem_shared>>
    %dma_wait3A_230 = arith.constant 0 : i32
    %dma_wait3A_231 = arith.constant 0 : i32
    %dma_wait3A_232 = tpu.memref_slice %arg10[%dma_wait3A_221, %dma_wait3A_230, %dma_wait3A_231] : memref<2x80x128xf32, #tpu.memory_space<vmem>> -> memref<1x80x128xf32, #tpu.memory_space<vmem>>
    %dma_wait3A_233 = tpu.memref_squeeze %dma_wait3A_232 : memref<1x80x128xf32, #tpu.memory_space<vmem>> -> memref<80x128xf32, #tpu.memory_space<vmem>>
    tpu.wait_dma2 semaphore(%arg17 : memref<!tpu.dma_semaphore, #tpu.memory_space<semaphore_mem>>) src(%dma_wait3A_233 : memref<80x128xf32, #tpu.memory_space<vmem>>) dst(%dma_wait3A_229 : memref<80x128xf32, #tpu.memory_space<vmem_shared>>)
    %add3A_234 = arith.constant 160 : i32
    %add3A_235 = arith.addi %mul3A_3, %add3A_234 : i32
    %dma_wait3A_236 = arith.constant 0 : i32
    %dma_wait3A_237 = arith.constant 0 : i32
    %dma_wait3A_238 = arith.constant 0 : i32
    %dma_wait3A_239 = tpu.memref_slice %arg10[%dma_wait3A_236, %dma_wait3A_237, %dma_wait3A_238] : memref<2x80x128xf32, #tpu.memory_space<vmem>> -> memref<1x80x128xf32, #tpu.memory_space<vmem>>
    %dma_wait3A_240 = tpu.memref_squeeze %dma_wait3A_239 : memref<1x80x128xf32, #tpu.memory_space<vmem>> -> memref<80x128xf32, #tpu.memory_space<vmem>>
    %dma_wait3A_241 = arith.constant 0 : i32
    %dma_wait3A_242 = tpu.memref_slice %arg11[%add3A_235, %dma_wait3A_241] : memref<10240x128xf32, #tpu.memory_space<vmem_shared>> -> memref<80x128xf32, #tpu.memory_space<vmem_shared>>
    %dma_wait3A_243 = arith.constant 0 : i32
    %dma_wait3A_244 = tpu.memref_slice %arg11[%add3A_235, %dma_wait3A_243] : memref<10240x128xf32, #tpu.memory_space<vmem_shared>> -> memref<80x128xf32, #tpu.memory_space<vmem_shared>>
    %dma_wait3A_245 = arith.constant 0 : i32
    %dma_wait3A_246 = arith.constant 0 : i32
    %dma_wait3A_247 = tpu.memref_slice %arg10[%dma_wait3A_236, %dma_wait3A_245, %dma_wait3A_246] : memref<2x80x128xf32, #tpu.memory_space<vmem>> -> memref<1x80x128xf32, #tpu.memory_space<vmem>>
    %dma_wait3A_248 = tpu.memref_squeeze %dma_wait3A_247 : memref<1x80x128xf32, #tpu.memory_space<vmem>> -> memref<80x128xf32, #tpu.memory_space<vmem>>
    tpu.wait_dma2 semaphore(%arg18 : memref<!tpu.dma_semaphore, #tpu.memory_space<semaphore_mem>>) src(%dma_wait3A_248 : memref<80x128xf32, #tpu.memory_space<vmem>>) dst(%dma_wait3A_244 : memref<80x128xf32, #tpu.memory_space<vmem_shared>>)
    %add3A_249 = arith.constant 240 : i32
    %add3A_250 = arith.addi %mul3A_3, %add3A_249 : i32
    %dma_wait3A_251 = arith.constant 0 : i32
    %dma_wait3A_252 = arith.constant 0 : i32
    %dma_wait3A_253 = arith.constant 0 : i32
    %dma_wait3A_254 = tpu.memref_slice %arg10[%dma_wait3A_251, %dma_wait3A_252, %dma_wait3A_253] : memref<2x80x128xf32, #tpu.memory_space<vmem>> -> memref<1x80x128xf32, #tpu.memory_space<vmem>>
    %dma_wait3A_255 = tpu.memref_squeeze %dma_wait3A_254 : memref<1x80x128xf32, #tpu.memory_space<vmem>> -> memref<80x128xf32, #tpu.memory_space<vmem>>
    %dma_wait3A_256 = arith.constant 0 : i32
    %dma_wait3A_257 = tpu.memref_slice %arg11[%add3A_250, %dma_wait3A_256] : memref<10240x128xf32, #tpu.memory_space<vmem_shared>> -> memref<80x128xf32, #tpu.memory_space<vmem_shared>>
    %dma_wait3A_258 = arith.constant 0 : i32
    %dma_wait3A_259 = tpu.memref_slice %arg11[%add3A_250, %dma_wait3A_258] : memref<10240x128xf32, #tpu.memory_space<vmem_shared>> -> memref<80x128xf32, #tpu.memory_space<vmem_shared>>
    %dma_wait3A_260 = arith.constant 0 : i32
    %dma_wait3A_261 = arith.constant 0 : i32
    %dma_wait3A_262 = tpu.memref_slice %arg10[%dma_wait3A_251, %dma_wait3A_260, %dma_wait3A_261] : memref<2x80x128xf32, #tpu.memory_space<vmem>> -> memref<1x80x128xf32, #tpu.memory_space<vmem>>
    %dma_wait3A_263 = tpu.memref_squeeze %dma_wait3A_262 : memref<1x80x128xf32, #tpu.memory_space<vmem>> -> memref<80x128xf32, #tpu.memory_space<vmem>>
    tpu.wait_dma2 semaphore(%arg19 : memref<!tpu.dma_semaphore, #tpu.memory_space<semaphore_mem>>) src(%dma_wait3A_263 : memref<80x128xf32, #tpu.memory_space<vmem>>) dst(%dma_wait3A_259 : memref<80x128xf32, #tpu.memory_space<vmem_shared>>)
    %add3A_264 = arith.constant 320 : i32
    %add3A_265 = arith.addi %mul3A_3, %add3A_264 : i32
    %dma_wait3A_266 = arith.constant 0 : i32
    %dma_wait3A_267 = arith.constant 0 : i32
    %dma_wait3A_268 = arith.constant 0 : i32
    %dma_wait3A_269 = tpu.memref_slice %arg10[%dma_wait3A_266, %dma_wait3A_267, %dma_wait3A_268] : memref<2x80x128xf32, #tpu.memory_space<vmem>> -> memref<1x80x128xf32, #tpu.memory_space<vmem>>
    %dma_wait3A_270 = tpu.memref_squeeze %dma_wait3A_269 : memref<1x80x128xf32, #tpu.memory_space<vmem>> -> memref<80x128xf32, #tpu.memory_space<vmem>>
    %dma_wait3A_271 = arith.constant 0 : i32
    %dma_wait3A_272 = tpu.memref_slice %arg11[%add3A_265, %dma_wait3A_271] : memref<10240x128xf32, #tpu.memory_space<vmem_shared>> -> memref<80x128xf32, #tpu.memory_space<vmem_shared>>
    %dma_wait3A_273 = arith.constant 0 : i32
    %dma_wait3A_274 = tpu.memref_slice %arg11[%add3A_265, %dma_wait3A_273] : memref<10240x128xf32, #tpu.memory_space<vmem_shared>> -> memref<80x128xf32, #tpu.memory_space<vmem_shared>>
    %dma_wait3A_275 = arith.constant 0 : i32
    %dma_wait3A_276 = arith.constant 0 : i32
    %dma_wait3A_277 = tpu.memref_slice %arg10[%dma_wait3A_266, %dma_wait3A_275, %dma_wait3A_276] : memref<2x80x128xf32, #tpu.memory_space<vmem>> -> memref<1x80x128xf32, #tpu.memory_space<vmem>>
    %dma_wait3A_278 = tpu.memref_squeeze %dma_wait3A_277 : memref<1x80x128xf32, #tpu.memory_space<vmem>> -> memref<80x128xf32, #tpu.memory_space<vmem>>
    tpu.wait_dma2 semaphore(%arg20 : memref<!tpu.dma_semaphore, #tpu.memory_space<semaphore_mem>>) src(%dma_wait3A_278 : memref<80x128xf32, #tpu.memory_space<vmem>>) dst(%dma_wait3A_274 : memref<80x128xf32, #tpu.memory_space<vmem_shared>>)
    %add3A_279 = arith.constant 400 : i32
    %add3A_280 = arith.addi %mul3A_3, %add3A_279 : i32
    %dma_wait3A_281 = arith.constant 0 : i32
    %dma_wait3A_282 = arith.constant 0 : i32
    %dma_wait3A_283 = arith.constant 0 : i32
    %dma_wait3A_284 = tpu.memref_slice %arg10[%dma_wait3A_281, %dma_wait3A_282, %dma_wait3A_283] : memref<2x80x128xf32, #tpu.memory_space<vmem>> -> memref<1x80x128xf32, #tpu.memory_space<vmem>>
    %dma_wait3A_285 = tpu.memref_squeeze %dma_wait3A_284 : memref<1x80x128xf32, #tpu.memory_space<vmem>> -> memref<80x128xf32, #tpu.memory_space<vmem>>
    %dma_wait3A_286 = arith.constant 0 : i32
    %dma_wait3A_287 = tpu.memref_slice %arg11[%add3A_280, %dma_wait3A_286] : memref<10240x128xf32, #tpu.memory_space<vmem_shared>> -> memref<80x128xf32, #tpu.memory_space<vmem_shared>>
    %dma_wait3A_288 = arith.constant 0 : i32
    %dma_wait3A_289 = tpu.memref_slice %arg11[%add3A_280, %dma_wait3A_288] : memref<10240x128xf32, #tpu.memory_space<vmem_shared>> -> memref<80x128xf32, #tpu.memory_space<vmem_shared>>
    %dma_wait3A_290 = arith.constant 0 : i32
    %dma_wait3A_291 = arith.constant 0 : i32
    %dma_wait3A_292 = tpu.memref_slice %arg10[%dma_wait3A_281, %dma_wait3A_290, %dma_wait3A_291] : memref<2x80x128xf32, #tpu.memory_space<vmem>> -> memref<1x80x128xf32, #tpu.memory_space<vmem>>
    %dma_wait3A_293 = tpu.memref_squeeze %dma_wait3A_292 : memref<1x80x128xf32, #tpu.memory_space<vmem>> -> memref<80x128xf32, #tpu.memory_space<vmem>>
    tpu.wait_dma2 semaphore(%arg21 : memref<!tpu.dma_semaphore, #tpu.memory_space<semaphore_mem>>) src(%dma_wait3A_293 : memref<80x128xf32, #tpu.memory_space<vmem>>) dst(%dma_wait3A_289 : memref<80x128xf32, #tpu.memory_space<vmem_shared>>)
    %add3A_294 = arith.constant 480 : i32
    %add3A_295 = arith.addi %mul3A_3, %add3A_294 : i32
    %dma_wait3A_296 = arith.constant 0 : i32
    %dma_wait3A_297 = arith.constant 0 : i32
    %dma_wait3A_298 = arith.constant 0 : i32
    %dma_wait3A_299 = tpu.memref_slice %arg10[%dma_wait3A_296, %dma_wait3A_297, %dma_wait3A_298] : memref<2x80x128xf32, #tpu.memory_space<vmem>> -> memref<1x80x128xf32, #tpu.memory_space<vmem>>
    %dma_wait3A_300 = tpu.memref_squeeze %dma_wait3A_299 : memref<1x80x128xf32, #tpu.memory_space<vmem>> -> memref<80x128xf32, #tpu.memory_space<vmem>>
    %dma_wait3A_301 = arith.constant 0 : i32
    %dma_wait3A_302 = tpu.memref_slice %arg11[%add3A_295, %dma_wait3A_301] : memref<10240x128xf32, #tpu.memory_space<vmem_shared>> -> memref<80x128xf32, #tpu.memory_space<vmem_shared>>
    %dma_wait3A_303 = arith.constant 0 : i32
    %dma_wait3A_304 = tpu.memref_slice %arg11[%add3A_295, %dma_wait3A_303] : memref<10240x128xf32, #tpu.memory_space<vmem_shared>> -> memref<80x128xf32, #tpu.memory_space<vmem_shared>>
    %dma_wait3A_305 = arith.constant 0 : i32
    %dma_wait3A_306 = arith.constant 0 : i32
    %dma_wait3A_307 = tpu.memref_slice %arg10[%dma_wait3A_296, %dma_wait3A_305, %dma_wait3A_306] : memref<2x80x128xf32, #tpu.memory_space<vmem>> -> memref<1x80x128xf32, #tpu.memory_space<vmem>>
    %dma_wait3A_308 = tpu.memref_squeeze %dma_wait3A_307 : memref<1x80x128xf32, #tpu.memory_space<vmem>> -> memref<80x128xf32, #tpu.memory_space<vmem>>
    tpu.wait_dma2 semaphore(%arg22 : memref<!tpu.dma_semaphore, #tpu.memory_space<semaphore_mem>>) src(%dma_wait3A_308 : memref<80x128xf32, #tpu.memory_space<vmem>>) dst(%dma_wait3A_304 : memref<80x128xf32, #tpu.memory_space<vmem_shared>>)
    %add3A_309 = arith.constant 560 : i32
    %add3A_310 = arith.addi %mul3A_3, %add3A_309 : i32
    %dma_wait3A_311 = arith.constant 0 : i32
    %dma_wait3A_312 = arith.constant 0 : i32
    %dma_wait3A_313 = arith.constant 0 : i32
    %dma_wait3A_314 = tpu.memref_slice %arg10[%dma_wait3A_311, %dma_wait3A_312, %dma_wait3A_313] : memref<2x80x128xf32, #tpu.memory_space<vmem>> -> memref<1x80x128xf32, #tpu.memory_space<vmem>>
    %dma_wait3A_315 = tpu.memref_squeeze %dma_wait3A_314 : memref<1x80x128xf32, #tpu.memory_space<vmem>> -> memref<80x128xf32, #tpu.memory_space<vmem>>
    %dma_wait3A_316 = arith.constant 0 : i32
    %dma_wait3A_317 = tpu.memref_slice %arg11[%add3A_310, %dma_wait3A_316] : memref<10240x128xf32, #tpu.memory_space<vmem_shared>> -> memref<80x128xf32, #tpu.memory_space<vmem_shared>>
    %dma_wait3A_318 = arith.constant 0 : i32
    %dma_wait3A_319 = tpu.memref_slice %arg11[%add3A_310, %dma_wait3A_318] : memref<10240x128xf32, #tpu.memory_space<vmem_shared>> -> memref<80x128xf32, #tpu.memory_space<vmem_shared>>
    %dma_wait3A_320 = arith.constant 0 : i32
    %dma_wait3A_321 = arith.constant 0 : i32
    %dma_wait3A_322 = tpu.memref_slice %arg10[%dma_wait3A_311, %dma_wait3A_320, %dma_wait3A_321] : memref<2x80x128xf32, #tpu.memory_space<vmem>> -> memref<1x80x128xf32, #tpu.memory_space<vmem>>
    %dma_wait3A_323 = tpu.memref_squeeze %dma_wait3A_322 : memref<1x80x128xf32, #tpu.memory_space<vmem>> -> memref<80x128xf32, #tpu.memory_space<vmem>>
    tpu.wait_dma2 semaphore(%arg23 : memref<!tpu.dma_semaphore, #tpu.memory_space<semaphore_mem>>) src(%dma_wait3A_323 : memref<80x128xf32, #tpu.memory_space<vmem>>) dst(%dma_wait3A_319 : memref<80x128xf32, #tpu.memory_space<vmem_shared>>)
    %dma_wait3A_324 = tpu.memref_slice %arg26[%mul3A_3] : memref<10240xf32, #tpu.memory_space<vmem_shared>> -> memref<640xf32, #tpu.memory_space<vmem_shared>>
    %dma_wait3A_325 = tpu.memref_slice %arg26[%mul3A_3] : memref<10240xf32, #tpu.memory_space<vmem_shared>> -> memref<640xf32, #tpu.memory_space<vmem_shared>>
    tpu.wait_dma2 semaphore(%arg12 : memref<!tpu.dma_semaphore, #tpu.memory_space<semaphore_mem>>) src(%arg25 : memref<640xf32, #tpu.memory_space<vmem>>) dst(%dma_wait3A_325 : memref<640xf32, #tpu.memory_space<vmem_shared>>)
    %dma_wait3A_326 = tpu.memref_slice %arg27[%mul3A_3] : memref<10240xf32, #tpu.memory_space<vmem_shared>> -> memref<640xf32, #tpu.memory_space<vmem_shared>>
    %dma_wait3A_327 = tpu.memref_slice %arg27[%mul3A_3] : memref<10240xf32, #tpu.memory_space<vmem_shared>> -> memref<640xf32, #tpu.memory_space<vmem_shared>>
    tpu.wait_dma2 semaphore(%arg13 : memref<!tpu.dma_semaphore, #tpu.memory_space<semaphore_mem>>) src(%arg25 : memref<640xf32, #tpu.memory_space<vmem>>) dst(%dma_wait3A_327 : memref<640xf32, #tpu.memory_space<vmem_shared>>)
    %barrier3A = arith.constant 0 : index
    tpu.barrier barrier_id(%barrier3A)
    %dma_start3A_328 = arith.constant 0 : i32
    %dma_start3A_329 = arith.constant 0 : i32
    %dma_start3A_330 = arith.constant 0 : i32
    %dma_start3A_331 = arith.constant 0 : i32
    %dma_start3A_332 = tpu.memref_slice %arg10[%dma_start3A_329, %dma_start3A_330, %dma_start3A_331] : memref<2x80x128xf32, #tpu.memory_space<vmem>> -> memref<1x80x128xf32, #tpu.memory_space<vmem>>
    %dma_start3A_333 = tpu.memref_squeeze %dma_start3A_332 : memref<1x80x128xf32, #tpu.memory_space<vmem>> -> memref<80x128xf32, #tpu.memory_space<vmem>>
    %dma_start3A_334 = arith.constant 0 : i32
    %dma_start3A_335 = tpu.memref_slice %arg8[%dma_start3A_328, %dma_start3A_334] : memref<125x80xi32, #tpu.memory_space<vmem>> -> memref<1x80xi32, #tpu.memory_space<vmem>>
    %dma_start3A_336 = tpu.memref_squeeze %dma_start3A_335 : memref<1x80xi32, #tpu.memory_space<vmem>> -> memref<80xi32, #tpu.memory_space<vmem>>
    %dma_start3A_337 = arith.constant 0 : i32
    %dma_start3A_338 = arith.constant 0 : i32
    %dma_start3A_339 = tpu.memref_slice %arg2[%dma_start3A_337, %dma_start3A_338] : memref<10000x128xf32, #tpu.memory_space<hbm>> -> memref<10000x128xf32, #tpu.memory_space<hbm>>
    tpu.enqueue_indirect_dma source(%dma_start3A_339 : memref<10000x128xf32, #tpu.memory_space<hbm>>) target(%dma_start3A_333 : memref<80x128xf32, #tpu.memory_space<vmem>>) offsets(%dma_start3A_336 : memref<80xi32, #tpu.memory_space<vmem>>) semaphore(%arg12 : memref<!tpu.dma_semaphore, #tpu.memory_space<semaphore_mem>>)
    %dma_start3A_340 = arith.constant 1 : i32
    %dma_start3A_341 = arith.constant 1 : i32
    %dma_start3A_342 = arith.constant 0 : i32
    %dma_start3A_343 = arith.constant 0 : i32
    %dma_start3A_344 = tpu.memref_slice %arg10[%dma_start3A_341, %dma_start3A_342, %dma_start3A_343] : memref<2x80x128xf32, #tpu.memory_space<vmem>> -> memref<1x80x128xf32, #tpu.memory_space<vmem>>
    %dma_start3A_345 = tpu.memref_squeeze %dma_start3A_344 : memref<1x80x128xf32, #tpu.memory_space<vmem>> -> memref<80x128xf32, #tpu.memory_space<vmem>>
    %dma_start3A_346 = arith.constant 0 : i32
    %dma_start3A_347 = tpu.memref_slice %arg8[%dma_start3A_340, %dma_start3A_346] : memref<125x80xi32, #tpu.memory_space<vmem>> -> memref<1x80xi32, #tpu.memory_space<vmem>>
    %dma_start3A_348 = tpu.memref_squeeze %dma_start3A_347 : memref<1x80xi32, #tpu.memory_space<vmem>> -> memref<80xi32, #tpu.memory_space<vmem>>
    %dma_start3A_349 = arith.constant 0 : i32
    %dma_start3A_350 = arith.constant 0 : i32
    %dma_start3A_351 = tpu.memref_slice %arg2[%dma_start3A_349, %dma_start3A_350] : memref<10000x128xf32, #tpu.memory_space<hbm>> -> memref<10000x128xf32, #tpu.memory_space<hbm>>
    tpu.enqueue_indirect_dma source(%dma_start3A_351 : memref<10000x128xf32, #tpu.memory_space<hbm>>) target(%dma_start3A_345 : memref<80x128xf32, #tpu.memory_space<vmem>>) offsets(%dma_start3A_348 : memref<80xi32, #tpu.memory_space<vmem>>) semaphore(%arg13 : memref<!tpu.dma_semaphore, #tpu.memory_space<semaphore_mem>>)
    %scan3A_352 = arith.constant 0 : i32
    %scan3A_353 = arith.constant 0 : i32
    %scan3A_354 = arith.constant 63 : i32
    %scan3A_355 = arith.addi %scan3A_353, %scan3A_354 : i32
    %scan3A_356 = arith.constant 1 : i32
    scf.for %scan3A_374 = %scan3A_353 to %scan3A_355 step %scan3A_356  : i32 {
      %mul3A_375 = arith.constant 2 : i32
      %mul3A_376 = arith.muli %scan3A_374, %mul3A_375 : i32
      %add3A_377 = arith.constant 0 : i32
      %add3A_378 = arith.addi %mul3A_376, %add3A_377 : i32
      %lt3A = arith.constant 125 : i32
      %lt3A_379 = arith.cmpi slt, %add3A_378, %lt3A : i32
      %convert_element_type3A = arith.extui %lt3A_379 : i1 to i32
      %cond3A = arith.constant 0 : i32
      %cond3A_380 = arith.cmpi ne, %convert_element_type3A, %cond3A : i32
      scf.if %cond3A_380 {
        %dma_wait3A_390 = arith.constant 0 : i32
        %dma_wait3A_391 = arith.constant 0 : i32
        %dma_wait3A_392 = arith.constant 0 : i32
        %dma_wait3A_393 = arith.constant 0 : i32
        %dma_wait3A_394 = tpu.memref_slice %arg10[%dma_wait3A_391, %dma_wait3A_392, %dma_wait3A_393] : memref<2x80x128xf32, #tpu.memory_space<vmem>> -> memref<1x80x128xf32, #tpu.memory_space<vmem>>
        %dma_wait3A_395 = tpu.memref_squeeze %dma_wait3A_394 : memref<1x80x128xf32, #tpu.memory_space<vmem>> -> memref<80x128xf32, #tpu.memory_space<vmem>>
        %dma_wait3A_396 = arith.constant 0 : i32
        %dma_wait3A_397 = tpu.memref_slice %arg8[%dma_wait3A_390, %dma_wait3A_396] : memref<125x80xi32, #tpu.memory_space<vmem>> -> memref<1x80xi32, #tpu.memory_space<vmem>>
        %dma_wait3A_398 = tpu.memref_squeeze %dma_wait3A_397 : memref<1x80xi32, #tpu.memory_space<vmem>> -> memref<80xi32, #tpu.memory_space<vmem>>
        %dma_wait3A_399 = arith.constant 0 : i32
        %dma_wait3A_400 = arith.constant 0 : i32
        %dma_wait3A_401 = tpu.memref_slice %arg2[%dma_wait3A_399, %dma_wait3A_400] : memref<10000x128xf32, #tpu.memory_space<hbm>> -> memref<10000x128xf32, #tpu.memory_space<hbm>>
        tpu.wait_indirect_dma semaphore(%arg12 : memref<!tpu.dma_semaphore, #tpu.memory_space<semaphore_mem>>) src(%dma_wait3A_401 : memref<10000x128xf32, #tpu.memory_space<hbm>>) dst(%dma_wait3A_395 : memref<80x128xf32, #tpu.memory_space<vmem>>)
        %run_scoped3A = arith.constant 0 : i32
        "tpu.region"() ({
          %run_scoped3A_423 = tpu.sem_alloc : memref<!tpu.dma_semaphore, #tpu.memory_space<semaphore_mem>>
          %dma_start3A_424 = arith.constant 0 : i32
          %dma_start3A_425 = arith.constant 0 : i32
          %dma_start3A_426 = tpu.memref_slice %arg10[%run_scoped3A, %dma_start3A_424, %dma_start3A_425] : memref<2x80x128xf32, #tpu.memory_space<vmem>> -> memref<1x80x128xf32, #tpu.memory_space<vmem>>
          %dma_start3A_427 = tpu.memref_squeeze %dma_start3A_426 : memref<1x80x128xf32, #tpu.memory_space<vmem>> -> memref<80x128xf32, #tpu.memory_space<vmem>>
          %dma_start3A_428 = arith.constant 0 : i32
          %dma_start3A_429 = tpu.memref_slice %arg9[%add3A_378, %dma_start3A_428] : memref<125x80xi32, #tpu.memory_space<vmem>> -> memref<1x80xi32, #tpu.memory_space<vmem>>
          %dma_start3A_430 = tpu.memref_squeeze %dma_start3A_429 : memref<1x80xi32, #tpu.memory_space<vmem>> -> memref<80xi32, #tpu.memory_space<vmem>>
          %dma_start3A_431 = arith.constant 0 : i32
          %dma_start3A_432 = arith.constant 0 : i32
          %dma_start3A_433 = tpu.memref_slice %arg11[%dma_start3A_431, %dma_start3A_432] : memref<10240x128xf32, #tpu.memory_space<vmem_shared>> -> memref<10240x128xf32, #tpu.memory_space<vmem_shared>>
          tpu.enqueue_indirect_dma source(%dma_start3A_427 : memref<80x128xf32, #tpu.memory_space<vmem>>) target(%dma_start3A_433 : memref<10240x128xf32, #tpu.memory_space<vmem_shared>>) offsets(%dma_start3A_430 : memref<80xi32, #tpu.memory_space<vmem>>) semaphore(%run_scoped3A_423 : memref<!tpu.dma_semaphore, #tpu.memory_space<semaphore_mem>>) {add = true}
          %dma_wait3A_434 = arith.constant 0 : i32
          %dma_wait3A_435 = arith.constant 0 : i32
          %dma_wait3A_436 = tpu.memref_slice %arg10[%run_scoped3A, %dma_wait3A_434, %dma_wait3A_435] : memref<2x80x128xf32, #tpu.memory_space<vmem>> -> memref<1x80x128xf32, #tpu.memory_space<vmem>>
          %dma_wait3A_437 = tpu.memref_squeeze %dma_wait3A_436 : memref<1x80x128xf32, #tpu.memory_space<vmem>> -> memref<80x128xf32, #tpu.memory_space<vmem>>
          %dma_wait3A_438 = arith.constant 0 : i32
          %dma_wait3A_439 = tpu.memref_slice %arg9[%add3A_378, %dma_wait3A_438] : memref<125x80xi32, #tpu.memory_space<vmem>> -> memref<1x80xi32, #tpu.memory_space<vmem>>
          %dma_wait3A_440 = tpu.memref_squeeze %dma_wait3A_439 : memref<1x80xi32, #tpu.memory_space<vmem>> -> memref<80xi32, #tpu.memory_space<vmem>>
          %dma_wait3A_441 = arith.constant 0 : i32
          %dma_wait3A_442 = arith.constant 0 : i32
          %dma_wait3A_443 = tpu.memref_slice %arg11[%dma_wait3A_441, %dma_wait3A_442] : memref<10240x128xf32, #tpu.memory_space<vmem_shared>> -> memref<10240x128xf32, #tpu.memory_space<vmem_shared>>
          tpu.wait_indirect_dma semaphore(%run_scoped3A_423 : memref<!tpu.dma_semaphore, #tpu.memory_space<semaphore_mem>>) src(%dma_wait3A_437 : memref<80x128xf32, #tpu.memory_space<vmem>>) dst(%dma_wait3A_443 : memref<10240x128xf32, #tpu.memory_space<vmem_shared>>)
          tpu.yield
        }) : () -> ()
        %ge3A = arith.constant 1 : i32
        %ge3A_402 = arith.cmpi sge, %add3A_378, %ge3A : i32
        %convert_element_type3A_403 = arith.extui %ge3A_402 : i1 to i32
        %cond3A_404 = arith.constant 0 : i32
        %cond3A_405 = arith.cmpi ne, %convert_element_type3A_403, %cond3A_404 : i32
        scf.if %cond3A_405 {
          %dma_wait3A_423 = arith.constant 0 : i32
          %dma_wait3A_424 = tpu.memref_slice %arg8[%add3A_378, %dma_wait3A_423] : memref<125x80xi32, #tpu.memory_space<vmem>> -> memref<1x80xi32, #tpu.memory_space<vmem>>
          %dma_wait3A_425 = tpu.memref_squeeze %dma_wait3A_424 : memref<1x80xi32, #tpu.memory_space<vmem>> -> memref<80xi32, #tpu.memory_space<vmem>>
          %dma_wait3A_426 = arith.constant 0 : i32
          %dma_wait3A_427 = tpu.memref_slice %arg26[%dma_wait3A_426] : memref<10240xf32, #tpu.memory_space<vmem_shared>> -> memref<10240xf32, #tpu.memory_space<vmem_shared>>
          tpu.wait_indirect_dma semaphore(%arg16 : memref<!tpu.dma_semaphore, #tpu.memory_space<semaphore_mem>>) src(%arg24 : memref<80xf32, #tpu.memory_space<vmem>>) dst(%dma_wait3A_427 : memref<10240xf32, #tpu.memory_space<vmem_shared>>)
          %dma_wait3A_428 = arith.constant 0 : i32
          %dma_wait3A_429 = tpu.memref_slice %arg9[%add3A_378, %dma_wait3A_428] : memref<125x80xi32, #tpu.memory_space<vmem>> -> memref<1x80xi32, #tpu.memory_space<vmem>>
          %dma_wait3A_430 = tpu.memref_squeeze %dma_wait3A_429 : memref<1x80xi32, #tpu.memory_space<vmem>> -> memref<80xi32, #tpu.memory_space<vmem>>
          %dma_wait3A_431 = arith.constant 0 : i32
          %dma_wait3A_432 = tpu.memref_slice %arg27[%dma_wait3A_431] : memref<10240xf32, #tpu.memory_space<vmem_shared>> -> memref<10240xf32, #tpu.memory_space<vmem_shared>>
          tpu.wait_indirect_dma semaphore(%arg17 : memref<!tpu.dma_semaphore, #tpu.memory_space<semaphore_mem>>) src(%arg24 : memref<80xf32, #tpu.memory_space<vmem>>) dst(%dma_wait3A_432 : memref<10240xf32, #tpu.memory_space<vmem_shared>>)
        } else {
        }
        %dma_start3A_406 = arith.constant 0 : i32
        %dma_start3A_407 = tpu.memref_slice %arg8[%add3A_378, %dma_start3A_406] : memref<125x80xi32, #tpu.memory_space<vmem>> -> memref<1x80xi32, #tpu.memory_space<vmem>>
        %dma_start3A_408 = tpu.memref_squeeze %dma_start3A_407 : memref<1x80xi32, #tpu.memory_space<vmem>> -> memref<80xi32, #tpu.memory_space<vmem>>
        %dma_start3A_409 = arith.constant 0 : i32
        %dma_start3A_410 = tpu.memref_slice %arg26[%dma_start3A_409] : memref<10240xf32, #tpu.memory_space<vmem_shared>> -> memref<10240xf32, #tpu.memory_space<vmem_shared>>
        tpu.enqueue_indirect_dma source(%arg24 : memref<80xf32, #tpu.memory_space<vmem>>) target(%dma_start3A_410 : memref<10240xf32, #tpu.memory_space<vmem_shared>>) offsets(%dma_start3A_408 : memref<80xi32, #tpu.memory_space<vmem>>) semaphore(%arg16 : memref<!tpu.dma_semaphore, #tpu.memory_space<semaphore_mem>>) {add = true}
        %dma_start3A_411 = arith.constant 0 : i32
        %dma_start3A_412 = tpu.memref_slice %arg9[%add3A_378, %dma_start3A_411] : memref<125x80xi32, #tpu.memory_space<vmem>> -> memref<1x80xi32, #tpu.memory_space<vmem>>
        %dma_start3A_413 = tpu.memref_squeeze %dma_start3A_412 : memref<1x80xi32, #tpu.memory_space<vmem>> -> memref<80xi32, #tpu.memory_space<vmem>>
        %dma_start3A_414 = arith.constant 0 : i32
        %dma_start3A_415 = tpu.memref_slice %arg27[%dma_start3A_414] : memref<10240xf32, #tpu.memory_space<vmem_shared>> -> memref<10240xf32, #tpu.memory_space<vmem_shared>>
        tpu.enqueue_indirect_dma source(%arg24 : memref<80xf32, #tpu.memory_space<vmem>>) target(%dma_start3A_415 : memref<10240xf32, #tpu.memory_space<vmem_shared>>) offsets(%dma_start3A_413 : memref<80xi32, #tpu.memory_space<vmem>>) semaphore(%arg17 : memref<!tpu.dma_semaphore, #tpu.memory_space<semaphore_mem>>) {add = true}
        %add3A_416 = arith.constant 2 : i32
        %add3A_417 = arith.addi %add3A_378, %add3A_416 : i32
        %lt3A_418 = arith.constant 125 : i32
        %lt3A_419 = arith.cmpi slt, %add3A_417, %lt3A_418 : i32
        %convert_element_type3A_420 = arith.extui %lt3A_419 : i1 to i32
        %cond3A_421 = arith.constant 0 : i32
        %cond3A_422 = arith.cmpi ne, %convert_element_type3A_420, %cond3A_421 : i32
        scf.if %cond3A_422 {
          %add3A_423 = arith.constant 2 : i32
          %add3A_424 = arith.addi %add3A_378, %add3A_423 : i32
          %dma_start3A_425 = arith.constant 0 : i32
          %dma_start3A_426 = arith.constant 0 : i32
          %dma_start3A_427 = arith.constant 0 : i32
          %dma_start3A_428 = tpu.memref_slice %arg10[%dma_start3A_425, %dma_start3A_426, %dma_start3A_427] : memref<2x80x128xf32, #tpu.memory_space<vmem>> -> memref<1x80x128xf32, #tpu.memory_space<vmem>>
          %dma_start3A_429 = tpu.memref_squeeze %dma_start3A_428 : memref<1x80x128xf32, #tpu.memory_space<vmem>> -> memref<80x128xf32, #tpu.memory_space<vmem>>
          %dma_start3A_430 = arith.constant 0 : i32
          %dma_start3A_431 = tpu.memref_slice %arg8[%add3A_424, %dma_start3A_430] : memref<125x80xi32, #tpu.memory_space<vmem>> -> memref<1x80xi32, #tpu.memory_space<vmem>>
          %dma_start3A_432 = tpu.memref_squeeze %dma_start3A_431 : memref<1x80xi32, #tpu.memory_space<vmem>> -> memref<80xi32, #tpu.memory_space<vmem>>
          %dma_start3A_433 = arith.constant 0 : i32
          %dma_start3A_434 = arith.constant 0 : i32
          %dma_start3A_435 = tpu.memref_slice %arg2[%dma_start3A_433, %dma_start3A_434] : memref<10000x128xf32, #tpu.memory_space<hbm>> -> memref<10000x128xf32, #tpu.memory_space<hbm>>
          tpu.enqueue_indirect_dma source(%dma_start3A_435 : memref<10000x128xf32, #tpu.memory_space<hbm>>) target(%dma_start3A_429 : memref<80x128xf32, #tpu.memory_space<vmem>>) offsets(%dma_start3A_432 : memref<80xi32, #tpu.memory_space<vmem>>) semaphore(%arg12 : memref<!tpu.dma_semaphore, #tpu.memory_space<semaphore_mem>>)
        } else {
        }
      } else {
      }
      %mul3A_381 = arith.constant 2 : i32
      %mul3A_382 = arith.muli %scan3A_374, %mul3A_381 : i32
      %add3A_383 = arith.constant 1 : i32
      %add3A_384 = arith.addi %mul3A_382, %add3A_383 : i32
      %lt3A_385 = arith.constant 125 : i32
      %lt3A_386 = arith.cmpi slt, %add3A_384, %lt3A_385 : i32
      %convert_element_type3A_387 = arith.extui %lt3A_386 : i1 to i32
      %cond3A_388 = arith.constant 0 : i32
      %cond3A_389 = arith.cmpi ne, %convert_element_type3A_387, %cond3A_388 : i32
      scf.if %cond3A_389 {
        %dma_wait3A_390 = arith.constant 1 : i32
        %dma_wait3A_391 = arith.constant 1 : i32
        %dma_wait3A_392 = arith.constant 0 : i32
        %dma_wait3A_393 = arith.constant 0 : i32
        %dma_wait3A_394 = tpu.memref_slice %arg10[%dma_wait3A_391, %dma_wait3A_392, %dma_wait3A_393] : memref<2x80x128xf32, #tpu.memory_space<vmem>> -> memref<1x80x128xf32, #tpu.memory_space<vmem>>
        %dma_wait3A_395 = tpu.memref_squeeze %dma_wait3A_394 : memref<1x80x128xf32, #tpu.memory_space<vmem>> -> memref<80x128xf32, #tpu.memory_space<vmem>>
        %dma_wait3A_396 = arith.constant 0 : i32
        %dma_wait3A_397 = tpu.memref_slice %arg8[%dma_wait3A_390, %dma_wait3A_396] : memref<125x80xi32, #tpu.memory_space<vmem>> -> memref<1x80xi32, #tpu.memory_space<vmem>>
        %dma_wait3A_398 = tpu.memref_squeeze %dma_wait3A_397 : memref<1x80xi32, #tpu.memory_space<vmem>> -> memref<80xi32, #tpu.memory_space<vmem>>
        %dma_wait3A_399 = arith.constant 0 : i32
        %dma_wait3A_400 = arith.constant 0 : i32
        %dma_wait3A_401 = tpu.memref_slice %arg2[%dma_wait3A_399, %dma_wait3A_400] : memref<10000x128xf32, #tpu.memory_space<hbm>> -> memref<10000x128xf32, #tpu.memory_space<hbm>>
        tpu.wait_indirect_dma semaphore(%arg13 : memref<!tpu.dma_semaphore, #tpu.memory_space<semaphore_mem>>) src(%dma_wait3A_401 : memref<10000x128xf32, #tpu.memory_space<hbm>>) dst(%dma_wait3A_395 : memref<80x128xf32, #tpu.memory_space<vmem>>)
        %run_scoped3A = arith.constant 1 : i32
        "tpu.region"() ({
          %run_scoped3A_423 = tpu.sem_alloc : memref<!tpu.dma_semaphore, #tpu.memory_space<semaphore_mem>>
          %dma_start3A_424 = arith.constant 0 : i32
          %dma_start3A_425 = arith.constant 0 : i32
          %dma_start3A_426 = tpu.memref_slice %arg10[%run_scoped3A, %dma_start3A_424, %dma_start3A_425] : memref<2x80x128xf32, #tpu.memory_space<vmem>> -> memref<1x80x128xf32, #tpu.memory_space<vmem>>
          %dma_start3A_427 = tpu.memref_squeeze %dma_start3A_426 : memref<1x80x128xf32, #tpu.memory_space<vmem>> -> memref<80x128xf32, #tpu.memory_space<vmem>>
          %dma_start3A_428 = arith.constant 0 : i32
          %dma_start3A_429 = tpu.memref_slice %arg9[%add3A_384, %dma_start3A_428] : memref<125x80xi32, #tpu.memory_space<vmem>> -> memref<1x80xi32, #tpu.memory_space<vmem>>
          %dma_start3A_430 = tpu.memref_squeeze %dma_start3A_429 : memref<1x80xi32, #tpu.memory_space<vmem>> -> memref<80xi32, #tpu.memory_space<vmem>>
          %dma_start3A_431 = arith.constant 0 : i32
          %dma_start3A_432 = arith.constant 0 : i32
          %dma_start3A_433 = tpu.memref_slice %arg11[%dma_start3A_431, %dma_start3A_432] : memref<10240x128xf32, #tpu.memory_space<vmem_shared>> -> memref<10240x128xf32, #tpu.memory_space<vmem_shared>>
          tpu.enqueue_indirect_dma source(%dma_start3A_427 : memref<80x128xf32, #tpu.memory_space<vmem>>) target(%dma_start3A_433 : memref<10240x128xf32, #tpu.memory_space<vmem_shared>>) offsets(%dma_start3A_430 : memref<80xi32, #tpu.memory_space<vmem>>) semaphore(%run_scoped3A_423 : memref<!tpu.dma_semaphore, #tpu.memory_space<semaphore_mem>>) {add = true}
          %dma_wait3A_434 = arith.constant 0 : i32
          %dma_wait3A_435 = arith.constant 0 : i32
          %dma_wait3A_436 = tpu.memref_slice %arg10[%run_scoped3A, %dma_wait3A_434, %dma_wait3A_435] : memref<2x80x128xf32, #tpu.memory_space<vmem>> -> memref<1x80x128xf32, #tpu.memory_space<vmem>>
          %dma_wait3A_437 = tpu.memref_squeeze %dma_wait3A_436 : memref<1x80x128xf32, #tpu.memory_space<vmem>> -> memref<80x128xf32, #tpu.memory_space<vmem>>
          %dma_wait3A_438 = arith.constant 0 : i32
          %dma_wait3A_439 = tpu.memref_slice %arg9[%add3A_384, %dma_wait3A_438] : memref<125x80xi32, #tpu.memory_space<vmem>> -> memref<1x80xi32, #tpu.memory_space<vmem>>
          %dma_wait3A_440 = tpu.memref_squeeze %dma_wait3A_439 : memref<1x80xi32, #tpu.memory_space<vmem>> -> memref<80xi32, #tpu.memory_space<vmem>>
          %dma_wait3A_441 = arith.constant 0 : i32
          %dma_wait3A_442 = arith.constant 0 : i32
          %dma_wait3A_443 = tpu.memref_slice %arg11[%dma_wait3A_441, %dma_wait3A_442] : memref<10240x128xf32, #tpu.memory_space<vmem_shared>> -> memref<10240x128xf32, #tpu.memory_space<vmem_shared>>
          tpu.wait_indirect_dma semaphore(%run_scoped3A_423 : memref<!tpu.dma_semaphore, #tpu.memory_space<semaphore_mem>>) src(%dma_wait3A_437 : memref<80x128xf32, #tpu.memory_space<vmem>>) dst(%dma_wait3A_443 : memref<10240x128xf32, #tpu.memory_space<vmem_shared>>)
          tpu.yield
        }) : () -> ()
        %ge3A = arith.constant 1 : i32
        %ge3A_402 = arith.cmpi sge, %add3A_384, %ge3A : i32
        %convert_element_type3A_403 = arith.extui %ge3A_402 : i1 to i32
        %cond3A_404 = arith.constant 0 : i32
        %cond3A_405 = arith.cmpi ne, %convert_element_type3A_403, %cond3A_404 : i32
        scf.if %cond3A_405 {
          %dma_wait3A_423 = arith.constant 0 : i32
          %dma_wait3A_424 = tpu.memref_slice %arg8[%add3A_384, %dma_wait3A_423] : memref<125x80xi32, #tpu.memory_space<vmem>> -> memref<1x80xi32, #tpu.memory_space<vmem>>
          %dma_wait3A_425 = tpu.memref_squeeze %dma_wait3A_424 : memref<1x80xi32, #tpu.memory_space<vmem>> -> memref<80xi32, #tpu.memory_space<vmem>>
          %dma_wait3A_426 = arith.constant 0 : i32
          %dma_wait3A_427 = tpu.memref_slice %arg26[%dma_wait3A_426] : memref<10240xf32, #tpu.memory_space<vmem_shared>> -> memref<10240xf32, #tpu.memory_space<vmem_shared>>
          tpu.wait_indirect_dma semaphore(%arg16 : memref<!tpu.dma_semaphore, #tpu.memory_space<semaphore_mem>>) src(%arg24 : memref<80xf32, #tpu.memory_space<vmem>>) dst(%dma_wait3A_427 : memref<10240xf32, #tpu.memory_space<vmem_shared>>)
          %dma_wait3A_428 = arith.constant 0 : i32
          %dma_wait3A_429 = tpu.memref_slice %arg9[%add3A_384, %dma_wait3A_428] : memref<125x80xi32, #tpu.memory_space<vmem>> -> memref<1x80xi32, #tpu.memory_space<vmem>>
          %dma_wait3A_430 = tpu.memref_squeeze %dma_wait3A_429 : memref<1x80xi32, #tpu.memory_space<vmem>> -> memref<80xi32, #tpu.memory_space<vmem>>
          %dma_wait3A_431 = arith.constant 0 : i32
          %dma_wait3A_432 = tpu.memref_slice %arg27[%dma_wait3A_431] : memref<10240xf32, #tpu.memory_space<vmem_shared>> -> memref<10240xf32, #tpu.memory_space<vmem_shared>>
          tpu.wait_indirect_dma semaphore(%arg17 : memref<!tpu.dma_semaphore, #tpu.memory_space<semaphore_mem>>) src(%arg24 : memref<80xf32, #tpu.memory_space<vmem>>) dst(%dma_wait3A_432 : memref<10240xf32, #tpu.memory_space<vmem_shared>>)
        } else {
        }
        %dma_start3A_406 = arith.constant 0 : i32
        %dma_start3A_407 = tpu.memref_slice %arg8[%add3A_384, %dma_start3A_406] : memref<125x80xi32, #tpu.memory_space<vmem>> -> memref<1x80xi32, #tpu.memory_space<vmem>>
        %dma_start3A_408 = tpu.memref_squeeze %dma_start3A_407 : memref<1x80xi32, #tpu.memory_space<vmem>> -> memref<80xi32, #tpu.memory_space<vmem>>
        %dma_start3A_409 = arith.constant 0 : i32
        %dma_start3A_410 = tpu.memref_slice %arg26[%dma_start3A_409] : memref<10240xf32, #tpu.memory_space<vmem_shared>> -> memref<10240xf32, #tpu.memory_space<vmem_shared>>
        tpu.enqueue_indirect_dma source(%arg24 : memref<80xf32, #tpu.memory_space<vmem>>) target(%dma_start3A_410 : memref<10240xf32, #tpu.memory_space<vmem_shared>>) offsets(%dma_start3A_408 : memref<80xi32, #tpu.memory_space<vmem>>) semaphore(%arg16 : memref<!tpu.dma_semaphore, #tpu.memory_space<semaphore_mem>>) {add = true}
        %dma_start3A_411 = arith.constant 0 : i32
        %dma_start3A_412 = tpu.memref_slice %arg9[%add3A_384, %dma_start3A_411] : memref<125x80xi32, #tpu.memory_space<vmem>> -> memref<1x80xi32, #tpu.memory_space<vmem>>
        %dma_start3A_413 = tpu.memref_squeeze %dma_start3A_412 : memref<1x80xi32, #tpu.memory_space<vmem>> -> memref<80xi32, #tpu.memory_space<vmem>>
        %dma_start3A_414 = arith.constant 0 : i32
        %dma_start3A_415 = tpu.memref_slice %arg27[%dma_start3A_414] : memref<10240xf32, #tpu.memory_space<vmem_shared>> -> memref<10240xf32, #tpu.memory_space<vmem_shared>>
        tpu.enqueue_indirect_dma source(%arg24 : memref<80xf32, #tpu.memory_space<vmem>>) target(%dma_start3A_415 : memref<10240xf32, #tpu.memory_space<vmem_shared>>) offsets(%dma_start3A_413 : memref<80xi32, #tpu.memory_space<vmem>>) semaphore(%arg17 : memref<!tpu.dma_semaphore, #tpu.memory_space<semaphore_mem>>) {add = true}
        %add3A_416 = arith.constant 2 : i32
        %add3A_417 = arith.addi %add3A_384, %add3A_416 : i32
        %lt3A_418 = arith.constant 125 : i32
        %lt3A_419 = arith.cmpi slt, %add3A_417, %lt3A_418 : i32
        %convert_element_type3A_420 = arith.extui %lt3A_419 : i1 to i32
        %cond3A_421 = arith.constant 0 : i32
        %cond3A_422 = arith.cmpi ne, %convert_element_type3A_420, %cond3A_421 : i32
        scf.if %cond3A_422 {
          %add3A_423 = arith.constant 2 : i32
          %add3A_424 = arith.addi %add3A_384, %add3A_423 : i32
          %dma_start3A_425 = arith.constant 1 : i32
          %dma_start3A_426 = arith.constant 0 : i32
          %dma_start3A_427 = arith.constant 0 : i32
          %dma_start3A_428 = tpu.memref_slice %arg10[%dma_start3A_425, %dma_start3A_426, %dma_start3A_427] : memref<2x80x128xf32, #tpu.memory_space<vmem>> -> memref<1x80x128xf32, #tpu.memory_space<vmem>>
          %dma_start3A_429 = tpu.memref_squeeze %dma_start3A_428 : memref<1x80x128xf32, #tpu.memory_space<vmem>> -> memref<80x128xf32, #tpu.memory_space<vmem>>
          %dma_start3A_430 = arith.constant 0 : i32
          %dma_start3A_431 = tpu.memref_slice %arg8[%add3A_424, %dma_start3A_430] : memref<125x80xi32, #tpu.memory_space<vmem>> -> memref<1x80xi32, #tpu.memory_space<vmem>>
          %dma_start3A_432 = tpu.memref_squeeze %dma_start3A_431 : memref<1x80xi32, #tpu.memory_space<vmem>> -> memref<80xi32, #tpu.memory_space<vmem>>
          %dma_start3A_433 = arith.constant 0 : i32
          %dma_start3A_434 = arith.constant 0 : i32
          %dma_start3A_435 = tpu.memref_slice %arg2[%dma_start3A_433, %dma_start3A_434] : memref<10000x128xf32, #tpu.memory_space<hbm>> -> memref<10000x128xf32, #tpu.memory_space<hbm>>
          tpu.enqueue_indirect_dma source(%dma_start3A_435 : memref<10000x128xf32, #tpu.memory_space<hbm>>) target(%dma_start3A_429 : memref<80x128xf32, #tpu.memory_space<vmem>>) offsets(%dma_start3A_432 : memref<80xi32, #tpu.memory_space<vmem>>) semaphore(%arg13 : memref<!tpu.dma_semaphore, #tpu.memory_space<semaphore_mem>>)
        } else {
        }
      } else {
      }
    }
    %scan3A_357 = arith.constant 63 : i32
    %dma_wait3A_358 = arith.constant 124 : i32
    %dma_wait3A_359 = arith.constant 0 : i32
    %dma_wait3A_360 = tpu.memref_slice %arg8[%dma_wait3A_358, %dma_wait3A_359] : memref<125x80xi32, #tpu.memory_space<vmem>> -> memref<1x80xi32, #tpu.memory_space<vmem>>
    %dma_wait3A_361 = tpu.memref_squeeze %dma_wait3A_360 : memref<1x80xi32, #tpu.memory_space<vmem>> -> memref<80xi32, #tpu.memory_space<vmem>>
    %dma_wait3A_362 = arith.constant 0 : i32
    %dma_wait3A_363 = tpu.memref_slice %arg26[%dma_wait3A_362] : memref<10240xf32, #tpu.memory_space<vmem_shared>> -> memref<10240xf32, #tpu.memory_space<vmem_shared>>
    tpu.wait_indirect_dma semaphore(%arg16 : memref<!tpu.dma_semaphore, #tpu.memory_space<semaphore_mem>>) src(%arg24 : memref<80xf32, #tpu.memory_space<vmem>>) dst(%dma_wait3A_363 : memref<10240xf32, #tpu.memory_space<vmem_shared>>)
    %dma_wait3A_364 = arith.constant 124 : i32
    %dma_wait3A_365 = arith.constant 0 : i32
    %dma_wait3A_366 = tpu.memref_slice %arg9[%dma_wait3A_364, %dma_wait3A_365] : memref<125x80xi32, #tpu.memory_space<vmem>> -> memref<1x80xi32, #tpu.memory_space<vmem>>
    %dma_wait3A_367 = tpu.memref_squeeze %dma_wait3A_366 : memref<1x80xi32, #tpu.memory_space<vmem>> -> memref<80xi32, #tpu.memory_space<vmem>>
    %dma_wait3A_368 = arith.constant 0 : i32
    %dma_wait3A_369 = tpu.memref_slice %arg27[%dma_wait3A_368] : memref<10240xf32, #tpu.memory_space<vmem_shared>> -> memref<10240xf32, #tpu.memory_space<vmem_shared>>
    tpu.wait_indirect_dma semaphore(%arg17 : memref<!tpu.dma_semaphore, #tpu.memory_space<semaphore_mem>>) src(%arg24 : memref<80xf32, #tpu.memory_space<vmem>>) dst(%dma_wait3A_369 : memref<10240xf32, #tpu.memory_space<vmem_shared>>)
    %barrier3A_370 = arith.constant 0 : index
    tpu.barrier barrier_id(%barrier3A_370)
    %mul3A_371 = arith.constant 10240 : i32
    %mul3A_372 = arith.muli %arg0, %mul3A_371 : i32
    %add3A_373 = arith.addi %mul3A_372, %mul3A_3 : i32
    "tpu.region"() ({
      %run_scoped3A = tpu.sem_alloc : memref<!tpu.dma_semaphore, #tpu.memory_space<semaphore_mem>>
      %dma_start3A_374 = arith.constant 0 : i32
      %dma_start3A_375 = tpu.memref_slice %arg5[%add3A_373, %dma_start3A_374] : memref<20480x128xf32, #tpu.memory_space<hbm>> -> memref<640x128xf32, #tpu.memory_space<hbm>>
      %dma_start3A_376 = arith.constant 0 : i32
      %dma_start3A_377 = tpu.memref_slice %arg11[%mul3A_3, %dma_start3A_376] : memref<10240x128xf32, #tpu.memory_space<vmem_shared>> -> memref<640x128xf32, #tpu.memory_space<vmem_shared>>
      tpu.enqueue_dma source(%dma_start3A_377 : memref<640x128xf32, #tpu.memory_space<vmem_shared>>) target(%dma_start3A_375 : memref<640x128xf32, #tpu.memory_space<hbm>>) target_semaphore(%run_scoped3A : memref<!tpu.dma_semaphore, #tpu.memory_space<semaphore_mem>>)
      %dma_wait3A_378 = arith.constant 0 : i32
      %dma_wait3A_379 = tpu.memref_slice %arg5[%add3A_373, %dma_wait3A_378] : memref<20480x128xf32, #tpu.memory_space<hbm>> -> memref<640x128xf32, #tpu.memory_space<hbm>>
      %dma_wait3A_380 = arith.constant 0 : i32
      %dma_wait3A_381 = tpu.memref_slice %arg11[%mul3A_3, %dma_wait3A_380] : memref<10240x128xf32, #tpu.memory_space<vmem_shared>> -> memref<640x128xf32, #tpu.memory_space<vmem_shared>>
      tpu.wait_dma2 semaphore(%run_scoped3A : memref<!tpu.dma_semaphore, #tpu.memory_space<semaphore_mem>>) src(%dma_wait3A_381 : memref<640x128xf32, #tpu.memory_space<vmem_shared>>) dst(%dma_wait3A_379 : memref<640x128xf32, #tpu.memory_space<hbm>>)
      tpu.yield
    }) : () -> ()
    "tpu.region"() ({
      %run_scoped3A = tpu.sem_alloc : memref<!tpu.dma_semaphore, #tpu.memory_space<semaphore_mem>>
      %dma_start3A_374 = tpu.memref_slice %arg6[%add3A_373] : memref<20480xf32, #tpu.memory_space<hbm>> -> memref<640xf32, #tpu.memory_space<hbm>>
      %dma_start3A_375 = tpu.memref_slice %arg26[%mul3A_3] : memref<10240xf32, #tpu.memory_space<vmem_shared>> -> memref<640xf32, #tpu.memory_space<vmem_shared>>
      tpu.enqueue_dma source(%dma_start3A_375 : memref<640xf32, #tpu.memory_space<vmem_shared>>) target(%dma_start3A_374 : memref<640xf32, #tpu.memory_space<hbm>>) target_semaphore(%run_scoped3A : memref<!tpu.dma_semaphore, #tpu.memory_space<semaphore_mem>>)
      %dma_wait3A_376 = tpu.memref_slice %arg6[%add3A_373] : memref<20480xf32, #tpu.memory_space<hbm>> -> memref<640xf32, #tpu.memory_space<hbm>>
      %dma_wait3A_377 = tpu.memref_slice %arg26[%mul3A_3] : memref<10240xf32, #tpu.memory_space<vmem_shared>> -> memref<640xf32, #tpu.memory_space<vmem_shared>>
      tpu.wait_dma2 semaphore(%run_scoped3A : memref<!tpu.dma_semaphore, #tpu.memory_space<semaphore_mem>>) src(%dma_wait3A_377 : memref<640xf32, #tpu.memory_space<vmem_shared>>) dst(%dma_wait3A_376 : memref<640xf32, #tpu.memory_space<hbm>>)
      tpu.yield
    }) : () -> ()
    "tpu.region"() ({
      %run_scoped3A = tpu.sem_alloc : memref<!tpu.dma_semaphore, #tpu.memory_space<semaphore_mem>>
      %dma_start3A_374 = tpu.memref_slice %arg7[%add3A_373] : memref<20480xf32, #tpu.memory_space<hbm>> -> memref<640xf32, #tpu.memory_space<hbm>>
      %dma_start3A_375 = tpu.memref_slice %arg27[%mul3A_3] : memref<10240xf32, #tpu.memory_space<vmem_shared>> -> memref<640xf32, #tpu.memory_space<vmem_shared>>
      tpu.enqueue_dma source(%dma_start3A_375 : memref<640xf32, #tpu.memory_space<vmem_shared>>) target(%dma_start3A_374 : memref<640xf32, #tpu.memory_space<hbm>>) target_semaphore(%run_scoped3A : memref<!tpu.dma_semaphore, #tpu.memory_space<semaphore_mem>>)
      %dma_wait3A_376 = tpu.memref_slice %arg7[%add3A_373] : memref<20480xf32, #tpu.memory_space<hbm>> -> memref<640xf32, #tpu.memory_space<hbm>>
      %dma_wait3A_377 = tpu.memref_slice %arg27[%mul3A_3] : memref<10240xf32, #tpu.memory_space<vmem_shared>> -> memref<640xf32, #tpu.memory_space<vmem_shared>>
      tpu.wait_dma2 semaphore(%run_scoped3A : memref<!tpu.dma_semaphore, #tpu.memory_space<semaphore_mem>>) src(%dma_wait3A_377 : memref<640xf32, #tpu.memory_space<vmem_shared>>) dst(%dma_wait3A_376 : memref<640xf32, #tpu.memory_space<hbm>>)
      tpu.yield
    }) : () -> ()
    return
  }
}

#map = affine_map<(d0, d1) -> (0, 0)>
#map1 = affine_map<(d0, d1) -> (0, 0, 0)>
module attributes {stable_mosaic.version = 14 : i64} {
  func.func @body(%arg0: i32, %arg1: i32, %arg2: memref<10240x32xf32, #tpu.memory_space<hbm>>, %arg3: memref<32x125x80xi32, #tpu.memory_space<hbm>>, %arg4: memref<32x125x80xi32, #tpu.memory_space<hbm>>, %arg5: memref<20480x32xf32, #tpu.memory_space<hbm>>, %arg6: memref<125x80xi32, #tpu.memory_space<vmem>>, %arg7: memref<125x80xi32, #tpu.memory_space<vmem>>, %arg8: memref<5x80x32xf32, #tpu.memory_space<vmem>>, %arg9: memref<10240x32xf32, #tpu.memory_space<vmem_shared>>, %arg10: memref<!tpu.dma_semaphore, #tpu.memory_space<semaphore_mem>>, %arg11: memref<!tpu.dma_semaphore, #tpu.memory_space<semaphore_mem>>, %arg12: memref<!tpu.dma_semaphore, #tpu.memory_space<semaphore_mem>>, %arg13: memref<!tpu.dma_semaphore, #tpu.memory_space<semaphore_mem>>, %arg14: memref<!tpu.dma_semaphore, #tpu.memory_space<semaphore_mem>>, %arg15: memref<!tpu.dma_semaphore, #tpu.memory_space<semaphore_mem>>, %arg16: memref<!tpu.dma_semaphore, #tpu.memory_space<semaphore_mem>>, %arg17: memref<!tpu.dma_semaphore, #tpu.memory_space<semaphore_mem>>, %arg18: memref<!tpu.dma_semaphore, #tpu.memory_space<semaphore_mem>>, %arg19: memref<!tpu.dma_semaphore, #tpu.memory_space<semaphore_mem>>, %arg20: memref<!tpu.dma_semaphore, #tpu.memory_space<semaphore_mem>>, %arg21: memref<!tpu.dma_semaphore, #tpu.memory_space<semaphore_mem>>, %arg22: memref<!tpu.dma_semaphore, #tpu.memory_space<semaphore_mem>>, %arg23: memref<!tpu.dma_semaphore, #tpu.memory_space<semaphore_mem>>, %arg24: memref<!tpu.dma_semaphore, #tpu.memory_space<semaphore_mem>>) attributes {dimension_semantics = [#tpu.dimension_semantics<core_parallel>, #tpu.dimension_semantics<subcore_parallel>], iteration_bounds = array<i64: 2, 16>, scalar_prefetch = 0 : i64, scratch_operands = 19 : i64, tpu.core_type = #tpu.core_type<sc_vector_subcore>, window_params = [{transform_indices = #map}, {transform_indices = #map1}, {transform_indices = #map1}, {transform_indices = #map}]} {
    %mul3A = arith.constant 2 : i32
    %mul3A_0 = arith.muli %arg1, %mul3A : i32
    %add3A = arith.addi %mul3A_0, %arg0 : i32
    %broadcast_in_dim3A = arith.constant 0.000000e+00 : f32
    %broadcast_in_dim3A_1 = vector.broadcast %broadcast_in_dim3A : f32 to vector<16xf32>
    %mul3A_2 = arith.constant 640 : i32
    %mul3A_3 = arith.muli %arg1, %mul3A_2 : i32
    %dma_start3A = arith.constant 0 : i32
    %dma_start3A_4 = arith.constant 0 : i32
    %dma_start3A_5 = tpu.memref_slice %arg3[%add3A, %dma_start3A, %dma_start3A_4] : memref<32x125x80xi32, #tpu.memory_space<hbm>> -> memref<1x125x80xi32, #tpu.memory_space<hbm>>
    %dma_start3A_6 = tpu.memref_squeeze %dma_start3A_5 : memref<1x125x80xi32, #tpu.memory_space<hbm>> -> memref<125x80xi32, #tpu.memory_space<hbm>>
    %dma_start3A_7 = arith.constant 0 : i32
    %dma_start3A_8 = arith.constant 0 : i32
    %dma_start3A_9 = tpu.memref_slice %arg3[%add3A, %dma_start3A_7, %dma_start3A_8] : memref<32x125x80xi32, #tpu.memory_space<hbm>> -> memref<1x125x80xi32, #tpu.memory_space<hbm>>
    %dma_start3A_10 = tpu.memref_squeeze %dma_start3A_9 : memref<1x125x80xi32, #tpu.memory_space<hbm>> -> memref<125x80xi32, #tpu.memory_space<hbm>>
    tpu.enqueue_dma source(%dma_start3A_10 : memref<125x80xi32, #tpu.memory_space<hbm>>) target(%arg6 : memref<125x80xi32, #tpu.memory_space<vmem>>) target_semaphore(%arg15 : memref<!tpu.dma_semaphore, #tpu.memory_space<semaphore_mem>>)
    %dma_start3A_11 = arith.constant 0 : i32
    %dma_start3A_12 = arith.constant 0 : i32
    %dma_start3A_13 = tpu.memref_slice %arg4[%add3A, %dma_start3A_11, %dma_start3A_12] : memref<32x125x80xi32, #tpu.memory_space<hbm>> -> memref<1x125x80xi32, #tpu.memory_space<hbm>>
    %dma_start3A_14 = tpu.memref_squeeze %dma_start3A_13 : memref<1x125x80xi32, #tpu.memory_space<hbm>> -> memref<125x80xi32, #tpu.memory_space<hbm>>
    %dma_start3A_15 = arith.constant 0 : i32
    %dma_start3A_16 = arith.constant 0 : i32
    %dma_start3A_17 = tpu.memref_slice %arg4[%add3A, %dma_start3A_15, %dma_start3A_16] : memref<32x125x80xi32, #tpu.memory_space<hbm>> -> memref<1x125x80xi32, #tpu.memory_space<hbm>>
    %dma_start3A_18 = tpu.memref_squeeze %dma_start3A_17 : memref<1x125x80xi32, #tpu.memory_space<hbm>> -> memref<125x80xi32, #tpu.memory_space<hbm>>
    tpu.enqueue_dma source(%dma_start3A_18 : memref<125x80xi32, #tpu.memory_space<hbm>>) target(%arg7 : memref<125x80xi32, #tpu.memory_space<vmem>>) target_semaphore(%arg16 : memref<!tpu.dma_semaphore, #tpu.memory_space<semaphore_mem>>)
    %scan3A = arith.constant 0 : i32
    %scan3A_19 = arith.constant 0 : i32
    %scan3A_20 = arith.constant 80 : i32
    %scan3A_21 = arith.addi %scan3A_19, %scan3A_20 : i32
    %scan3A_22 = arith.constant 1 : i32
    scf.for %scan3A_349 = %scan3A_19 to %scan3A_21 step %scan3A_22  : i32 {
      %swap3A = arith.constant 0 : i32
      %swap3A_350 = arith.index_cast %swap3A : i32 to index
      %swap3A_351 = arith.index_cast %scan3A_349 : i32 to index
      %swap3A_352 = arith.constant 0 : index
      %swap3A_353 = tpu.vector_load %arg8[%swap3A_350, %swap3A_351, %swap3A_352] {strides = array<i32>} : memref<5x80x32xf32, #tpu.memory_space<vmem>>, vector<1x1x16xf32>,
      %swap3A_354 = vector.shape_cast %swap3A_353 : vector<1x1x16xf32> to vector<16xf32>
      %swap3A_355 = vector.shape_cast %broadcast_in_dim3A_1 : vector<16xf32> to vector<1x1x16xf32>
      tpu.vector_store %arg8[%swap3A_350, %swap3A_351, %swap3A_352], %swap3A_355 {strides = array<i32>} : memref<5x80x32xf32, #tpu.memory_space<vmem>>, vector<1x1x16xf32>,
      %swap3A_356 = arith.constant 0 : i32
      %swap3A_357 = arith.index_cast %swap3A_356 : i32 to index
      %swap3A_358 = arith.index_cast %scan3A_349 : i32 to index
      %swap3A_359 = arith.constant 16 : index
      %swap3A_360 = tpu.vector_load %arg8[%swap3A_357, %swap3A_358, %swap3A_359] {strides = array<i32>} : memref<5x80x32xf32, #tpu.memory_space<vmem>>, vector<1x1x16xf32>,
      %swap3A_361 = vector.shape_cast %swap3A_360 : vector<1x1x16xf32> to vector<16xf32>
      %swap3A_362 = vector.shape_cast %broadcast_in_dim3A_1 : vector<16xf32> to vector<1x1x16xf32>
      tpu.vector_store %arg8[%swap3A_357, %swap3A_358, %swap3A_359], %swap3A_362 {strides = array<i32>} : memref<5x80x32xf32, #tpu.memory_space<vmem>>, vector<1x1x16xf32>,
    }
    %scan3A_23 = arith.constant 80 : i32
    %add3A_24 = arith.constant 0 : i32
    %add3A_25 = arith.addi %mul3A_3, %add3A_24 : i32
    %dma_start3A_26 = arith.constant 0 : i32
    %dma_start3A_27 = arith.constant 0 : i32
    %dma_start3A_28 = arith.constant 0 : i32
    %dma_start3A_29 = tpu.memref_slice %arg8[%dma_start3A_26, %dma_start3A_27, %dma_start3A_28] : memref<5x80x32xf32, #tpu.memory_space<vmem>> -> memref<1x80x32xf32, #tpu.memory_space<vmem>>
    %dma_start3A_30 = tpu.memref_squeeze %dma_start3A_29 : memref<1x80x32xf32, #tpu.memory_space<vmem>> -> memref<80x32xf32, #tpu.memory_space<vmem>>
    %dma_start3A_31 = arith.constant 0 : i32
    %dma_start3A_32 = tpu.memref_slice %arg9[%add3A_25, %dma_start3A_31] : memref<10240x32xf32, #tpu.memory_space<vmem_shared>> -> memref<80x32xf32, #tpu.memory_space<vmem_shared>>
    %dma_start3A_33 = arith.constant 0 : i32
    %dma_start3A_34 = tpu.memref_slice %arg9[%add3A_25, %dma_start3A_33] : memref<10240x32xf32, #tpu.memory_space<vmem_shared>> -> memref<80x32xf32, #tpu.memory_space<vmem_shared>>
    %dma_start3A_35 = arith.constant 0 : i32
    %dma_start3A_36 = arith.constant 0 : i32
    %dma_start3A_37 = tpu.memref_slice %arg8[%dma_start3A_26, %dma_start3A_35, %dma_start3A_36] : memref<5x80x32xf32, #tpu.memory_space<vmem>> -> memref<1x80x32xf32, #tpu.memory_space<vmem>>
    %dma_start3A_38 = tpu.memref_squeeze %dma_start3A_37 : memref<1x80x32xf32, #tpu.memory_space<vmem>> -> memref<80x32xf32, #tpu.memory_space<vmem>>
    tpu.enqueue_dma source(%dma_start3A_38 : memref<80x32xf32, #tpu.memory_space<vmem>>) target(%dma_start3A_34 : memref<80x32xf32, #tpu.memory_space<vmem_shared>>) target_semaphore(%arg17 : memref<!tpu.dma_semaphore, #tpu.memory_space<semaphore_mem>>)
    %add3A_39 = arith.constant 80 : i32
    %add3A_40 = arith.addi %mul3A_3, %add3A_39 : i32
    %dma_start3A_41 = arith.constant 0 : i32
    %dma_start3A_42 = arith.constant 0 : i32
    %dma_start3A_43 = arith.constant 0 : i32
    %dma_start3A_44 = tpu.memref_slice %arg8[%dma_start3A_41, %dma_start3A_42, %dma_start3A_43] : memref<5x80x32xf32, #tpu.memory_space<vmem>> -> memref<1x80x32xf32, #tpu.memory_space<vmem>>
    %dma_start3A_45 = tpu.memref_squeeze %dma_start3A_44 : memref<1x80x32xf32, #tpu.memory_space<vmem>> -> memref<80x32xf32, #tpu.memory_space<vmem>>
    %dma_start3A_46 = arith.constant 0 : i32
    %dma_start3A_47 = tpu.memref_slice %arg9[%add3A_40, %dma_start3A_46] : memref<10240x32xf32, #tpu.memory_space<vmem_shared>> -> memref<80x32xf32, #tpu.memory_space<vmem_shared>>
    %dma_start3A_48 = arith.constant 0 : i32
    %dma_start3A_49 = tpu.memref_slice %arg9[%add3A_40, %dma_start3A_48] : memref<10240x32xf32, #tpu.memory_space<vmem_shared>> -> memref<80x32xf32, #tpu.memory_space<vmem_shared>>
    %dma_start3A_50 = arith.constant 0 : i32
    %dma_start3A_51 = arith.constant 0 : i32
    %dma_start3A_52 = tpu.memref_slice %arg8[%dma_start3A_41, %dma_start3A_50, %dma_start3A_51] : memref<5x80x32xf32, #tpu.memory_space<vmem>> -> memref<1x80x32xf32, #tpu.memory_space<vmem>>
    %dma_start3A_53 = tpu.memref_squeeze %dma_start3A_52 : memref<1x80x32xf32, #tpu.memory_space<vmem>> -> memref<80x32xf32, #tpu.memory_space<vmem>>
    tpu.enqueue_dma source(%dma_start3A_53 : memref<80x32xf32, #tpu.memory_space<vmem>>) target(%dma_start3A_49 : memref<80x32xf32, #tpu.memory_space<vmem_shared>>) target_semaphore(%arg18 : memref<!tpu.dma_semaphore, #tpu.memory_space<semaphore_mem>>)
    %add3A_54 = arith.constant 160 : i32
    %add3A_55 = arith.addi %mul3A_3, %add3A_54 : i32
    %dma_start3A_56 = arith.constant 0 : i32
    %dma_start3A_57 = arith.constant 0 : i32
    %dma_start3A_58 = arith.constant 0 : i32
    %dma_start3A_59 = tpu.memref_slice %arg8[%dma_start3A_56, %dma_start3A_57, %dma_start3A_58] : memref<5x80x32xf32, #tpu.memory_space<vmem>> -> memref<1x80x32xf32, #tpu.memory_space<vmem>>
    %dma_start3A_60 = tpu.memref_squeeze %dma_start3A_59 : memref<1x80x32xf32, #tpu.memory_space<vmem>> -> memref<80x32xf32, #tpu.memory_space<vmem>>
    %dma_start3A_61 = arith.constant 0 : i32
    %dma_start3A_62 = tpu.memref_slice %arg9[%add3A_55, %dma_start3A_61] : memref<10240x32xf32, #tpu.memory_space<vmem_shared>> -> memref<80x32xf32, #tpu.memory_space<vmem_shared>>
    %dma_start3A_63 = arith.constant 0 : i32
    %dma_start3A_64 = tpu.memref_slice %arg9[%add3A_55, %dma_start3A_63] : memref<10240x32xf32, #tpu.memory_space<vmem_shared>> -> memref<80x32xf32, #tpu.memory_space<vmem_shared>>
    %dma_start3A_65 = arith.constant 0 : i32
    %dma_start3A_66 = arith.constant 0 : i32
    %dma_start3A_67 = tpu.memref_slice %arg8[%dma_start3A_56, %dma_start3A_65, %dma_start3A_66] : memref<5x80x32xf32, #tpu.memory_space<vmem>> -> memref<1x80x32xf32, #tpu.memory_space<vmem>>
    %dma_start3A_68 = tpu.memref_squeeze %dma_start3A_67 : memref<1x80x32xf32, #tpu.memory_space<vmem>> -> memref<80x32xf32, #tpu.memory_space<vmem>>
    tpu.enqueue_dma source(%dma_start3A_68 : memref<80x32xf32, #tpu.memory_space<vmem>>) target(%dma_start3A_64 : memref<80x32xf32, #tpu.memory_space<vmem_shared>>) target_semaphore(%arg19 : memref<!tpu.dma_semaphore, #tpu.memory_space<semaphore_mem>>)
    %add3A_69 = arith.constant 240 : i32
    %add3A_70 = arith.addi %mul3A_3, %add3A_69 : i32
    %dma_start3A_71 = arith.constant 0 : i32
    %dma_start3A_72 = arith.constant 0 : i32
    %dma_start3A_73 = arith.constant 0 : i32
    %dma_start3A_74 = tpu.memref_slice %arg8[%dma_start3A_71, %dma_start3A_72, %dma_start3A_73] : memref<5x80x32xf32, #tpu.memory_space<vmem>> -> memref<1x80x32xf32, #tpu.memory_space<vmem>>
    %dma_start3A_75 = tpu.memref_squeeze %dma_start3A_74 : memref<1x80x32xf32, #tpu.memory_space<vmem>> -> memref<80x32xf32, #tpu.memory_space<vmem>>
    %dma_start3A_76 = arith.constant 0 : i32
    %dma_start3A_77 = tpu.memref_slice %arg9[%add3A_70, %dma_start3A_76] : memref<10240x32xf32, #tpu.memory_space<vmem_shared>> -> memref<80x32xf32, #tpu.memory_space<vmem_shared>>
    %dma_start3A_78 = arith.constant 0 : i32
    %dma_start3A_79 = tpu.memref_slice %arg9[%add3A_70, %dma_start3A_78] : memref<10240x32xf32, #tpu.memory_space<vmem_shared>> -> memref<80x32xf32, #tpu.memory_space<vmem_shared>>
    %dma_start3A_80 = arith.constant 0 : i32
    %dma_start3A_81 = arith.constant 0 : i32
    %dma_start3A_82 = tpu.memref_slice %arg8[%dma_start3A_71, %dma_start3A_80, %dma_start3A_81] : memref<5x80x32xf32, #tpu.memory_space<vmem>> -> memref<1x80x32xf32, #tpu.memory_space<vmem>>
    %dma_start3A_83 = tpu.memref_squeeze %dma_start3A_82 : memref<1x80x32xf32, #tpu.memory_space<vmem>> -> memref<80x32xf32, #tpu.memory_space<vmem>>
    tpu.enqueue_dma source(%dma_start3A_83 : memref<80x32xf32, #tpu.memory_space<vmem>>) target(%dma_start3A_79 : memref<80x32xf32, #tpu.memory_space<vmem_shared>>) target_semaphore(%arg20 : memref<!tpu.dma_semaphore, #tpu.memory_space<semaphore_mem>>)
    %add3A_84 = arith.constant 320 : i32
    %add3A_85 = arith.addi %mul3A_3, %add3A_84 : i32
    %dma_start3A_86 = arith.constant 0 : i32
    %dma_start3A_87 = arith.constant 0 : i32
    %dma_start3A_88 = arith.constant 0 : i32
    %dma_start3A_89 = tpu.memref_slice %arg8[%dma_start3A_86, %dma_start3A_87, %dma_start3A_88] : memref<5x80x32xf32, #tpu.memory_space<vmem>> -> memref<1x80x32xf32, #tpu.memory_space<vmem>>
    %dma_start3A_90 = tpu.memref_squeeze %dma_start3A_89 : memref<1x80x32xf32, #tpu.memory_space<vmem>> -> memref<80x32xf32, #tpu.memory_space<vmem>>
    %dma_start3A_91 = arith.constant 0 : i32
    %dma_start3A_92 = tpu.memref_slice %arg9[%add3A_85, %dma_start3A_91] : memref<10240x32xf32, #tpu.memory_space<vmem_shared>> -> memref<80x32xf32, #tpu.memory_space<vmem_shared>>
    %dma_start3A_93 = arith.constant 0 : i32
    %dma_start3A_94 = tpu.memref_slice %arg9[%add3A_85, %dma_start3A_93] : memref<10240x32xf32, #tpu.memory_space<vmem_shared>> -> memref<80x32xf32, #tpu.memory_space<vmem_shared>>
    %dma_start3A_95 = arith.constant 0 : i32
    %dma_start3A_96 = arith.constant 0 : i32
    %dma_start3A_97 = tpu.memref_slice %arg8[%dma_start3A_86, %dma_start3A_95, %dma_start3A_96] : memref<5x80x32xf32, #tpu.memory_space<vmem>> -> memref<1x80x32xf32, #tpu.memory_space<vmem>>
    %dma_start3A_98 = tpu.memref_squeeze %dma_start3A_97 : memref<1x80x32xf32, #tpu.memory_space<vmem>> -> memref<80x32xf32, #tpu.memory_space<vmem>>
    tpu.enqueue_dma source(%dma_start3A_98 : memref<80x32xf32, #tpu.memory_space<vmem>>) target(%dma_start3A_94 : memref<80x32xf32, #tpu.memory_space<vmem_shared>>) target_semaphore(%arg21 : memref<!tpu.dma_semaphore, #tpu.memory_space<semaphore_mem>>)
    %add3A_99 = arith.constant 400 : i32
    %add3A_100 = arith.addi %mul3A_3, %add3A_99 : i32
    %dma_start3A_101 = arith.constant 0 : i32
    %dma_start3A_102 = arith.constant 0 : i32
    %dma_start3A_103 = arith.constant 0 : i32
    %dma_start3A_104 = tpu.memref_slice %arg8[%dma_start3A_101, %dma_start3A_102, %dma_start3A_103] : memref<5x80x32xf32, #tpu.memory_space<vmem>> -> memref<1x80x32xf32, #tpu.memory_space<vmem>>
    %dma_start3A_105 = tpu.memref_squeeze %dma_start3A_104 : memref<1x80x32xf32, #tpu.memory_space<vmem>> -> memref<80x32xf32, #tpu.memory_space<vmem>>
    %dma_start3A_106 = arith.constant 0 : i32
    %dma_start3A_107 = tpu.memref_slice %arg9[%add3A_100, %dma_start3A_106] : memref<10240x32xf32, #tpu.memory_space<vmem_shared>> -> memref<80x32xf32, #tpu.memory_space<vmem_shared>>
    %dma_start3A_108 = arith.constant 0 : i32
    %dma_start3A_109 = tpu.memref_slice %arg9[%add3A_100, %dma_start3A_108] : memref<10240x32xf32, #tpu.memory_space<vmem_shared>> -> memref<80x32xf32, #tpu.memory_space<vmem_shared>>
    %dma_start3A_110 = arith.constant 0 : i32
    %dma_start3A_111 = arith.constant 0 : i32
    %dma_start3A_112 = tpu.memref_slice %arg8[%dma_start3A_101, %dma_start3A_110, %dma_start3A_111] : memref<5x80x32xf32, #tpu.memory_space<vmem>> -> memref<1x80x32xf32, #tpu.memory_space<vmem>>
    %dma_start3A_113 = tpu.memref_squeeze %dma_start3A_112 : memref<1x80x32xf32, #tpu.memory_space<vmem>> -> memref<80x32xf32, #tpu.memory_space<vmem>>
    tpu.enqueue_dma source(%dma_start3A_113 : memref<80x32xf32, #tpu.memory_space<vmem>>) target(%dma_start3A_109 : memref<80x32xf32, #tpu.memory_space<vmem_shared>>) target_semaphore(%arg22 : memref<!tpu.dma_semaphore, #tpu.memory_space<semaphore_mem>>)
    %add3A_114 = arith.constant 480 : i32
    %add3A_115 = arith.addi %mul3A_3, %add3A_114 : i32
    %dma_start3A_116 = arith.constant 0 : i32
    %dma_start3A_117 = arith.constant 0 : i32
    %dma_start3A_118 = arith.constant 0 : i32
    %dma_start3A_119 = tpu.memref_slice %arg8[%dma_start3A_116, %dma_start3A_117, %dma_start3A_118] : memref<5x80x32xf32, #tpu.memory_space<vmem>> -> memref<1x80x32xf32, #tpu.memory_space<vmem>>
    %dma_start3A_120 = tpu.memref_squeeze %dma_start3A_119 : memref<1x80x32xf32, #tpu.memory_space<vmem>> -> memref<80x32xf32, #tpu.memory_space<vmem>>
    %dma_start3A_121 = arith.constant 0 : i32
    %dma_start3A_122 = tpu.memref_slice %arg9[%add3A_115, %dma_start3A_121] : memref<10240x32xf32, #tpu.memory_space<vmem_shared>> -> memref<80x32xf32, #tpu.memory_space<vmem_shared>>
    %dma_start3A_123 = arith.constant 0 : i32
    %dma_start3A_124 = tpu.memref_slice %arg9[%add3A_115, %dma_start3A_123] : memref<10240x32xf32, #tpu.memory_space<vmem_shared>> -> memref<80x32xf32, #tpu.memory_space<vmem_shared>>
    %dma_start3A_125 = arith.constant 0 : i32
    %dma_start3A_126 = arith.constant 0 : i32
    %dma_start3A_127 = tpu.memref_slice %arg8[%dma_start3A_116, %dma_start3A_125, %dma_start3A_126] : memref<5x80x32xf32, #tpu.memory_space<vmem>> -> memref<1x80x32xf32, #tpu.memory_space<vmem>>
    %dma_start3A_128 = tpu.memref_squeeze %dma_start3A_127 : memref<1x80x32xf32, #tpu.memory_space<vmem>> -> memref<80x32xf32, #tpu.memory_space<vmem>>
    tpu.enqueue_dma source(%dma_start3A_128 : memref<80x32xf32, #tpu.memory_space<vmem>>) target(%dma_start3A_124 : memref<80x32xf32, #tpu.memory_space<vmem_shared>>) target_semaphore(%arg23 : memref<!tpu.dma_semaphore, #tpu.memory_space<semaphore_mem>>)
    %add3A_129 = arith.constant 560 : i32
    %add3A_130 = arith.addi %mul3A_3, %add3A_129 : i32
    %dma_start3A_131 = arith.constant 0 : i32
    %dma_start3A_132 = arith.constant 0 : i32
    %dma_start3A_133 = arith.constant 0 : i32
    %dma_start3A_134 = tpu.memref_slice %arg8[%dma_start3A_131, %dma_start3A_132, %dma_start3A_133] : memref<5x80x32xf32, #tpu.memory_space<vmem>> -> memref<1x80x32xf32, #tpu.memory_space<vmem>>
    %dma_start3A_135 = tpu.memref_squeeze %dma_start3A_134 : memref<1x80x32xf32, #tpu.memory_space<vmem>> -> memref<80x32xf32, #tpu.memory_space<vmem>>
    %dma_start3A_136 = arith.constant 0 : i32
    %dma_start3A_137 = tpu.memref_slice %arg9[%add3A_130, %dma_start3A_136] : memref<10240x32xf32, #tpu.memory_space<vmem_shared>> -> memref<80x32xf32, #tpu.memory_space<vmem_shared>>
    %dma_start3A_138 = arith.constant 0 : i32
    %dma_start3A_139 = tpu.memref_slice %arg9[%add3A_130, %dma_start3A_138] : memref<10240x32xf32, #tpu.memory_space<vmem_shared>> -> memref<80x32xf32, #tpu.memory_space<vmem_shared>>
    %dma_start3A_140 = arith.constant 0 : i32
    %dma_start3A_141 = arith.constant 0 : i32
    %dma_start3A_142 = tpu.memref_slice %arg8[%dma_start3A_131, %dma_start3A_140, %dma_start3A_141] : memref<5x80x32xf32, #tpu.memory_space<vmem>> -> memref<1x80x32xf32, #tpu.memory_space<vmem>>
    %dma_start3A_143 = tpu.memref_squeeze %dma_start3A_142 : memref<1x80x32xf32, #tpu.memory_space<vmem>> -> memref<80x32xf32, #tpu.memory_space<vmem>>
    tpu.enqueue_dma source(%dma_start3A_143 : memref<80x32xf32, #tpu.memory_space<vmem>>) target(%dma_start3A_139 : memref<80x32xf32, #tpu.memory_space<vmem_shared>>) target_semaphore(%arg24 : memref<!tpu.dma_semaphore, #tpu.memory_space<semaphore_mem>>)
    %dma_wait3A = arith.constant 0 : i32
    %dma_wait3A_144 = arith.constant 0 : i32
    %dma_wait3A_145 = tpu.memref_slice %arg3[%add3A, %dma_wait3A, %dma_wait3A_144] : memref<32x125x80xi32, #tpu.memory_space<hbm>> -> memref<1x125x80xi32, #tpu.memory_space<hbm>>
    %dma_wait3A_146 = tpu.memref_squeeze %dma_wait3A_145 : memref<1x125x80xi32, #tpu.memory_space<hbm>> -> memref<125x80xi32, #tpu.memory_space<hbm>>
    %dma_wait3A_147 = arith.constant 0 : i32
    %dma_wait3A_148 = arith.constant 0 : i32
    %dma_wait3A_149 = tpu.memref_slice %arg3[%add3A, %dma_wait3A_147, %dma_wait3A_148] : memref<32x125x80xi32, #tpu.memory_space<hbm>> -> memref<1x125x80xi32, #tpu.memory_space<hbm>>
    %dma_wait3A_150 = tpu.memref_squeeze %dma_wait3A_149 : memref<1x125x80xi32, #tpu.memory_space<hbm>> -> memref<125x80xi32, #tpu.memory_space<hbm>>
    tpu.wait_dma2 semaphore(%arg15 : memref<!tpu.dma_semaphore, #tpu.memory_space<semaphore_mem>>) src(%dma_wait3A_150 : memref<125x80xi32, #tpu.memory_space<hbm>>) dst(%arg6 : memref<125x80xi32, #tpu.memory_space<vmem>>)
    %dma_wait3A_151 = arith.constant 0 : i32
    %dma_wait3A_152 = arith.constant 0 : i32
    %dma_wait3A_153 = tpu.memref_slice %arg4[%add3A, %dma_wait3A_151, %dma_wait3A_152] : memref<32x125x80xi32, #tpu.memory_space<hbm>> -> memref<1x125x80xi32, #tpu.memory_space<hbm>>
    %dma_wait3A_154 = tpu.memref_squeeze %dma_wait3A_153 : memref<1x125x80xi32, #tpu.memory_space<hbm>> -> memref<125x80xi32, #tpu.memory_space<hbm>>
    %dma_wait3A_155 = arith.constant 0 : i32
    %dma_wait3A_156 = arith.constant 0 : i32
    %dma_wait3A_157 = tpu.memref_slice %arg4[%add3A, %dma_wait3A_155, %dma_wait3A_156] : memref<32x125x80xi32, #tpu.memory_space<hbm>> -> memref<1x125x80xi32, #tpu.memory_space<hbm>>
    %dma_wait3A_158 = tpu.memref_squeeze %dma_wait3A_157 : memref<1x125x80xi32, #tpu.memory_space<hbm>> -> memref<125x80xi32, #tpu.memory_space<hbm>>
    tpu.wait_dma2 semaphore(%arg16 : memref<!tpu.dma_semaphore, #tpu.memory_space<semaphore_mem>>) src(%dma_wait3A_158 : memref<125x80xi32, #tpu.memory_space<hbm>>) dst(%arg7 : memref<125x80xi32, #tpu.memory_space<vmem>>)
    %add3A_159 = arith.constant 0 : i32
    %add3A_160 = arith.addi %mul3A_3, %add3A_159 : i32
    %dma_wait3A_161 = arith.constant 0 : i32
    %dma_wait3A_162 = arith.constant 0 : i32
    %dma_wait3A_163 = arith.constant 0 : i32
    %dma_wait3A_164 = tpu.memref_slice %arg8[%dma_wait3A_161, %dma_wait3A_162, %dma_wait3A_163] : memref<5x80x32xf32, #tpu.memory_space<vmem>> -> memref<1x80x32xf32, #tpu.memory_space<vmem>>
    %dma_wait3A_165 = tpu.memref_squeeze %dma_wait3A_164 : memref<1x80x32xf32, #tpu.memory_space<vmem>> -> memref<80x32xf32, #tpu.memory_space<vmem>>
    %dma_wait3A_166 = arith.constant 0 : i32
    %dma_wait3A_167 = tpu.memref_slice %arg9[%add3A_160, %dma_wait3A_166] : memref<10240x32xf32, #tpu.memory_space<vmem_shared>> -> memref<80x32xf32, #tpu.memory_space<vmem_shared>>
    %dma_wait3A_168 = arith.constant 0 : i32
    %dma_wait3A_169 = tpu.memref_slice %arg9[%add3A_160, %dma_wait3A_168] : memref<10240x32xf32, #tpu.memory_space<vmem_shared>> -> memref<80x32xf32, #tpu.memory_space<vmem_shared>>
    %dma_wait3A_170 = arith.constant 0 : i32
    %dma_wait3A_171 = arith.constant 0 : i32
    %dma_wait3A_172 = tpu.memref_slice %arg8[%dma_wait3A_161, %dma_wait3A_170, %dma_wait3A_171] : memref<5x80x32xf32, #tpu.memory_space<vmem>> -> memref<1x80x32xf32, #tpu.memory_space<vmem>>
    %dma_wait3A_173 = tpu.memref_squeeze %dma_wait3A_172 : memref<1x80x32xf32, #tpu.memory_space<vmem>> -> memref<80x32xf32, #tpu.memory_space<vmem>>
    tpu.wait_dma2 semaphore(%arg17 : memref<!tpu.dma_semaphore, #tpu.memory_space<semaphore_mem>>) src(%dma_wait3A_173 : memref<80x32xf32, #tpu.memory_space<vmem>>) dst(%dma_wait3A_169 : memref<80x32xf32, #tpu.memory_space<vmem_shared>>)
    %add3A_174 = arith.constant 80 : i32
    %add3A_175 = arith.addi %mul3A_3, %add3A_174 : i32
    %dma_wait3A_176 = arith.constant 0 : i32
    %dma_wait3A_177 = arith.constant 0 : i32
    %dma_wait3A_178 = arith.constant 0 : i32
    %dma_wait3A_179 = tpu.memref_slice %arg8[%dma_wait3A_176, %dma_wait3A_177, %dma_wait3A_178] : memref<5x80x32xf32, #tpu.memory_space<vmem>> -> memref<1x80x32xf32, #tpu.memory_space<vmem>>
    %dma_wait3A_180 = tpu.memref_squeeze %dma_wait3A_179 : memref<1x80x32xf32, #tpu.memory_space<vmem>> -> memref<80x32xf32, #tpu.memory_space<vmem>>
    %dma_wait3A_181 = arith.constant 0 : i32
    %dma_wait3A_182 = tpu.memref_slice %arg9[%add3A_175, %dma_wait3A_181] : memref<10240x32xf32, #tpu.memory_space<vmem_shared>> -> memref<80x32xf32, #tpu.memory_space<vmem_shared>>
    %dma_wait3A_183 = arith.constant 0 : i32
    %dma_wait3A_184 = tpu.memref_slice %arg9[%add3A_175, %dma_wait3A_183] : memref<10240x32xf32, #tpu.memory_space<vmem_shared>> -> memref<80x32xf32, #tpu.memory_space<vmem_shared>>
    %dma_wait3A_185 = arith.constant 0 : i32
    %dma_wait3A_186 = arith.constant 0 : i32
    %dma_wait3A_187 = tpu.memref_slice %arg8[%dma_wait3A_176, %dma_wait3A_185, %dma_wait3A_186] : memref<5x80x32xf32, #tpu.memory_space<vmem>> -> memref<1x80x32xf32, #tpu.memory_space<vmem>>
    %dma_wait3A_188 = tpu.memref_squeeze %dma_wait3A_187 : memref<1x80x32xf32, #tpu.memory_space<vmem>> -> memref<80x32xf32, #tpu.memory_space<vmem>>
    tpu.wait_dma2 semaphore(%arg18 : memref<!tpu.dma_semaphore, #tpu.memory_space<semaphore_mem>>) src(%dma_wait3A_188 : memref<80x32xf32, #tpu.memory_space<vmem>>) dst(%dma_wait3A_184 : memref<80x32xf32, #tpu.memory_space<vmem_shared>>)
    %add3A_189 = arith.constant 160 : i32
    %add3A_190 = arith.addi %mul3A_3, %add3A_189 : i32
    %dma_wait3A_191 = arith.constant 0 : i32
    %dma_wait3A_192 = arith.constant 0 : i32
    %dma_wait3A_193 = arith.constant 0 : i32
    %dma_wait3A_194 = tpu.memref_slice %arg8[%dma_wait3A_191, %dma_wait3A_192, %dma_wait3A_193] : memref<5x80x32xf32, #tpu.memory_space<vmem>> -> memref<1x80x32xf32, #tpu.memory_space<vmem>>
    %dma_wait3A_195 = tpu.memref_squeeze %dma_wait3A_194 : memref<1x80x32xf32, #tpu.memory_space<vmem>> -> memref<80x32xf32, #tpu.memory_space<vmem>>
    %dma_wait3A_196 = arith.constant 0 : i32
    %dma_wait3A_197 = tpu.memref_slice %arg9[%add3A_190, %dma_wait3A_196] : memref<10240x32xf32, #tpu.memory_space<vmem_shared>> -> memref<80x32xf32, #tpu.memory_space<vmem_shared>>
    %dma_wait3A_198 = arith.constant 0 : i32
    %dma_wait3A_199 = tpu.memref_slice %arg9[%add3A_190, %dma_wait3A_198] : memref<10240x32xf32, #tpu.memory_space<vmem_shared>> -> memref<80x32xf32, #tpu.memory_space<vmem_shared>>
    %dma_wait3A_200 = arith.constant 0 : i32
    %dma_wait3A_201 = arith.constant 0 : i32
    %dma_wait3A_202 = tpu.memref_slice %arg8[%dma_wait3A_191, %dma_wait3A_200, %dma_wait3A_201] : memref<5x80x32xf32, #tpu.memory_space<vmem>> -> memref<1x80x32xf32, #tpu.memory_space<vmem>>
    %dma_wait3A_203 = tpu.memref_squeeze %dma_wait3A_202 : memref<1x80x32xf32, #tpu.memory_space<vmem>> -> memref<80x32xf32, #tpu.memory_space<vmem>>
    tpu.wait_dma2 semaphore(%arg19 : memref<!tpu.dma_semaphore, #tpu.memory_space<semaphore_mem>>) src(%dma_wait3A_203 : memref<80x32xf32, #tpu.memory_space<vmem>>) dst(%dma_wait3A_199 : memref<80x32xf32, #tpu.memory_space<vmem_shared>>)
    %add3A_204 = arith.constant 240 : i32
    %add3A_205 = arith.addi %mul3A_3, %add3A_204 : i32
    %dma_wait3A_206 = arith.constant 0 : i32
    %dma_wait3A_207 = arith.constant 0 : i32
    %dma_wait3A_208 = arith.constant 0 : i32
    %dma_wait3A_209 = tpu.memref_slice %arg8[%dma_wait3A_206, %dma_wait3A_207, %dma_wait3A_208] : memref<5x80x32xf32, #tpu.memory_space<vmem>> -> memref<1x80x32xf32, #tpu.memory_space<vmem>>
    %dma_wait3A_210 = tpu.memref_squeeze %dma_wait3A_209 : memref<1x80x32xf32, #tpu.memory_space<vmem>> -> memref<80x32xf32, #tpu.memory_space<vmem>>
    %dma_wait3A_211 = arith.constant 0 : i32
    %dma_wait3A_212 = tpu.memref_slice %arg9[%add3A_205, %dma_wait3A_211] : memref<10240x32xf32, #tpu.memory_space<vmem_shared>> -> memref<80x32xf32, #tpu.memory_space<vmem_shared>>
    %dma_wait3A_213 = arith.constant 0 : i32
    %dma_wait3A_214 = tpu.memref_slice %arg9[%add3A_205, %dma_wait3A_213] : memref<10240x32xf32, #tpu.memory_space<vmem_shared>> -> memref<80x32xf32, #tpu.memory_space<vmem_shared>>
    %dma_wait3A_215 = arith.constant 0 : i32
    %dma_wait3A_216 = arith.constant 0 : i32
    %dma_wait3A_217 = tpu.memref_slice %arg8[%dma_wait3A_206, %dma_wait3A_215, %dma_wait3A_216] : memref<5x80x32xf32, #tpu.memory_space<vmem>> -> memref<1x80x32xf32, #tpu.memory_space<vmem>>
    %dma_wait3A_218 = tpu.memref_squeeze %dma_wait3A_217 : memref<1x80x32xf32, #tpu.memory_space<vmem>> -> memref<80x32xf32, #tpu.memory_space<vmem>>
    tpu.wait_dma2 semaphore(%arg20 : memref<!tpu.dma_semaphore, #tpu.memory_space<semaphore_mem>>) src(%dma_wait3A_218 : memref<80x32xf32, #tpu.memory_space<vmem>>) dst(%dma_wait3A_214 : memref<80x32xf32, #tpu.memory_space<vmem_shared>>)
    %add3A_219 = arith.constant 320 : i32
    %add3A_220 = arith.addi %mul3A_3, %add3A_219 : i32
    %dma_wait3A_221 = arith.constant 0 : i32
    %dma_wait3A_222 = arith.constant 0 : i32
    %dma_wait3A_223 = arith.constant 0 : i32
    %dma_wait3A_224 = tpu.memref_slice %arg8[%dma_wait3A_221, %dma_wait3A_222, %dma_wait3A_223] : memref<5x80x32xf32, #tpu.memory_space<vmem>> -> memref<1x80x32xf32, #tpu.memory_space<vmem>>
    %dma_wait3A_225 = tpu.memref_squeeze %dma_wait3A_224 : memref<1x80x32xf32, #tpu.memory_space<vmem>> -> memref<80x32xf32, #tpu.memory_space<vmem>>
    %dma_wait3A_226 = arith.constant 0 : i32
    %dma_wait3A_227 = tpu.memref_slice %arg9[%add3A_220, %dma_wait3A_226] : memref<10240x32xf32, #tpu.memory_space<vmem_shared>> -> memref<80x32xf32, #tpu.memory_space<vmem_shared>>
    %dma_wait3A_228 = arith.constant 0 : i32
    %dma_wait3A_229 = tpu.memref_slice %arg9[%add3A_220, %dma_wait3A_228] : memref<10240x32xf32, #tpu.memory_space<vmem_shared>> -> memref<80x32xf32, #tpu.memory_space<vmem_shared>>
    %dma_wait3A_230 = arith.constant 0 : i32
    %dma_wait3A_231 = arith.constant 0 : i32
    %dma_wait3A_232 = tpu.memref_slice %arg8[%dma_wait3A_221, %dma_wait3A_230, %dma_wait3A_231] : memref<5x80x32xf32, #tpu.memory_space<vmem>> -> memref<1x80x32xf32, #tpu.memory_space<vmem>>
    %dma_wait3A_233 = tpu.memref_squeeze %dma_wait3A_232 : memref<1x80x32xf32, #tpu.memory_space<vmem>> -> memref<80x32xf32, #tpu.memory_space<vmem>>
    tpu.wait_dma2 semaphore(%arg21 : memref<!tpu.dma_semaphore, #tpu.memory_space<semaphore_mem>>) src(%dma_wait3A_233 : memref<80x32xf32, #tpu.memory_space<vmem>>) dst(%dma_wait3A_229 : memref<80x32xf32, #tpu.memory_space<vmem_shared>>)
    %add3A_234 = arith.constant 400 : i32
    %add3A_235 = arith.addi %mul3A_3, %add3A_234 : i32
    %dma_wait3A_236 = arith.constant 0 : i32
    %dma_wait3A_237 = arith.constant 0 : i32
    %dma_wait3A_238 = arith.constant 0 : i32
    %dma_wait3A_239 = tpu.memref_slice %arg8[%dma_wait3A_236, %dma_wait3A_237, %dma_wait3A_238] : memref<5x80x32xf32, #tpu.memory_space<vmem>> -> memref<1x80x32xf32, #tpu.memory_space<vmem>>
    %dma_wait3A_240 = tpu.memref_squeeze %dma_wait3A_239 : memref<1x80x32xf32, #tpu.memory_space<vmem>> -> memref<80x32xf32, #tpu.memory_space<vmem>>
    %dma_wait3A_241 = arith.constant 0 : i32
    %dma_wait3A_242 = tpu.memref_slice %arg9[%add3A_235, %dma_wait3A_241] : memref<10240x32xf32, #tpu.memory_space<vmem_shared>> -> memref<80x32xf32, #tpu.memory_space<vmem_shared>>
    %dma_wait3A_243 = arith.constant 0 : i32
    %dma_wait3A_244 = tpu.memref_slice %arg9[%add3A_235, %dma_wait3A_243] : memref<10240x32xf32, #tpu.memory_space<vmem_shared>> -> memref<80x32xf32, #tpu.memory_space<vmem_shared>>
    %dma_wait3A_245 = arith.constant 0 : i32
    %dma_wait3A_246 = arith.constant 0 : i32
    %dma_wait3A_247 = tpu.memref_slice %arg8[%dma_wait3A_236, %dma_wait3A_245, %dma_wait3A_246] : memref<5x80x32xf32, #tpu.memory_space<vmem>> -> memref<1x80x32xf32, #tpu.memory_space<vmem>>
    %dma_wait3A_248 = tpu.memref_squeeze %dma_wait3A_247 : memref<1x80x32xf32, #tpu.memory_space<vmem>> -> memref<80x32xf32, #tpu.memory_space<vmem>>
    tpu.wait_dma2 semaphore(%arg22 : memref<!tpu.dma_semaphore, #tpu.memory_space<semaphore_mem>>) src(%dma_wait3A_248 : memref<80x32xf32, #tpu.memory_space<vmem>>) dst(%dma_wait3A_244 : memref<80x32xf32, #tpu.memory_space<vmem_shared>>)
    %add3A_249 = arith.constant 480 : i32
    %add3A_250 = arith.addi %mul3A_3, %add3A_249 : i32
    %dma_wait3A_251 = arith.constant 0 : i32
    %dma_wait3A_252 = arith.constant 0 : i32
    %dma_wait3A_253 = arith.constant 0 : i32
    %dma_wait3A_254 = tpu.memref_slice %arg8[%dma_wait3A_251, %dma_wait3A_252, %dma_wait3A_253] : memref<5x80x32xf32, #tpu.memory_space<vmem>> -> memref<1x80x32xf32, #tpu.memory_space<vmem>>
    %dma_wait3A_255 = tpu.memref_squeeze %dma_wait3A_254 : memref<1x80x32xf32, #tpu.memory_space<vmem>> -> memref<80x32xf32, #tpu.memory_space<vmem>>
    %dma_wait3A_256 = arith.constant 0 : i32
    %dma_wait3A_257 = tpu.memref_slice %arg9[%add3A_250, %dma_wait3A_256] : memref<10240x32xf32, #tpu.memory_space<vmem_shared>> -> memref<80x32xf32, #tpu.memory_space<vmem_shared>>
    %dma_wait3A_258 = arith.constant 0 : i32
    %dma_wait3A_259 = tpu.memref_slice %arg9[%add3A_250, %dma_wait3A_258] : memref<10240x32xf32, #tpu.memory_space<vmem_shared>> -> memref<80x32xf32, #tpu.memory_space<vmem_shared>>
    %dma_wait3A_260 = arith.constant 0 : i32
    %dma_wait3A_261 = arith.constant 0 : i32
    %dma_wait3A_262 = tpu.memref_slice %arg8[%dma_wait3A_251, %dma_wait3A_260, %dma_wait3A_261] : memref<5x80x32xf32, #tpu.memory_space<vmem>> -> memref<1x80x32xf32, #tpu.memory_space<vmem>>
    %dma_wait3A_263 = tpu.memref_squeeze %dma_wait3A_262 : memref<1x80x32xf32, #tpu.memory_space<vmem>> -> memref<80x32xf32, #tpu.memory_space<vmem>>
    tpu.wait_dma2 semaphore(%arg23 : memref<!tpu.dma_semaphore, #tpu.memory_space<semaphore_mem>>) src(%dma_wait3A_263 : memref<80x32xf32, #tpu.memory_space<vmem>>) dst(%dma_wait3A_259 : memref<80x32xf32, #tpu.memory_space<vmem_shared>>)
    %add3A_264 = arith.constant 560 : i32
    %add3A_265 = arith.addi %mul3A_3, %add3A_264 : i32
    %dma_wait3A_266 = arith.constant 0 : i32
    %dma_wait3A_267 = arith.constant 0 : i32
    %dma_wait3A_268 = arith.constant 0 : i32
    %dma_wait3A_269 = tpu.memref_slice %arg8[%dma_wait3A_266, %dma_wait3A_267, %dma_wait3A_268] : memref<5x80x32xf32, #tpu.memory_space<vmem>> -> memref<1x80x32xf32, #tpu.memory_space<vmem>>
    %dma_wait3A_270 = tpu.memref_squeeze %dma_wait3A_269 : memref<1x80x32xf32, #tpu.memory_space<vmem>> -> memref<80x32xf32, #tpu.memory_space<vmem>>
    %dma_wait3A_271 = arith.constant 0 : i32
    %dma_wait3A_272 = tpu.memref_slice %arg9[%add3A_265, %dma_wait3A_271] : memref<10240x32xf32, #tpu.memory_space<vmem_shared>> -> memref<80x32xf32, #tpu.memory_space<vmem_shared>>
    %dma_wait3A_273 = arith.constant 0 : i32
    %dma_wait3A_274 = tpu.memref_slice %arg9[%add3A_265, %dma_wait3A_273] : memref<10240x32xf32, #tpu.memory_space<vmem_shared>> -> memref<80x32xf32, #tpu.memory_space<vmem_shared>>
    %dma_wait3A_275 = arith.constant 0 : i32
    %dma_wait3A_276 = arith.constant 0 : i32
    %dma_wait3A_277 = tpu.memref_slice %arg8[%dma_wait3A_266, %dma_wait3A_275, %dma_wait3A_276] : memref<5x80x32xf32, #tpu.memory_space<vmem>> -> memref<1x80x32xf32, #tpu.memory_space<vmem>>
    %dma_wait3A_278 = tpu.memref_squeeze %dma_wait3A_277 : memref<1x80x32xf32, #tpu.memory_space<vmem>> -> memref<80x32xf32, #tpu.memory_space<vmem>>
    tpu.wait_dma2 semaphore(%arg24 : memref<!tpu.dma_semaphore, #tpu.memory_space<semaphore_mem>>) src(%dma_wait3A_278 : memref<80x32xf32, #tpu.memory_space<vmem>>) dst(%dma_wait3A_274 : memref<80x32xf32, #tpu.memory_space<vmem_shared>>)
    %barrier3A = arith.constant 0 : index
    tpu.barrier barrier_id(%barrier3A)
    %dma_start3A_279 = arith.constant 0 : i32
    %dma_start3A_280 = arith.constant 0 : i32
    %dma_start3A_281 = arith.constant 0 : i32
    %dma_start3A_282 = arith.constant 0 : i32
    %dma_start3A_283 = tpu.memref_slice %arg8[%dma_start3A_280, %dma_start3A_281, %dma_start3A_282] : memref<5x80x32xf32, #tpu.memory_space<vmem>> -> memref<1x80x32xf32, #tpu.memory_space<vmem>>
    %dma_start3A_284 = tpu.memref_squeeze %dma_start3A_283 : memref<1x80x32xf32, #tpu.memory_space<vmem>> -> memref<80x32xf32, #tpu.memory_space<vmem>>
    %dma_start3A_285 = arith.constant 0 : i32
    %dma_start3A_286 = tpu.memref_slice %arg6[%dma_start3A_279, %dma_start3A_285] : memref<125x80xi32, #tpu.memory_space<vmem>> -> memref<1x80xi32, #tpu.memory_space<vmem>>
    %dma_start3A_287 = tpu.memref_squeeze %dma_start3A_286 : memref<1x80xi32, #tpu.memory_space<vmem>> -> memref<80xi32, #tpu.memory_space<vmem>>
    %dma_start3A_288 = arith.constant 0 : i32
    %dma_start3A_289 = arith.constant 0 : i32
    %dma_start3A_290 = tpu.memref_slice %arg2[%dma_start3A_288, %dma_start3A_289] : memref<10240x32xf32, #tpu.memory_space<hbm>> -> memref<10240x32xf32, #tpu.memory_space<hbm>>
    tpu.enqueue_indirect_dma source(%dma_start3A_290 : memref<10240x32xf32, #tpu.memory_space<hbm>>) target(%dma_start3A_284 : memref<80x32xf32, #tpu.memory_space<vmem>>) offsets(%dma_start3A_287 : memref<80xi32, #tpu.memory_space<vmem>>) semaphore(%arg10 : memref<!tpu.dma_semaphore, #tpu.memory_space<semaphore_mem>>)
    %dma_start3A_291 = arith.constant 1 : i32
    %dma_start3A_292 = arith.constant 1 : i32
    %dma_start3A_293 = arith.constant 0 : i32
    %dma_start3A_294 = arith.constant 0 : i32
    %dma_start3A_295 = tpu.memref_slice %arg8[%dma_start3A_292, %dma_start3A_293, %dma_start3A_294] : memref<5x80x32xf32, #tpu.memory_space<vmem>> -> memref<1x80x32xf32, #tpu.memory_space<vmem>>
    %dma_start3A_296 = tpu.memref_squeeze %dma_start3A_295 : memref<1x80x32xf32, #tpu.memory_space<vmem>> -> memref<80x32xf32, #tpu.memory_space<vmem>>
    %dma_start3A_297 = arith.constant 0 : i32
    %dma_start3A_298 = tpu.memref_slice %arg6[%dma_start3A_291, %dma_start3A_297] : memref<125x80xi32, #tpu.memory_space<vmem>> -> memref<1x80xi32, #tpu.memory_space<vmem>>
    %dma_start3A_299 = tpu.memref_squeeze %dma_start3A_298 : memref<1x80xi32, #tpu.memory_space<vmem>> -> memref<80xi32, #tpu.memory_space<vmem>>
    %dma_start3A_300 = arith.constant 0 : i32
    %dma_start3A_301 = arith.constant 0 : i32
    %dma_start3A_302 = tpu.memref_slice %arg2[%dma_start3A_300, %dma_start3A_301] : memref<10240x32xf32, #tpu.memory_space<hbm>> -> memref<10240x32xf32, #tpu.memory_space<hbm>>
    tpu.enqueue_indirect_dma source(%dma_start3A_302 : memref<10240x32xf32, #tpu.memory_space<hbm>>) target(%dma_start3A_296 : memref<80x32xf32, #tpu.memory_space<vmem>>) offsets(%dma_start3A_299 : memref<80xi32, #tpu.memory_space<vmem>>) semaphore(%arg11 : memref<!tpu.dma_semaphore, #tpu.memory_space<semaphore_mem>>)
    %dma_start3A_303 = arith.constant 2 : i32
    %dma_start3A_304 = arith.constant 2 : i32
    %dma_start3A_305 = arith.constant 0 : i32
    %dma_start3A_306 = arith.constant 0 : i32
    %dma_start3A_307 = tpu.memref_slice %arg8[%dma_start3A_304, %dma_start3A_305, %dma_start3A_306] : memref<5x80x32xf32, #tpu.memory_space<vmem>> -> memref<1x80x32xf32, #tpu.memory_space<vmem>>
    %dma_start3A_308 = tpu.memref_squeeze %dma_start3A_307 : memref<1x80x32xf32, #tpu.memory_space<vmem>> -> memref<80x32xf32, #tpu.memory_space<vmem>>
    %dma_start3A_309 = arith.constant 0 : i32
    %dma_start3A_310 = tpu.memref_slice %arg6[%dma_start3A_303, %dma_start3A_309] : memref<125x80xi32, #tpu.memory_space<vmem>> -> memref<1x80xi32, #tpu.memory_space<vmem>>
    %dma_start3A_311 = tpu.memref_squeeze %dma_start3A_310 : memref<1x80xi32, #tpu.memory_space<vmem>> -> memref<80xi32, #tpu.memory_space<vmem>>
    %dma_start3A_312 = arith.constant 0 : i32
    %dma_start3A_313 = arith.constant 0 : i32
    %dma_start3A_314 = tpu.memref_slice %arg2[%dma_start3A_312, %dma_start3A_313] : memref<10240x32xf32, #tpu.memory_space<hbm>> -> memref<10240x32xf32, #tpu.memory_space<hbm>>
    tpu.enqueue_indirect_dma source(%dma_start3A_314 : memref<10240x32xf32, #tpu.memory_space<hbm>>) target(%dma_start3A_308 : memref<80x32xf32, #tpu.memory_space<vmem>>) offsets(%dma_start3A_311 : memref<80xi32, #tpu.memory_space<vmem>>) semaphore(%arg12 : memref<!tpu.dma_semaphore, #tpu.memory_space<semaphore_mem>>)
    %scan3A_315 = arith.constant 0 : i32
    %scan3A_316 = arith.constant 0 : i32
    %scan3A_317 = arith.constant 13 : i32
    %scan3A_318 = arith.addi %scan3A_316, %scan3A_317 : i32
    %scan3A_319 = arith.constant 1 : i32
    scf.for %scan3A_349 = %scan3A_316 to %scan3A_318 step %scan3A_319  : i32 {
      %mul3A_350 = arith.constant 10 : i32
      %mul3A_351 = arith.muli %scan3A_349, %mul3A_350 : i32
      %add3A_352 = arith.constant 0 : i32
      %add3A_353 = arith.addi %mul3A_351, %add3A_352 : i32
      %lt3A = arith.constant 125 : i32
      %lt3A_354 = arith.cmpi slt, %add3A_353, %lt3A : i32
      %convert_element_type3A = arith.extui %lt3A_354 : i1 to i32
      %cond3A = arith.constant 0 : i32
      %cond3A_355 = arith.cmpi ne, %convert_element_type3A, %cond3A : i32
      scf.if %cond3A_355 {
        %ge3A = arith.constant 2 : i32
        %ge3A_437 = arith.cmpi sge, %add3A_353, %ge3A : i32
        %convert_element_type3A_438 = arith.extui %ge3A_437 : i1 to i32
        %cond3A_439 = arith.constant 0 : i32
        %cond3A_440 = arith.cmpi ne, %convert_element_type3A_438, %cond3A_439 : i32
        scf.if %cond3A_440 {
          %dma_wait3A_470 = arith.constant 0 : i32
          %dma_wait3A_471 = arith.constant 0 : i32
          %dma_wait3A_472 = arith.constant 0 : i32
          %dma_wait3A_473 = tpu.memref_slice %arg8[%dma_wait3A_470, %dma_wait3A_471, %dma_wait3A_472] : memref<5x80x32xf32, #tpu.memory_space<vmem>> -> memref<1x80x32xf32, #tpu.memory_space<vmem>>
          %dma_wait3A_474 = tpu.memref_squeeze %dma_wait3A_473 : memref<1x80x32xf32, #tpu.memory_space<vmem>> -> memref<80x32xf32, #tpu.memory_space<vmem>>
          %dma_wait3A_475 = arith.constant 0 : i32
          %dma_wait3A_476 = tpu.memref_slice %arg7[%add3A_353, %dma_wait3A_475] : memref<125x80xi32, #tpu.memory_space<vmem>> -> memref<1x80xi32, #tpu.memory_space<vmem>>
          %dma_wait3A_477 = tpu.memref_squeeze %dma_wait3A_476 : memref<1x80xi32, #tpu.memory_space<vmem>> -> memref<80xi32, #tpu.memory_space<vmem>>
          %dma_wait3A_478 = arith.constant 0 : i32
          %dma_wait3A_479 = arith.constant 0 : i32
          %dma_wait3A_480 = tpu.memref_slice %arg9[%dma_wait3A_478, %dma_wait3A_479] : memref<10240x32xf32, #tpu.memory_space<vmem_shared>> -> memref<10240x32xf32, #tpu.memory_space<vmem_shared>>
          tpu.wait_indirect_dma semaphore(%arg23 : memref<!tpu.dma_semaphore, #tpu.memory_space<semaphore_mem>>) src(%dma_wait3A_474 : memref<80x32xf32, #tpu.memory_space<vmem>>) dst(%dma_wait3A_480 : memref<10240x32xf32, #tpu.memory_space<vmem_shared>>)
        } else {
        }
        %add3A_441 = arith.constant 3 : i32
        %add3A_442 = arith.addi %add3A_353, %add3A_441 : i32
        %lt3A_443 = arith.constant 125 : i32
        %lt3A_444 = arith.cmpi slt, %add3A_442, %lt3A_443 : i32
        %convert_element_type3A_445 = arith.extui %lt3A_444 : i1 to i32
        %cond3A_446 = arith.constant 0 : i32
        %cond3A_447 = arith.cmpi ne, %convert_element_type3A_445, %cond3A_446 : i32
        scf.if %cond3A_447 {
          %add3A_470 = arith.constant 3 : i32
          %add3A_471 = arith.addi %add3A_353, %add3A_470 : i32
          %dma_start3A_472 = arith.constant 3 : i32
          %dma_start3A_473 = arith.constant 0 : i32
          %dma_start3A_474 = arith.constant 0 : i32
          %dma_start3A_475 = tpu.memref_slice %arg8[%dma_start3A_472, %dma_start3A_473, %dma_start3A_474] : memref<5x80x32xf32, #tpu.memory_space<vmem>> -> memref<1x80x32xf32, #tpu.memory_space<vmem>>
          %dma_start3A_476 = tpu.memref_squeeze %dma_start3A_475 : memref<1x80x32xf32, #tpu.memory_space<vmem>> -> memref<80x32xf32, #tpu.memory_space<vmem>>
          %dma_start3A_477 = arith.constant 0 : i32
          %dma_start3A_478 = tpu.memref_slice %arg6[%add3A_471, %dma_start3A_477] : memref<125x80xi32, #tpu.memory_space<vmem>> -> memref<1x80xi32, #tpu.memory_space<vmem>>
          %dma_start3A_479 = tpu.memref_squeeze %dma_start3A_478 : memref<1x80xi32, #tpu.memory_space<vmem>> -> memref<80xi32, #tpu.memory_space<vmem>>
          %dma_start3A_480 = arith.constant 0 : i32
          %dma_start3A_481 = arith.constant 0 : i32
          %dma_start3A_482 = tpu.memref_slice %arg2[%dma_start3A_480, %dma_start3A_481] : memref<10240x32xf32, #tpu.memory_space<hbm>> -> memref<10240x32xf32, #tpu.memory_space<hbm>>
          tpu.enqueue_indirect_dma source(%dma_start3A_482 : memref<10240x32xf32, #tpu.memory_space<hbm>>) target(%dma_start3A_476 : memref<80x32xf32, #tpu.memory_space<vmem>>) offsets(%dma_start3A_479 : memref<80xi32, #tpu.memory_space<vmem>>) semaphore(%arg13 : memref<!tpu.dma_semaphore, #tpu.memory_space<semaphore_mem>>)
        } else {
        }
        %dma_wait3A_448 = arith.constant 0 : i32
        %dma_wait3A_449 = arith.constant 0 : i32
        %dma_wait3A_450 = arith.constant 0 : i32
        %dma_wait3A_451 = tpu.memref_slice %arg8[%dma_wait3A_448, %dma_wait3A_449, %dma_wait3A_450] : memref<5x80x32xf32, #tpu.memory_space<vmem>> -> memref<1x80x32xf32, #tpu.memory_space<vmem>>
        %dma_wait3A_452 = tpu.memref_squeeze %dma_wait3A_451 : memref<1x80x32xf32, #tpu.memory_space<vmem>> -> memref<80x32xf32, #tpu.memory_space<vmem>>
        %dma_wait3A_453 = arith.constant 0 : i32
        %dma_wait3A_454 = tpu.memref_slice %arg6[%add3A_353, %dma_wait3A_453] : memref<125x80xi32, #tpu.memory_space<vmem>> -> memref<1x80xi32, #tpu.memory_space<vmem>>
        %dma_wait3A_455 = tpu.memref_squeeze %dma_wait3A_454 : memref<1x80xi32, #tpu.memory_space<vmem>> -> memref<80xi32, #tpu.memory_space<vmem>>
        %dma_wait3A_456 = arith.constant 0 : i32
        %dma_wait3A_457 = arith.constant 0 : i32
        %dma_wait3A_458 = tpu.memref_slice %arg2[%dma_wait3A_456, %dma_wait3A_457] : memref<10240x32xf32, #tpu.memory_space<hbm>> -> memref<10240x32xf32, #tpu.memory_space<hbm>>
        tpu.wait_indirect_dma semaphore(%arg10 : memref<!tpu.dma_semaphore, #tpu.memory_space<semaphore_mem>>) src(%dma_wait3A_458 : memref<10240x32xf32, #tpu.memory_space<hbm>>) dst(%dma_wait3A_452 : memref<80x32xf32, #tpu.memory_space<vmem>>)
        %dma_start3A_459 = arith.constant 0 : i32
        %dma_start3A_460 = arith.constant 0 : i32
        %dma_start3A_461 = arith.constant 0 : i32
        %dma_start3A_462 = tpu.memref_slice %arg8[%dma_start3A_459, %dma_start3A_460, %dma_start3A_461] : memref<5x80x32xf32, #tpu.memory_space<vmem>> -> memref<1x80x32xf32, #tpu.memory_space<vmem>>
        %dma_start3A_463 = tpu.memref_squeeze %dma_start3A_462 : memref<1x80x32xf32, #tpu.memory_space<vmem>> -> memref<80x32xf32, #tpu.memory_space<vmem>>
        %dma_start3A_464 = arith.constant 0 : i32
        %dma_start3A_465 = tpu.memref_slice %arg7[%add3A_353, %dma_start3A_464] : memref<125x80xi32, #tpu.memory_space<vmem>> -> memref<1x80xi32, #tpu.memory_space<vmem>>
        %dma_start3A_466 = tpu.memref_squeeze %dma_start3A_465 : memref<1x80xi32, #tpu.memory_space<vmem>> -> memref<80xi32, #tpu.memory_space<vmem>>
        %dma_start3A_467 = arith.constant 0 : i32
        %dma_start3A_468 = arith.constant 0 : i32
        %dma_start3A_469 = tpu.memref_slice %arg9[%dma_start3A_467, %dma_start3A_468] : memref<10240x32xf32, #tpu.memory_space<vmem_shared>> -> memref<10240x32xf32, #tpu.memory_space<vmem_shared>>
        tpu.enqueue_indirect_dma source(%dma_start3A_463 : memref<80x32xf32, #tpu.memory_space<vmem>>) target(%dma_start3A_469 : memref<10240x32xf32, #tpu.memory_space<vmem_shared>>) offsets(%dma_start3A_466 : memref<80xi32, #tpu.memory_space<vmem>>) semaphore(%arg23 : memref<!tpu.dma_semaphore, #tpu.memory_space<semaphore_mem>>) {add = true}
      } else {
      }
      %mul3A_356 = arith.constant 10 : i32
      %mul3A_357 = arith.muli %scan3A_349, %mul3A_356 : i32
      %add3A_358 = arith.constant 1 : i32
      %add3A_359 = arith.addi %mul3A_357, %add3A_358 : i32
      %lt3A_360 = arith.constant 125 : i32
      %lt3A_361 = arith.cmpi slt, %add3A_359, %lt3A_360 : i32
      %convert_element_type3A_362 = arith.extui %lt3A_361 : i1 to i32
      %cond3A_363 = arith.constant 0 : i32
      %cond3A_364 = arith.cmpi ne, %convert_element_type3A_362, %cond3A_363 : i32
      scf.if %cond3A_364 {
        %ge3A = arith.constant 2 : i32
        %ge3A_437 = arith.cmpi sge, %add3A_359, %ge3A : i32
        %convert_element_type3A_438 = arith.extui %ge3A_437 : i1 to i32
        %cond3A_439 = arith.constant 0 : i32
        %cond3A_440 = arith.cmpi ne, %convert_element_type3A_438, %cond3A_439 : i32
        scf.if %cond3A_440 {
          %dma_wait3A_470 = arith.constant 1 : i32
          %dma_wait3A_471 = arith.constant 0 : i32
          %dma_wait3A_472 = arith.constant 0 : i32
          %dma_wait3A_473 = tpu.memref_slice %arg8[%dma_wait3A_470, %dma_wait3A_471, %dma_wait3A_472] : memref<5x80x32xf32, #tpu.memory_space<vmem>> -> memref<1x80x32xf32, #tpu.memory_space<vmem>>
          %dma_wait3A_474 = tpu.memref_squeeze %dma_wait3A_473 : memref<1x80x32xf32, #tpu.memory_space<vmem>> -> memref<80x32xf32, #tpu.memory_space<vmem>>
          %dma_wait3A_475 = arith.constant 0 : i32
          %dma_wait3A_476 = tpu.memref_slice %arg7[%add3A_359, %dma_wait3A_475] : memref<125x80xi32, #tpu.memory_space<vmem>> -> memref<1x80xi32, #tpu.memory_space<vmem>>
          %dma_wait3A_477 = tpu.memref_squeeze %dma_wait3A_476 : memref<1x80xi32, #tpu.memory_space<vmem>> -> memref<80xi32, #tpu.memory_space<vmem>>
          %dma_wait3A_478 = arith.constant 0 : i32
          %dma_wait3A_479 = arith.constant 0 : i32
          %dma_wait3A_480 = tpu.memref_slice %arg9[%dma_wait3A_478, %dma_wait3A_479] : memref<10240x32xf32, #tpu.memory_space<vmem_shared>> -> memref<10240x32xf32, #tpu.memory_space<vmem_shared>>
          tpu.wait_indirect_dma semaphore(%arg24 : memref<!tpu.dma_semaphore, #tpu.memory_space<semaphore_mem>>) src(%dma_wait3A_474 : memref<80x32xf32, #tpu.memory_space<vmem>>) dst(%dma_wait3A_480 : memref<10240x32xf32, #tpu.memory_space<vmem_shared>>)
        } else {
        }
        %add3A_441 = arith.constant 3 : i32
        %add3A_442 = arith.addi %add3A_359, %add3A_441 : i32
        %lt3A_443 = arith.constant 125 : i32
        %lt3A_444 = arith.cmpi slt, %add3A_442, %lt3A_443 : i32
        %convert_element_type3A_445 = arith.extui %lt3A_444 : i1 to i32
        %cond3A_446 = arith.constant 0 : i32
        %cond3A_447 = arith.cmpi ne, %convert_element_type3A_445, %cond3A_446 : i32
        scf.if %cond3A_447 {
          %add3A_470 = arith.constant 3 : i32
          %add3A_471 = arith.addi %add3A_359, %add3A_470 : i32
          %dma_start3A_472 = arith.constant 4 : i32
          %dma_start3A_473 = arith.constant 0 : i32
          %dma_start3A_474 = arith.constant 0 : i32
          %dma_start3A_475 = tpu.memref_slice %arg8[%dma_start3A_472, %dma_start3A_473, %dma_start3A_474] : memref<5x80x32xf32, #tpu.memory_space<vmem>> -> memref<1x80x32xf32, #tpu.memory_space<vmem>>
          %dma_start3A_476 = tpu.memref_squeeze %dma_start3A_475 : memref<1x80x32xf32, #tpu.memory_space<vmem>> -> memref<80x32xf32, #tpu.memory_space<vmem>>
          %dma_start3A_477 = arith.constant 0 : i32
          %dma_start3A_478 = tpu.memref_slice %arg6[%add3A_471, %dma_start3A_477] : memref<125x80xi32, #tpu.memory_space<vmem>> -> memref<1x80xi32, #tpu.memory_space<vmem>>
          %dma_start3A_479 = tpu.memref_squeeze %dma_start3A_478 : memref<1x80xi32, #tpu.memory_space<vmem>> -> memref<80xi32, #tpu.memory_space<vmem>>
          %dma_start3A_480 = arith.constant 0 : i32
          %dma_start3A_481 = arith.constant 0 : i32
          %dma_start3A_482 = tpu.memref_slice %arg2[%dma_start3A_480, %dma_start3A_481] : memref<10240x32xf32, #tpu.memory_space<hbm>> -> memref<10240x32xf32, #tpu.memory_space<hbm>>
          tpu.enqueue_indirect_dma source(%dma_start3A_482 : memref<10240x32xf32, #tpu.memory_space<hbm>>) target(%dma_start3A_476 : memref<80x32xf32, #tpu.memory_space<vmem>>) offsets(%dma_start3A_479 : memref<80xi32, #tpu.memory_space<vmem>>) semaphore(%arg14 : memref<!tpu.dma_semaphore, #tpu.memory_space<semaphore_mem>>)
        } else {
        }
        %dma_wait3A_448 = arith.constant 1 : i32
        %dma_wait3A_449 = arith.constant 0 : i32
        %dma_wait3A_450 = arith.constant 0 : i32
        %dma_wait3A_451 = tpu.memref_slice %arg8[%dma_wait3A_448, %dma_wait3A_449, %dma_wait3A_450] : memref<5x80x32xf32, #tpu.memory_space<vmem>> -> memref<1x80x32xf32, #tpu.memory_space<vmem>>
        %dma_wait3A_452 = tpu.memref_squeeze %dma_wait3A_451 : memref<1x80x32xf32, #tpu.memory_space<vmem>> -> memref<80x32xf32, #tpu.memory_space<vmem>>
        %dma_wait3A_453 = arith.constant 0 : i32
        %dma_wait3A_454 = tpu.memref_slice %arg6[%add3A_359, %dma_wait3A_453] : memref<125x80xi32, #tpu.memory_space<vmem>> -> memref<1x80xi32, #tpu.memory_space<vmem>>
        %dma_wait3A_455 = tpu.memref_squeeze %dma_wait3A_454 : memref<1x80xi32, #tpu.memory_space<vmem>> -> memref<80xi32, #tpu.memory_space<vmem>>
        %dma_wait3A_456 = arith.constant 0 : i32
        %dma_wait3A_457 = arith.constant 0 : i32
        %dma_wait3A_458 = tpu.memref_slice %arg2[%dma_wait3A_456, %dma_wait3A_457] : memref<10240x32xf32, #tpu.memory_space<hbm>> -> memref<10240x32xf32, #tpu.memory_space<hbm>>
        tpu.wait_indirect_dma semaphore(%arg11 : memref<!tpu.dma_semaphore, #tpu.memory_space<semaphore_mem>>) src(%dma_wait3A_458 : memref<10240x32xf32, #tpu.memory_space<hbm>>) dst(%dma_wait3A_452 : memref<80x32xf32, #tpu.memory_space<vmem>>)
        %dma_start3A_459 = arith.constant 1 : i32
        %dma_start3A_460 = arith.constant 0 : i32
        %dma_start3A_461 = arith.constant 0 : i32
        %dma_start3A_462 = tpu.memref_slice %arg8[%dma_start3A_459, %dma_start3A_460, %dma_start3A_461] : memref<5x80x32xf32, #tpu.memory_space<vmem>> -> memref<1x80x32xf32, #tpu.memory_space<vmem>>
        %dma_start3A_463 = tpu.memref_squeeze %dma_start3A_462 : memref<1x80x32xf32, #tpu.memory_space<vmem>> -> memref<80x32xf32, #tpu.memory_space<vmem>>
        %dma_start3A_464 = arith.constant 0 : i32
        %dma_start3A_465 = tpu.memref_slice %arg7[%add3A_359, %dma_start3A_464] : memref<125x80xi32, #tpu.memory_space<vmem>> -> memref<1x80xi32, #tpu.memory_space<vmem>>
        %dma_start3A_466 = tpu.memref_squeeze %dma_start3A_465 : memref<1x80xi32, #tpu.memory_space<vmem>> -> memref<80xi32, #tpu.memory_space<vmem>>
        %dma_start3A_467 = arith.constant 0 : i32
        %dma_start3A_468 = arith.constant 0 : i32
        %dma_start3A_469 = tpu.memref_slice %arg9[%dma_start3A_467, %dma_start3A_468] : memref<10240x32xf32, #tpu.memory_space<vmem_shared>> -> memref<10240x32xf32, #tpu.memory_space<vmem_shared>>
        tpu.enqueue_indirect_dma source(%dma_start3A_463 : memref<80x32xf32, #tpu.memory_space<vmem>>) target(%dma_start3A_469 : memref<10240x32xf32, #tpu.memory_space<vmem_shared>>) offsets(%dma_start3A_466 : memref<80xi32, #tpu.memory_space<vmem>>) semaphore(%arg24 : memref<!tpu.dma_semaphore, #tpu.memory_space<semaphore_mem>>) {add = true}
      } else {
      }
      %mul3A_365 = arith.constant 10 : i32
      %mul3A_366 = arith.muli %scan3A_349, %mul3A_365 : i32
      %add3A_367 = arith.constant 2 : i32
      %add3A_368 = arith.addi %mul3A_366, %add3A_367 : i32
      %lt3A_369 = arith.constant 125 : i32
      %lt3A_370 = arith.cmpi slt, %add3A_368, %lt3A_369 : i32
      %convert_element_type3A_371 = arith.extui %lt3A_370 : i1 to i32
      %cond3A_372 = arith.constant 0 : i32
      %cond3A_373 = arith.cmpi ne, %convert_element_type3A_371, %cond3A_372 : i32
      scf.if %cond3A_373 {
        %ge3A = arith.constant 2 : i32
        %ge3A_437 = arith.cmpi sge, %add3A_368, %ge3A : i32
        %convert_element_type3A_438 = arith.extui %ge3A_437 : i1 to i32
        %cond3A_439 = arith.constant 0 : i32
        %cond3A_440 = arith.cmpi ne, %convert_element_type3A_438, %cond3A_439 : i32
        scf.if %cond3A_440 {
          %dma_wait3A_470 = arith.constant 2 : i32
          %dma_wait3A_471 = arith.constant 0 : i32
          %dma_wait3A_472 = arith.constant 0 : i32
          %dma_wait3A_473 = tpu.memref_slice %arg8[%dma_wait3A_470, %dma_wait3A_471, %dma_wait3A_472] : memref<5x80x32xf32, #tpu.memory_space<vmem>> -> memref<1x80x32xf32, #tpu.memory_space<vmem>>
          %dma_wait3A_474 = tpu.memref_squeeze %dma_wait3A_473 : memref<1x80x32xf32, #tpu.memory_space<vmem>> -> memref<80x32xf32, #tpu.memory_space<vmem>>
          %dma_wait3A_475 = arith.constant 0 : i32
          %dma_wait3A_476 = tpu.memref_slice %arg7[%add3A_368, %dma_wait3A_475] : memref<125x80xi32, #tpu.memory_space<vmem>> -> memref<1x80xi32, #tpu.memory_space<vmem>>
          %dma_wait3A_477 = tpu.memref_squeeze %dma_wait3A_476 : memref<1x80xi32, #tpu.memory_space<vmem>> -> memref<80xi32, #tpu.memory_space<vmem>>
          %dma_wait3A_478 = arith.constant 0 : i32
          %dma_wait3A_479 = arith.constant 0 : i32
          %dma_wait3A_480 = tpu.memref_slice %arg9[%dma_wait3A_478, %dma_wait3A_479] : memref<10240x32xf32, #tpu.memory_space<vmem_shared>> -> memref<10240x32xf32, #tpu.memory_space<vmem_shared>>
          tpu.wait_indirect_dma semaphore(%arg23 : memref<!tpu.dma_semaphore, #tpu.memory_space<semaphore_mem>>) src(%dma_wait3A_474 : memref<80x32xf32, #tpu.memory_space<vmem>>) dst(%dma_wait3A_480 : memref<10240x32xf32, #tpu.memory_space<vmem_shared>>)
        } else {
        }
        %add3A_441 = arith.constant 3 : i32
        %add3A_442 = arith.addi %add3A_368, %add3A_441 : i32
        %lt3A_443 = arith.constant 125 : i32
        %lt3A_444 = arith.cmpi slt, %add3A_442, %lt3A_443 : i32
        %convert_element_type3A_445 = arith.extui %lt3A_444 : i1 to i32
        %cond3A_446 = arith.constant 0 : i32
        %cond3A_447 = arith.cmpi ne, %convert_element_type3A_445, %cond3A_446 : i32
        scf.if %cond3A_447 {
          %add3A_470 = arith.constant 3 : i32
          %add3A_471 = arith.addi %add3A_368, %add3A_470 : i32
          %dma_start3A_472 = arith.constant 0 : i32
          %dma_start3A_473 = arith.constant 0 : i32
          %dma_start3A_474 = arith.constant 0 : i32
          %dma_start3A_475 = tpu.memref_slice %arg8[%dma_start3A_472, %dma_start3A_473, %dma_start3A_474] : memref<5x80x32xf32, #tpu.memory_space<vmem>> -> memref<1x80x32xf32, #tpu.memory_space<vmem>>
          %dma_start3A_476 = tpu.memref_squeeze %dma_start3A_475 : memref<1x80x32xf32, #tpu.memory_space<vmem>> -> memref<80x32xf32, #tpu.memory_space<vmem>>
          %dma_start3A_477 = arith.constant 0 : i32
          %dma_start3A_478 = tpu.memref_slice %arg6[%add3A_471, %dma_start3A_477] : memref<125x80xi32, #tpu.memory_space<vmem>> -> memref<1x80xi32, #tpu.memory_space<vmem>>
          %dma_start3A_479 = tpu.memref_squeeze %dma_start3A_478 : memref<1x80xi32, #tpu.memory_space<vmem>> -> memref<80xi32, #tpu.memory_space<vmem>>
          %dma_start3A_480 = arith.constant 0 : i32
          %dma_start3A_481 = arith.constant 0 : i32
          %dma_start3A_482 = tpu.memref_slice %arg2[%dma_start3A_480, %dma_start3A_481] : memref<10240x32xf32, #tpu.memory_space<hbm>> -> memref<10240x32xf32, #tpu.memory_space<hbm>>
          tpu.enqueue_indirect_dma source(%dma_start3A_482 : memref<10240x32xf32, #tpu.memory_space<hbm>>) target(%dma_start3A_476 : memref<80x32xf32, #tpu.memory_space<vmem>>) offsets(%dma_start3A_479 : memref<80xi32, #tpu.memory_space<vmem>>) semaphore(%arg10 : memref<!tpu.dma_semaphore, #tpu.memory_space<semaphore_mem>>)
        } else {
        }
        %dma_wait3A_448 = arith.constant 2 : i32
        %dma_wait3A_449 = arith.constant 0 : i32
        %dma_wait3A_450 = arith.constant 0 : i32
        %dma_wait3A_451 = tpu.memref_slice %arg8[%dma_wait3A_448, %dma_wait3A_449, %dma_wait3A_450] : memref<5x80x32xf32, #tpu.memory_space<vmem>> -> memref<1x80x32xf32, #tpu.memory_space<vmem>>
        %dma_wait3A_452 = tpu.memref_squeeze %dma_wait3A_451 : memref<1x80x32xf32, #tpu.memory_space<vmem>> -> memref<80x32xf32, #tpu.memory_space<vmem>>
        %dma_wait3A_453 = arith.constant 0 : i32
        %dma_wait3A_454 = tpu.memref_slice %arg6[%add3A_368, %dma_wait3A_453] : memref<125x80xi32, #tpu.memory_space<vmem>> -> memref<1x80xi32, #tpu.memory_space<vmem>>
        %dma_wait3A_455 = tpu.memref_squeeze %dma_wait3A_454 : memref<1x80xi32, #tpu.memory_space<vmem>> -> memref<80xi32, #tpu.memory_space<vmem>>
        %dma_wait3A_456 = arith.constant 0 : i32
        %dma_wait3A_457 = arith.constant 0 : i32
        %dma_wait3A_458 = tpu.memref_slice %arg2[%dma_wait3A_456, %dma_wait3A_457] : memref<10240x32xf32, #tpu.memory_space<hbm>> -> memref<10240x32xf32, #tpu.memory_space<hbm>>
        tpu.wait_indirect_dma semaphore(%arg12 : memref<!tpu.dma_semaphore, #tpu.memory_space<semaphore_mem>>) src(%dma_wait3A_458 : memref<10240x32xf32, #tpu.memory_space<hbm>>) dst(%dma_wait3A_452 : memref<80x32xf32, #tpu.memory_space<vmem>>)
        %dma_start3A_459 = arith.constant 2 : i32
        %dma_start3A_460 = arith.constant 0 : i32
        %dma_start3A_461 = arith.constant 0 : i32
        %dma_start3A_462 = tpu.memref_slice %arg8[%dma_start3A_459, %dma_start3A_460, %dma_start3A_461] : memref<5x80x32xf32, #tpu.memory_space<vmem>> -> memref<1x80x32xf32, #tpu.memory_space<vmem>>
        %dma_start3A_463 = tpu.memref_squeeze %dma_start3A_462 : memref<1x80x32xf32, #tpu.memory_space<vmem>> -> memref<80x32xf32, #tpu.memory_space<vmem>>
        %dma_start3A_464 = arith.constant 0 : i32
        %dma_start3A_465 = tpu.memref_slice %arg7[%add3A_368, %dma_start3A_464] : memref<125x80xi32, #tpu.memory_space<vmem>> -> memref<1x80xi32, #tpu.memory_space<vmem>>
        %dma_start3A_466 = tpu.memref_squeeze %dma_start3A_465 : memref<1x80xi32, #tpu.memory_space<vmem>> -> memref<80xi32, #tpu.memory_space<vmem>>
        %dma_start3A_467 = arith.constant 0 : i32
        %dma_start3A_468 = arith.constant 0 : i32
        %dma_start3A_469 = tpu.memref_slice %arg9[%dma_start3A_467, %dma_start3A_468] : memref<10240x32xf32, #tpu.memory_space<vmem_shared>> -> memref<10240x32xf32, #tpu.memory_space<vmem_shared>>
        tpu.enqueue_indirect_dma source(%dma_start3A_463 : memref<80x32xf32, #tpu.memory_space<vmem>>) target(%dma_start3A_469 : memref<10240x32xf32, #tpu.memory_space<vmem_shared>>) offsets(%dma_start3A_466 : memref<80xi32, #tpu.memory_space<vmem>>) semaphore(%arg23 : memref<!tpu.dma_semaphore, #tpu.memory_space<semaphore_mem>>) {add = true}
      } else {
      }
      %mul3A_374 = arith.constant 10 : i32
      %mul3A_375 = arith.muli %scan3A_349, %mul3A_374 : i32
      %add3A_376 = arith.constant 3 : i32
      %add3A_377 = arith.addi %mul3A_375, %add3A_376 : i32
      %lt3A_378 = arith.constant 125 : i32
      %lt3A_379 = arith.cmpi slt, %add3A_377, %lt3A_378 : i32
      %convert_element_type3A_380 = arith.extui %lt3A_379 : i1 to i32
      %cond3A_381 = arith.constant 0 : i32
      %cond3A_382 = arith.cmpi ne, %convert_element_type3A_380, %cond3A_381 : i32
      scf.if %cond3A_382 {
        %ge3A = arith.constant 2 : i32
        %ge3A_437 = arith.cmpi sge, %add3A_377, %ge3A : i32
        %convert_element_type3A_438 = arith.extui %ge3A_437 : i1 to i32
        %cond3A_439 = arith.constant 0 : i32
        %cond3A_440 = arith.cmpi ne, %convert_element_type3A_438, %cond3A_439 : i32
        scf.if %cond3A_440 {
          %dma_wait3A_470 = arith.constant 3 : i32
          %dma_wait3A_471 = arith.constant 0 : i32
          %dma_wait3A_472 = arith.constant 0 : i32
          %dma_wait3A_473 = tpu.memref_slice %arg8[%dma_wait3A_470, %dma_wait3A_471, %dma_wait3A_472] : memref<5x80x32xf32, #tpu.memory_space<vmem>> -> memref<1x80x32xf32, #tpu.memory_space<vmem>>
          %dma_wait3A_474 = tpu.memref_squeeze %dma_wait3A_473 : memref<1x80x32xf32, #tpu.memory_space<vmem>> -> memref<80x32xf32, #tpu.memory_space<vmem>>
          %dma_wait3A_475 = arith.constant 0 : i32
          %dma_wait3A_476 = tpu.memref_slice %arg7[%add3A_377, %dma_wait3A_475] : memref<125x80xi32, #tpu.memory_space<vmem>> -> memref<1x80xi32, #tpu.memory_space<vmem>>
          %dma_wait3A_477 = tpu.memref_squeeze %dma_wait3A_476 : memref<1x80xi32, #tpu.memory_space<vmem>> -> memref<80xi32, #tpu.memory_space<vmem>>
          %dma_wait3A_478 = arith.constant 0 : i32
          %dma_wait3A_479 = arith.constant 0 : i32
          %dma_wait3A_480 = tpu.memref_slice %arg9[%dma_wait3A_478, %dma_wait3A_479] : memref<10240x32xf32, #tpu.memory_space<vmem_shared>> -> memref<10240x32xf32, #tpu.memory_space<vmem_shared>>
          tpu.wait_indirect_dma semaphore(%arg24 : memref<!tpu.dma_semaphore, #tpu.memory_space<semaphore_mem>>) src(%dma_wait3A_474 : memref<80x32xf32, #tpu.memory_space<vmem>>) dst(%dma_wait3A_480 : memref<10240x32xf32, #tpu.memory_space<vmem_shared>>)
        } else {
        }
        %add3A_441 = arith.constant 3 : i32
        %add3A_442 = arith.addi %add3A_377, %add3A_441 : i32
        %lt3A_443 = arith.constant 125 : i32
        %lt3A_444 = arith.cmpi slt, %add3A_442, %lt3A_443 : i32
        %convert_element_type3A_445 = arith.extui %lt3A_444 : i1 to i32
        %cond3A_446 = arith.constant 0 : i32
        %cond3A_447 = arith.cmpi ne, %convert_element_type3A_445, %cond3A_446 : i32
        scf.if %cond3A_447 {
          %add3A_470 = arith.constant 3 : i32
          %add3A_471 = arith.addi %add3A_377, %add3A_470 : i32
          %dma_start3A_472 = arith.constant 1 : i32
          %dma_start3A_473 = arith.constant 0 : i32
          %dma_start3A_474 = arith.constant 0 : i32
          %dma_start3A_475 = tpu.memref_slice %arg8[%dma_start3A_472, %dma_start3A_473, %dma_start3A_474] : memref<5x80x32xf32, #tpu.memory_space<vmem>> -> memref<1x80x32xf32, #tpu.memory_space<vmem>>
          %dma_start3A_476 = tpu.memref_squeeze %dma_start3A_475 : memref<1x80x32xf32, #tpu.memory_space<vmem>> -> memref<80x32xf32, #tpu.memory_space<vmem>>
          %dma_start3A_477 = arith.constant 0 : i32
          %dma_start3A_478 = tpu.memref_slice %arg6[%add3A_471, %dma_start3A_477] : memref<125x80xi32, #tpu.memory_space<vmem>> -> memref<1x80xi32, #tpu.memory_space<vmem>>
          %dma_start3A_479 = tpu.memref_squeeze %dma_start3A_478 : memref<1x80xi32, #tpu.memory_space<vmem>> -> memref<80xi32, #tpu.memory_space<vmem>>
          %dma_start3A_480 = arith.constant 0 : i32
          %dma_start3A_481 = arith.constant 0 : i32
          %dma_start3A_482 = tpu.memref_slice %arg2[%dma_start3A_480, %dma_start3A_481] : memref<10240x32xf32, #tpu.memory_space<hbm>> -> memref<10240x32xf32, #tpu.memory_space<hbm>>
          tpu.enqueue_indirect_dma source(%dma_start3A_482 : memref<10240x32xf32, #tpu.memory_space<hbm>>) target(%dma_start3A_476 : memref<80x32xf32, #tpu.memory_space<vmem>>) offsets(%dma_start3A_479 : memref<80xi32, #tpu.memory_space<vmem>>) semaphore(%arg11 : memref<!tpu.dma_semaphore, #tpu.memory_space<semaphore_mem>>)
        } else {
        }
        %dma_wait3A_448 = arith.constant 3 : i32
        %dma_wait3A_449 = arith.constant 0 : i32
        %dma_wait3A_450 = arith.constant 0 : i32
        %dma_wait3A_451 = tpu.memref_slice %arg8[%dma_wait3A_448, %dma_wait3A_449, %dma_wait3A_450] : memref<5x80x32xf32, #tpu.memory_space<vmem>> -> memref<1x80x32xf32, #tpu.memory_space<vmem>>
        %dma_wait3A_452 = tpu.memref_squeeze %dma_wait3A_451 : memref<1x80x32xf32, #tpu.memory_space<vmem>> -> memref<80x32xf32, #tpu.memory_space<vmem>>
        %dma_wait3A_453 = arith.constant 0 : i32
        %dma_wait3A_454 = tpu.memref_slice %arg6[%add3A_377, %dma_wait3A_453] : memref<125x80xi32, #tpu.memory_space<vmem>> -> memref<1x80xi32, #tpu.memory_space<vmem>>
        %dma_wait3A_455 = tpu.memref_squeeze %dma_wait3A_454 : memref<1x80xi32, #tpu.memory_space<vmem>> -> memref<80xi32, #tpu.memory_space<vmem>>
        %dma_wait3A_456 = arith.constant 0 : i32
        %dma_wait3A_457 = arith.constant 0 : i32
        %dma_wait3A_458 = tpu.memref_slice %arg2[%dma_wait3A_456, %dma_wait3A_457] : memref<10240x32xf32, #tpu.memory_space<hbm>> -> memref<10240x32xf32, #tpu.memory_space<hbm>>
        tpu.wait_indirect_dma semaphore(%arg13 : memref<!tpu.dma_semaphore, #tpu.memory_space<semaphore_mem>>) src(%dma_wait3A_458 : memref<10240x32xf32, #tpu.memory_space<hbm>>) dst(%dma_wait3A_452 : memref<80x32xf32, #tpu.memory_space<vmem>>)
        %dma_start3A_459 = arith.constant 3 : i32
        %dma_start3A_460 = arith.constant 0 : i32
        %dma_start3A_461 = arith.constant 0 : i32
        %dma_start3A_462 = tpu.memref_slice %arg8[%dma_start3A_459, %dma_start3A_460, %dma_start3A_461] : memref<5x80x32xf32, #tpu.memory_space<vmem>> -> memref<1x80x32xf32, #tpu.memory_space<vmem>>
        %dma_start3A_463 = tpu.memref_squeeze %dma_start3A_462 : memref<1x80x32xf32, #tpu.memory_space<vmem>> -> memref<80x32xf32, #tpu.memory_space<vmem>>
        %dma_start3A_464 = arith.constant 0 : i32
        %dma_start3A_465 = tpu.memref_slice %arg7[%add3A_377, %dma_start3A_464] : memref<125x80xi32, #tpu.memory_space<vmem>> -> memref<1x80xi32, #tpu.memory_space<vmem>>
        %dma_start3A_466 = tpu.memref_squeeze %dma_start3A_465 : memref<1x80xi32, #tpu.memory_space<vmem>> -> memref<80xi32, #tpu.memory_space<vmem>>
        %dma_start3A_467 = arith.constant 0 : i32
        %dma_start3A_468 = arith.constant 0 : i32
        %dma_start3A_469 = tpu.memref_slice %arg9[%dma_start3A_467, %dma_start3A_468] : memref<10240x32xf32, #tpu.memory_space<vmem_shared>> -> memref<10240x32xf32, #tpu.memory_space<vmem_shared>>
        tpu.enqueue_indirect_dma source(%dma_start3A_463 : memref<80x32xf32, #tpu.memory_space<vmem>>) target(%dma_start3A_469 : memref<10240x32xf32, #tpu.memory_space<vmem_shared>>) offsets(%dma_start3A_466 : memref<80xi32, #tpu.memory_space<vmem>>) semaphore(%arg24 : memref<!tpu.dma_semaphore, #tpu.memory_space<semaphore_mem>>) {add = true}
      } else {
      }
      %mul3A_383 = arith.constant 10 : i32
      %mul3A_384 = arith.muli %scan3A_349, %mul3A_383 : i32
      %add3A_385 = arith.constant 4 : i32
      %add3A_386 = arith.addi %mul3A_384, %add3A_385 : i32
      %lt3A_387 = arith.constant 125 : i32
      %lt3A_388 = arith.cmpi slt, %add3A_386, %lt3A_387 : i32
      %convert_element_type3A_389 = arith.extui %lt3A_388 : i1 to i32
      %cond3A_390 = arith.constant 0 : i32
      %cond3A_391 = arith.cmpi ne, %convert_element_type3A_389, %cond3A_390 : i32
      scf.if %cond3A_391 {
        %ge3A = arith.constant 2 : i32
        %ge3A_437 = arith.cmpi sge, %add3A_386, %ge3A : i32
        %convert_element_type3A_438 = arith.extui %ge3A_437 : i1 to i32
        %cond3A_439 = arith.constant 0 : i32
        %cond3A_440 = arith.cmpi ne, %convert_element_type3A_438, %cond3A_439 : i32
        scf.if %cond3A_440 {
          %dma_wait3A_470 = arith.constant 4 : i32
          %dma_wait3A_471 = arith.constant 0 : i32
          %dma_wait3A_472 = arith.constant 0 : i32
          %dma_wait3A_473 = tpu.memref_slice %arg8[%dma_wait3A_470, %dma_wait3A_471, %dma_wait3A_472] : memref<5x80x32xf32, #tpu.memory_space<vmem>> -> memref<1x80x32xf32, #tpu.memory_space<vmem>>
          %dma_wait3A_474 = tpu.memref_squeeze %dma_wait3A_473 : memref<1x80x32xf32, #tpu.memory_space<vmem>> -> memref<80x32xf32, #tpu.memory_space<vmem>>
          %dma_wait3A_475 = arith.constant 0 : i32
          %dma_wait3A_476 = tpu.memref_slice %arg7[%add3A_386, %dma_wait3A_475] : memref<125x80xi32, #tpu.memory_space<vmem>> -> memref<1x80xi32, #tpu.memory_space<vmem>>
          %dma_wait3A_477 = tpu.memref_squeeze %dma_wait3A_476 : memref<1x80xi32, #tpu.memory_space<vmem>> -> memref<80xi32, #tpu.memory_space<vmem>>
          %dma_wait3A_478 = arith.constant 0 : i32
          %dma_wait3A_479 = arith.constant 0 : i32
          %dma_wait3A_480 = tpu.memref_slice %arg9[%dma_wait3A_478, %dma_wait3A_479] : memref<10240x32xf32, #tpu.memory_space<vmem_shared>> -> memref<10240x32xf32, #tpu.memory_space<vmem_shared>>
          tpu.wait_indirect_dma semaphore(%arg23 : memref<!tpu.dma_semaphore, #tpu.memory_space<semaphore_mem>>) src(%dma_wait3A_474 : memref<80x32xf32, #tpu.memory_space<vmem>>) dst(%dma_wait3A_480 : memref<10240x32xf32, #tpu.memory_space<vmem_shared>>)
        } else {
        }
        %add3A_441 = arith.constant 3 : i32
        %add3A_442 = arith.addi %add3A_386, %add3A_441 : i32
        %lt3A_443 = arith.constant 125 : i32
        %lt3A_444 = arith.cmpi slt, %add3A_442, %lt3A_443 : i32
        %convert_element_type3A_445 = arith.extui %lt3A_444 : i1 to i32
        %cond3A_446 = arith.constant 0 : i32
        %cond3A_447 = arith.cmpi ne, %convert_element_type3A_445, %cond3A_446 : i32
        scf.if %cond3A_447 {
          %add3A_470 = arith.constant 3 : i32
          %add3A_471 = arith.addi %add3A_386, %add3A_470 : i32
          %dma_start3A_472 = arith.constant 2 : i32
          %dma_start3A_473 = arith.constant 0 : i32
          %dma_start3A_474 = arith.constant 0 : i32
          %dma_start3A_475 = tpu.memref_slice %arg8[%dma_start3A_472, %dma_start3A_473, %dma_start3A_474] : memref<5x80x32xf32, #tpu.memory_space<vmem>> -> memref<1x80x32xf32, #tpu.memory_space<vmem>>
          %dma_start3A_476 = tpu.memref_squeeze %dma_start3A_475 : memref<1x80x32xf32, #tpu.memory_space<vmem>> -> memref<80x32xf32, #tpu.memory_space<vmem>>
          %dma_start3A_477 = arith.constant 0 : i32
          %dma_start3A_478 = tpu.memref_slice %arg6[%add3A_471, %dma_start3A_477] : memref<125x80xi32, #tpu.memory_space<vmem>> -> memref<1x80xi32, #tpu.memory_space<vmem>>
          %dma_start3A_479 = tpu.memref_squeeze %dma_start3A_478 : memref<1x80xi32, #tpu.memory_space<vmem>> -> memref<80xi32, #tpu.memory_space<vmem>>
          %dma_start3A_480 = arith.constant 0 : i32
          %dma_start3A_481 = arith.constant 0 : i32
          %dma_start3A_482 = tpu.memref_slice %arg2[%dma_start3A_480, %dma_start3A_481] : memref<10240x32xf32, #tpu.memory_space<hbm>> -> memref<10240x32xf32, #tpu.memory_space<hbm>>
          tpu.enqueue_indirect_dma source(%dma_start3A_482 : memref<10240x32xf32, #tpu.memory_space<hbm>>) target(%dma_start3A_476 : memref<80x32xf32, #tpu.memory_space<vmem>>) offsets(%dma_start3A_479 : memref<80xi32, #tpu.memory_space<vmem>>) semaphore(%arg12 : memref<!tpu.dma_semaphore, #tpu.memory_space<semaphore_mem>>)
        } else {
        }
        %dma_wait3A_448 = arith.constant 4 : i32
        %dma_wait3A_449 = arith.constant 0 : i32
        %dma_wait3A_450 = arith.constant 0 : i32
        %dma_wait3A_451 = tpu.memref_slice %arg8[%dma_wait3A_448, %dma_wait3A_449, %dma_wait3A_450] : memref<5x80x32xf32, #tpu.memory_space<vmem>> -> memref<1x80x32xf32, #tpu.memory_space<vmem>>
        %dma_wait3A_452 = tpu.memref_squeeze %dma_wait3A_451 : memref<1x80x32xf32, #tpu.memory_space<vmem>> -> memref<80x32xf32, #tpu.memory_space<vmem>>
        %dma_wait3A_453 = arith.constant 0 : i32
        %dma_wait3A_454 = tpu.memref_slice %arg6[%add3A_386, %dma_wait3A_453] : memref<125x80xi32, #tpu.memory_space<vmem>> -> memref<1x80xi32, #tpu.memory_space<vmem>>
        %dma_wait3A_455 = tpu.memref_squeeze %dma_wait3A_454 : memref<1x80xi32, #tpu.memory_space<vmem>> -> memref<80xi32, #tpu.memory_space<vmem>>
        %dma_wait3A_456 = arith.constant 0 : i32
        %dma_wait3A_457 = arith.constant 0 : i32
        %dma_wait3A_458 = tpu.memref_slice %arg2[%dma_wait3A_456, %dma_wait3A_457] : memref<10240x32xf32, #tpu.memory_space<hbm>> -> memref<10240x32xf32, #tpu.memory_space<hbm>>
        tpu.wait_indirect_dma semaphore(%arg14 : memref<!tpu.dma_semaphore, #tpu.memory_space<semaphore_mem>>) src(%dma_wait3A_458 : memref<10240x32xf32, #tpu.memory_space<hbm>>) dst(%dma_wait3A_452 : memref<80x32xf32, #tpu.memory_space<vmem>>)
        %dma_start3A_459 = arith.constant 4 : i32
        %dma_start3A_460 = arith.constant 0 : i32
        %dma_start3A_461 = arith.constant 0 : i32
        %dma_start3A_462 = tpu.memref_slice %arg8[%dma_start3A_459, %dma_start3A_460, %dma_start3A_461] : memref<5x80x32xf32, #tpu.memory_space<vmem>> -> memref<1x80x32xf32, #tpu.memory_space<vmem>>
        %dma_start3A_463 = tpu.memref_squeeze %dma_start3A_462 : memref<1x80x32xf32, #tpu.memory_space<vmem>> -> memref<80x32xf32, #tpu.memory_space<vmem>>
        %dma_start3A_464 = arith.constant 0 : i32
        %dma_start3A_465 = tpu.memref_slice %arg7[%add3A_386, %dma_start3A_464] : memref<125x80xi32, #tpu.memory_space<vmem>> -> memref<1x80xi32, #tpu.memory_space<vmem>>
        %dma_start3A_466 = tpu.memref_squeeze %dma_start3A_465 : memref<1x80xi32, #tpu.memory_space<vmem>> -> memref<80xi32, #tpu.memory_space<vmem>>
        %dma_start3A_467 = arith.constant 0 : i32
        %dma_start3A_468 = arith.constant 0 : i32
        %dma_start3A_469 = tpu.memref_slice %arg9[%dma_start3A_467, %dma_start3A_468] : memref<10240x32xf32, #tpu.memory_space<vmem_shared>> -> memref<10240x32xf32, #tpu.memory_space<vmem_shared>>
        tpu.enqueue_indirect_dma source(%dma_start3A_463 : memref<80x32xf32, #tpu.memory_space<vmem>>) target(%dma_start3A_469 : memref<10240x32xf32, #tpu.memory_space<vmem_shared>>) offsets(%dma_start3A_466 : memref<80xi32, #tpu.memory_space<vmem>>) semaphore(%arg23 : memref<!tpu.dma_semaphore, #tpu.memory_space<semaphore_mem>>) {add = true}
      } else {
      }
      %mul3A_392 = arith.constant 10 : i32
      %mul3A_393 = arith.muli %scan3A_349, %mul3A_392 : i32
      %add3A_394 = arith.constant 5 : i32
      %add3A_395 = arith.addi %mul3A_393, %add3A_394 : i32
      %lt3A_396 = arith.constant 125 : i32
      %lt3A_397 = arith.cmpi slt, %add3A_395, %lt3A_396 : i32
      %convert_element_type3A_398 = arith.extui %lt3A_397 : i1 to i32
      %cond3A_399 = arith.constant 0 : i32
      %cond3A_400 = arith.cmpi ne, %convert_element_type3A_398, %cond3A_399 : i32
      scf.if %cond3A_400 {
        %ge3A = arith.constant 2 : i32
        %ge3A_437 = arith.cmpi sge, %add3A_395, %ge3A : i32
        %convert_element_type3A_438 = arith.extui %ge3A_437 : i1 to i32
        %cond3A_439 = arith.constant 0 : i32
        %cond3A_440 = arith.cmpi ne, %convert_element_type3A_438, %cond3A_439 : i32
        scf.if %cond3A_440 {
          %dma_wait3A_470 = arith.constant 0 : i32
          %dma_wait3A_471 = arith.constant 0 : i32
          %dma_wait3A_472 = arith.constant 0 : i32
          %dma_wait3A_473 = tpu.memref_slice %arg8[%dma_wait3A_470, %dma_wait3A_471, %dma_wait3A_472] : memref<5x80x32xf32, #tpu.memory_space<vmem>> -> memref<1x80x32xf32, #tpu.memory_space<vmem>>
          %dma_wait3A_474 = tpu.memref_squeeze %dma_wait3A_473 : memref<1x80x32xf32, #tpu.memory_space<vmem>> -> memref<80x32xf32, #tpu.memory_space<vmem>>
          %dma_wait3A_475 = arith.constant 0 : i32
          %dma_wait3A_476 = tpu.memref_slice %arg7[%add3A_395, %dma_wait3A_475] : memref<125x80xi32, #tpu.memory_space<vmem>> -> memref<1x80xi32, #tpu.memory_space<vmem>>
          %dma_wait3A_477 = tpu.memref_squeeze %dma_wait3A_476 : memref<1x80xi32, #tpu.memory_space<vmem>> -> memref<80xi32, #tpu.memory_space<vmem>>
          %dma_wait3A_478 = arith.constant 0 : i32
          %dma_wait3A_479 = arith.constant 0 : i32
          %dma_wait3A_480 = tpu.memref_slice %arg9[%dma_wait3A_478, %dma_wait3A_479] : memref<10240x32xf32, #tpu.memory_space<vmem_shared>> -> memref<10240x32xf32, #tpu.memory_space<vmem_shared>>
          tpu.wait_indirect_dma semaphore(%arg24 : memref<!tpu.dma_semaphore, #tpu.memory_space<semaphore_mem>>) src(%dma_wait3A_474 : memref<80x32xf32, #tpu.memory_space<vmem>>) dst(%dma_wait3A_480 : memref<10240x32xf32, #tpu.memory_space<vmem_shared>>)
        } else {
        }
        %add3A_441 = arith.constant 3 : i32
        %add3A_442 = arith.addi %add3A_395, %add3A_441 : i32
        %lt3A_443 = arith.constant 125 : i32
        %lt3A_444 = arith.cmpi slt, %add3A_442, %lt3A_443 : i32
        %convert_element_type3A_445 = arith.extui %lt3A_444 : i1 to i32
        %cond3A_446 = arith.constant 0 : i32
        %cond3A_447 = arith.cmpi ne, %convert_element_type3A_445, %cond3A_446 : i32
        scf.if %cond3A_447 {
          %add3A_470 = arith.constant 3 : i32
          %add3A_471 = arith.addi %add3A_395, %add3A_470 : i32
          %dma_start3A_472 = arith.constant 3 : i32
          %dma_start3A_473 = arith.constant 0 : i32
          %dma_start3A_474 = arith.constant 0 : i32
          %dma_start3A_475 = tpu.memref_slice %arg8[%dma_start3A_472, %dma_start3A_473, %dma_start3A_474] : memref<5x80x32xf32, #tpu.memory_space<vmem>> -> memref<1x80x32xf32, #tpu.memory_space<vmem>>
          %dma_start3A_476 = tpu.memref_squeeze %dma_start3A_475 : memref<1x80x32xf32, #tpu.memory_space<vmem>> -> memref<80x32xf32, #tpu.memory_space<vmem>>
          %dma_start3A_477 = arith.constant 0 : i32
          %dma_start3A_478 = tpu.memref_slice %arg6[%add3A_471, %dma_start3A_477] : memref<125x80xi32, #tpu.memory_space<vmem>> -> memref<1x80xi32, #tpu.memory_space<vmem>>
          %dma_start3A_479 = tpu.memref_squeeze %dma_start3A_478 : memref<1x80xi32, #tpu.memory_space<vmem>> -> memref<80xi32, #tpu.memory_space<vmem>>
          %dma_start3A_480 = arith.constant 0 : i32
          %dma_start3A_481 = arith.constant 0 : i32
          %dma_start3A_482 = tpu.memref_slice %arg2[%dma_start3A_480, %dma_start3A_481] : memref<10240x32xf32, #tpu.memory_space<hbm>> -> memref<10240x32xf32, #tpu.memory_space<hbm>>
          tpu.enqueue_indirect_dma source(%dma_start3A_482 : memref<10240x32xf32, #tpu.memory_space<hbm>>) target(%dma_start3A_476 : memref<80x32xf32, #tpu.memory_space<vmem>>) offsets(%dma_start3A_479 : memref<80xi32, #tpu.memory_space<vmem>>) semaphore(%arg13 : memref<!tpu.dma_semaphore, #tpu.memory_space<semaphore_mem>>)
        } else {
        }
        %dma_wait3A_448 = arith.constant 0 : i32
        %dma_wait3A_449 = arith.constant 0 : i32
        %dma_wait3A_450 = arith.constant 0 : i32
        %dma_wait3A_451 = tpu.memref_slice %arg8[%dma_wait3A_448, %dma_wait3A_449, %dma_wait3A_450] : memref<5x80x32xf32, #tpu.memory_space<vmem>> -> memref<1x80x32xf32, #tpu.memory_space<vmem>>
        %dma_wait3A_452 = tpu.memref_squeeze %dma_wait3A_451 : memref<1x80x32xf32, #tpu.memory_space<vmem>> -> memref<80x32xf32, #tpu.memory_space<vmem>>
        %dma_wait3A_453 = arith.constant 0 : i32
        %dma_wait3A_454 = tpu.memref_slice %arg6[%add3A_395, %dma_wait3A_453] : memref<125x80xi32, #tpu.memory_space<vmem>> -> memref<1x80xi32, #tpu.memory_space<vmem>>
        %dma_wait3A_455 = tpu.memref_squeeze %dma_wait3A_454 : memref<1x80xi32, #tpu.memory_space<vmem>> -> memref<80xi32, #tpu.memory_space<vmem>>
        %dma_wait3A_456 = arith.constant 0 : i32
        %dma_wait3A_457 = arith.constant 0 : i32
        %dma_wait3A_458 = tpu.memref_slice %arg2[%dma_wait3A_456, %dma_wait3A_457] : memref<10240x32xf32, #tpu.memory_space<hbm>> -> memref<10240x32xf32, #tpu.memory_space<hbm>>
        tpu.wait_indirect_dma semaphore(%arg10 : memref<!tpu.dma_semaphore, #tpu.memory_space<semaphore_mem>>) src(%dma_wait3A_458 : memref<10240x32xf32, #tpu.memory_space<hbm>>) dst(%dma_wait3A_452 : memref<80x32xf32, #tpu.memory_space<vmem>>)
        %dma_start3A_459 = arith.constant 0 : i32
        %dma_start3A_460 = arith.constant 0 : i32
        %dma_start3A_461 = arith.constant 0 : i32
        %dma_start3A_462 = tpu.memref_slice %arg8[%dma_start3A_459, %dma_start3A_460, %dma_start3A_461] : memref<5x80x32xf32, #tpu.memory_space<vmem>> -> memref<1x80x32xf32, #tpu.memory_space<vmem>>
        %dma_start3A_463 = tpu.memref_squeeze %dma_start3A_462 : memref<1x80x32xf32, #tpu.memory_space<vmem>> -> memref<80x32xf32, #tpu.memory_space<vmem>>
        %dma_start3A_464 = arith.constant 0 : i32
        %dma_start3A_465 = tpu.memref_slice %arg7[%add3A_395, %dma_start3A_464] : memref<125x80xi32, #tpu.memory_space<vmem>> -> memref<1x80xi32, #tpu.memory_space<vmem>>
        %dma_start3A_466 = tpu.memref_squeeze %dma_start3A_465 : memref<1x80xi32, #tpu.memory_space<vmem>> -> memref<80xi32, #tpu.memory_space<vmem>>
        %dma_start3A_467 = arith.constant 0 : i32
        %dma_start3A_468 = arith.constant 0 : i32
        %dma_start3A_469 = tpu.memref_slice %arg9[%dma_start3A_467, %dma_start3A_468] : memref<10240x32xf32, #tpu.memory_space<vmem_shared>> -> memref<10240x32xf32, #tpu.memory_space<vmem_shared>>
        tpu.enqueue_indirect_dma source(%dma_start3A_463 : memref<80x32xf32, #tpu.memory_space<vmem>>) target(%dma_start3A_469 : memref<10240x32xf32, #tpu.memory_space<vmem_shared>>) offsets(%dma_start3A_466 : memref<80xi32, #tpu.memory_space<vmem>>) semaphore(%arg24 : memref<!tpu.dma_semaphore, #tpu.memory_space<semaphore_mem>>) {add = true}
      } else {
      }
      %mul3A_401 = arith.constant 10 : i32
      %mul3A_402 = arith.muli %scan3A_349, %mul3A_401 : i32
      %add3A_403 = arith.constant 6 : i32
      %add3A_404 = arith.addi %mul3A_402, %add3A_403 : i32
      %lt3A_405 = arith.constant 125 : i32
      %lt3A_406 = arith.cmpi slt, %add3A_404, %lt3A_405 : i32
      %convert_element_type3A_407 = arith.extui %lt3A_406 : i1 to i32
      %cond3A_408 = arith.constant 0 : i32
      %cond3A_409 = arith.cmpi ne, %convert_element_type3A_407, %cond3A_408 : i32
      scf.if %cond3A_409 {
        %ge3A = arith.constant 2 : i32
        %ge3A_437 = arith.cmpi sge, %add3A_404, %ge3A : i32
        %convert_element_type3A_438 = arith.extui %ge3A_437 : i1 to i32
        %cond3A_439 = arith.constant 0 : i32
        %cond3A_440 = arith.cmpi ne, %convert_element_type3A_438, %cond3A_439 : i32
        scf.if %cond3A_440 {
          %dma_wait3A_470 = arith.constant 1 : i32
          %dma_wait3A_471 = arith.constant 0 : i32
          %dma_wait3A_472 = arith.constant 0 : i32
          %dma_wait3A_473 = tpu.memref_slice %arg8[%dma_wait3A_470, %dma_wait3A_471, %dma_wait3A_472] : memref<5x80x32xf32, #tpu.memory_space<vmem>> -> memref<1x80x32xf32, #tpu.memory_space<vmem>>
          %dma_wait3A_474 = tpu.memref_squeeze %dma_wait3A_473 : memref<1x80x32xf32, #tpu.memory_space<vmem>> -> memref<80x32xf32, #tpu.memory_space<vmem>>
          %dma_wait3A_475 = arith.constant 0 : i32
          %dma_wait3A_476 = tpu.memref_slice %arg7[%add3A_404, %dma_wait3A_475] : memref<125x80xi32, #tpu.memory_space<vmem>> -> memref<1x80xi32, #tpu.memory_space<vmem>>
          %dma_wait3A_477 = tpu.memref_squeeze %dma_wait3A_476 : memref<1x80xi32, #tpu.memory_space<vmem>> -> memref<80xi32, #tpu.memory_space<vmem>>
          %dma_wait3A_478 = arith.constant 0 : i32
          %dma_wait3A_479 = arith.constant 0 : i32
          %dma_wait3A_480 = tpu.memref_slice %arg9[%dma_wait3A_478, %dma_wait3A_479] : memref<10240x32xf32, #tpu.memory_space<vmem_shared>> -> memref<10240x32xf32, #tpu.memory_space<vmem_shared>>
          tpu.wait_indirect_dma semaphore(%arg23 : memref<!tpu.dma_semaphore, #tpu.memory_space<semaphore_mem>>) src(%dma_wait3A_474 : memref<80x32xf32, #tpu.memory_space<vmem>>) dst(%dma_wait3A_480 : memref<10240x32xf32, #tpu.memory_space<vmem_shared>>)
        } else {
        }
        %add3A_441 = arith.constant 3 : i32
        %add3A_442 = arith.addi %add3A_404, %add3A_441 : i32
        %lt3A_443 = arith.constant 125 : i32
        %lt3A_444 = arith.cmpi slt, %add3A_442, %lt3A_443 : i32
        %convert_element_type3A_445 = arith.extui %lt3A_444 : i1 to i32
        %cond3A_446 = arith.constant 0 : i32
        %cond3A_447 = arith.cmpi ne, %convert_element_type3A_445, %cond3A_446 : i32
        scf.if %cond3A_447 {
          %add3A_470 = arith.constant 3 : i32
          %add3A_471 = arith.addi %add3A_404, %add3A_470 : i32
          %dma_start3A_472 = arith.constant 4 : i32
          %dma_start3A_473 = arith.constant 0 : i32
          %dma_start3A_474 = arith.constant 0 : i32
          %dma_start3A_475 = tpu.memref_slice %arg8[%dma_start3A_472, %dma_start3A_473, %dma_start3A_474] : memref<5x80x32xf32, #tpu.memory_space<vmem>> -> memref<1x80x32xf32, #tpu.memory_space<vmem>>
          %dma_start3A_476 = tpu.memref_squeeze %dma_start3A_475 : memref<1x80x32xf32, #tpu.memory_space<vmem>> -> memref<80x32xf32, #tpu.memory_space<vmem>>
          %dma_start3A_477 = arith.constant 0 : i32
          %dma_start3A_478 = tpu.memref_slice %arg6[%add3A_471, %dma_start3A_477] : memref<125x80xi32, #tpu.memory_space<vmem>> -> memref<1x80xi32, #tpu.memory_space<vmem>>
          %dma_start3A_479 = tpu.memref_squeeze %dma_start3A_478 : memref<1x80xi32, #tpu.memory_space<vmem>> -> memref<80xi32, #tpu.memory_space<vmem>>
          %dma_start3A_480 = arith.constant 0 : i32
          %dma_start3A_481 = arith.constant 0 : i32
          %dma_start3A_482 = tpu.memref_slice %arg2[%dma_start3A_480, %dma_start3A_481] : memref<10240x32xf32, #tpu.memory_space<hbm>> -> memref<10240x32xf32, #tpu.memory_space<hbm>>
          tpu.enqueue_indirect_dma source(%dma_start3A_482 : memref<10240x32xf32, #tpu.memory_space<hbm>>) target(%dma_start3A_476 : memref<80x32xf32, #tpu.memory_space<vmem>>) offsets(%dma_start3A_479 : memref<80xi32, #tpu.memory_space<vmem>>) semaphore(%arg14 : memref<!tpu.dma_semaphore, #tpu.memory_space<semaphore_mem>>)
        } else {
        }
        %dma_wait3A_448 = arith.constant 1 : i32
        %dma_wait3A_449 = arith.constant 0 : i32
        %dma_wait3A_450 = arith.constant 0 : i32
        %dma_wait3A_451 = tpu.memref_slice %arg8[%dma_wait3A_448, %dma_wait3A_449, %dma_wait3A_450] : memref<5x80x32xf32, #tpu.memory_space<vmem>> -> memref<1x80x32xf32, #tpu.memory_space<vmem>>
        %dma_wait3A_452 = tpu.memref_squeeze %dma_wait3A_451 : memref<1x80x32xf32, #tpu.memory_space<vmem>> -> memref<80x32xf32, #tpu.memory_space<vmem>>
        %dma_wait3A_453 = arith.constant 0 : i32
        %dma_wait3A_454 = tpu.memref_slice %arg6[%add3A_404, %dma_wait3A_453] : memref<125x80xi32, #tpu.memory_space<vmem>> -> memref<1x80xi32, #tpu.memory_space<vmem>>
        %dma_wait3A_455 = tpu.memref_squeeze %dma_wait3A_454 : memref<1x80xi32, #tpu.memory_space<vmem>> -> memref<80xi32, #tpu.memory_space<vmem>>
        %dma_wait3A_456 = arith.constant 0 : i32
        %dma_wait3A_457 = arith.constant 0 : i32
        %dma_wait3A_458 = tpu.memref_slice %arg2[%dma_wait3A_456, %dma_wait3A_457] : memref<10240x32xf32, #tpu.memory_space<hbm>> -> memref<10240x32xf32, #tpu.memory_space<hbm>>
        tpu.wait_indirect_dma semaphore(%arg11 : memref<!tpu.dma_semaphore, #tpu.memory_space<semaphore_mem>>) src(%dma_wait3A_458 : memref<10240x32xf32, #tpu.memory_space<hbm>>) dst(%dma_wait3A_452 : memref<80x32xf32, #tpu.memory_space<vmem>>)
        %dma_start3A_459 = arith.constant 1 : i32
        %dma_start3A_460 = arith.constant 0 : i32
        %dma_start3A_461 = arith.constant 0 : i32
        %dma_start3A_462 = tpu.memref_slice %arg8[%dma_start3A_459, %dma_start3A_460, %dma_start3A_461] : memref<5x80x32xf32, #tpu.memory_space<vmem>> -> memref<1x80x32xf32, #tpu.memory_space<vmem>>
        %dma_start3A_463 = tpu.memref_squeeze %dma_start3A_462 : memref<1x80x32xf32, #tpu.memory_space<vmem>> -> memref<80x32xf32, #tpu.memory_space<vmem>>
        %dma_start3A_464 = arith.constant 0 : i32
        %dma_start3A_465 = tpu.memref_slice %arg7[%add3A_404, %dma_start3A_464] : memref<125x80xi32, #tpu.memory_space<vmem>> -> memref<1x80xi32, #tpu.memory_space<vmem>>
        %dma_start3A_466 = tpu.memref_squeeze %dma_start3A_465 : memref<1x80xi32, #tpu.memory_space<vmem>> -> memref<80xi32, #tpu.memory_space<vmem>>
        %dma_start3A_467 = arith.constant 0 : i32
        %dma_start3A_468 = arith.constant 0 : i32
        %dma_start3A_469 = tpu.memref_slice %arg9[%dma_start3A_467, %dma_start3A_468] : memref<10240x32xf32, #tpu.memory_space<vmem_shared>> -> memref<10240x32xf32, #tpu.memory_space<vmem_shared>>
        tpu.enqueue_indirect_dma source(%dma_start3A_463 : memref<80x32xf32, #tpu.memory_space<vmem>>) target(%dma_start3A_469 : memref<10240x32xf32, #tpu.memory_space<vmem_shared>>) offsets(%dma_start3A_466 : memref<80xi32, #tpu.memory_space<vmem>>) semaphore(%arg23 : memref<!tpu.dma_semaphore, #tpu.memory_space<semaphore_mem>>) {add = true}
      } else {
      }
      %mul3A_410 = arith.constant 10 : i32
      %mul3A_411 = arith.muli %scan3A_349, %mul3A_410 : i32
      %add3A_412 = arith.constant 7 : i32
      %add3A_413 = arith.addi %mul3A_411, %add3A_412 : i32
      %lt3A_414 = arith.constant 125 : i32
      %lt3A_415 = arith.cmpi slt, %add3A_413, %lt3A_414 : i32
      %convert_element_type3A_416 = arith.extui %lt3A_415 : i1 to i32
      %cond3A_417 = arith.constant 0 : i32
      %cond3A_418 = arith.cmpi ne, %convert_element_type3A_416, %cond3A_417 : i32
      scf.if %cond3A_418 {
        %ge3A = arith.constant 2 : i32
        %ge3A_437 = arith.cmpi sge, %add3A_413, %ge3A : i32
        %convert_element_type3A_438 = arith.extui %ge3A_437 : i1 to i32
        %cond3A_439 = arith.constant 0 : i32
        %cond3A_440 = arith.cmpi ne, %convert_element_type3A_438, %cond3A_439 : i32
        scf.if %cond3A_440 {
          %dma_wait3A_470 = arith.constant 2 : i32
          %dma_wait3A_471 = arith.constant 0 : i32
          %dma_wait3A_472 = arith.constant 0 : i32
          %dma_wait3A_473 = tpu.memref_slice %arg8[%dma_wait3A_470, %dma_wait3A_471, %dma_wait3A_472] : memref<5x80x32xf32, #tpu.memory_space<vmem>> -> memref<1x80x32xf32, #tpu.memory_space<vmem>>
          %dma_wait3A_474 = tpu.memref_squeeze %dma_wait3A_473 : memref<1x80x32xf32, #tpu.memory_space<vmem>> -> memref<80x32xf32, #tpu.memory_space<vmem>>
          %dma_wait3A_475 = arith.constant 0 : i32
          %dma_wait3A_476 = tpu.memref_slice %arg7[%add3A_413, %dma_wait3A_475] : memref<125x80xi32, #tpu.memory_space<vmem>> -> memref<1x80xi32, #tpu.memory_space<vmem>>
          %dma_wait3A_477 = tpu.memref_squeeze %dma_wait3A_476 : memref<1x80xi32, #tpu.memory_space<vmem>> -> memref<80xi32, #tpu.memory_space<vmem>>
          %dma_wait3A_478 = arith.constant 0 : i32
          %dma_wait3A_479 = arith.constant 0 : i32
          %dma_wait3A_480 = tpu.memref_slice %arg9[%dma_wait3A_478, %dma_wait3A_479] : memref<10240x32xf32, #tpu.memory_space<vmem_shared>> -> memref<10240x32xf32, #tpu.memory_space<vmem_shared>>
          tpu.wait_indirect_dma semaphore(%arg24 : memref<!tpu.dma_semaphore, #tpu.memory_space<semaphore_mem>>) src(%dma_wait3A_474 : memref<80x32xf32, #tpu.memory_space<vmem>>) dst(%dma_wait3A_480 : memref<10240x32xf32, #tpu.memory_space<vmem_shared>>)
        } else {
        }
        %add3A_441 = arith.constant 3 : i32
        %add3A_442 = arith.addi %add3A_413, %add3A_441 : i32
        %lt3A_443 = arith.constant 125 : i32
        %lt3A_444 = arith.cmpi slt, %add3A_442, %lt3A_443 : i32
        %convert_element_type3A_445 = arith.extui %lt3A_444 : i1 to i32
        %cond3A_446 = arith.constant 0 : i32
        %cond3A_447 = arith.cmpi ne, %convert_element_type3A_445, %cond3A_446 : i32
        scf.if %cond3A_447 {
          %add3A_470 = arith.constant 3 : i32
          %add3A_471 = arith.addi %add3A_413, %add3A_470 : i32
          %dma_start3A_472 = arith.constant 0 : i32
          %dma_start3A_473 = arith.constant 0 : i32
          %dma_start3A_474 = arith.constant 0 : i32
          %dma_start3A_475 = tpu.memref_slice %arg8[%dma_start3A_472, %dma_start3A_473, %dma_start3A_474] : memref<5x80x32xf32, #tpu.memory_space<vmem>> -> memref<1x80x32xf32, #tpu.memory_space<vmem>>
          %dma_start3A_476 = tpu.memref_squeeze %dma_start3A_475 : memref<1x80x32xf32, #tpu.memory_space<vmem>> -> memref<80x32xf32, #tpu.memory_space<vmem>>
          %dma_start3A_477 = arith.constant 0 : i32
          %dma_start3A_478 = tpu.memref_slice %arg6[%add3A_471, %dma_start3A_477] : memref<125x80xi32, #tpu.memory_space<vmem>> -> memref<1x80xi32, #tpu.memory_space<vmem>>
          %dma_start3A_479 = tpu.memref_squeeze %dma_start3A_478 : memref<1x80xi32, #tpu.memory_space<vmem>> -> memref<80xi32, #tpu.memory_space<vmem>>
          %dma_start3A_480 = arith.constant 0 : i32
          %dma_start3A_481 = arith.constant 0 : i32
          %dma_start3A_482 = tpu.memref_slice %arg2[%dma_start3A_480, %dma_start3A_481] : memref<10240x32xf32, #tpu.memory_space<hbm>> -> memref<10240x32xf32, #tpu.memory_space<hbm>>
          tpu.enqueue_indirect_dma source(%dma_start3A_482 : memref<10240x32xf32, #tpu.memory_space<hbm>>) target(%dma_start3A_476 : memref<80x32xf32, #tpu.memory_space<vmem>>) offsets(%dma_start3A_479 : memref<80xi32, #tpu.memory_space<vmem>>) semaphore(%arg10 : memref<!tpu.dma_semaphore, #tpu.memory_space<semaphore_mem>>)
        } else {
        }
        %dma_wait3A_448 = arith.constant 2 : i32
        %dma_wait3A_449 = arith.constant 0 : i32
        %dma_wait3A_450 = arith.constant 0 : i32
        %dma_wait3A_451 = tpu.memref_slice %arg8[%dma_wait3A_448, %dma_wait3A_449, %dma_wait3A_450] : memref<5x80x32xf32, #tpu.memory_space<vmem>> -> memref<1x80x32xf32, #tpu.memory_space<vmem>>
        %dma_wait3A_452 = tpu.memref_squeeze %dma_wait3A_451 : memref<1x80x32xf32, #tpu.memory_space<vmem>> -> memref<80x32xf32, #tpu.memory_space<vmem>>
        %dma_wait3A_453 = arith.constant 0 : i32
        %dma_wait3A_454 = tpu.memref_slice %arg6[%add3A_413, %dma_wait3A_453] : memref<125x80xi32, #tpu.memory_space<vmem>> -> memref<1x80xi32, #tpu.memory_space<vmem>>
        %dma_wait3A_455 = tpu.memref_squeeze %dma_wait3A_454 : memref<1x80xi32, #tpu.memory_space<vmem>> -> memref<80xi32, #tpu.memory_space<vmem>>
        %dma_wait3A_456 = arith.constant 0 : i32
        %dma_wait3A_457 = arith.constant 0 : i32
        %dma_wait3A_458 = tpu.memref_slice %arg2[%dma_wait3A_456, %dma_wait3A_457] : memref<10240x32xf32, #tpu.memory_space<hbm>> -> memref<10240x32xf32, #tpu.memory_space<hbm>>
        tpu.wait_indirect_dma semaphore(%arg12 : memref<!tpu.dma_semaphore, #tpu.memory_space<semaphore_mem>>) src(%dma_wait3A_458 : memref<10240x32xf32, #tpu.memory_space<hbm>>) dst(%dma_wait3A_452 : memref<80x32xf32, #tpu.memory_space<vmem>>)
        %dma_start3A_459 = arith.constant 2 : i32
        %dma_start3A_460 = arith.constant 0 : i32
        %dma_start3A_461 = arith.constant 0 : i32
        %dma_start3A_462 = tpu.memref_slice %arg8[%dma_start3A_459, %dma_start3A_460, %dma_start3A_461] : memref<5x80x32xf32, #tpu.memory_space<vmem>> -> memref<1x80x32xf32, #tpu.memory_space<vmem>>
        %dma_start3A_463 = tpu.memref_squeeze %dma_start3A_462 : memref<1x80x32xf32, #tpu.memory_space<vmem>> -> memref<80x32xf32, #tpu.memory_space<vmem>>
        %dma_start3A_464 = arith.constant 0 : i32
        %dma_start3A_465 = tpu.memref_slice %arg7[%add3A_413, %dma_start3A_464] : memref<125x80xi32, #tpu.memory_space<vmem>> -> memref<1x80xi32, #tpu.memory_space<vmem>>
        %dma_start3A_466 = tpu.memref_squeeze %dma_start3A_465 : memref<1x80xi32, #tpu.memory_space<vmem>> -> memref<80xi32, #tpu.memory_space<vmem>>
        %dma_start3A_467 = arith.constant 0 : i32
        %dma_start3A_468 = arith.constant 0 : i32
        %dma_start3A_469 = tpu.memref_slice %arg9[%dma_start3A_467, %dma_start3A_468] : memref<10240x32xf32, #tpu.memory_space<vmem_shared>> -> memref<10240x32xf32, #tpu.memory_space<vmem_shared>>
        tpu.enqueue_indirect_dma source(%dma_start3A_463 : memref<80x32xf32, #tpu.memory_space<vmem>>) target(%dma_start3A_469 : memref<10240x32xf32, #tpu.memory_space<vmem_shared>>) offsets(%dma_start3A_466 : memref<80xi32, #tpu.memory_space<vmem>>) semaphore(%arg24 : memref<!tpu.dma_semaphore, #tpu.memory_space<semaphore_mem>>) {add = true}
      } else {
      }
      %mul3A_419 = arith.constant 10 : i32
      %mul3A_420 = arith.muli %scan3A_349, %mul3A_419 : i32
      %add3A_421 = arith.constant 8 : i32
      %add3A_422 = arith.addi %mul3A_420, %add3A_421 : i32
      %lt3A_423 = arith.constant 125 : i32
      %lt3A_424 = arith.cmpi slt, %add3A_422, %lt3A_423 : i32
      %convert_element_type3A_425 = arith.extui %lt3A_424 : i1 to i32
      %cond3A_426 = arith.constant 0 : i32
      %cond3A_427 = arith.cmpi ne, %convert_element_type3A_425, %cond3A_426 : i32
      scf.if %cond3A_427 {
        %ge3A = arith.constant 2 : i32
        %ge3A_437 = arith.cmpi sge, %add3A_422, %ge3A : i32
        %convert_element_type3A_438 = arith.extui %ge3A_437 : i1 to i32
        %cond3A_439 = arith.constant 0 : i32
        %cond3A_440 = arith.cmpi ne, %convert_element_type3A_438, %cond3A_439 : i32
        scf.if %cond3A_440 {
          %dma_wait3A_470 = arith.constant 3 : i32
          %dma_wait3A_471 = arith.constant 0 : i32
          %dma_wait3A_472 = arith.constant 0 : i32
          %dma_wait3A_473 = tpu.memref_slice %arg8[%dma_wait3A_470, %dma_wait3A_471, %dma_wait3A_472] : memref<5x80x32xf32, #tpu.memory_space<vmem>> -> memref<1x80x32xf32, #tpu.memory_space<vmem>>
          %dma_wait3A_474 = tpu.memref_squeeze %dma_wait3A_473 : memref<1x80x32xf32, #tpu.memory_space<vmem>> -> memref<80x32xf32, #tpu.memory_space<vmem>>
          %dma_wait3A_475 = arith.constant 0 : i32
          %dma_wait3A_476 = tpu.memref_slice %arg7[%add3A_422, %dma_wait3A_475] : memref<125x80xi32, #tpu.memory_space<vmem>> -> memref<1x80xi32, #tpu.memory_space<vmem>>
          %dma_wait3A_477 = tpu.memref_squeeze %dma_wait3A_476 : memref<1x80xi32, #tpu.memory_space<vmem>> -> memref<80xi32, #tpu.memory_space<vmem>>
          %dma_wait3A_478 = arith.constant 0 : i32
          %dma_wait3A_479 = arith.constant 0 : i32
          %dma_wait3A_480 = tpu.memref_slice %arg9[%dma_wait3A_478, %dma_wait3A_479] : memref<10240x32xf32, #tpu.memory_space<vmem_shared>> -> memref<10240x32xf32, #tpu.memory_space<vmem_shared>>
          tpu.wait_indirect_dma semaphore(%arg23 : memref<!tpu.dma_semaphore, #tpu.memory_space<semaphore_mem>>) src(%dma_wait3A_474 : memref<80x32xf32, #tpu.memory_space<vmem>>) dst(%dma_wait3A_480 : memref<10240x32xf32, #tpu.memory_space<vmem_shared>>)
        } else {
        }
        %add3A_441 = arith.constant 3 : i32
        %add3A_442 = arith.addi %add3A_422, %add3A_441 : i32
        %lt3A_443 = arith.constant 125 : i32
        %lt3A_444 = arith.cmpi slt, %add3A_442, %lt3A_443 : i32
        %convert_element_type3A_445 = arith.extui %lt3A_444 : i1 to i32
        %cond3A_446 = arith.constant 0 : i32
        %cond3A_447 = arith.cmpi ne, %convert_element_type3A_445, %cond3A_446 : i32
        scf.if %cond3A_447 {
          %add3A_470 = arith.constant 3 : i32
          %add3A_471 = arith.addi %add3A_422, %add3A_470 : i32
          %dma_start3A_472 = arith.constant 1 : i32
          %dma_start3A_473 = arith.constant 0 : i32
          %dma_start3A_474 = arith.constant 0 : i32
          %dma_start3A_475 = tpu.memref_slice %arg8[%dma_start3A_472, %dma_start3A_473, %dma_start3A_474] : memref<5x80x32xf32, #tpu.memory_space<vmem>> -> memref<1x80x32xf32, #tpu.memory_space<vmem>>
          %dma_start3A_476 = tpu.memref_squeeze %dma_start3A_475 : memref<1x80x32xf32, #tpu.memory_space<vmem>> -> memref<80x32xf32, #tpu.memory_space<vmem>>
          %dma_start3A_477 = arith.constant 0 : i32
          %dma_start3A_478 = tpu.memref_slice %arg6[%add3A_471, %dma_start3A_477] : memref<125x80xi32, #tpu.memory_space<vmem>> -> memref<1x80xi32, #tpu.memory_space<vmem>>
          %dma_start3A_479 = tpu.memref_squeeze %dma_start3A_478 : memref<1x80xi32, #tpu.memory_space<vmem>> -> memref<80xi32, #tpu.memory_space<vmem>>
          %dma_start3A_480 = arith.constant 0 : i32
          %dma_start3A_481 = arith.constant 0 : i32
          %dma_start3A_482 = tpu.memref_slice %arg2[%dma_start3A_480, %dma_start3A_481] : memref<10240x32xf32, #tpu.memory_space<hbm>> -> memref<10240x32xf32, #tpu.memory_space<hbm>>
          tpu.enqueue_indirect_dma source(%dma_start3A_482 : memref<10240x32xf32, #tpu.memory_space<hbm>>) target(%dma_start3A_476 : memref<80x32xf32, #tpu.memory_space<vmem>>) offsets(%dma_start3A_479 : memref<80xi32, #tpu.memory_space<vmem>>) semaphore(%arg11 : memref<!tpu.dma_semaphore, #tpu.memory_space<semaphore_mem>>)
        } else {
        }
        %dma_wait3A_448 = arith.constant 3 : i32
        %dma_wait3A_449 = arith.constant 0 : i32
        %dma_wait3A_450 = arith.constant 0 : i32
        %dma_wait3A_451 = tpu.memref_slice %arg8[%dma_wait3A_448, %dma_wait3A_449, %dma_wait3A_450] : memref<5x80x32xf32, #tpu.memory_space<vmem>> -> memref<1x80x32xf32, #tpu.memory_space<vmem>>
        %dma_wait3A_452 = tpu.memref_squeeze %dma_wait3A_451 : memref<1x80x32xf32, #tpu.memory_space<vmem>> -> memref<80x32xf32, #tpu.memory_space<vmem>>
        %dma_wait3A_453 = arith.constant 0 : i32
        %dma_wait3A_454 = tpu.memref_slice %arg6[%add3A_422, %dma_wait3A_453] : memref<125x80xi32, #tpu.memory_space<vmem>> -> memref<1x80xi32, #tpu.memory_space<vmem>>
        %dma_wait3A_455 = tpu.memref_squeeze %dma_wait3A_454 : memref<1x80xi32, #tpu.memory_space<vmem>> -> memref<80xi32, #tpu.memory_space<vmem>>
        %dma_wait3A_456 = arith.constant 0 : i32
        %dma_wait3A_457 = arith.constant 0 : i32
        %dma_wait3A_458 = tpu.memref_slice %arg2[%dma_wait3A_456, %dma_wait3A_457] : memref<10240x32xf32, #tpu.memory_space<hbm>> -> memref<10240x32xf32, #tpu.memory_space<hbm>>
        tpu.wait_indirect_dma semaphore(%arg13 : memref<!tpu.dma_semaphore, #tpu.memory_space<semaphore_mem>>) src(%dma_wait3A_458 : memref<10240x32xf32, #tpu.memory_space<hbm>>) dst(%dma_wait3A_452 : memref<80x32xf32, #tpu.memory_space<vmem>>)
        %dma_start3A_459 = arith.constant 3 : i32
        %dma_start3A_460 = arith.constant 0 : i32
        %dma_start3A_461 = arith.constant 0 : i32
        %dma_start3A_462 = tpu.memref_slice %arg8[%dma_start3A_459, %dma_start3A_460, %dma_start3A_461] : memref<5x80x32xf32, #tpu.memory_space<vmem>> -> memref<1x80x32xf32, #tpu.memory_space<vmem>>
        %dma_start3A_463 = tpu.memref_squeeze %dma_start3A_462 : memref<1x80x32xf32, #tpu.memory_space<vmem>> -> memref<80x32xf32, #tpu.memory_space<vmem>>
        %dma_start3A_464 = arith.constant 0 : i32
        %dma_start3A_465 = tpu.memref_slice %arg7[%add3A_422, %dma_start3A_464] : memref<125x80xi32, #tpu.memory_space<vmem>> -> memref<1x80xi32, #tpu.memory_space<vmem>>
        %dma_start3A_466 = tpu.memref_squeeze %dma_start3A_465 : memref<1x80xi32, #tpu.memory_space<vmem>> -> memref<80xi32, #tpu.memory_space<vmem>>
        %dma_start3A_467 = arith.constant 0 : i32
        %dma_start3A_468 = arith.constant 0 : i32
        %dma_start3A_469 = tpu.memref_slice %arg9[%dma_start3A_467, %dma_start3A_468] : memref<10240x32xf32, #tpu.memory_space<vmem_shared>> -> memref<10240x32xf32, #tpu.memory_space<vmem_shared>>
        tpu.enqueue_indirect_dma source(%dma_start3A_463 : memref<80x32xf32, #tpu.memory_space<vmem>>) target(%dma_start3A_469 : memref<10240x32xf32, #tpu.memory_space<vmem_shared>>) offsets(%dma_start3A_466 : memref<80xi32, #tpu.memory_space<vmem>>) semaphore(%arg23 : memref<!tpu.dma_semaphore, #tpu.memory_space<semaphore_mem>>) {add = true}
      } else {
      }
      %mul3A_428 = arith.constant 10 : i32
      %mul3A_429 = arith.muli %scan3A_349, %mul3A_428 : i32
      %add3A_430 = arith.constant 9 : i32
      %add3A_431 = arith.addi %mul3A_429, %add3A_430 : i32
      %lt3A_432 = arith.constant 125 : i32
      %lt3A_433 = arith.cmpi slt, %add3A_431, %lt3A_432 : i32
      %convert_element_type3A_434 = arith.extui %lt3A_433 : i1 to i32
      %cond3A_435 = arith.constant 0 : i32
      %cond3A_436 = arith.cmpi ne, %convert_element_type3A_434, %cond3A_435 : i32
      scf.if %cond3A_436 {
        %ge3A = arith.constant 2 : i32
        %ge3A_437 = arith.cmpi sge, %add3A_431, %ge3A : i32
        %convert_element_type3A_438 = arith.extui %ge3A_437 : i1 to i32
        %cond3A_439 = arith.constant 0 : i32
        %cond3A_440 = arith.cmpi ne, %convert_element_type3A_438, %cond3A_439 : i32
        scf.if %cond3A_440 {
          %dma_wait3A_470 = arith.constant 4 : i32
          %dma_wait3A_471 = arith.constant 0 : i32
          %dma_wait3A_472 = arith.constant 0 : i32
          %dma_wait3A_473 = tpu.memref_slice %arg8[%dma_wait3A_470, %dma_wait3A_471, %dma_wait3A_472] : memref<5x80x32xf32, #tpu.memory_space<vmem>> -> memref<1x80x32xf32, #tpu.memory_space<vmem>>
          %dma_wait3A_474 = tpu.memref_squeeze %dma_wait3A_473 : memref<1x80x32xf32, #tpu.memory_space<vmem>> -> memref<80x32xf32, #tpu.memory_space<vmem>>
          %dma_wait3A_475 = arith.constant 0 : i32
          %dma_wait3A_476 = tpu.memref_slice %arg7[%add3A_431, %dma_wait3A_475] : memref<125x80xi32, #tpu.memory_space<vmem>> -> memref<1x80xi32, #tpu.memory_space<vmem>>
          %dma_wait3A_477 = tpu.memref_squeeze %dma_wait3A_476 : memref<1x80xi32, #tpu.memory_space<vmem>> -> memref<80xi32, #tpu.memory_space<vmem>>
          %dma_wait3A_478 = arith.constant 0 : i32
          %dma_wait3A_479 = arith.constant 0 : i32
          %dma_wait3A_480 = tpu.memref_slice %arg9[%dma_wait3A_478, %dma_wait3A_479] : memref<10240x32xf32, #tpu.memory_space<vmem_shared>> -> memref<10240x32xf32, #tpu.memory_space<vmem_shared>>
          tpu.wait_indirect_dma semaphore(%arg24 : memref<!tpu.dma_semaphore, #tpu.memory_space<semaphore_mem>>) src(%dma_wait3A_474 : memref<80x32xf32, #tpu.memory_space<vmem>>) dst(%dma_wait3A_480 : memref<10240x32xf32, #tpu.memory_space<vmem_shared>>)
        } else {
        }
        %add3A_441 = arith.constant 3 : i32
        %add3A_442 = arith.addi %add3A_431, %add3A_441 : i32
        %lt3A_443 = arith.constant 125 : i32
        %lt3A_444 = arith.cmpi slt, %add3A_442, %lt3A_443 : i32
        %convert_element_type3A_445 = arith.extui %lt3A_444 : i1 to i32
        %cond3A_446 = arith.constant 0 : i32
        %cond3A_447 = arith.cmpi ne, %convert_element_type3A_445, %cond3A_446 : i32
        scf.if %cond3A_447 {
          %add3A_470 = arith.constant 3 : i32
          %add3A_471 = arith.addi %add3A_431, %add3A_470 : i32
          %dma_start3A_472 = arith.constant 2 : i32
          %dma_start3A_473 = arith.constant 0 : i32
          %dma_start3A_474 = arith.constant 0 : i32
          %dma_start3A_475 = tpu.memref_slice %arg8[%dma_start3A_472, %dma_start3A_473, %dma_start3A_474] : memref<5x80x32xf32, #tpu.memory_space<vmem>> -> memref<1x80x32xf32, #tpu.memory_space<vmem>>
          %dma_start3A_476 = tpu.memref_squeeze %dma_start3A_475 : memref<1x80x32xf32, #tpu.memory_space<vmem>> -> memref<80x32xf32, #tpu.memory_space<vmem>>
          %dma_start3A_477 = arith.constant 0 : i32
          %dma_start3A_478 = tpu.memref_slice %arg6[%add3A_471, %dma_start3A_477] : memref<125x80xi32, #tpu.memory_space<vmem>> -> memref<1x80xi32, #tpu.memory_space<vmem>>
          %dma_start3A_479 = tpu.memref_squeeze %dma_start3A_478 : memref<1x80xi32, #tpu.memory_space<vmem>> -> memref<80xi32, #tpu.memory_space<vmem>>
          %dma_start3A_480 = arith.constant 0 : i32
          %dma_start3A_481 = arith.constant 0 : i32
          %dma_start3A_482 = tpu.memref_slice %arg2[%dma_start3A_480, %dma_start3A_481] : memref<10240x32xf32, #tpu.memory_space<hbm>> -> memref<10240x32xf32, #tpu.memory_space<hbm>>
          tpu.enqueue_indirect_dma source(%dma_start3A_482 : memref<10240x32xf32, #tpu.memory_space<hbm>>) target(%dma_start3A_476 : memref<80x32xf32, #tpu.memory_space<vmem>>) offsets(%dma_start3A_479 : memref<80xi32, #tpu.memory_space<vmem>>) semaphore(%arg12 : memref<!tpu.dma_semaphore, #tpu.memory_space<semaphore_mem>>)
        } else {
        }
        %dma_wait3A_448 = arith.constant 4 : i32
        %dma_wait3A_449 = arith.constant 0 : i32
        %dma_wait3A_450 = arith.constant 0 : i32
        %dma_wait3A_451 = tpu.memref_slice %arg8[%dma_wait3A_448, %dma_wait3A_449, %dma_wait3A_450] : memref<5x80x32xf32, #tpu.memory_space<vmem>> -> memref<1x80x32xf32, #tpu.memory_space<vmem>>
        %dma_wait3A_452 = tpu.memref_squeeze %dma_wait3A_451 : memref<1x80x32xf32, #tpu.memory_space<vmem>> -> memref<80x32xf32, #tpu.memory_space<vmem>>
        %dma_wait3A_453 = arith.constant 0 : i32
        %dma_wait3A_454 = tpu.memref_slice %arg6[%add3A_431, %dma_wait3A_453] : memref<125x80xi32, #tpu.memory_space<vmem>> -> memref<1x80xi32, #tpu.memory_space<vmem>>
        %dma_wait3A_455 = tpu.memref_squeeze %dma_wait3A_454 : memref<1x80xi32, #tpu.memory_space<vmem>> -> memref<80xi32, #tpu.memory_space<vmem>>
        %dma_wait3A_456 = arith.constant 0 : i32
        %dma_wait3A_457 = arith.constant 0 : i32
        %dma_wait3A_458 = tpu.memref_slice %arg2[%dma_wait3A_456, %dma_wait3A_457] : memref<10240x32xf32, #tpu.memory_space<hbm>> -> memref<10240x32xf32, #tpu.memory_space<hbm>>
        tpu.wait_indirect_dma semaphore(%arg14 : memref<!tpu.dma_semaphore, #tpu.memory_space<semaphore_mem>>) src(%dma_wait3A_458 : memref<10240x32xf32, #tpu.memory_space<hbm>>) dst(%dma_wait3A_452 : memref<80x32xf32, #tpu.memory_space<vmem>>)
        %dma_start3A_459 = arith.constant 4 : i32
        %dma_start3A_460 = arith.constant 0 : i32
        %dma_start3A_461 = arith.constant 0 : i32
        %dma_start3A_462 = tpu.memref_slice %arg8[%dma_start3A_459, %dma_start3A_460, %dma_start3A_461] : memref<5x80x32xf32, #tpu.memory_space<vmem>> -> memref<1x80x32xf32, #tpu.memory_space<vmem>>
        %dma_start3A_463 = tpu.memref_squeeze %dma_start3A_462 : memref<1x80x32xf32, #tpu.memory_space<vmem>> -> memref<80x32xf32, #tpu.memory_space<vmem>>
        %dma_start3A_464 = arith.constant 0 : i32
        %dma_start3A_465 = tpu.memref_slice %arg7[%add3A_431, %dma_start3A_464] : memref<125x80xi32, #tpu.memory_space<vmem>> -> memref<1x80xi32, #tpu.memory_space<vmem>>
        %dma_start3A_466 = tpu.memref_squeeze %dma_start3A_465 : memref<1x80xi32, #tpu.memory_space<vmem>> -> memref<80xi32, #tpu.memory_space<vmem>>
        %dma_start3A_467 = arith.constant 0 : i32
        %dma_start3A_468 = arith.constant 0 : i32
        %dma_start3A_469 = tpu.memref_slice %arg9[%dma_start3A_467, %dma_start3A_468] : memref<10240x32xf32, #tpu.memory_space<vmem_shared>> -> memref<10240x32xf32, #tpu.memory_space<vmem_shared>>
        tpu.enqueue_indirect_dma source(%dma_start3A_463 : memref<80x32xf32, #tpu.memory_space<vmem>>) target(%dma_start3A_469 : memref<10240x32xf32, #tpu.memory_space<vmem_shared>>) offsets(%dma_start3A_466 : memref<80xi32, #tpu.memory_space<vmem>>) semaphore(%arg24 : memref<!tpu.dma_semaphore, #tpu.memory_space<semaphore_mem>>) {add = true}
      } else {
      }
    }
    %scan3A_320 = arith.constant 13 : i32
    %dma_wait3A_321 = arith.constant 3 : i32
    %dma_wait3A_322 = arith.constant 123 : i32
    %dma_wait3A_323 = arith.constant 0 : i32
    %dma_wait3A_324 = arith.constant 0 : i32
    %dma_wait3A_325 = tpu.memref_slice %arg8[%dma_wait3A_321, %dma_wait3A_323, %dma_wait3A_324] : memref<5x80x32xf32, #tpu.memory_space<vmem>> -> memref<1x80x32xf32, #tpu.memory_space<vmem>>
    %dma_wait3A_326 = tpu.memref_squeeze %dma_wait3A_325 : memref<1x80x32xf32, #tpu.memory_space<vmem>> -> memref<80x32xf32, #tpu.memory_space<vmem>>
    %dma_wait3A_327 = arith.constant 0 : i32
    %dma_wait3A_328 = tpu.memref_slice %arg7[%dma_wait3A_322, %dma_wait3A_327] : memref<125x80xi32, #tpu.memory_space<vmem>> -> memref<1x80xi32, #tpu.memory_space<vmem>>
    %dma_wait3A_329 = tpu.memref_squeeze %dma_wait3A_328 : memref<1x80xi32, #tpu.memory_space<vmem>> -> memref<80xi32, #tpu.memory_space<vmem>>
    %dma_wait3A_330 = arith.constant 0 : i32
    %dma_wait3A_331 = arith.constant 0 : i32
    %dma_wait3A_332 = tpu.memref_slice %arg9[%dma_wait3A_330, %dma_wait3A_331] : memref<10240x32xf32, #tpu.memory_space<vmem_shared>> -> memref<10240x32xf32, #tpu.memory_space<vmem_shared>>
    tpu.wait_indirect_dma semaphore(%arg24 : memref<!tpu.dma_semaphore, #tpu.memory_space<semaphore_mem>>) src(%dma_wait3A_326 : memref<80x32xf32, #tpu.memory_space<vmem>>) dst(%dma_wait3A_332 : memref<10240x32xf32, #tpu.memory_space<vmem_shared>>)
    %dma_wait3A_333 = arith.constant 4 : i32
    %dma_wait3A_334 = arith.constant 124 : i32
    %dma_wait3A_335 = arith.constant 0 : i32
    %dma_wait3A_336 = arith.constant 0 : i32
    %dma_wait3A_337 = tpu.memref_slice %arg8[%dma_wait3A_333, %dma_wait3A_335, %dma_wait3A_336] : memref<5x80x32xf32, #tpu.memory_space<vmem>> -> memref<1x80x32xf32, #tpu.memory_space<vmem>>
    %dma_wait3A_338 = tpu.memref_squeeze %dma_wait3A_337 : memref<1x80x32xf32, #tpu.memory_space<vmem>> -> memref<80x32xf32, #tpu.memory_space<vmem>>
    %dma_wait3A_339 = arith.constant 0 : i32
    %dma_wait3A_340 = tpu.memref_slice %arg7[%dma_wait3A_334, %dma_wait3A_339] : memref<125x80xi32, #tpu.memory_space<vmem>> -> memref<1x80xi32, #tpu.memory_space<vmem>>
    %dma_wait3A_341 = tpu.memref_squeeze %dma_wait3A_340 : memref<1x80xi32, #tpu.memory_space<vmem>> -> memref<80xi32, #tpu.memory_space<vmem>>
    %dma_wait3A_342 = arith.constant 0 : i32
    %dma_wait3A_343 = arith.constant 0 : i32
    %dma_wait3A_344 = tpu.memref_slice %arg9[%dma_wait3A_342, %dma_wait3A_343] : memref<10240x32xf32, #tpu.memory_space<vmem_shared>> -> memref<10240x32xf32, #tpu.memory_space<vmem_shared>>
    tpu.wait_indirect_dma semaphore(%arg23 : memref<!tpu.dma_semaphore, #tpu.memory_space<semaphore_mem>>) src(%dma_wait3A_338 : memref<80x32xf32, #tpu.memory_space<vmem>>) dst(%dma_wait3A_344 : memref<10240x32xf32, #tpu.memory_space<vmem_shared>>)
    %barrier3A_345 = arith.constant 0 : index
    tpu.barrier barrier_id(%barrier3A_345)
    %mul3A_346 = arith.constant 10240 : i32
    %mul3A_347 = arith.muli %arg0, %mul3A_346 : i32
    %add3A_348 = arith.addi %mul3A_347, %mul3A_3 : i32
    "tpu.region"() ({
      %run_scoped3A = tpu.sem_alloc : memref<!tpu.dma_semaphore, #tpu.memory_space<semaphore_mem>>
      %dma_start3A_349 = arith.constant 0 : i32
      %dma_start3A_350 = tpu.memref_slice %arg5[%add3A_348, %dma_start3A_349] : memref<20480x32xf32, #tpu.memory_space<hbm>> -> memref<640x32xf32, #tpu.memory_space<hbm>>
      %dma_start3A_351 = arith.constant 0 : i32
      %dma_start3A_352 = tpu.memref_slice %arg9[%mul3A_3, %dma_start3A_351] : memref<10240x32xf32, #tpu.memory_space<vmem_shared>> -> memref<640x32xf32, #tpu.memory_space<vmem_shared>>
      tpu.enqueue_dma source(%dma_start3A_352 : memref<640x32xf32, #tpu.memory_space<vmem_shared>>) target(%dma_start3A_350 : memref<640x32xf32, #tpu.memory_space<hbm>>) target_semaphore(%run_scoped3A : memref<!tpu.dma_semaphore, #tpu.memory_space<semaphore_mem>>)
      %dma_wait3A_353 = arith.constant 0 : i32
      %dma_wait3A_354 = tpu.memref_slice %arg5[%add3A_348, %dma_wait3A_353] : memref<20480x32xf32, #tpu.memory_space<hbm>> -> memref<640x32xf32, #tpu.memory_space<hbm>>
      %dma_wait3A_355 = arith.constant 0 : i32
      %dma_wait3A_356 = tpu.memref_slice %arg9[%mul3A_3, %dma_wait3A_355] : memref<10240x32xf32, #tpu.memory_space<vmem_shared>> -> memref<640x32xf32, #tpu.memory_space<vmem_shared>>
      tpu.wait_dma2 semaphore(%run_scoped3A : memref<!tpu.dma_semaphore, #tpu.memory_space<semaphore_mem>>) src(%dma_wait3A_356 : memref<640x32xf32, #tpu.memory_space<vmem_shared>>) dst(%dma_wait3A_354 : memref<640x32xf32, #tpu.memory_space<hbm>>)
      tpu.yield
    }) : () -> ()
    return
  }
}

#map = affine_map<(d0, d1) -> (0, 0)>
#map1 = affine_map<(d0, d1) -> (0, 0, 0)>
module attributes {stable_mosaic.version = 14 : i64} {
  func.func @body(%arg0: i32, %arg1: i32, %arg2: memref<10240x128xf32, #tpu.memory_space<hbm>>, %arg3: memref<32x125x80xi32, #tpu.memory_space<hbm>>, %arg4: memref<32x125x80xi32, #tpu.memory_space<hbm>>, %arg5: memref<20480x128xf32, #tpu.memory_space<hbm>>, %arg6: memref<125x80xi32, #tpu.memory_space<vmem>>, %arg7: memref<125x80xi32, #tpu.memory_space<vmem>>, %arg8: memref<2x80x128xf32, #tpu.memory_space<vmem>>, %arg9: memref<10240x128xf32, #tpu.memory_space<vmem_shared>>, %arg10: memref<!tpu.dma_semaphore, #tpu.memory_space<semaphore_mem>>, %arg11: memref<!tpu.dma_semaphore, #tpu.memory_space<semaphore_mem>>, %arg12: memref<!tpu.dma_semaphore, #tpu.memory_space<semaphore_mem>>, %arg13: memref<!tpu.dma_semaphore, #tpu.memory_space<semaphore_mem>>, %arg14: memref<!tpu.dma_semaphore, #tpu.memory_space<semaphore_mem>>, %arg15: memref<!tpu.dma_semaphore, #tpu.memory_space<semaphore_mem>>, %arg16: memref<!tpu.dma_semaphore, #tpu.memory_space<semaphore_mem>>, %arg17: memref<!tpu.dma_semaphore, #tpu.memory_space<semaphore_mem>>, %arg18: memref<!tpu.dma_semaphore, #tpu.memory_space<semaphore_mem>>, %arg19: memref<!tpu.dma_semaphore, #tpu.memory_space<semaphore_mem>>, %arg20: memref<!tpu.dma_semaphore, #tpu.memory_space<semaphore_mem>>, %arg21: memref<!tpu.dma_semaphore, #tpu.memory_space<semaphore_mem>>) attributes {dimension_semantics = [#tpu.dimension_semantics<core_parallel>, #tpu.dimension_semantics<subcore_parallel>], iteration_bounds = array<i64: 2, 16>, scalar_prefetch = 0 : i64, scratch_operands = 16 : i64, tpu.core_type = #tpu.core_type<sc_vector_subcore>, window_params = [{transform_indices = #map}, {transform_indices = #map1}, {transform_indices = #map1}, {transform_indices = #map}]} {
    %mul3A = arith.constant 2 : i32
    %mul3A_0 = arith.muli %arg1, %mul3A : i32
    %add3A = arith.addi %mul3A_0, %arg0 : i32
    %broadcast_in_dim3A = arith.constant 0.000000e+00 : f32
    %broadcast_in_dim3A_1 = vector.broadcast %broadcast_in_dim3A : f32 to vector<16xf32>
    %mul3A_2 = arith.constant 640 : i32
    %mul3A_3 = arith.muli %arg1, %mul3A_2 : i32
    %dma_start3A = arith.constant 0 : i32
    %dma_start3A_4 = arith.constant 0 : i32
    %dma_start3A_5 = tpu.memref_slice %arg3[%add3A, %dma_start3A, %dma_start3A_4] : memref<32x125x80xi32, #tpu.memory_space<hbm>> -> memref<1x125x80xi32, #tpu.memory_space<hbm>>
    %dma_start3A_6 = tpu.memref_squeeze %dma_start3A_5 : memref<1x125x80xi32, #tpu.memory_space<hbm>> -> memref<125x80xi32, #tpu.memory_space<hbm>>
    %dma_start3A_7 = arith.constant 0 : i32
    %dma_start3A_8 = arith.constant 0 : i32
    %dma_start3A_9 = tpu.memref_slice %arg3[%add3A, %dma_start3A_7, %dma_start3A_8] : memref<32x125x80xi32, #tpu.memory_space<hbm>> -> memref<1x125x80xi32, #tpu.memory_space<hbm>>
    %dma_start3A_10 = tpu.memref_squeeze %dma_start3A_9 : memref<1x125x80xi32, #tpu.memory_space<hbm>> -> memref<125x80xi32, #tpu.memory_space<hbm>>
    tpu.enqueue_dma source(%dma_start3A_10 : memref<125x80xi32, #tpu.memory_space<hbm>>) target(%arg6 : memref<125x80xi32, #tpu.memory_space<vmem>>) target_semaphore(%arg12 : memref<!tpu.dma_semaphore, #tpu.memory_space<semaphore_mem>>)
    %dma_start3A_11 = arith.constant 0 : i32
    %dma_start3A_12 = arith.constant 0 : i32
    %dma_start3A_13 = tpu.memref_slice %arg4[%add3A, %dma_start3A_11, %dma_start3A_12] : memref<32x125x80xi32, #tpu.memory_space<hbm>> -> memref<1x125x80xi32, #tpu.memory_space<hbm>>
    %dma_start3A_14 = tpu.memref_squeeze %dma_start3A_13 : memref<1x125x80xi32, #tpu.memory_space<hbm>> -> memref<125x80xi32, #tpu.memory_space<hbm>>
    %dma_start3A_15 = arith.constant 0 : i32
    %dma_start3A_16 = arith.constant 0 : i32
    %dma_start3A_17 = tpu.memref_slice %arg4[%add3A, %dma_start3A_15, %dma_start3A_16] : memref<32x125x80xi32, #tpu.memory_space<hbm>> -> memref<1x125x80xi32, #tpu.memory_space<hbm>>
    %dma_start3A_18 = tpu.memref_squeeze %dma_start3A_17 : memref<1x125x80xi32, #tpu.memory_space<hbm>> -> memref<125x80xi32, #tpu.memory_space<hbm>>
    tpu.enqueue_dma source(%dma_start3A_18 : memref<125x80xi32, #tpu.memory_space<hbm>>) target(%arg7 : memref<125x80xi32, #tpu.memory_space<vmem>>) target_semaphore(%arg13 : memref<!tpu.dma_semaphore, #tpu.memory_space<semaphore_mem>>)
    %scan3A = arith.constant 0 : i32
    %scan3A_19 = arith.constant 0 : i32
    %scan3A_20 = arith.constant 80 : i32
    %scan3A_21 = arith.addi %scan3A_19, %scan3A_20 : i32
    %scan3A_22 = arith.constant 1 : i32
    scf.for %scan3A_313 = %scan3A_19 to %scan3A_21 step %scan3A_22  : i32 {
      %swap3A = arith.constant 0 : i32
      %swap3A_314 = arith.index_cast %swap3A : i32 to index
      %swap3A_315 = arith.index_cast %scan3A_313 : i32 to index
      %swap3A_316 = arith.constant 0 : index
      %swap3A_317 = tpu.vector_load %arg8[%swap3A_314, %swap3A_315, %swap3A_316] {strides = array<i32>} : memref<2x80x128xf32, #tpu.memory_space<vmem>>, vector<1x1x16xf32>,
      %swap3A_318 = vector.shape_cast %swap3A_317 : vector<1x1x16xf32> to vector<16xf32>
      %swap3A_319 = vector.shape_cast %broadcast_in_dim3A_1 : vector<16xf32> to vector<1x1x16xf32>
      tpu.vector_store %arg8[%swap3A_314, %swap3A_315, %swap3A_316], %swap3A_319 {strides = array<i32>} : memref<2x80x128xf32, #tpu.memory_space<vmem>>, vector<1x1x16xf32>,
      %swap3A_320 = arith.constant 0 : i32
      %swap3A_321 = arith.index_cast %swap3A_320 : i32 to index
      %swap3A_322 = arith.index_cast %scan3A_313 : i32 to index
      %swap3A_323 = arith.constant 16 : index
      %swap3A_324 = tpu.vector_load %arg8[%swap3A_321, %swap3A_322, %swap3A_323] {strides = array<i32>} : memref<2x80x128xf32, #tpu.memory_space<vmem>>, vector<1x1x16xf32>,
      %swap3A_325 = vector.shape_cast %swap3A_324 : vector<1x1x16xf32> to vector<16xf32>
      %swap3A_326 = vector.shape_cast %broadcast_in_dim3A_1 : vector<16xf32> to vector<1x1x16xf32>
      tpu.vector_store %arg8[%swap3A_321, %swap3A_322, %swap3A_323], %swap3A_326 {strides = array<i32>} : memref<2x80x128xf32, #tpu.memory_space<vmem>>, vector<1x1x16xf32>,
      %swap3A_327 = arith.constant 0 : i32
      %swap3A_328 = arith.index_cast %swap3A_327 : i32 to index
      %swap3A_329 = arith.index_cast %scan3A_313 : i32 to index
      %swap3A_330 = arith.constant 32 : index
      %swap3A_331 = tpu.vector_load %arg8[%swap3A_328, %swap3A_329, %swap3A_330] {strides = array<i32>} : memref<2x80x128xf32, #tpu.memory_space<vmem>>, vector<1x1x16xf32>,
      %swap3A_332 = vector.shape_cast %swap3A_331 : vector<1x1x16xf32> to vector<16xf32>
      %swap3A_333 = vector.shape_cast %broadcast_in_dim3A_1 : vector<16xf32> to vector<1x1x16xf32>
      tpu.vector_store %arg8[%swap3A_328, %swap3A_329, %swap3A_330], %swap3A_333 {strides = array<i32>} : memref<2x80x128xf32, #tpu.memory_space<vmem>>, vector<1x1x16xf32>,
      %swap3A_334 = arith.constant 0 : i32
      %swap3A_335 = arith.index_cast %swap3A_334 : i32 to index
      %swap3A_336 = arith.index_cast %scan3A_313 : i32 to index
      %swap3A_337 = arith.constant 48 : index
      %swap3A_338 = tpu.vector_load %arg8[%swap3A_335, %swap3A_336, %swap3A_337] {strides = array<i32>} : memref<2x80x128xf32, #tpu.memory_space<vmem>>, vector<1x1x16xf32>,
      %swap3A_339 = vector.shape_cast %swap3A_338 : vector<1x1x16xf32> to vector<16xf32>
      %swap3A_340 = vector.shape_cast %broadcast_in_dim3A_1 : vector<16xf32> to vector<1x1x16xf32>
      tpu.vector_store %arg8[%swap3A_335, %swap3A_336, %swap3A_337], %swap3A_340 {strides = array<i32>} : memref<2x80x128xf32, #tpu.memory_space<vmem>>, vector<1x1x16xf32>,
      %swap3A_341 = arith.constant 0 : i32
      %swap3A_342 = arith.index_cast %swap3A_341 : i32 to index
      %swap3A_343 = arith.index_cast %scan3A_313 : i32 to index
      %swap3A_344 = arith.constant 64 : index
      %swap3A_345 = tpu.vector_load %arg8[%swap3A_342, %swap3A_343, %swap3A_344] {strides = array<i32>} : memref<2x80x128xf32, #tpu.memory_space<vmem>>, vector<1x1x16xf32>,
      %swap3A_346 = vector.shape_cast %swap3A_345 : vector<1x1x16xf32> to vector<16xf32>
      %swap3A_347 = vector.shape_cast %broadcast_in_dim3A_1 : vector<16xf32> to vector<1x1x16xf32>
      tpu.vector_store %arg8[%swap3A_342, %swap3A_343, %swap3A_344], %swap3A_347 {strides = array<i32>} : memref<2x80x128xf32, #tpu.memory_space<vmem>>, vector<1x1x16xf32>,
      %swap3A_348 = arith.constant 0 : i32
      %swap3A_349 = arith.index_cast %swap3A_348 : i32 to index
      %swap3A_350 = arith.index_cast %scan3A_313 : i32 to index
      %swap3A_351 = arith.constant 80 : index
      %swap3A_352 = tpu.vector_load %arg8[%swap3A_349, %swap3A_350, %swap3A_351] {strides = array<i32>} : memref<2x80x128xf32, #tpu.memory_space<vmem>>, vector<1x1x16xf32>,
      %swap3A_353 = vector.shape_cast %swap3A_352 : vector<1x1x16xf32> to vector<16xf32>
      %swap3A_354 = vector.shape_cast %broadcast_in_dim3A_1 : vector<16xf32> to vector<1x1x16xf32>
      tpu.vector_store %arg8[%swap3A_349, %swap3A_350, %swap3A_351], %swap3A_354 {strides = array<i32>} : memref<2x80x128xf32, #tpu.memory_space<vmem>>, vector<1x1x16xf32>,
      %swap3A_355 = arith.constant 0 : i32
      %swap3A_356 = arith.index_cast %swap3A_355 : i32 to index
      %swap3A_357 = arith.index_cast %scan3A_313 : i32 to index
      %swap3A_358 = arith.constant 96 : index
      %swap3A_359 = tpu.vector_load %arg8[%swap3A_356, %swap3A_357, %swap3A_358] {strides = array<i32>} : memref<2x80x128xf32, #tpu.memory_space<vmem>>, vector<1x1x16xf32>,
      %swap3A_360 = vector.shape_cast %swap3A_359 : vector<1x1x16xf32> to vector<16xf32>
      %swap3A_361 = vector.shape_cast %broadcast_in_dim3A_1 : vector<16xf32> to vector<1x1x16xf32>
      tpu.vector_store %arg8[%swap3A_356, %swap3A_357, %swap3A_358], %swap3A_361 {strides = array<i32>} : memref<2x80x128xf32, #tpu.memory_space<vmem>>, vector<1x1x16xf32>,
      %swap3A_362 = arith.constant 0 : i32
      %swap3A_363 = arith.index_cast %swap3A_362 : i32 to index
      %swap3A_364 = arith.index_cast %scan3A_313 : i32 to index
      %swap3A_365 = arith.constant 112 : index
      %swap3A_366 = tpu.vector_load %arg8[%swap3A_363, %swap3A_364, %swap3A_365] {strides = array<i32>} : memref<2x80x128xf32, #tpu.memory_space<vmem>>, vector<1x1x16xf32>,
      %swap3A_367 = vector.shape_cast %swap3A_366 : vector<1x1x16xf32> to vector<16xf32>
      %swap3A_368 = vector.shape_cast %broadcast_in_dim3A_1 : vector<16xf32> to vector<1x1x16xf32>
      tpu.vector_store %arg8[%swap3A_363, %swap3A_364, %swap3A_365], %swap3A_368 {strides = array<i32>} : memref<2x80x128xf32, #tpu.memory_space<vmem>>, vector<1x1x16xf32>,
    }
    %scan3A_23 = arith.constant 80 : i32
    %add3A_24 = arith.constant 0 : i32
    %add3A_25 = arith.addi %mul3A_3, %add3A_24 : i32
    %dma_start3A_26 = arith.constant 0 : i32
    %dma_start3A_27 = arith.constant 0 : i32
    %dma_start3A_28 = arith.constant 0 : i32
    %dma_start3A_29 = tpu.memref_slice %arg8[%dma_start3A_26, %dma_start3A_27, %dma_start3A_28] : memref<2x80x128xf32, #tpu.memory_space<vmem>> -> memref<1x80x128xf32, #tpu.memory_space<vmem>>
    %dma_start3A_30 = tpu.memref_squeeze %dma_start3A_29 : memref<1x80x128xf32, #tpu.memory_space<vmem>> -> memref<80x128xf32, #tpu.memory_space<vmem>>
    %dma_start3A_31 = arith.constant 0 : i32
    %dma_start3A_32 = tpu.memref_slice %arg9[%add3A_25, %dma_start3A_31] : memref<10240x128xf32, #tpu.memory_space<vmem_shared>> -> memref<80x128xf32, #tpu.memory_space<vmem_shared>>
    %dma_start3A_33 = arith.constant 0 : i32
    %dma_start3A_34 = tpu.memref_slice %arg9[%add3A_25, %dma_start3A_33] : memref<10240x128xf32, #tpu.memory_space<vmem_shared>> -> memref<80x128xf32, #tpu.memory_space<vmem_shared>>
    %dma_start3A_35 = arith.constant 0 : i32
    %dma_start3A_36 = arith.constant 0 : i32
    %dma_start3A_37 = tpu.memref_slice %arg8[%dma_start3A_26, %dma_start3A_35, %dma_start3A_36] : memref<2x80x128xf32, #tpu.memory_space<vmem>> -> memref<1x80x128xf32, #tpu.memory_space<vmem>>
    %dma_start3A_38 = tpu.memref_squeeze %dma_start3A_37 : memref<1x80x128xf32, #tpu.memory_space<vmem>> -> memref<80x128xf32, #tpu.memory_space<vmem>>
    tpu.enqueue_dma source(%dma_start3A_38 : memref<80x128xf32, #tpu.memory_space<vmem>>) target(%dma_start3A_34 : memref<80x128xf32, #tpu.memory_space<vmem_shared>>) target_semaphore(%arg14 : memref<!tpu.dma_semaphore, #tpu.memory_space<semaphore_mem>>)
    %add3A_39 = arith.constant 80 : i32
    %add3A_40 = arith.addi %mul3A_3, %add3A_39 : i32
    %dma_start3A_41 = arith.constant 0 : i32
    %dma_start3A_42 = arith.constant 0 : i32
    %dma_start3A_43 = arith.constant 0 : i32
    %dma_start3A_44 = tpu.memref_slice %arg8[%dma_start3A_41, %dma_start3A_42, %dma_start3A_43] : memref<2x80x128xf32, #tpu.memory_space<vmem>> -> memref<1x80x128xf32, #tpu.memory_space<vmem>>
    %dma_start3A_45 = tpu.memref_squeeze %dma_start3A_44 : memref<1x80x128xf32, #tpu.memory_space<vmem>> -> memref<80x128xf32, #tpu.memory_space<vmem>>
    %dma_start3A_46 = arith.constant 0 : i32
    %dma_start3A_47 = tpu.memref_slice %arg9[%add3A_40, %dma_start3A_46] : memref<10240x128xf32, #tpu.memory_space<vmem_shared>> -> memref<80x128xf32, #tpu.memory_space<vmem_shared>>
    %dma_start3A_48 = arith.constant 0 : i32
    %dma_start3A_49 = tpu.memref_slice %arg9[%add3A_40, %dma_start3A_48] : memref<10240x128xf32, #tpu.memory_space<vmem_shared>> -> memref<80x128xf32, #tpu.memory_space<vmem_shared>>
    %dma_start3A_50 = arith.constant 0 : i32
    %dma_start3A_51 = arith.constant 0 : i32
    %dma_start3A_52 = tpu.memref_slice %arg8[%dma_start3A_41, %dma_start3A_50, %dma_start3A_51] : memref<2x80x128xf32, #tpu.memory_space<vmem>> -> memref<1x80x128xf32, #tpu.memory_space<vmem>>
    %dma_start3A_53 = tpu.memref_squeeze %dma_start3A_52 : memref<1x80x128xf32, #tpu.memory_space<vmem>> -> memref<80x128xf32, #tpu.memory_space<vmem>>
    tpu.enqueue_dma source(%dma_start3A_53 : memref<80x128xf32, #tpu.memory_space<vmem>>) target(%dma_start3A_49 : memref<80x128xf32, #tpu.memory_space<vmem_shared>>) target_semaphore(%arg15 : memref<!tpu.dma_semaphore, #tpu.memory_space<semaphore_mem>>)
    %add3A_54 = arith.constant 160 : i32
    %add3A_55 = arith.addi %mul3A_3, %add3A_54 : i32
    %dma_start3A_56 = arith.constant 0 : i32
    %dma_start3A_57 = arith.constant 0 : i32
    %dma_start3A_58 = arith.constant 0 : i32
    %dma_start3A_59 = tpu.memref_slice %arg8[%dma_start3A_56, %dma_start3A_57, %dma_start3A_58] : memref<2x80x128xf32, #tpu.memory_space<vmem>> -> memref<1x80x128xf32, #tpu.memory_space<vmem>>
    %dma_start3A_60 = tpu.memref_squeeze %dma_start3A_59 : memref<1x80x128xf32, #tpu.memory_space<vmem>> -> memref<80x128xf32, #tpu.memory_space<vmem>>
    %dma_start3A_61 = arith.constant 0 : i32
    %dma_start3A_62 = tpu.memref_slice %arg9[%add3A_55, %dma_start3A_61] : memref<10240x128xf32, #tpu.memory_space<vmem_shared>> -> memref<80x128xf32, #tpu.memory_space<vmem_shared>>
    %dma_start3A_63 = arith.constant 0 : i32
    %dma_start3A_64 = tpu.memref_slice %arg9[%add3A_55, %dma_start3A_63] : memref<10240x128xf32, #tpu.memory_space<vmem_shared>> -> memref<80x128xf32, #tpu.memory_space<vmem_shared>>
    %dma_start3A_65 = arith.constant 0 : i32
    %dma_start3A_66 = arith.constant 0 : i32
    %dma_start3A_67 = tpu.memref_slice %arg8[%dma_start3A_56, %dma_start3A_65, %dma_start3A_66] : memref<2x80x128xf32, #tpu.memory_space<vmem>> -> memref<1x80x128xf32, #tpu.memory_space<vmem>>
    %dma_start3A_68 = tpu.memref_squeeze %dma_start3A_67 : memref<1x80x128xf32, #tpu.memory_space<vmem>> -> memref<80x128xf32, #tpu.memory_space<vmem>>
    tpu.enqueue_dma source(%dma_start3A_68 : memref<80x128xf32, #tpu.memory_space<vmem>>) target(%dma_start3A_64 : memref<80x128xf32, #tpu.memory_space<vmem_shared>>) target_semaphore(%arg16 : memref<!tpu.dma_semaphore, #tpu.memory_space<semaphore_mem>>)
    %add3A_69 = arith.constant 240 : i32
    %add3A_70 = arith.addi %mul3A_3, %add3A_69 : i32
    %dma_start3A_71 = arith.constant 0 : i32
    %dma_start3A_72 = arith.constant 0 : i32
    %dma_start3A_73 = arith.constant 0 : i32
    %dma_start3A_74 = tpu.memref_slice %arg8[%dma_start3A_71, %dma_start3A_72, %dma_start3A_73] : memref<2x80x128xf32, #tpu.memory_space<vmem>> -> memref<1x80x128xf32, #tpu.memory_space<vmem>>
    %dma_start3A_75 = tpu.memref_squeeze %dma_start3A_74 : memref<1x80x128xf32, #tpu.memory_space<vmem>> -> memref<80x128xf32, #tpu.memory_space<vmem>>
    %dma_start3A_76 = arith.constant 0 : i32
    %dma_start3A_77 = tpu.memref_slice %arg9[%add3A_70, %dma_start3A_76] : memref<10240x128xf32, #tpu.memory_space<vmem_shared>> -> memref<80x128xf32, #tpu.memory_space<vmem_shared>>
    %dma_start3A_78 = arith.constant 0 : i32
    %dma_start3A_79 = tpu.memref_slice %arg9[%add3A_70, %dma_start3A_78] : memref<10240x128xf32, #tpu.memory_space<vmem_shared>> -> memref<80x128xf32, #tpu.memory_space<vmem_shared>>
    %dma_start3A_80 = arith.constant 0 : i32
    %dma_start3A_81 = arith.constant 0 : i32
    %dma_start3A_82 = tpu.memref_slice %arg8[%dma_start3A_71, %dma_start3A_80, %dma_start3A_81] : memref<2x80x128xf32, #tpu.memory_space<vmem>> -> memref<1x80x128xf32, #tpu.memory_space<vmem>>
    %dma_start3A_83 = tpu.memref_squeeze %dma_start3A_82 : memref<1x80x128xf32, #tpu.memory_space<vmem>> -> memref<80x128xf32, #tpu.memory_space<vmem>>
    tpu.enqueue_dma source(%dma_start3A_83 : memref<80x128xf32, #tpu.memory_space<vmem>>) target(%dma_start3A_79 : memref<80x128xf32, #tpu.memory_space<vmem_shared>>) target_semaphore(%arg17 : memref<!tpu.dma_semaphore, #tpu.memory_space<semaphore_mem>>)
    %add3A_84 = arith.constant 320 : i32
    %add3A_85 = arith.addi %mul3A_3, %add3A_84 : i32
    %dma_start3A_86 = arith.constant 0 : i32
    %dma_start3A_87 = arith.constant 0 : i32
    %dma_start3A_88 = arith.constant 0 : i32
    %dma_start3A_89 = tpu.memref_slice %arg8[%dma_start3A_86, %dma_start3A_87, %dma_start3A_88] : memref<2x80x128xf32, #tpu.memory_space<vmem>> -> memref<1x80x128xf32, #tpu.memory_space<vmem>>
    %dma_start3A_90 = tpu.memref_squeeze %dma_start3A_89 : memref<1x80x128xf32, #tpu.memory_space<vmem>> -> memref<80x128xf32, #tpu.memory_space<vmem>>
    %dma_start3A_91 = arith.constant 0 : i32
    %dma_start3A_92 = tpu.memref_slice %arg9[%add3A_85, %dma_start3A_91] : memref<10240x128xf32, #tpu.memory_space<vmem_shared>> -> memref<80x128xf32, #tpu.memory_space<vmem_shared>>
    %dma_start3A_93 = arith.constant 0 : i32
    %dma_start3A_94 = tpu.memref_slice %arg9[%add3A_85, %dma_start3A_93] : memref<10240x128xf32, #tpu.memory_space<vmem_shared>> -> memref<80x128xf32, #tpu.memory_space<vmem_shared>>
    %dma_start3A_95 = arith.constant 0 : i32
    %dma_start3A_96 = arith.constant 0 : i32
    %dma_start3A_97 = tpu.memref_slice %arg8[%dma_start3A_86, %dma_start3A_95, %dma_start3A_96] : memref<2x80x128xf32, #tpu.memory_space<vmem>> -> memref<1x80x128xf32, #tpu.memory_space<vmem>>
    %dma_start3A_98 = tpu.memref_squeeze %dma_start3A_97 : memref<1x80x128xf32, #tpu.memory_space<vmem>> -> memref<80x128xf32, #tpu.memory_space<vmem>>
    tpu.enqueue_dma source(%dma_start3A_98 : memref<80x128xf32, #tpu.memory_space<vmem>>) target(%dma_start3A_94 : memref<80x128xf32, #tpu.memory_space<vmem_shared>>) target_semaphore(%arg18 : memref<!tpu.dma_semaphore, #tpu.memory_space<semaphore_mem>>)
    %add3A_99 = arith.constant 400 : i32
    %add3A_100 = arith.addi %mul3A_3, %add3A_99 : i32
    %dma_start3A_101 = arith.constant 0 : i32
    %dma_start3A_102 = arith.constant 0 : i32
    %dma_start3A_103 = arith.constant 0 : i32
    %dma_start3A_104 = tpu.memref_slice %arg8[%dma_start3A_101, %dma_start3A_102, %dma_start3A_103] : memref<2x80x128xf32, #tpu.memory_space<vmem>> -> memref<1x80x128xf32, #tpu.memory_space<vmem>>
    %dma_start3A_105 = tpu.memref_squeeze %dma_start3A_104 : memref<1x80x128xf32, #tpu.memory_space<vmem>> -> memref<80x128xf32, #tpu.memory_space<vmem>>
    %dma_start3A_106 = arith.constant 0 : i32
    %dma_start3A_107 = tpu.memref_slice %arg9[%add3A_100, %dma_start3A_106] : memref<10240x128xf32, #tpu.memory_space<vmem_shared>> -> memref<80x128xf32, #tpu.memory_space<vmem_shared>>
    %dma_start3A_108 = arith.constant 0 : i32
    %dma_start3A_109 = tpu.memref_slice %arg9[%add3A_100, %dma_start3A_108] : memref<10240x128xf32, #tpu.memory_space<vmem_shared>> -> memref<80x128xf32, #tpu.memory_space<vmem_shared>>
    %dma_start3A_110 = arith.constant 0 : i32
    %dma_start3A_111 = arith.constant 0 : i32
    %dma_start3A_112 = tpu.memref_slice %arg8[%dma_start3A_101, %dma_start3A_110, %dma_start3A_111] : memref<2x80x128xf32, #tpu.memory_space<vmem>> -> memref<1x80x128xf32, #tpu.memory_space<vmem>>
    %dma_start3A_113 = tpu.memref_squeeze %dma_start3A_112 : memref<1x80x128xf32, #tpu.memory_space<vmem>> -> memref<80x128xf32, #tpu.memory_space<vmem>>
    tpu.enqueue_dma source(%dma_start3A_113 : memref<80x128xf32, #tpu.memory_space<vmem>>) target(%dma_start3A_109 : memref<80x128xf32, #tpu.memory_space<vmem_shared>>) target_semaphore(%arg19 : memref<!tpu.dma_semaphore, #tpu.memory_space<semaphore_mem>>)
    %add3A_114 = arith.constant 480 : i32
    %add3A_115 = arith.addi %mul3A_3, %add3A_114 : i32
    %dma_start3A_116 = arith.constant 0 : i32
    %dma_start3A_117 = arith.constant 0 : i32
    %dma_start3A_118 = arith.constant 0 : i32
    %dma_start3A_119 = tpu.memref_slice %arg8[%dma_start3A_116, %dma_start3A_117, %dma_start3A_118] : memref<2x80x128xf32, #tpu.memory_space<vmem>> -> memref<1x80x128xf32, #tpu.memory_space<vmem>>
    %dma_start3A_120 = tpu.memref_squeeze %dma_start3A_119 : memref<1x80x128xf32, #tpu.memory_space<vmem>> -> memref<80x128xf32, #tpu.memory_space<vmem>>
    %dma_start3A_121 = arith.constant 0 : i32
    %dma_start3A_122 = tpu.memref_slice %arg9[%add3A_115, %dma_start3A_121] : memref<10240x128xf32, #tpu.memory_space<vmem_shared>> -> memref<80x128xf32, #tpu.memory_space<vmem_shared>>
    %dma_start3A_123 = arith.constant 0 : i32
    %dma_start3A_124 = tpu.memref_slice %arg9[%add3A_115, %dma_start3A_123] : memref<10240x128xf32, #tpu.memory_space<vmem_shared>> -> memref<80x128xf32, #tpu.memory_space<vmem_shared>>
    %dma_start3A_125 = arith.constant 0 : i32
    %dma_start3A_126 = arith.constant 0 : i32
    %dma_start3A_127 = tpu.memref_slice %arg8[%dma_start3A_116, %dma_start3A_125, %dma_start3A_126] : memref<2x80x128xf32, #tpu.memory_space<vmem>> -> memref<1x80x128xf32, #tpu.memory_space<vmem>>
    %dma_start3A_128 = tpu.memref_squeeze %dma_start3A_127 : memref<1x80x128xf32, #tpu.memory_space<vmem>> -> memref<80x128xf32, #tpu.memory_space<vmem>>
    tpu.enqueue_dma source(%dma_start3A_128 : memref<80x128xf32, #tpu.memory_space<vmem>>) target(%dma_start3A_124 : memref<80x128xf32, #tpu.memory_space<vmem_shared>>) target_semaphore(%arg20 : memref<!tpu.dma_semaphore, #tpu.memory_space<semaphore_mem>>)
    %add3A_129 = arith.constant 560 : i32
    %add3A_130 = arith.addi %mul3A_3, %add3A_129 : i32
    %dma_start3A_131 = arith.constant 0 : i32
    %dma_start3A_132 = arith.constant 0 : i32
    %dma_start3A_133 = arith.constant 0 : i32
    %dma_start3A_134 = tpu.memref_slice %arg8[%dma_start3A_131, %dma_start3A_132, %dma_start3A_133] : memref<2x80x128xf32, #tpu.memory_space<vmem>> -> memref<1x80x128xf32, #tpu.memory_space<vmem>>
    %dma_start3A_135 = tpu.memref_squeeze %dma_start3A_134 : memref<1x80x128xf32, #tpu.memory_space<vmem>> -> memref<80x128xf32, #tpu.memory_space<vmem>>
    %dma_start3A_136 = arith.constant 0 : i32
    %dma_start3A_137 = tpu.memref_slice %arg9[%add3A_130, %dma_start3A_136] : memref<10240x128xf32, #tpu.memory_space<vmem_shared>> -> memref<80x128xf32, #tpu.memory_space<vmem_shared>>
    %dma_start3A_138 = arith.constant 0 : i32
    %dma_start3A_139 = tpu.memref_slice %arg9[%add3A_130, %dma_start3A_138] : memref<10240x128xf32, #tpu.memory_space<vmem_shared>> -> memref<80x128xf32, #tpu.memory_space<vmem_shared>>
    %dma_start3A_140 = arith.constant 0 : i32
    %dma_start3A_141 = arith.constant 0 : i32
    %dma_start3A_142 = tpu.memref_slice %arg8[%dma_start3A_131, %dma_start3A_140, %dma_start3A_141] : memref<2x80x128xf32, #tpu.memory_space<vmem>> -> memref<1x80x128xf32, #tpu.memory_space<vmem>>
    %dma_start3A_143 = tpu.memref_squeeze %dma_start3A_142 : memref<1x80x128xf32, #tpu.memory_space<vmem>> -> memref<80x128xf32, #tpu.memory_space<vmem>>
    tpu.enqueue_dma source(%dma_start3A_143 : memref<80x128xf32, #tpu.memory_space<vmem>>) target(%dma_start3A_139 : memref<80x128xf32, #tpu.memory_space<vmem_shared>>) target_semaphore(%arg21 : memref<!tpu.dma_semaphore, #tpu.memory_space<semaphore_mem>>)
    %dma_wait3A = arith.constant 0 : i32
    %dma_wait3A_144 = arith.constant 0 : i32
    %dma_wait3A_145 = tpu.memref_slice %arg3[%add3A, %dma_wait3A, %dma_wait3A_144] : memref<32x125x80xi32, #tpu.memory_space<hbm>> -> memref<1x125x80xi32, #tpu.memory_space<hbm>>
    %dma_wait3A_146 = tpu.memref_squeeze %dma_wait3A_145 : memref<1x125x80xi32, #tpu.memory_space<hbm>> -> memref<125x80xi32, #tpu.memory_space<hbm>>
    %dma_wait3A_147 = arith.constant 0 : i32
    %dma_wait3A_148 = arith.constant 0 : i32
    %dma_wait3A_149 = tpu.memref_slice %arg3[%add3A, %dma_wait3A_147, %dma_wait3A_148] : memref<32x125x80xi32, #tpu.memory_space<hbm>> -> memref<1x125x80xi32, #tpu.memory_space<hbm>>
    %dma_wait3A_150 = tpu.memref_squeeze %dma_wait3A_149 : memref<1x125x80xi32, #tpu.memory_space<hbm>> -> memref<125x80xi32, #tpu.memory_space<hbm>>
    tpu.wait_dma2 semaphore(%arg12 : memref<!tpu.dma_semaphore, #tpu.memory_space<semaphore_mem>>) src(%dma_wait3A_150 : memref<125x80xi32, #tpu.memory_space<hbm>>) dst(%arg6 : memref<125x80xi32, #tpu.memory_space<vmem>>)
    %dma_wait3A_151 = arith.constant 0 : i32
    %dma_wait3A_152 = arith.constant 0 : i32
    %dma_wait3A_153 = tpu.memref_slice %arg4[%add3A, %dma_wait3A_151, %dma_wait3A_152] : memref<32x125x80xi32, #tpu.memory_space<hbm>> -> memref<1x125x80xi32, #tpu.memory_space<hbm>>
    %dma_wait3A_154 = tpu.memref_squeeze %dma_wait3A_153 : memref<1x125x80xi32, #tpu.memory_space<hbm>> -> memref<125x80xi32, #tpu.memory_space<hbm>>
    %dma_wait3A_155 = arith.constant 0 : i32
    %dma_wait3A_156 = arith.constant 0 : i32
    %dma_wait3A_157 = tpu.memref_slice %arg4[%add3A, %dma_wait3A_155, %dma_wait3A_156] : memref<32x125x80xi32, #tpu.memory_space<hbm>> -> memref<1x125x80xi32, #tpu.memory_space<hbm>>
    %dma_wait3A_158 = tpu.memref_squeeze %dma_wait3A_157 : memref<1x125x80xi32, #tpu.memory_space<hbm>> -> memref<125x80xi32, #tpu.memory_space<hbm>>
    tpu.wait_dma2 semaphore(%arg13 : memref<!tpu.dma_semaphore, #tpu.memory_space<semaphore_mem>>) src(%dma_wait3A_158 : memref<125x80xi32, #tpu.memory_space<hbm>>) dst(%arg7 : memref<125x80xi32, #tpu.memory_space<vmem>>)
    %add3A_159 = arith.constant 0 : i32
    %add3A_160 = arith.addi %mul3A_3, %add3A_159 : i32
    %dma_wait3A_161 = arith.constant 0 : i32
    %dma_wait3A_162 = arith.constant 0 : i32
    %dma_wait3A_163 = arith.constant 0 : i32
    %dma_wait3A_164 = tpu.memref_slice %arg8[%dma_wait3A_161, %dma_wait3A_162, %dma_wait3A_163] : memref<2x80x128xf32, #tpu.memory_space<vmem>> -> memref<1x80x128xf32, #tpu.memory_space<vmem>>
    %dma_wait3A_165 = tpu.memref_squeeze %dma_wait3A_164 : memref<1x80x128xf32, #tpu.memory_space<vmem>> -> memref<80x128xf32, #tpu.memory_space<vmem>>
    %dma_wait3A_166 = arith.constant 0 : i32
    %dma_wait3A_167 = tpu.memref_slice %arg9[%add3A_160, %dma_wait3A_166] : memref<10240x128xf32, #tpu.memory_space<vmem_shared>> -> memref<80x128xf32, #tpu.memory_space<vmem_shared>>
    %dma_wait3A_168 = arith.constant 0 : i32
    %dma_wait3A_169 = tpu.memref_slice %arg9[%add3A_160, %dma_wait3A_168] : memref<10240x128xf32, #tpu.memory_space<vmem_shared>> -> memref<80x128xf32, #tpu.memory_space<vmem_shared>>
    %dma_wait3A_170 = arith.constant 0 : i32
    %dma_wait3A_171 = arith.constant 0 : i32
    %dma_wait3A_172 = tpu.memref_slice %arg8[%dma_wait3A_161, %dma_wait3A_170, %dma_wait3A_171] : memref<2x80x128xf32, #tpu.memory_space<vmem>> -> memref<1x80x128xf32, #tpu.memory_space<vmem>>
    %dma_wait3A_173 = tpu.memref_squeeze %dma_wait3A_172 : memref<1x80x128xf32, #tpu.memory_space<vmem>> -> memref<80x128xf32, #tpu.memory_space<vmem>>
    tpu.wait_dma2 semaphore(%arg14 : memref<!tpu.dma_semaphore, #tpu.memory_space<semaphore_mem>>) src(%dma_wait3A_173 : memref<80x128xf32, #tpu.memory_space<vmem>>) dst(%dma_wait3A_169 : memref<80x128xf32, #tpu.memory_space<vmem_shared>>)
    %add3A_174 = arith.constant 80 : i32
    %add3A_175 = arith.addi %mul3A_3, %add3A_174 : i32
    %dma_wait3A_176 = arith.constant 0 : i32
    %dma_wait3A_177 = arith.constant 0 : i32
    %dma_wait3A_178 = arith.constant 0 : i32
    %dma_wait3A_179 = tpu.memref_slice %arg8[%dma_wait3A_176, %dma_wait3A_177, %dma_wait3A_178] : memref<2x80x128xf32, #tpu.memory_space<vmem>> -> memref<1x80x128xf32, #tpu.memory_space<vmem>>
    %dma_wait3A_180 = tpu.memref_squeeze %dma_wait3A_179 : memref<1x80x128xf32, #tpu.memory_space<vmem>> -> memref<80x128xf32, #tpu.memory_space<vmem>>
    %dma_wait3A_181 = arith.constant 0 : i32
    %dma_wait3A_182 = tpu.memref_slice %arg9[%add3A_175, %dma_wait3A_181] : memref<10240x128xf32, #tpu.memory_space<vmem_shared>> -> memref<80x128xf32, #tpu.memory_space<vmem_shared>>
    %dma_wait3A_183 = arith.constant 0 : i32
    %dma_wait3A_184 = tpu.memref_slice %arg9[%add3A_175, %dma_wait3A_183] : memref<10240x128xf32, #tpu.memory_space<vmem_shared>> -> memref<80x128xf32, #tpu.memory_space<vmem_shared>>
    %dma_wait3A_185 = arith.constant 0 : i32
    %dma_wait3A_186 = arith.constant 0 : i32
    %dma_wait3A_187 = tpu.memref_slice %arg8[%dma_wait3A_176, %dma_wait3A_185, %dma_wait3A_186] : memref<2x80x128xf32, #tpu.memory_space<vmem>> -> memref<1x80x128xf32, #tpu.memory_space<vmem>>
    %dma_wait3A_188 = tpu.memref_squeeze %dma_wait3A_187 : memref<1x80x128xf32, #tpu.memory_space<vmem>> -> memref<80x128xf32, #tpu.memory_space<vmem>>
    tpu.wait_dma2 semaphore(%arg15 : memref<!tpu.dma_semaphore, #tpu.memory_space<semaphore_mem>>) src(%dma_wait3A_188 : memref<80x128xf32, #tpu.memory_space<vmem>>) dst(%dma_wait3A_184 : memref<80x128xf32, #tpu.memory_space<vmem_shared>>)
    %add3A_189 = arith.constant 160 : i32
    %add3A_190 = arith.addi %mul3A_3, %add3A_189 : i32
    %dma_wait3A_191 = arith.constant 0 : i32
    %dma_wait3A_192 = arith.constant 0 : i32
    %dma_wait3A_193 = arith.constant 0 : i32
    %dma_wait3A_194 = tpu.memref_slice %arg8[%dma_wait3A_191, %dma_wait3A_192, %dma_wait3A_193] : memref<2x80x128xf32, #tpu.memory_space<vmem>> -> memref<1x80x128xf32, #tpu.memory_space<vmem>>
    %dma_wait3A_195 = tpu.memref_squeeze %dma_wait3A_194 : memref<1x80x128xf32, #tpu.memory_space<vmem>> -> memref<80x128xf32, #tpu.memory_space<vmem>>
    %dma_wait3A_196 = arith.constant 0 : i32
    %dma_wait3A_197 = tpu.memref_slice %arg9[%add3A_190, %dma_wait3A_196] : memref<10240x128xf32, #tpu.memory_space<vmem_shared>> -> memref<80x128xf32, #tpu.memory_space<vmem_shared>>
    %dma_wait3A_198 = arith.constant 0 : i32
    %dma_wait3A_199 = tpu.memref_slice %arg9[%add3A_190, %dma_wait3A_198] : memref<10240x128xf32, #tpu.memory_space<vmem_shared>> -> memref<80x128xf32, #tpu.memory_space<vmem_shared>>
    %dma_wait3A_200 = arith.constant 0 : i32
    %dma_wait3A_201 = arith.constant 0 : i32
    %dma_wait3A_202 = tpu.memref_slice %arg8[%dma_wait3A_191, %dma_wait3A_200, %dma_wait3A_201] : memref<2x80x128xf32, #tpu.memory_space<vmem>> -> memref<1x80x128xf32, #tpu.memory_space<vmem>>
    %dma_wait3A_203 = tpu.memref_squeeze %dma_wait3A_202 : memref<1x80x128xf32, #tpu.memory_space<vmem>> -> memref<80x128xf32, #tpu.memory_space<vmem>>
    tpu.wait_dma2 semaphore(%arg16 : memref<!tpu.dma_semaphore, #tpu.memory_space<semaphore_mem>>) src(%dma_wait3A_203 : memref<80x128xf32, #tpu.memory_space<vmem>>) dst(%dma_wait3A_199 : memref<80x128xf32, #tpu.memory_space<vmem_shared>>)
    %add3A_204 = arith.constant 240 : i32
    %add3A_205 = arith.addi %mul3A_3, %add3A_204 : i32
    %dma_wait3A_206 = arith.constant 0 : i32
    %dma_wait3A_207 = arith.constant 0 : i32
    %dma_wait3A_208 = arith.constant 0 : i32
    %dma_wait3A_209 = tpu.memref_slice %arg8[%dma_wait3A_206, %dma_wait3A_207, %dma_wait3A_208] : memref<2x80x128xf32, #tpu.memory_space<vmem>> -> memref<1x80x128xf32, #tpu.memory_space<vmem>>
    %dma_wait3A_210 = tpu.memref_squeeze %dma_wait3A_209 : memref<1x80x128xf32, #tpu.memory_space<vmem>> -> memref<80x128xf32, #tpu.memory_space<vmem>>
    %dma_wait3A_211 = arith.constant 0 : i32
    %dma_wait3A_212 = tpu.memref_slice %arg9[%add3A_205, %dma_wait3A_211] : memref<10240x128xf32, #tpu.memory_space<vmem_shared>> -> memref<80x128xf32, #tpu.memory_space<vmem_shared>>
    %dma_wait3A_213 = arith.constant 0 : i32
    %dma_wait3A_214 = tpu.memref_slice %arg9[%add3A_205, %dma_wait3A_213] : memref<10240x128xf32, #tpu.memory_space<vmem_shared>> -> memref<80x128xf32, #tpu.memory_space<vmem_shared>>
    %dma_wait3A_215 = arith.constant 0 : i32
    %dma_wait3A_216 = arith.constant 0 : i32
    %dma_wait3A_217 = tpu.memref_slice %arg8[%dma_wait3A_206, %dma_wait3A_215, %dma_wait3A_216] : memref<2x80x128xf32, #tpu.memory_space<vmem>> -> memref<1x80x128xf32, #tpu.memory_space<vmem>>
    %dma_wait3A_218 = tpu.memref_squeeze %dma_wait3A_217 : memref<1x80x128xf32, #tpu.memory_space<vmem>> -> memref<80x128xf32, #tpu.memory_space<vmem>>
    tpu.wait_dma2 semaphore(%arg17 : memref<!tpu.dma_semaphore, #tpu.memory_space<semaphore_mem>>) src(%dma_wait3A_218 : memref<80x128xf32, #tpu.memory_space<vmem>>) dst(%dma_wait3A_214 : memref<80x128xf32, #tpu.memory_space<vmem_shared>>)
    %add3A_219 = arith.constant 320 : i32
    %add3A_220 = arith.addi %mul3A_3, %add3A_219 : i32
    %dma_wait3A_221 = arith.constant 0 : i32
    %dma_wait3A_222 = arith.constant 0 : i32
    %dma_wait3A_223 = arith.constant 0 : i32
    %dma_wait3A_224 = tpu.memref_slice %arg8[%dma_wait3A_221, %dma_wait3A_222, %dma_wait3A_223] : memref<2x80x128xf32, #tpu.memory_space<vmem>> -> memref<1x80x128xf32, #tpu.memory_space<vmem>>
    %dma_wait3A_225 = tpu.memref_squeeze %dma_wait3A_224 : memref<1x80x128xf32, #tpu.memory_space<vmem>> -> memref<80x128xf32, #tpu.memory_space<vmem>>
    %dma_wait3A_226 = arith.constant 0 : i32
    %dma_wait3A_227 = tpu.memref_slice %arg9[%add3A_220, %dma_wait3A_226] : memref<10240x128xf32, #tpu.memory_space<vmem_shared>> -> memref<80x128xf32, #tpu.memory_space<vmem_shared>>
    %dma_wait3A_228 = arith.constant 0 : i32
    %dma_wait3A_229 = tpu.memref_slice %arg9[%add3A_220, %dma_wait3A_228] : memref<10240x128xf32, #tpu.memory_space<vmem_shared>> -> memref<80x128xf32, #tpu.memory_space<vmem_shared>>
    %dma_wait3A_230 = arith.constant 0 : i32
    %dma_wait3A_231 = arith.constant 0 : i32
    %dma_wait3A_232 = tpu.memref_slice %arg8[%dma_wait3A_221, %dma_wait3A_230, %dma_wait3A_231] : memref<2x80x128xf32, #tpu.memory_space<vmem>> -> memref<1x80x128xf32, #tpu.memory_space<vmem>>
    %dma_wait3A_233 = tpu.memref_squeeze %dma_wait3A_232 : memref<1x80x128xf32, #tpu.memory_space<vmem>> -> memref<80x128xf32, #tpu.memory_space<vmem>>
    tpu.wait_dma2 semaphore(%arg18 : memref<!tpu.dma_semaphore, #tpu.memory_space<semaphore_mem>>) src(%dma_wait3A_233 : memref<80x128xf32, #tpu.memory_space<vmem>>) dst(%dma_wait3A_229 : memref<80x128xf32, #tpu.memory_space<vmem_shared>>)
    %add3A_234 = arith.constant 400 : i32
    %add3A_235 = arith.addi %mul3A_3, %add3A_234 : i32
    %dma_wait3A_236 = arith.constant 0 : i32
    %dma_wait3A_237 = arith.constant 0 : i32
    %dma_wait3A_238 = arith.constant 0 : i32
    %dma_wait3A_239 = tpu.memref_slice %arg8[%dma_wait3A_236, %dma_wait3A_237, %dma_wait3A_238] : memref<2x80x128xf32, #tpu.memory_space<vmem>> -> memref<1x80x128xf32, #tpu.memory_space<vmem>>
    %dma_wait3A_240 = tpu.memref_squeeze %dma_wait3A_239 : memref<1x80x128xf32, #tpu.memory_space<vmem>> -> memref<80x128xf32, #tpu.memory_space<vmem>>
    %dma_wait3A_241 = arith.constant 0 : i32
    %dma_wait3A_242 = tpu.memref_slice %arg9[%add3A_235, %dma_wait3A_241] : memref<10240x128xf32, #tpu.memory_space<vmem_shared>> -> memref<80x128xf32, #tpu.memory_space<vmem_shared>>
    %dma_wait3A_243 = arith.constant 0 : i32
    %dma_wait3A_244 = tpu.memref_slice %arg9[%add3A_235, %dma_wait3A_243] : memref<10240x128xf32, #tpu.memory_space<vmem_shared>> -> memref<80x128xf32, #tpu.memory_space<vmem_shared>>
    %dma_wait3A_245 = arith.constant 0 : i32
    %dma_wait3A_246 = arith.constant 0 : i32
    %dma_wait3A_247 = tpu.memref_slice %arg8[%dma_wait3A_236, %dma_wait3A_245, %dma_wait3A_246] : memref<2x80x128xf32, #tpu.memory_space<vmem>> -> memref<1x80x128xf32, #tpu.memory_space<vmem>>
    %dma_wait3A_248 = tpu.memref_squeeze %dma_wait3A_247 : memref<1x80x128xf32, #tpu.memory_space<vmem>> -> memref<80x128xf32, #tpu.memory_space<vmem>>
    tpu.wait_dma2 semaphore(%arg19 : memref<!tpu.dma_semaphore, #tpu.memory_space<semaphore_mem>>) src(%dma_wait3A_248 : memref<80x128xf32, #tpu.memory_space<vmem>>) dst(%dma_wait3A_244 : memref<80x128xf32, #tpu.memory_space<vmem_shared>>)
    %add3A_249 = arith.constant 480 : i32
    %add3A_250 = arith.addi %mul3A_3, %add3A_249 : i32
    %dma_wait3A_251 = arith.constant 0 : i32
    %dma_wait3A_252 = arith.constant 0 : i32
    %dma_wait3A_253 = arith.constant 0 : i32
    %dma_wait3A_254 = tpu.memref_slice %arg8[%dma_wait3A_251, %dma_wait3A_252, %dma_wait3A_253] : memref<2x80x128xf32, #tpu.memory_space<vmem>> -> memref<1x80x128xf32, #tpu.memory_space<vmem>>
    %dma_wait3A_255 = tpu.memref_squeeze %dma_wait3A_254 : memref<1x80x128xf32, #tpu.memory_space<vmem>> -> memref<80x128xf32, #tpu.memory_space<vmem>>
    %dma_wait3A_256 = arith.constant 0 : i32
    %dma_wait3A_257 = tpu.memref_slice %arg9[%add3A_250, %dma_wait3A_256] : memref<10240x128xf32, #tpu.memory_space<vmem_shared>> -> memref<80x128xf32, #tpu.memory_space<vmem_shared>>
    %dma_wait3A_258 = arith.constant 0 : i32
    %dma_wait3A_259 = tpu.memref_slice %arg9[%add3A_250, %dma_wait3A_258] : memref<10240x128xf32, #tpu.memory_space<vmem_shared>> -> memref<80x128xf32, #tpu.memory_space<vmem_shared>>
    %dma_wait3A_260 = arith.constant 0 : i32
    %dma_wait3A_261 = arith.constant 0 : i32
    %dma_wait3A_262 = tpu.memref_slice %arg8[%dma_wait3A_251, %dma_wait3A_260, %dma_wait3A_261] : memref<2x80x128xf32, #tpu.memory_space<vmem>> -> memref<1x80x128xf32, #tpu.memory_space<vmem>>
    %dma_wait3A_263 = tpu.memref_squeeze %dma_wait3A_262 : memref<1x80x128xf32, #tpu.memory_space<vmem>> -> memref<80x128xf32, #tpu.memory_space<vmem>>
    tpu.wait_dma2 semaphore(%arg20 : memref<!tpu.dma_semaphore, #tpu.memory_space<semaphore_mem>>) src(%dma_wait3A_263 : memref<80x128xf32, #tpu.memory_space<vmem>>) dst(%dma_wait3A_259 : memref<80x128xf32, #tpu.memory_space<vmem_shared>>)
    %add3A_264 = arith.constant 560 : i32
    %add3A_265 = arith.addi %mul3A_3, %add3A_264 : i32
    %dma_wait3A_266 = arith.constant 0 : i32
    %dma_wait3A_267 = arith.constant 0 : i32
    %dma_wait3A_268 = arith.constant 0 : i32
    %dma_wait3A_269 = tpu.memref_slice %arg8[%dma_wait3A_266, %dma_wait3A_267, %dma_wait3A_268] : memref<2x80x128xf32, #tpu.memory_space<vmem>> -> memref<1x80x128xf32, #tpu.memory_space<vmem>>
    %dma_wait3A_270 = tpu.memref_squeeze %dma_wait3A_269 : memref<1x80x128xf32, #tpu.memory_space<vmem>> -> memref<80x128xf32, #tpu.memory_space<vmem>>
    %dma_wait3A_271 = arith.constant 0 : i32
    %dma_wait3A_272 = tpu.memref_slice %arg9[%add3A_265, %dma_wait3A_271] : memref<10240x128xf32, #tpu.memory_space<vmem_shared>> -> memref<80x128xf32, #tpu.memory_space<vmem_shared>>
    %dma_wait3A_273 = arith.constant 0 : i32
    %dma_wait3A_274 = tpu.memref_slice %arg9[%add3A_265, %dma_wait3A_273] : memref<10240x128xf32, #tpu.memory_space<vmem_shared>> -> memref<80x128xf32, #tpu.memory_space<vmem_shared>>
    %dma_wait3A_275 = arith.constant 0 : i32
    %dma_wait3A_276 = arith.constant 0 : i32
    %dma_wait3A_277 = tpu.memref_slice %arg8[%dma_wait3A_266, %dma_wait3A_275, %dma_wait3A_276] : memref<2x80x128xf32, #tpu.memory_space<vmem>> -> memref<1x80x128xf32, #tpu.memory_space<vmem>>
    %dma_wait3A_278 = tpu.memref_squeeze %dma_wait3A_277 : memref<1x80x128xf32, #tpu.memory_space<vmem>> -> memref<80x128xf32, #tpu.memory_space<vmem>>
    tpu.wait_dma2 semaphore(%arg21 : memref<!tpu.dma_semaphore, #tpu.memory_space<semaphore_mem>>) src(%dma_wait3A_278 : memref<80x128xf32, #tpu.memory_space<vmem>>) dst(%dma_wait3A_274 : memref<80x128xf32, #tpu.memory_space<vmem_shared>>)
    %barrier3A = arith.constant 0 : index
    tpu.barrier barrier_id(%barrier3A)
    %dma_start3A_279 = arith.constant 0 : i32
    %dma_start3A_280 = arith.constant 0 : i32
    %dma_start3A_281 = arith.constant 0 : i32
    %dma_start3A_282 = arith.constant 0 : i32
    %dma_start3A_283 = tpu.memref_slice %arg8[%dma_start3A_280, %dma_start3A_281, %dma_start3A_282] : memref<2x80x128xf32, #tpu.memory_space<vmem>> -> memref<1x80x128xf32, #tpu.memory_space<vmem>>
    %dma_start3A_284 = tpu.memref_squeeze %dma_start3A_283 : memref<1x80x128xf32, #tpu.memory_space<vmem>> -> memref<80x128xf32, #tpu.memory_space<vmem>>
    %dma_start3A_285 = arith.constant 0 : i32
    %dma_start3A_286 = tpu.memref_slice %arg6[%dma_start3A_279, %dma_start3A_285] : memref<125x80xi32, #tpu.memory_space<vmem>> -> memref<1x80xi32, #tpu.memory_space<vmem>>
    %dma_start3A_287 = tpu.memref_squeeze %dma_start3A_286 : memref<1x80xi32, #tpu.memory_space<vmem>> -> memref<80xi32, #tpu.memory_space<vmem>>
    %dma_start3A_288 = arith.constant 0 : i32
    %dma_start3A_289 = arith.constant 0 : i32
    %dma_start3A_290 = tpu.memref_slice %arg2[%dma_start3A_288, %dma_start3A_289] : memref<10240x128xf32, #tpu.memory_space<hbm>> -> memref<10240x128xf32, #tpu.memory_space<hbm>>
    tpu.enqueue_indirect_dma source(%dma_start3A_290 : memref<10240x128xf32, #tpu.memory_space<hbm>>) target(%dma_start3A_284 : memref<80x128xf32, #tpu.memory_space<vmem>>) offsets(%dma_start3A_287 : memref<80xi32, #tpu.memory_space<vmem>>) semaphore(%arg10 : memref<!tpu.dma_semaphore, #tpu.memory_space<semaphore_mem>>)
    %dma_start3A_291 = arith.constant 1 : i32
    %dma_start3A_292 = arith.constant 1 : i32
    %dma_start3A_293 = arith.constant 0 : i32
    %dma_start3A_294 = arith.constant 0 : i32
    %dma_start3A_295 = tpu.memref_slice %arg8[%dma_start3A_292, %dma_start3A_293, %dma_start3A_294] : memref<2x80x128xf32, #tpu.memory_space<vmem>> -> memref<1x80x128xf32, #tpu.memory_space<vmem>>
    %dma_start3A_296 = tpu.memref_squeeze %dma_start3A_295 : memref<1x80x128xf32, #tpu.memory_space<vmem>> -> memref<80x128xf32, #tpu.memory_space<vmem>>
    %dma_start3A_297 = arith.constant 0 : i32
    %dma_start3A_298 = tpu.memref_slice %arg6[%dma_start3A_291, %dma_start3A_297] : memref<125x80xi32, #tpu.memory_space<vmem>> -> memref<1x80xi32, #tpu.memory_space<vmem>>
    %dma_start3A_299 = tpu.memref_squeeze %dma_start3A_298 : memref<1x80xi32, #tpu.memory_space<vmem>> -> memref<80xi32, #tpu.memory_space<vmem>>
    %dma_start3A_300 = arith.constant 0 : i32
    %dma_start3A_301 = arith.constant 0 : i32
    %dma_start3A_302 = tpu.memref_slice %arg2[%dma_start3A_300, %dma_start3A_301] : memref<10240x128xf32, #tpu.memory_space<hbm>> -> memref<10240x128xf32, #tpu.memory_space<hbm>>
    tpu.enqueue_indirect_dma source(%dma_start3A_302 : memref<10240x128xf32, #tpu.memory_space<hbm>>) target(%dma_start3A_296 : memref<80x128xf32, #tpu.memory_space<vmem>>) offsets(%dma_start3A_299 : memref<80xi32, #tpu.memory_space<vmem>>) semaphore(%arg11 : memref<!tpu.dma_semaphore, #tpu.memory_space<semaphore_mem>>)
    %scan3A_303 = arith.constant 0 : i32
    %scan3A_304 = arith.constant 0 : i32
    %scan3A_305 = arith.constant 63 : i32
    %scan3A_306 = arith.addi %scan3A_304, %scan3A_305 : i32
    %scan3A_307 = arith.constant 1 : i32
    scf.for %scan3A_313 = %scan3A_304 to %scan3A_306 step %scan3A_307  : i32 {
      %mul3A_314 = arith.constant 2 : i32
      %mul3A_315 = arith.muli %scan3A_313, %mul3A_314 : i32
      %add3A_316 = arith.constant 0 : i32
      %add3A_317 = arith.addi %mul3A_315, %add3A_316 : i32
      %lt3A = arith.constant 125 : i32
      %lt3A_318 = arith.cmpi slt, %add3A_317, %lt3A : i32
      %convert_element_type3A = arith.extui %lt3A_318 : i1 to i32
      %cond3A = arith.constant 0 : i32
      %cond3A_319 = arith.cmpi ne, %convert_element_type3A, %cond3A : i32
      scf.if %cond3A_319 {
        %dma_wait3A_329 = arith.constant 0 : i32
        %dma_wait3A_330 = arith.constant 0 : i32
        %dma_wait3A_331 = arith.constant 0 : i32
        %dma_wait3A_332 = arith.constant 0 : i32
        %dma_wait3A_333 = tpu.memref_slice %arg8[%dma_wait3A_330, %dma_wait3A_331, %dma_wait3A_332] : memref<2x80x128xf32, #tpu.memory_space<vmem>> -> memref<1x80x128xf32, #tpu.memory_space<vmem>>
        %dma_wait3A_334 = tpu.memref_squeeze %dma_wait3A_333 : memref<1x80x128xf32, #tpu.memory_space<vmem>> -> memref<80x128xf32, #tpu.memory_space<vmem>>
        %dma_wait3A_335 = arith.constant 0 : i32
        %dma_wait3A_336 = tpu.memref_slice %arg6[%dma_wait3A_329, %dma_wait3A_335] : memref<125x80xi32, #tpu.memory_space<vmem>> -> memref<1x80xi32, #tpu.memory_space<vmem>>
        %dma_wait3A_337 = tpu.memref_squeeze %dma_wait3A_336 : memref<1x80xi32, #tpu.memory_space<vmem>> -> memref<80xi32, #tpu.memory_space<vmem>>
        %dma_wait3A_338 = arith.constant 0 : i32
        %dma_wait3A_339 = arith.constant 0 : i32
        %dma_wait3A_340 = tpu.memref_slice %arg2[%dma_wait3A_338, %dma_wait3A_339] : memref<10240x128xf32, #tpu.memory_space<hbm>> -> memref<10240x128xf32, #tpu.memory_space<hbm>>
        tpu.wait_indirect_dma semaphore(%arg10 : memref<!tpu.dma_semaphore, #tpu.memory_space<semaphore_mem>>) src(%dma_wait3A_340 : memref<10240x128xf32, #tpu.memory_space<hbm>>) dst(%dma_wait3A_334 : memref<80x128xf32, #tpu.memory_space<vmem>>)
        %run_scoped3A = arith.constant 0 : i32
        "tpu.region"() ({
          %run_scoped3A_348 = tpu.sem_alloc : memref<!tpu.dma_semaphore, #tpu.memory_space<semaphore_mem>>
          %dma_start3A_349 = arith.constant 0 : i32
          %dma_start3A_350 = arith.constant 0 : i32
          %dma_start3A_351 = tpu.memref_slice %arg8[%run_scoped3A, %dma_start3A_349, %dma_start3A_350] : memref<2x80x128xf32, #tpu.memory_space<vmem>> -> memref<1x80x128xf32, #tpu.memory_space<vmem>>
          %dma_start3A_352 = tpu.memref_squeeze %dma_start3A_351 : memref<1x80x128xf32, #tpu.memory_space<vmem>> -> memref<80x128xf32, #tpu.memory_space<vmem>>
          %dma_start3A_353 = arith.constant 0 : i32
          %dma_start3A_354 = tpu.memref_slice %arg7[%add3A_317, %dma_start3A_353] : memref<125x80xi32, #tpu.memory_space<vmem>> -> memref<1x80xi32, #tpu.memory_space<vmem>>
          %dma_start3A_355 = tpu.memref_squeeze %dma_start3A_354 : memref<1x80xi32, #tpu.memory_space<vmem>> -> memref<80xi32, #tpu.memory_space<vmem>>
          %dma_start3A_356 = arith.constant 0 : i32
          %dma_start3A_357 = arith.constant 0 : i32
          %dma_start3A_358 = tpu.memref_slice %arg9[%dma_start3A_356, %dma_start3A_357] : memref<10240x128xf32, #tpu.memory_space<vmem_shared>> -> memref<10240x128xf32, #tpu.memory_space<vmem_shared>>
          tpu.enqueue_indirect_dma source(%dma_start3A_352 : memref<80x128xf32, #tpu.memory_space<vmem>>) target(%dma_start3A_358 : memref<10240x128xf32, #tpu.memory_space<vmem_shared>>) offsets(%dma_start3A_355 : memref<80xi32, #tpu.memory_space<vmem>>) semaphore(%run_scoped3A_348 : memref<!tpu.dma_semaphore, #tpu.memory_space<semaphore_mem>>) {add = true}
          %dma_wait3A_359 = arith.constant 0 : i32
          %dma_wait3A_360 = arith.constant 0 : i32
          %dma_wait3A_361 = tpu.memref_slice %arg8[%run_scoped3A, %dma_wait3A_359, %dma_wait3A_360] : memref<2x80x128xf32, #tpu.memory_space<vmem>> -> memref<1x80x128xf32, #tpu.memory_space<vmem>>
          %dma_wait3A_362 = tpu.memref_squeeze %dma_wait3A_361 : memref<1x80x128xf32, #tpu.memory_space<vmem>> -> memref<80x128xf32, #tpu.memory_space<vmem>>
          %dma_wait3A_363 = arith.constant 0 : i32
          %dma_wait3A_364 = tpu.memref_slice %arg7[%add3A_317, %dma_wait3A_363] : memref<125x80xi32, #tpu.memory_space<vmem>> -> memref<1x80xi32, #tpu.memory_space<vmem>>
          %dma_wait3A_365 = tpu.memref_squeeze %dma_wait3A_364 : memref<1x80xi32, #tpu.memory_space<vmem>> -> memref<80xi32, #tpu.memory_space<vmem>>
          %dma_wait3A_366 = arith.constant 0 : i32
          %dma_wait3A_367 = arith.constant 0 : i32
          %dma_wait3A_368 = tpu.memref_slice %arg9[%dma_wait3A_366, %dma_wait3A_367] : memref<10240x128xf32, #tpu.memory_space<vmem_shared>> -> memref<10240x128xf32, #tpu.memory_space<vmem_shared>>
          tpu.wait_indirect_dma semaphore(%run_scoped3A_348 : memref<!tpu.dma_semaphore, #tpu.memory_space<semaphore_mem>>) src(%dma_wait3A_362 : memref<80x128xf32, #tpu.memory_space<vmem>>) dst(%dma_wait3A_368 : memref<10240x128xf32, #tpu.memory_space<vmem_shared>>)
          tpu.yield
        }) : () -> ()
        %add3A_341 = arith.constant 2 : i32
        %add3A_342 = arith.addi %add3A_317, %add3A_341 : i32
        %lt3A_343 = arith.constant 125 : i32
        %lt3A_344 = arith.cmpi slt, %add3A_342, %lt3A_343 : i32
        %convert_element_type3A_345 = arith.extui %lt3A_344 : i1 to i32
        %cond3A_346 = arith.constant 0 : i32
        %cond3A_347 = arith.cmpi ne, %convert_element_type3A_345, %cond3A_346 : i32
        scf.if %cond3A_347 {
          %add3A_348 = arith.constant 2 : i32
          %add3A_349 = arith.addi %add3A_317, %add3A_348 : i32
          %dma_start3A_350 = arith.constant 0 : i32
          %dma_start3A_351 = arith.constant 0 : i32
          %dma_start3A_352 = arith.constant 0 : i32
          %dma_start3A_353 = tpu.memref_slice %arg8[%dma_start3A_350, %dma_start3A_351, %dma_start3A_352] : memref<2x80x128xf32, #tpu.memory_space<vmem>> -> memref<1x80x128xf32, #tpu.memory_space<vmem>>
          %dma_start3A_354 = tpu.memref_squeeze %dma_start3A_353 : memref<1x80x128xf32, #tpu.memory_space<vmem>> -> memref<80x128xf32, #tpu.memory_space<vmem>>
          %dma_start3A_355 = arith.constant 0 : i32
          %dma_start3A_356 = tpu.memref_slice %arg6[%add3A_349, %dma_start3A_355] : memref<125x80xi32, #tpu.memory_space<vmem>> -> memref<1x80xi32, #tpu.memory_space<vmem>>
          %dma_start3A_357 = tpu.memref_squeeze %dma_start3A_356 : memref<1x80xi32, #tpu.memory_space<vmem>> -> memref<80xi32, #tpu.memory_space<vmem>>
          %dma_start3A_358 = arith.constant 0 : i32
          %dma_start3A_359 = arith.constant 0 : i32
          %dma_start3A_360 = tpu.memref_slice %arg2[%dma_start3A_358, %dma_start3A_359] : memref<10240x128xf32, #tpu.memory_space<hbm>> -> memref<10240x128xf32, #tpu.memory_space<hbm>>
          tpu.enqueue_indirect_dma source(%dma_start3A_360 : memref<10240x128xf32, #tpu.memory_space<hbm>>) target(%dma_start3A_354 : memref<80x128xf32, #tpu.memory_space<vmem>>) offsets(%dma_start3A_357 : memref<80xi32, #tpu.memory_space<vmem>>) semaphore(%arg10 : memref<!tpu.dma_semaphore, #tpu.memory_space<semaphore_mem>>)
        } else {
        }
      } else {
      }
      %mul3A_320 = arith.constant 2 : i32
      %mul3A_321 = arith.muli %scan3A_313, %mul3A_320 : i32
      %add3A_322 = arith.constant 1 : i32
      %add3A_323 = arith.addi %mul3A_321, %add3A_322 : i32
      %lt3A_324 = arith.constant 125 : i32
      %lt3A_325 = arith.cmpi slt, %add3A_323, %lt3A_324 : i32
      %convert_element_type3A_326 = arith.extui %lt3A_325 : i1 to i32
      %cond3A_327 = arith.constant 0 : i32
      %cond3A_328 = arith.cmpi ne, %convert_element_type3A_326, %cond3A_327 : i32
      scf.if %cond3A_328 {
        %dma_wait3A_329 = arith.constant 1 : i32
        %dma_wait3A_330 = arith.constant 1 : i32
        %dma_wait3A_331 = arith.constant 0 : i32
        %dma_wait3A_332 = arith.constant 0 : i32
        %dma_wait3A_333 = tpu.memref_slice %arg8[%dma_wait3A_330, %dma_wait3A_331, %dma_wait3A_332] : memref<2x80x128xf32, #tpu.memory_space<vmem>> -> memref<1x80x128xf32, #tpu.memory_space<vmem>>
        %dma_wait3A_334 = tpu.memref_squeeze %dma_wait3A_333 : memref<1x80x128xf32, #tpu.memory_space<vmem>> -> memref<80x128xf32, #tpu.memory_space<vmem>>
        %dma_wait3A_335 = arith.constant 0 : i32
        %dma_wait3A_336 = tpu.memref_slice %arg6[%dma_wait3A_329, %dma_wait3A_335] : memref<125x80xi32, #tpu.memory_space<vmem>> -> memref<1x80xi32, #tpu.memory_space<vmem>>
        %dma_wait3A_337 = tpu.memref_squeeze %dma_wait3A_336 : memref<1x80xi32, #tpu.memory_space<vmem>> -> memref<80xi32, #tpu.memory_space<vmem>>
        %dma_wait3A_338 = arith.constant 0 : i32
        %dma_wait3A_339 = arith.constant 0 : i32
        %dma_wait3A_340 = tpu.memref_slice %arg2[%dma_wait3A_338, %dma_wait3A_339] : memref<10240x128xf32, #tpu.memory_space<hbm>> -> memref<10240x128xf32, #tpu.memory_space<hbm>>
        tpu.wait_indirect_dma semaphore(%arg11 : memref<!tpu.dma_semaphore, #tpu.memory_space<semaphore_mem>>) src(%dma_wait3A_340 : memref<10240x128xf32, #tpu.memory_space<hbm>>) dst(%dma_wait3A_334 : memref<80x128xf32, #tpu.memory_space<vmem>>)
        %run_scoped3A = arith.constant 1 : i32
        "tpu.region"() ({
          %run_scoped3A_348 = tpu.sem_alloc : memref<!tpu.dma_semaphore, #tpu.memory_space<semaphore_mem>>
          %dma_start3A_349 = arith.constant 0 : i32
          %dma_start3A_350 = arith.constant 0 : i32
          %dma_start3A_351 = tpu.memref_slice %arg8[%run_scoped3A, %dma_start3A_349, %dma_start3A_350] : memref<2x80x128xf32, #tpu.memory_space<vmem>> -> memref<1x80x128xf32, #tpu.memory_space<vmem>>
          %dma_start3A_352 = tpu.memref_squeeze %dma_start3A_351 : memref<1x80x128xf32, #tpu.memory_space<vmem>> -> memref<80x128xf32, #tpu.memory_space<vmem>>
          %dma_start3A_353 = arith.constant 0 : i32
          %dma_start3A_354 = tpu.memref_slice %arg7[%add3A_323, %dma_start3A_353] : memref<125x80xi32, #tpu.memory_space<vmem>> -> memref<1x80xi32, #tpu.memory_space<vmem>>
          %dma_start3A_355 = tpu.memref_squeeze %dma_start3A_354 : memref<1x80xi32, #tpu.memory_space<vmem>> -> memref<80xi32, #tpu.memory_space<vmem>>
          %dma_start3A_356 = arith.constant 0 : i32
          %dma_start3A_357 = arith.constant 0 : i32
          %dma_start3A_358 = tpu.memref_slice %arg9[%dma_start3A_356, %dma_start3A_357] : memref<10240x128xf32, #tpu.memory_space<vmem_shared>> -> memref<10240x128xf32, #tpu.memory_space<vmem_shared>>
          tpu.enqueue_indirect_dma source(%dma_start3A_352 : memref<80x128xf32, #tpu.memory_space<vmem>>) target(%dma_start3A_358 : memref<10240x128xf32, #tpu.memory_space<vmem_shared>>) offsets(%dma_start3A_355 : memref<80xi32, #tpu.memory_space<vmem>>) semaphore(%run_scoped3A_348 : memref<!tpu.dma_semaphore, #tpu.memory_space<semaphore_mem>>) {add = true}
          %dma_wait3A_359 = arith.constant 0 : i32
          %dma_wait3A_360 = arith.constant 0 : i32
          %dma_wait3A_361 = tpu.memref_slice %arg8[%run_scoped3A, %dma_wait3A_359, %dma_wait3A_360] : memref<2x80x128xf32, #tpu.memory_space<vmem>> -> memref<1x80x128xf32, #tpu.memory_space<vmem>>
          %dma_wait3A_362 = tpu.memref_squeeze %dma_wait3A_361 : memref<1x80x128xf32, #tpu.memory_space<vmem>> -> memref<80x128xf32, #tpu.memory_space<vmem>>
          %dma_wait3A_363 = arith.constant 0 : i32
          %dma_wait3A_364 = tpu.memref_slice %arg7[%add3A_323, %dma_wait3A_363] : memref<125x80xi32, #tpu.memory_space<vmem>> -> memref<1x80xi32, #tpu.memory_space<vmem>>
          %dma_wait3A_365 = tpu.memref_squeeze %dma_wait3A_364 : memref<1x80xi32, #tpu.memory_space<vmem>> -> memref<80xi32, #tpu.memory_space<vmem>>
          %dma_wait3A_366 = arith.constant 0 : i32
          %dma_wait3A_367 = arith.constant 0 : i32
          %dma_wait3A_368 = tpu.memref_slice %arg9[%dma_wait3A_366, %dma_wait3A_367] : memref<10240x128xf32, #tpu.memory_space<vmem_shared>> -> memref<10240x128xf32, #tpu.memory_space<vmem_shared>>
          tpu.wait_indirect_dma semaphore(%run_scoped3A_348 : memref<!tpu.dma_semaphore, #tpu.memory_space<semaphore_mem>>) src(%dma_wait3A_362 : memref<80x128xf32, #tpu.memory_space<vmem>>) dst(%dma_wait3A_368 : memref<10240x128xf32, #tpu.memory_space<vmem_shared>>)
          tpu.yield
        }) : () -> ()
        %add3A_341 = arith.constant 2 : i32
        %add3A_342 = arith.addi %add3A_323, %add3A_341 : i32
        %lt3A_343 = arith.constant 125 : i32
        %lt3A_344 = arith.cmpi slt, %add3A_342, %lt3A_343 : i32
        %convert_element_type3A_345 = arith.extui %lt3A_344 : i1 to i32
        %cond3A_346 = arith.constant 0 : i32
        %cond3A_347 = arith.cmpi ne, %convert_element_type3A_345, %cond3A_346 : i32
        scf.if %cond3A_347 {
          %add3A_348 = arith.constant 2 : i32
          %add3A_349 = arith.addi %add3A_323, %add3A_348 : i32
          %dma_start3A_350 = arith.constant 1 : i32
          %dma_start3A_351 = arith.constant 0 : i32
          %dma_start3A_352 = arith.constant 0 : i32
          %dma_start3A_353 = tpu.memref_slice %arg8[%dma_start3A_350, %dma_start3A_351, %dma_start3A_352] : memref<2x80x128xf32, #tpu.memory_space<vmem>> -> memref<1x80x128xf32, #tpu.memory_space<vmem>>
          %dma_start3A_354 = tpu.memref_squeeze %dma_start3A_353 : memref<1x80x128xf32, #tpu.memory_space<vmem>> -> memref<80x128xf32, #tpu.memory_space<vmem>>
          %dma_start3A_355 = arith.constant 0 : i32
          %dma_start3A_356 = tpu.memref_slice %arg6[%add3A_349, %dma_start3A_355] : memref<125x80xi32, #tpu.memory_space<vmem>> -> memref<1x80xi32, #tpu.memory_space<vmem>>
          %dma_start3A_357 = tpu.memref_squeeze %dma_start3A_356 : memref<1x80xi32, #tpu.memory_space<vmem>> -> memref<80xi32, #tpu.memory_space<vmem>>
          %dma_start3A_358 = arith.constant 0 : i32
          %dma_start3A_359 = arith.constant 0 : i32
          %dma_start3A_360 = tpu.memref_slice %arg2[%dma_start3A_358, %dma_start3A_359] : memref<10240x128xf32, #tpu.memory_space<hbm>> -> memref<10240x128xf32, #tpu.memory_space<hbm>>
          tpu.enqueue_indirect_dma source(%dma_start3A_360 : memref<10240x128xf32, #tpu.memory_space<hbm>>) target(%dma_start3A_354 : memref<80x128xf32, #tpu.memory_space<vmem>>) offsets(%dma_start3A_357 : memref<80xi32, #tpu.memory_space<vmem>>) semaphore(%arg11 : memref<!tpu.dma_semaphore, #tpu.memory_space<semaphore_mem>>)
        } else {
        }
      } else {
      }
    }
    %scan3A_308 = arith.constant 63 : i32
    %barrier3A_309 = arith.constant 0 : index
    tpu.barrier barrier_id(%barrier3A_309)
    %mul3A_310 = arith.constant 10240 : i32
    %mul3A_311 = arith.muli %arg0, %mul3A_310 : i32
    %add3A_312 = arith.addi %mul3A_311, %mul3A_3 : i32
    "tpu.region"() ({
      %run_scoped3A = tpu.sem_alloc : memref<!tpu.dma_semaphore, #tpu.memory_space<semaphore_mem>>
      %dma_start3A_313 = arith.constant 0 : i32
      %dma_start3A_314 = tpu.memref_slice %arg5[%add3A_312, %dma_start3A_313] : memref<20480x128xf32, #tpu.memory_space<hbm>> -> memref<640x128xf32, #tpu.memory_space<hbm>>
      %dma_start3A_315 = arith.constant 0 : i32
      %dma_start3A_316 = tpu.memref_slice %arg9[%mul3A_3, %dma_start3A_315] : memref<10240x128xf32, #tpu.memory_space<vmem_shared>> -> memref<640x128xf32, #tpu.memory_space<vmem_shared>>
      tpu.enqueue_dma source(%dma_start3A_316 : memref<640x128xf32, #tpu.memory_space<vmem_shared>>) target(%dma_start3A_314 : memref<640x128xf32, #tpu.memory_space<hbm>>) target_semaphore(%run_scoped3A : memref<!tpu.dma_semaphore, #tpu.memory_space<semaphore_mem>>)
      %dma_wait3A_317 = arith.constant 0 : i32
      %dma_wait3A_318 = tpu.memref_slice %arg5[%add3A_312, %dma_wait3A_317] : memref<20480x128xf32, #tpu.memory_space<hbm>> -> memref<640x128xf32, #tpu.memory_space<hbm>>
      %dma_wait3A_319 = arith.constant 0 : i32
      %dma_wait3A_320 = tpu.memref_slice %arg9[%mul3A_3, %dma_wait3A_319] : memref<10240x128xf32, #tpu.memory_space<vmem_shared>> -> memref<640x128xf32, #tpu.memory_space<vmem_shared>>
      tpu.wait_dma2 semaphore(%run_scoped3A : memref<!tpu.dma_semaphore, #tpu.memory_space<semaphore_mem>>) src(%dma_wait3A_320 : memref<640x128xf32, #tpu.memory_space<vmem_shared>>) dst(%dma_wait3A_318 : memref<640x128xf32, #tpu.memory_space<hbm>>)
      tpu.yield
    }) : () -> ()
    return
  }
}

#map = affine_map<(d0, d1) -> (0, 0)>
#map1 = affine_map<(d0, d1) -> (0, 0, 0)>
module attributes {stable_mosaic.version = 14 : i64} {
  func.func @body(%arg0: i32, %arg1: i32, %arg2: memref<10240x32xf32, #tpu.memory_space<hbm>>, %arg3: memref<32x125x80xi32, #tpu.memory_space<hbm>>, %arg4: memref<32x125x80xi32, #tpu.memory_space<hbm>>, %arg5: memref<20480x32xf32, #tpu.memory_space<hbm>>, %arg6: memref<125x80xi32, #tpu.memory_space<vmem>>, %arg7: memref<125x80xi32, #tpu.memory_space<vmem>>, %arg8: memref<5x80x32xf32, #tpu.memory_space<vmem>>, %arg9: memref<10240x32xf32, #tpu.memory_space<vmem_shared>>, %arg10: memref<!tpu.dma_semaphore, #tpu.memory_space<semaphore_mem>>, %arg11: memref<!tpu.dma_semaphore, #tpu.memory_space<semaphore_mem>>, %arg12: memref<!tpu.dma_semaphore, #tpu.memory_space<semaphore_mem>>, %arg13: memref<!tpu.dma_semaphore, #tpu.memory_space<semaphore_mem>>, %arg14: memref<!tpu.dma_semaphore, #tpu.memory_space<semaphore_mem>>, %arg15: memref<!tpu.dma_semaphore, #tpu.memory_space<semaphore_mem>>, %arg16: memref<!tpu.dma_semaphore, #tpu.memory_space<semaphore_mem>>, %arg17: memref<!tpu.dma_semaphore, #tpu.memory_space<semaphore_mem>>, %arg18: memref<!tpu.dma_semaphore, #tpu.memory_space<semaphore_mem>>, %arg19: memref<!tpu.dma_semaphore, #tpu.memory_space<semaphore_mem>>, %arg20: memref<!tpu.dma_semaphore, #tpu.memory_space<semaphore_mem>>, %arg21: memref<!tpu.dma_semaphore, #tpu.memory_space<semaphore_mem>>, %arg22: memref<!tpu.dma_semaphore, #tpu.memory_space<semaphore_mem>>, %arg23: memref<!tpu.dma_semaphore, #tpu.memory_space<semaphore_mem>>, %arg24: memref<!tpu.dma_semaphore, #tpu.memory_space<semaphore_mem>>) attributes {dimension_semantics = [#tpu.dimension_semantics<core_parallel>, #tpu.dimension_semantics<subcore_parallel>], iteration_bounds = array<i64: 2, 16>, scalar_prefetch = 0 : i64, scratch_operands = 19 : i64, tpu.core_type = #tpu.core_type<sc_vector_subcore>, window_params = [{transform_indices = #map}, {transform_indices = #map1}, {transform_indices = #map1}, {transform_indices = #map}]} {
    %mul3A = arith.constant 2 : i32
    %mul3A_0 = arith.muli %arg1, %mul3A : i32
    %add3A = arith.addi %mul3A_0, %arg0 : i32
    %broadcast_in_dim3A = arith.constant 0.000000e+00 : f32
    %broadcast_in_dim3A_1 = vector.broadcast %broadcast_in_dim3A : f32 to vector<16xf32>
    %mul3A_2 = arith.constant 640 : i32
    %mul3A_3 = arith.muli %arg1, %mul3A_2 : i32
    %dma_start3A = arith.constant 0 : i32
    %dma_start3A_4 = arith.constant 0 : i32
    %dma_start3A_5 = tpu.memref_slice %arg3[%add3A, %dma_start3A, %dma_start3A_4] : memref<32x125x80xi32, #tpu.memory_space<hbm>> -> memref<1x125x80xi32, #tpu.memory_space<hbm>>
    %dma_start3A_6 = tpu.memref_squeeze %dma_start3A_5 : memref<1x125x80xi32, #tpu.memory_space<hbm>> -> memref<125x80xi32, #tpu.memory_space<hbm>>
    %dma_start3A_7 = arith.constant 0 : i32
    %dma_start3A_8 = arith.constant 0 : i32
    %dma_start3A_9 = tpu.memref_slice %arg3[%add3A, %dma_start3A_7, %dma_start3A_8] : memref<32x125x80xi32, #tpu.memory_space<hbm>> -> memref<1x125x80xi32, #tpu.memory_space<hbm>>
    %dma_start3A_10 = tpu.memref_squeeze %dma_start3A_9 : memref<1x125x80xi32, #tpu.memory_space<hbm>> -> memref<125x80xi32, #tpu.memory_space<hbm>>
    tpu.enqueue_dma source(%dma_start3A_10 : memref<125x80xi32, #tpu.memory_space<hbm>>) target(%arg6 : memref<125x80xi32, #tpu.memory_space<vmem>>) target_semaphore(%arg15 : memref<!tpu.dma_semaphore, #tpu.memory_space<semaphore_mem>>)
    %dma_start3A_11 = arith.constant 0 : i32
    %dma_start3A_12 = arith.constant 0 : i32
    %dma_start3A_13 = tpu.memref_slice %arg4[%add3A, %dma_start3A_11, %dma_start3A_12] : memref<32x125x80xi32, #tpu.memory_space<hbm>> -> memref<1x125x80xi32, #tpu.memory_space<hbm>>
    %dma_start3A_14 = tpu.memref_squeeze %dma_start3A_13 : memref<1x125x80xi32, #tpu.memory_space<hbm>> -> memref<125x80xi32, #tpu.memory_space<hbm>>
    %dma_start3A_15 = arith.constant 0 : i32
    %dma_start3A_16 = arith.constant 0 : i32
    %dma_start3A_17 = tpu.memref_slice %arg4[%add3A, %dma_start3A_15, %dma_start3A_16] : memref<32x125x80xi32, #tpu.memory_space<hbm>> -> memref<1x125x80xi32, #tpu.memory_space<hbm>>
    %dma_start3A_18 = tpu.memref_squeeze %dma_start3A_17 : memref<1x125x80xi32, #tpu.memory_space<hbm>> -> memref<125x80xi32, #tpu.memory_space<hbm>>
    tpu.enqueue_dma source(%dma_start3A_18 : memref<125x80xi32, #tpu.memory_space<hbm>>) target(%arg7 : memref<125x80xi32, #tpu.memory_space<vmem>>) target_semaphore(%arg16 : memref<!tpu.dma_semaphore, #tpu.memory_space<semaphore_mem>>)
    %scan3A = arith.constant 0 : i32
    %scan3A_19 = arith.constant 0 : i32
    %scan3A_20 = arith.constant 80 : i32
    %scan3A_21 = arith.addi %scan3A_19, %scan3A_20 : i32
    %scan3A_22 = arith.constant 1 : i32
    scf.for %scan3A_349 = %scan3A_19 to %scan3A_21 step %scan3A_22  : i32 {
      %swap3A = arith.constant 0 : i32
      %swap3A_350 = arith.index_cast %swap3A : i32 to index
      %swap3A_351 = arith.index_cast %scan3A_349 : i32 to index
      %swap3A_352 = arith.constant 0 : index
      %swap3A_353 = tpu.vector_load %arg8[%swap3A_350, %swap3A_351, %swap3A_352] {strides = array<i32>} : memref<5x80x32xf32, #tpu.memory_space<vmem>>, vector<1x1x16xf32>,
      %swap3A_354 = vector.shape_cast %swap3A_353 : vector<1x1x16xf32> to vector<16xf32>
      %swap3A_355 = vector.shape_cast %broadcast_in_dim3A_1 : vector<16xf32> to vector<1x1x16xf32>
      tpu.vector_store %arg8[%swap3A_350, %swap3A_351, %swap3A_352], %swap3A_355 {strides = array<i32>} : memref<5x80x32xf32, #tpu.memory_space<vmem>>, vector<1x1x16xf32>,
      %swap3A_356 = arith.constant 0 : i32
      %swap3A_357 = arith.index_cast %swap3A_356 : i32 to index
      %swap3A_358 = arith.index_cast %scan3A_349 : i32 to index
      %swap3A_359 = arith.constant 16 : index
      %swap3A_360 = tpu.vector_load %arg8[%swap3A_357, %swap3A_358, %swap3A_359] {strides = array<i32>} : memref<5x80x32xf32, #tpu.memory_space<vmem>>, vector<1x1x16xf32>,
      %swap3A_361 = vector.shape_cast %swap3A_360 : vector<1x1x16xf32> to vector<16xf32>
      %swap3A_362 = vector.shape_cast %broadcast_in_dim3A_1 : vector<16xf32> to vector<1x1x16xf32>
      tpu.vector_store %arg8[%swap3A_357, %swap3A_358, %swap3A_359], %swap3A_362 {strides = array<i32>} : memref<5x80x32xf32, #tpu.memory_space<vmem>>, vector<1x1x16xf32>,
    }
    %scan3A_23 = arith.constant 80 : i32
    %add3A_24 = arith.constant 0 : i32
    %add3A_25 = arith.addi %mul3A_3, %add3A_24 : i32
    %dma_start3A_26 = arith.constant 0 : i32
    %dma_start3A_27 = arith.constant 0 : i32
    %dma_start3A_28 = arith.constant 0 : i32
    %dma_start3A_29 = tpu.memref_slice %arg8[%dma_start3A_26, %dma_start3A_27, %dma_start3A_28] : memref<5x80x32xf32, #tpu.memory_space<vmem>> -> memref<1x80x32xf32, #tpu.memory_space<vmem>>
    %dma_start3A_30 = tpu.memref_squeeze %dma_start3A_29 : memref<1x80x32xf32, #tpu.memory_space<vmem>> -> memref<80x32xf32, #tpu.memory_space<vmem>>
    %dma_start3A_31 = arith.constant 0 : i32
    %dma_start3A_32 = tpu.memref_slice %arg9[%add3A_25, %dma_start3A_31] : memref<10240x32xf32, #tpu.memory_space<vmem_shared>> -> memref<80x32xf32, #tpu.memory_space<vmem_shared>>
    %dma_start3A_33 = arith.constant 0 : i32
    %dma_start3A_34 = tpu.memref_slice %arg9[%add3A_25, %dma_start3A_33] : memref<10240x32xf32, #tpu.memory_space<vmem_shared>> -> memref<80x32xf32, #tpu.memory_space<vmem_shared>>
    %dma_start3A_35 = arith.constant 0 : i32
    %dma_start3A_36 = arith.constant 0 : i32
    %dma_start3A_37 = tpu.memref_slice %arg8[%dma_start3A_26, %dma_start3A_35, %dma_start3A_36] : memref<5x80x32xf32, #tpu.memory_space<vmem>> -> memref<1x80x32xf32, #tpu.memory_space<vmem>>
    %dma_start3A_38 = tpu.memref_squeeze %dma_start3A_37 : memref<1x80x32xf32, #tpu.memory_space<vmem>> -> memref<80x32xf32, #tpu.memory_space<vmem>>
    tpu.enqueue_dma source(%dma_start3A_38 : memref<80x32xf32, #tpu.memory_space<vmem>>) target(%dma_start3A_34 : memref<80x32xf32, #tpu.memory_space<vmem_shared>>) target_semaphore(%arg17 : memref<!tpu.dma_semaphore, #tpu.memory_space<semaphore_mem>>)
    %add3A_39 = arith.constant 80 : i32
    %add3A_40 = arith.addi %mul3A_3, %add3A_39 : i32
    %dma_start3A_41 = arith.constant 0 : i32
    %dma_start3A_42 = arith.constant 0 : i32
    %dma_start3A_43 = arith.constant 0 : i32
    %dma_start3A_44 = tpu.memref_slice %arg8[%dma_start3A_41, %dma_start3A_42, %dma_start3A_43] : memref<5x80x32xf32, #tpu.memory_space<vmem>> -> memref<1x80x32xf32, #tpu.memory_space<vmem>>
    %dma_start3A_45 = tpu.memref_squeeze %dma_start3A_44 : memref<1x80x32xf32, #tpu.memory_space<vmem>> -> memref<80x32xf32, #tpu.memory_space<vmem>>
    %dma_start3A_46 = arith.constant 0 : i32
    %dma_start3A_47 = tpu.memref_slice %arg9[%add3A_40, %dma_start3A_46] : memref<10240x32xf32, #tpu.memory_space<vmem_shared>> -> memref<80x32xf32, #tpu.memory_space<vmem_shared>>
    %dma_start3A_48 = arith.constant 0 : i32
    %dma_start3A_49 = tpu.memref_slice %arg9[%add3A_40, %dma_start3A_48] : memref<10240x32xf32, #tpu.memory_space<vmem_shared>> -> memref<80x32xf32, #tpu.memory_space<vmem_shared>>
    %dma_start3A_50 = arith.constant 0 : i32
    %dma_start3A_51 = arith.constant 0 : i32
    %dma_start3A_52 = tpu.memref_slice %arg8[%dma_start3A_41, %dma_start3A_50, %dma_start3A_51] : memref<5x80x32xf32, #tpu.memory_space<vmem>> -> memref<1x80x32xf32, #tpu.memory_space<vmem>>
    %dma_start3A_53 = tpu.memref_squeeze %dma_start3A_52 : memref<1x80x32xf32, #tpu.memory_space<vmem>> -> memref<80x32xf32, #tpu.memory_space<vmem>>
    tpu.enqueue_dma source(%dma_start3A_53 : memref<80x32xf32, #tpu.memory_space<vmem>>) target(%dma_start3A_49 : memref<80x32xf32, #tpu.memory_space<vmem_shared>>) target_semaphore(%arg18 : memref<!tpu.dma_semaphore, #tpu.memory_space<semaphore_mem>>)
    %add3A_54 = arith.constant 160 : i32
    %add3A_55 = arith.addi %mul3A_3, %add3A_54 : i32
    %dma_start3A_56 = arith.constant 0 : i32
    %dma_start3A_57 = arith.constant 0 : i32
    %dma_start3A_58 = arith.constant 0 : i32
    %dma_start3A_59 = tpu.memref_slice %arg8[%dma_start3A_56, %dma_start3A_57, %dma_start3A_58] : memref<5x80x32xf32, #tpu.memory_space<vmem>> -> memref<1x80x32xf32, #tpu.memory_space<vmem>>
    %dma_start3A_60 = tpu.memref_squeeze %dma_start3A_59 : memref<1x80x32xf32, #tpu.memory_space<vmem>> -> memref<80x32xf32, #tpu.memory_space<vmem>>
    %dma_start3A_61 = arith.constant 0 : i32
    %dma_start3A_62 = tpu.memref_slice %arg9[%add3A_55, %dma_start3A_61] : memref<10240x32xf32, #tpu.memory_space<vmem_shared>> -> memref<80x32xf32, #tpu.memory_space<vmem_shared>>
    %dma_start3A_63 = arith.constant 0 : i32
    %dma_start3A_64 = tpu.memref_slice %arg9[%add3A_55, %dma_start3A_63] : memref<10240x32xf32, #tpu.memory_space<vmem_shared>> -> memref<80x32xf32, #tpu.memory_space<vmem_shared>>
    %dma_start3A_65 = arith.constant 0 : i32
    %dma_start3A_66 = arith.constant 0 : i32
    %dma_start3A_67 = tpu.memref_slice %arg8[%dma_start3A_56, %dma_start3A_65, %dma_start3A_66] : memref<5x80x32xf32, #tpu.memory_space<vmem>> -> memref<1x80x32xf32, #tpu.memory_space<vmem>>
    %dma_start3A_68 = tpu.memref_squeeze %dma_start3A_67 : memref<1x80x32xf32, #tpu.memory_space<vmem>> -> memref<80x32xf32, #tpu.memory_space<vmem>>
    tpu.enqueue_dma source(%dma_start3A_68 : memref<80x32xf32, #tpu.memory_space<vmem>>) target(%dma_start3A_64 : memref<80x32xf32, #tpu.memory_space<vmem_shared>>) target_semaphore(%arg19 : memref<!tpu.dma_semaphore, #tpu.memory_space<semaphore_mem>>)
    %add3A_69 = arith.constant 240 : i32
    %add3A_70 = arith.addi %mul3A_3, %add3A_69 : i32
    %dma_start3A_71 = arith.constant 0 : i32
    %dma_start3A_72 = arith.constant 0 : i32
    %dma_start3A_73 = arith.constant 0 : i32
    %dma_start3A_74 = tpu.memref_slice %arg8[%dma_start3A_71, %dma_start3A_72, %dma_start3A_73] : memref<5x80x32xf32, #tpu.memory_space<vmem>> -> memref<1x80x32xf32, #tpu.memory_space<vmem>>
    %dma_start3A_75 = tpu.memref_squeeze %dma_start3A_74 : memref<1x80x32xf32, #tpu.memory_space<vmem>> -> memref<80x32xf32, #tpu.memory_space<vmem>>
    %dma_start3A_76 = arith.constant 0 : i32
    %dma_start3A_77 = tpu.memref_slice %arg9[%add3A_70, %dma_start3A_76] : memref<10240x32xf32, #tpu.memory_space<vmem_shared>> -> memref<80x32xf32, #tpu.memory_space<vmem_shared>>
    %dma_start3A_78 = arith.constant 0 : i32
    %dma_start3A_79 = tpu.memref_slice %arg9[%add3A_70, %dma_start3A_78] : memref<10240x32xf32, #tpu.memory_space<vmem_shared>> -> memref<80x32xf32, #tpu.memory_space<vmem_shared>>
    %dma_start3A_80 = arith.constant 0 : i32
    %dma_start3A_81 = arith.constant 0 : i32
    %dma_start3A_82 = tpu.memref_slice %arg8[%dma_start3A_71, %dma_start3A_80, %dma_start3A_81] : memref<5x80x32xf32, #tpu.memory_space<vmem>> -> memref<1x80x32xf32, #tpu.memory_space<vmem>>
    %dma_start3A_83 = tpu.memref_squeeze %dma_start3A_82 : memref<1x80x32xf32, #tpu.memory_space<vmem>> -> memref<80x32xf32, #tpu.memory_space<vmem>>
    tpu.enqueue_dma source(%dma_start3A_83 : memref<80x32xf32, #tpu.memory_space<vmem>>) target(%dma_start3A_79 : memref<80x32xf32, #tpu.memory_space<vmem_shared>>) target_semaphore(%arg20 : memref<!tpu.dma_semaphore, #tpu.memory_space<semaphore_mem>>)
    %add3A_84 = arith.constant 320 : i32
    %add3A_85 = arith.addi %mul3A_3, %add3A_84 : i32
    %dma_start3A_86 = arith.constant 0 : i32
    %dma_start3A_87 = arith.constant 0 : i32
    %dma_start3A_88 = arith.constant 0 : i32
    %dma_start3A_89 = tpu.memref_slice %arg8[%dma_start3A_86, %dma_start3A_87, %dma_start3A_88] : memref<5x80x32xf32, #tpu.memory_space<vmem>> -> memref<1x80x32xf32, #tpu.memory_space<vmem>>
    %dma_start3A_90 = tpu.memref_squeeze %dma_start3A_89 : memref<1x80x32xf32, #tpu.memory_space<vmem>> -> memref<80x32xf32, #tpu.memory_space<vmem>>
    %dma_start3A_91 = arith.constant 0 : i32
    %dma_start3A_92 = tpu.memref_slice %arg9[%add3A_85, %dma_start3A_91] : memref<10240x32xf32, #tpu.memory_space<vmem_shared>> -> memref<80x32xf32, #tpu.memory_space<vmem_shared>>
    %dma_start3A_93 = arith.constant 0 : i32
    %dma_start3A_94 = tpu.memref_slice %arg9[%add3A_85, %dma_start3A_93] : memref<10240x32xf32, #tpu.memory_space<vmem_shared>> -> memref<80x32xf32, #tpu.memory_space<vmem_shared>>
    %dma_start3A_95 = arith.constant 0 : i32
    %dma_start3A_96 = arith.constant 0 : i32
    %dma_start3A_97 = tpu.memref_slice %arg8[%dma_start3A_86, %dma_start3A_95, %dma_start3A_96] : memref<5x80x32xf32, #tpu.memory_space<vmem>> -> memref<1x80x32xf32, #tpu.memory_space<vmem>>
    %dma_start3A_98 = tpu.memref_squeeze %dma_start3A_97 : memref<1x80x32xf32, #tpu.memory_space<vmem>> -> memref<80x32xf32, #tpu.memory_space<vmem>>
    tpu.enqueue_dma source(%dma_start3A_98 : memref<80x32xf32, #tpu.memory_space<vmem>>) target(%dma_start3A_94 : memref<80x32xf32, #tpu.memory_space<vmem_shared>>) target_semaphore(%arg21 : memref<!tpu.dma_semaphore, #tpu.memory_space<semaphore_mem>>)
    %add3A_99 = arith.constant 400 : i32
    %add3A_100 = arith.addi %mul3A_3, %add3A_99 : i32
    %dma_start3A_101 = arith.constant 0 : i32
    %dma_start3A_102 = arith.constant 0 : i32
    %dma_start3A_103 = arith.constant 0 : i32
    %dma_start3A_104 = tpu.memref_slice %arg8[%dma_start3A_101, %dma_start3A_102, %dma_start3A_103] : memref<5x80x32xf32, #tpu.memory_space<vmem>> -> memref<1x80x32xf32, #tpu.memory_space<vmem>>
    %dma_start3A_105 = tpu.memref_squeeze %dma_start3A_104 : memref<1x80x32xf32, #tpu.memory_space<vmem>> -> memref<80x32xf32, #tpu.memory_space<vmem>>
    %dma_start3A_106 = arith.constant 0 : i32
    %dma_start3A_107 = tpu.memref_slice %arg9[%add3A_100, %dma_start3A_106] : memref<10240x32xf32, #tpu.memory_space<vmem_shared>> -> memref<80x32xf32, #tpu.memory_space<vmem_shared>>
    %dma_start3A_108 = arith.constant 0 : i32
    %dma_start3A_109 = tpu.memref_slice %arg9[%add3A_100, %dma_start3A_108] : memref<10240x32xf32, #tpu.memory_space<vmem_shared>> -> memref<80x32xf32, #tpu.memory_space<vmem_shared>>
    %dma_start3A_110 = arith.constant 0 : i32
    %dma_start3A_111 = arith.constant 0 : i32
    %dma_start3A_112 = tpu.memref_slice %arg8[%dma_start3A_101, %dma_start3A_110, %dma_start3A_111] : memref<5x80x32xf32, #tpu.memory_space<vmem>> -> memref<1x80x32xf32, #tpu.memory_space<vmem>>
    %dma_start3A_113 = tpu.memref_squeeze %dma_start3A_112 : memref<1x80x32xf32, #tpu.memory_space<vmem>> -> memref<80x32xf32, #tpu.memory_space<vmem>>
    tpu.enqueue_dma source(%dma_start3A_113 : memref<80x32xf32, #tpu.memory_space<vmem>>) target(%dma_start3A_109 : memref<80x32xf32, #tpu.memory_space<vmem_shared>>) target_semaphore(%arg22 : memref<!tpu.dma_semaphore, #tpu.memory_space<semaphore_mem>>)
    %add3A_114 = arith.constant 480 : i32
    %add3A_115 = arith.addi %mul3A_3, %add3A_114 : i32
    %dma_start3A_116 = arith.constant 0 : i32
    %dma_start3A_117 = arith.constant 0 : i32
    %dma_start3A_118 = arith.constant 0 : i32
    %dma_start3A_119 = tpu.memref_slice %arg8[%dma_start3A_116, %dma_start3A_117, %dma_start3A_118] : memref<5x80x32xf32, #tpu.memory_space<vmem>> -> memref<1x80x32xf32, #tpu.memory_space<vmem>>
    %dma_start3A_120 = tpu.memref_squeeze %dma_start3A_119 : memref<1x80x32xf32, #tpu.memory_space<vmem>> -> memref<80x32xf32, #tpu.memory_space<vmem>>
    %dma_start3A_121 = arith.constant 0 : i32
    %dma_start3A_122 = tpu.memref_slice %arg9[%add3A_115, %dma_start3A_121] : memref<10240x32xf32, #tpu.memory_space<vmem_shared>> -> memref<80x32xf32, #tpu.memory_space<vmem_shared>>
    %dma_start3A_123 = arith.constant 0 : i32
    %dma_start3A_124 = tpu.memref_slice %arg9[%add3A_115, %dma_start3A_123] : memref<10240x32xf32, #tpu.memory_space<vmem_shared>> -> memref<80x32xf32, #tpu.memory_space<vmem_shared>>
    %dma_start3A_125 = arith.constant 0 : i32
    %dma_start3A_126 = arith.constant 0 : i32
    %dma_start3A_127 = tpu.memref_slice %arg8[%dma_start3A_116, %dma_start3A_125, %dma_start3A_126] : memref<5x80x32xf32, #tpu.memory_space<vmem>> -> memref<1x80x32xf32, #tpu.memory_space<vmem>>
    %dma_start3A_128 = tpu.memref_squeeze %dma_start3A_127 : memref<1x80x32xf32, #tpu.memory_space<vmem>> -> memref<80x32xf32, #tpu.memory_space<vmem>>
    tpu.enqueue_dma source(%dma_start3A_128 : memref<80x32xf32, #tpu.memory_space<vmem>>) target(%dma_start3A_124 : memref<80x32xf32, #tpu.memory_space<vmem_shared>>) target_semaphore(%arg23 : memref<!tpu.dma_semaphore, #tpu.memory_space<semaphore_mem>>)
    %add3A_129 = arith.constant 560 : i32
    %add3A_130 = arith.addi %mul3A_3, %add3A_129 : i32
    %dma_start3A_131 = arith.constant 0 : i32
    %dma_start3A_132 = arith.constant 0 : i32
    %dma_start3A_133 = arith.constant 0 : i32
    %dma_start3A_134 = tpu.memref_slice %arg8[%dma_start3A_131, %dma_start3A_132, %dma_start3A_133] : memref<5x80x32xf32, #tpu.memory_space<vmem>> -> memref<1x80x32xf32, #tpu.memory_space<vmem>>
    %dma_start3A_135 = tpu.memref_squeeze %dma_start3A_134 : memref<1x80x32xf32, #tpu.memory_space<vmem>> -> memref<80x32xf32, #tpu.memory_space<vmem>>
    %dma_start3A_136 = arith.constant 0 : i32
    %dma_start3A_137 = tpu.memref_slice %arg9[%add3A_130, %dma_start3A_136] : memref<10240x32xf32, #tpu.memory_space<vmem_shared>> -> memref<80x32xf32, #tpu.memory_space<vmem_shared>>
    %dma_start3A_138 = arith.constant 0 : i32
    %dma_start3A_139 = tpu.memref_slice %arg9[%add3A_130, %dma_start3A_138] : memref<10240x32xf32, #tpu.memory_space<vmem_shared>> -> memref<80x32xf32, #tpu.memory_space<vmem_shared>>
    %dma_start3A_140 = arith.constant 0 : i32
    %dma_start3A_141 = arith.constant 0 : i32
    %dma_start3A_142 = tpu.memref_slice %arg8[%dma_start3A_131, %dma_start3A_140, %dma_start3A_141] : memref<5x80x32xf32, #tpu.memory_space<vmem>> -> memref<1x80x32xf32, #tpu.memory_space<vmem>>
    %dma_start3A_143 = tpu.memref_squeeze %dma_start3A_142 : memref<1x80x32xf32, #tpu.memory_space<vmem>> -> memref<80x32xf32, #tpu.memory_space<vmem>>
    tpu.enqueue_dma source(%dma_start3A_143 : memref<80x32xf32, #tpu.memory_space<vmem>>) target(%dma_start3A_139 : memref<80x32xf32, #tpu.memory_space<vmem_shared>>) target_semaphore(%arg24 : memref<!tpu.dma_semaphore, #tpu.memory_space<semaphore_mem>>)
    %dma_wait3A = arith.constant 0 : i32
    %dma_wait3A_144 = arith.constant 0 : i32
    %dma_wait3A_145 = tpu.memref_slice %arg3[%add3A, %dma_wait3A, %dma_wait3A_144] : memref<32x125x80xi32, #tpu.memory_space<hbm>> -> memref<1x125x80xi32, #tpu.memory_space<hbm>>
    %dma_wait3A_146 = tpu.memref_squeeze %dma_wait3A_145 : memref<1x125x80xi32, #tpu.memory_space<hbm>> -> memref<125x80xi32, #tpu.memory_space<hbm>>
    %dma_wait3A_147 = arith.constant 0 : i32
    %dma_wait3A_148 = arith.constant 0 : i32
    %dma_wait3A_149 = tpu.memref_slice %arg3[%add3A, %dma_wait3A_147, %dma_wait3A_148] : memref<32x125x80xi32, #tpu.memory_space<hbm>> -> memref<1x125x80xi32, #tpu.memory_space<hbm>>
    %dma_wait3A_150 = tpu.memref_squeeze %dma_wait3A_149 : memref<1x125x80xi32, #tpu.memory_space<hbm>> -> memref<125x80xi32, #tpu.memory_space<hbm>>
    tpu.wait_dma2 semaphore(%arg15 : memref<!tpu.dma_semaphore, #tpu.memory_space<semaphore_mem>>) src(%dma_wait3A_150 : memref<125x80xi32, #tpu.memory_space<hbm>>) dst(%arg6 : memref<125x80xi32, #tpu.memory_space<vmem>>)
    %dma_wait3A_151 = arith.constant 0 : i32
    %dma_wait3A_152 = arith.constant 0 : i32
    %dma_wait3A_153 = tpu.memref_slice %arg4[%add3A, %dma_wait3A_151, %dma_wait3A_152] : memref<32x125x80xi32, #tpu.memory_space<hbm>> -> memref<1x125x80xi32, #tpu.memory_space<hbm>>
    %dma_wait3A_154 = tpu.memref_squeeze %dma_wait3A_153 : memref<1x125x80xi32, #tpu.memory_space<hbm>> -> memref<125x80xi32, #tpu.memory_space<hbm>>
    %dma_wait3A_155 = arith.constant 0 : i32
    %dma_wait3A_156 = arith.constant 0 : i32
    %dma_wait3A_157 = tpu.memref_slice %arg4[%add3A, %dma_wait3A_155, %dma_wait3A_156] : memref<32x125x80xi32, #tpu.memory_space<hbm>> -> memref<1x125x80xi32, #tpu.memory_space<hbm>>
    %dma_wait3A_158 = tpu.memref_squeeze %dma_wait3A_157 : memref<1x125x80xi32, #tpu.memory_space<hbm>> -> memref<125x80xi32, #tpu.memory_space<hbm>>
    tpu.wait_dma2 semaphore(%arg16 : memref<!tpu.dma_semaphore, #tpu.memory_space<semaphore_mem>>) src(%dma_wait3A_158 : memref<125x80xi32, #tpu.memory_space<hbm>>) dst(%arg7 : memref<125x80xi32, #tpu.memory_space<vmem>>)
    %add3A_159 = arith.constant 0 : i32
    %add3A_160 = arith.addi %mul3A_3, %add3A_159 : i32
    %dma_wait3A_161 = arith.constant 0 : i32
    %dma_wait3A_162 = arith.constant 0 : i32
    %dma_wait3A_163 = arith.constant 0 : i32
    %dma_wait3A_164 = tpu.memref_slice %arg8[%dma_wait3A_161, %dma_wait3A_162, %dma_wait3A_163] : memref<5x80x32xf32, #tpu.memory_space<vmem>> -> memref<1x80x32xf32, #tpu.memory_space<vmem>>
    %dma_wait3A_165 = tpu.memref_squeeze %dma_wait3A_164 : memref<1x80x32xf32, #tpu.memory_space<vmem>> -> memref<80x32xf32, #tpu.memory_space<vmem>>
    %dma_wait3A_166 = arith.constant 0 : i32
    %dma_wait3A_167 = tpu.memref_slice %arg9[%add3A_160, %dma_wait3A_166] : memref<10240x32xf32, #tpu.memory_space<vmem_shared>> -> memref<80x32xf32, #tpu.memory_space<vmem_shared>>
    %dma_wait3A_168 = arith.constant 0 : i32
    %dma_wait3A_169 = tpu.memref_slice %arg9[%add3A_160, %dma_wait3A_168] : memref<10240x32xf32, #tpu.memory_space<vmem_shared>> -> memref<80x32xf32, #tpu.memory_space<vmem_shared>>
    %dma_wait3A_170 = arith.constant 0 : i32
    %dma_wait3A_171 = arith.constant 0 : i32
    %dma_wait3A_172 = tpu.memref_slice %arg8[%dma_wait3A_161, %dma_wait3A_170, %dma_wait3A_171] : memref<5x80x32xf32, #tpu.memory_space<vmem>> -> memref<1x80x32xf32, #tpu.memory_space<vmem>>
    %dma_wait3A_173 = tpu.memref_squeeze %dma_wait3A_172 : memref<1x80x32xf32, #tpu.memory_space<vmem>> -> memref<80x32xf32, #tpu.memory_space<vmem>>
    tpu.wait_dma2 semaphore(%arg17 : memref<!tpu.dma_semaphore, #tpu.memory_space<semaphore_mem>>) src(%dma_wait3A_173 : memref<80x32xf32, #tpu.memory_space<vmem>>) dst(%dma_wait3A_169 : memref<80x32xf32, #tpu.memory_space<vmem_shared>>)
    %add3A_174 = arith.constant 80 : i32
    %add3A_175 = arith.addi %mul3A_3, %add3A_174 : i32
    %dma_wait3A_176 = arith.constant 0 : i32
    %dma_wait3A_177 = arith.constant 0 : i32
    %dma_wait3A_178 = arith.constant 0 : i32
    %dma_wait3A_179 = tpu.memref_slice %arg8[%dma_wait3A_176, %dma_wait3A_177, %dma_wait3A_178] : memref<5x80x32xf32, #tpu.memory_space<vmem>> -> memref<1x80x32xf32, #tpu.memory_space<vmem>>
    %dma_wait3A_180 = tpu.memref_squeeze %dma_wait3A_179 : memref<1x80x32xf32, #tpu.memory_space<vmem>> -> memref<80x32xf32, #tpu.memory_space<vmem>>
    %dma_wait3A_181 = arith.constant 0 : i32
    %dma_wait3A_182 = tpu.memref_slice %arg9[%add3A_175, %dma_wait3A_181] : memref<10240x32xf32, #tpu.memory_space<vmem_shared>> -> memref<80x32xf32, #tpu.memory_space<vmem_shared>>
    %dma_wait3A_183 = arith.constant 0 : i32
    %dma_wait3A_184 = tpu.memref_slice %arg9[%add3A_175, %dma_wait3A_183] : memref<10240x32xf32, #tpu.memory_space<vmem_shared>> -> memref<80x32xf32, #tpu.memory_space<vmem_shared>>
    %dma_wait3A_185 = arith.constant 0 : i32
    %dma_wait3A_186 = arith.constant 0 : i32
    %dma_wait3A_187 = tpu.memref_slice %arg8[%dma_wait3A_176, %dma_wait3A_185, %dma_wait3A_186] : memref<5x80x32xf32, #tpu.memory_space<vmem>> -> memref<1x80x32xf32, #tpu.memory_space<vmem>>
    %dma_wait3A_188 = tpu.memref_squeeze %dma_wait3A_187 : memref<1x80x32xf32, #tpu.memory_space<vmem>> -> memref<80x32xf32, #tpu.memory_space<vmem>>
    tpu.wait_dma2 semaphore(%arg18 : memref<!tpu.dma_semaphore, #tpu.memory_space<semaphore_mem>>) src(%dma_wait3A_188 : memref<80x32xf32, #tpu.memory_space<vmem>>) dst(%dma_wait3A_184 : memref<80x32xf32, #tpu.memory_space<vmem_shared>>)
    %add3A_189 = arith.constant 160 : i32
    %add3A_190 = arith.addi %mul3A_3, %add3A_189 : i32
    %dma_wait3A_191 = arith.constant 0 : i32
    %dma_wait3A_192 = arith.constant 0 : i32
    %dma_wait3A_193 = arith.constant 0 : i32
    %dma_wait3A_194 = tpu.memref_slice %arg8[%dma_wait3A_191, %dma_wait3A_192, %dma_wait3A_193] : memref<5x80x32xf32, #tpu.memory_space<vmem>> -> memref<1x80x32xf32, #tpu.memory_space<vmem>>
    %dma_wait3A_195 = tpu.memref_squeeze %dma_wait3A_194 : memref<1x80x32xf32, #tpu.memory_space<vmem>> -> memref<80x32xf32, #tpu.memory_space<vmem>>
    %dma_wait3A_196 = arith.constant 0 : i32
    %dma_wait3A_197 = tpu.memref_slice %arg9[%add3A_190, %dma_wait3A_196] : memref<10240x32xf32, #tpu.memory_space<vmem_shared>> -> memref<80x32xf32, #tpu.memory_space<vmem_shared>>
    %dma_wait3A_198 = arith.constant 0 : i32
    %dma_wait3A_199 = tpu.memref_slice %arg9[%add3A_190, %dma_wait3A_198] : memref<10240x32xf32, #tpu.memory_space<vmem_shared>> -> memref<80x32xf32, #tpu.memory_space<vmem_shared>>
    %dma_wait3A_200 = arith.constant 0 : i32
    %dma_wait3A_201 = arith.constant 0 : i32
    %dma_wait3A_202 = tpu.memref_slice %arg8[%dma_wait3A_191, %dma_wait3A_200, %dma_wait3A_201] : memref<5x80x32xf32, #tpu.memory_space<vmem>> -> memref<1x80x32xf32, #tpu.memory_space<vmem>>
    %dma_wait3A_203 = tpu.memref_squeeze %dma_wait3A_202 : memref<1x80x32xf32, #tpu.memory_space<vmem>> -> memref<80x32xf32, #tpu.memory_space<vmem>>
    tpu.wait_dma2 semaphore(%arg19 : memref<!tpu.dma_semaphore, #tpu.memory_space<semaphore_mem>>) src(%dma_wait3A_203 : memref<80x32xf32, #tpu.memory_space<vmem>>) dst(%dma_wait3A_199 : memref<80x32xf32, #tpu.memory_space<vmem_shared>>)
    %add3A_204 = arith.constant 240 : i32
    %add3A_205 = arith.addi %mul3A_3, %add3A_204 : i32
    %dma_wait3A_206 = arith.constant 0 : i32
    %dma_wait3A_207 = arith.constant 0 : i32
    %dma_wait3A_208 = arith.constant 0 : i32
    %dma_wait3A_209 = tpu.memref_slice %arg8[%dma_wait3A_206, %dma_wait3A_207, %dma_wait3A_208] : memref<5x80x32xf32, #tpu.memory_space<vmem>> -> memref<1x80x32xf32, #tpu.memory_space<vmem>>
    %dma_wait3A_210 = tpu.memref_squeeze %dma_wait3A_209 : memref<1x80x32xf32, #tpu.memory_space<vmem>> -> memref<80x32xf32, #tpu.memory_space<vmem>>
    %dma_wait3A_211 = arith.constant 0 : i32
    %dma_wait3A_212 = tpu.memref_slice %arg9[%add3A_205, %dma_wait3A_211] : memref<10240x32xf32, #tpu.memory_space<vmem_shared>> -> memref<80x32xf32, #tpu.memory_space<vmem_shared>>
    %dma_wait3A_213 = arith.constant 0 : i32
    %dma_wait3A_214 = tpu.memref_slice %arg9[%add3A_205, %dma_wait3A_213] : memref<10240x32xf32, #tpu.memory_space<vmem_shared>> -> memref<80x32xf32, #tpu.memory_space<vmem_shared>>
    %dma_wait3A_215 = arith.constant 0 : i32
    %dma_wait3A_216 = arith.constant 0 : i32
    %dma_wait3A_217 = tpu.memref_slice %arg8[%dma_wait3A_206, %dma_wait3A_215, %dma_wait3A_216] : memref<5x80x32xf32, #tpu.memory_space<vmem>> -> memref<1x80x32xf32, #tpu.memory_space<vmem>>
    %dma_wait3A_218 = tpu.memref_squeeze %dma_wait3A_217 : memref<1x80x32xf32, #tpu.memory_space<vmem>> -> memref<80x32xf32, #tpu.memory_space<vmem>>
    tpu.wait_dma2 semaphore(%arg20 : memref<!tpu.dma_semaphore, #tpu.memory_space<semaphore_mem>>) src(%dma_wait3A_218 : memref<80x32xf32, #tpu.memory_space<vmem>>) dst(%dma_wait3A_214 : memref<80x32xf32, #tpu.memory_space<vmem_shared>>)
    %add3A_219 = arith.constant 320 : i32
    %add3A_220 = arith.addi %mul3A_3, %add3A_219 : i32
    %dma_wait3A_221 = arith.constant 0 : i32
    %dma_wait3A_222 = arith.constant 0 : i32
    %dma_wait3A_223 = arith.constant 0 : i32
    %dma_wait3A_224 = tpu.memref_slice %arg8[%dma_wait3A_221, %dma_wait3A_222, %dma_wait3A_223] : memref<5x80x32xf32, #tpu.memory_space<vmem>> -> memref<1x80x32xf32, #tpu.memory_space<vmem>>
    %dma_wait3A_225 = tpu.memref_squeeze %dma_wait3A_224 : memref<1x80x32xf32, #tpu.memory_space<vmem>> -> memref<80x32xf32, #tpu.memory_space<vmem>>
    %dma_wait3A_226 = arith.constant 0 : i32
    %dma_wait3A_227 = tpu.memref_slice %arg9[%add3A_220, %dma_wait3A_226] : memref<10240x32xf32, #tpu.memory_space<vmem_shared>> -> memref<80x32xf32, #tpu.memory_space<vmem_shared>>
    %dma_wait3A_228 = arith.constant 0 : i32
    %dma_wait3A_229 = tpu.memref_slice %arg9[%add3A_220, %dma_wait3A_228] : memref<10240x32xf32, #tpu.memory_space<vmem_shared>> -> memref<80x32xf32, #tpu.memory_space<vmem_shared>>
    %dma_wait3A_230 = arith.constant 0 : i32
    %dma_wait3A_231 = arith.constant 0 : i32
    %dma_wait3A_232 = tpu.memref_slice %arg8[%dma_wait3A_221, %dma_wait3A_230, %dma_wait3A_231] : memref<5x80x32xf32, #tpu.memory_space<vmem>> -> memref<1x80x32xf32, #tpu.memory_space<vmem>>
    %dma_wait3A_233 = tpu.memref_squeeze %dma_wait3A_232 : memref<1x80x32xf32, #tpu.memory_space<vmem>> -> memref<80x32xf32, #tpu.memory_space<vmem>>
    tpu.wait_dma2 semaphore(%arg21 : memref<!tpu.dma_semaphore, #tpu.memory_space<semaphore_mem>>) src(%dma_wait3A_233 : memref<80x32xf32, #tpu.memory_space<vmem>>) dst(%dma_wait3A_229 : memref<80x32xf32, #tpu.memory_space<vmem_shared>>)
    %add3A_234 = arith.constant 400 : i32
    %add3A_235 = arith.addi %mul3A_3, %add3A_234 : i32
    %dma_wait3A_236 = arith.constant 0 : i32
    %dma_wait3A_237 = arith.constant 0 : i32
    %dma_wait3A_238 = arith.constant 0 : i32
    %dma_wait3A_239 = tpu.memref_slice %arg8[%dma_wait3A_236, %dma_wait3A_237, %dma_wait3A_238] : memref<5x80x32xf32, #tpu.memory_space<vmem>> -> memref<1x80x32xf32, #tpu.memory_space<vmem>>
    %dma_wait3A_240 = tpu.memref_squeeze %dma_wait3A_239 : memref<1x80x32xf32, #tpu.memory_space<vmem>> -> memref<80x32xf32, #tpu.memory_space<vmem>>
    %dma_wait3A_241 = arith.constant 0 : i32
    %dma_wait3A_242 = tpu.memref_slice %arg9[%add3A_235, %dma_wait3A_241] : memref<10240x32xf32, #tpu.memory_space<vmem_shared>> -> memref<80x32xf32, #tpu.memory_space<vmem_shared>>
    %dma_wait3A_243 = arith.constant 0 : i32
    %dma_wait3A_244 = tpu.memref_slice %arg9[%add3A_235, %dma_wait3A_243] : memref<10240x32xf32, #tpu.memory_space<vmem_shared>> -> memref<80x32xf32, #tpu.memory_space<vmem_shared>>
    %dma_wait3A_245 = arith.constant 0 : i32
    %dma_wait3A_246 = arith.constant 0 : i32
    %dma_wait3A_247 = tpu.memref_slice %arg8[%dma_wait3A_236, %dma_wait3A_245, %dma_wait3A_246] : memref<5x80x32xf32, #tpu.memory_space<vmem>> -> memref<1x80x32xf32, #tpu.memory_space<vmem>>
    %dma_wait3A_248 = tpu.memref_squeeze %dma_wait3A_247 : memref<1x80x32xf32, #tpu.memory_space<vmem>> -> memref<80x32xf32, #tpu.memory_space<vmem>>
    tpu.wait_dma2 semaphore(%arg22 : memref<!tpu.dma_semaphore, #tpu.memory_space<semaphore_mem>>) src(%dma_wait3A_248 : memref<80x32xf32, #tpu.memory_space<vmem>>) dst(%dma_wait3A_244 : memref<80x32xf32, #tpu.memory_space<vmem_shared>>)
    %add3A_249 = arith.constant 480 : i32
    %add3A_250 = arith.addi %mul3A_3, %add3A_249 : i32
    %dma_wait3A_251 = arith.constant 0 : i32
    %dma_wait3A_252 = arith.constant 0 : i32
    %dma_wait3A_253 = arith.constant 0 : i32
    %dma_wait3A_254 = tpu.memref_slice %arg8[%dma_wait3A_251, %dma_wait3A_252, %dma_wait3A_253] : memref<5x80x32xf32, #tpu.memory_space<vmem>> -> memref<1x80x32xf32, #tpu.memory_space<vmem>>
    %dma_wait3A_255 = tpu.memref_squeeze %dma_wait3A_254 : memref<1x80x32xf32, #tpu.memory_space<vmem>> -> memref<80x32xf32, #tpu.memory_space<vmem>>
    %dma_wait3A_256 = arith.constant 0 : i32
    %dma_wait3A_257 = tpu.memref_slice %arg9[%add3A_250, %dma_wait3A_256] : memref<10240x32xf32, #tpu.memory_space<vmem_shared>> -> memref<80x32xf32, #tpu.memory_space<vmem_shared>>
    %dma_wait3A_258 = arith.constant 0 : i32
    %dma_wait3A_259 = tpu.memref_slice %arg9[%add3A_250, %dma_wait3A_258] : memref<10240x32xf32, #tpu.memory_space<vmem_shared>> -> memref<80x32xf32, #tpu.memory_space<vmem_shared>>
    %dma_wait3A_260 = arith.constant 0 : i32
    %dma_wait3A_261 = arith.constant 0 : i32
    %dma_wait3A_262 = tpu.memref_slice %arg8[%dma_wait3A_251, %dma_wait3A_260, %dma_wait3A_261] : memref<5x80x32xf32, #tpu.memory_space<vmem>> -> memref<1x80x32xf32, #tpu.memory_space<vmem>>
    %dma_wait3A_263 = tpu.memref_squeeze %dma_wait3A_262 : memref<1x80x32xf32, #tpu.memory_space<vmem>> -> memref<80x32xf32, #tpu.memory_space<vmem>>
    tpu.wait_dma2 semaphore(%arg23 : memref<!tpu.dma_semaphore, #tpu.memory_space<semaphore_mem>>) src(%dma_wait3A_263 : memref<80x32xf32, #tpu.memory_space<vmem>>) dst(%dma_wait3A_259 : memref<80x32xf32, #tpu.memory_space<vmem_shared>>)
    %add3A_264 = arith.constant 560 : i32
    %add3A_265 = arith.addi %mul3A_3, %add3A_264 : i32
    %dma_wait3A_266 = arith.constant 0 : i32
    %dma_wait3A_267 = arith.constant 0 : i32
    %dma_wait3A_268 = arith.constant 0 : i32
    %dma_wait3A_269 = tpu.memref_slice %arg8[%dma_wait3A_266, %dma_wait3A_267, %dma_wait3A_268] : memref<5x80x32xf32, #tpu.memory_space<vmem>> -> memref<1x80x32xf32, #tpu.memory_space<vmem>>
    %dma_wait3A_270 = tpu.memref_squeeze %dma_wait3A_269 : memref<1x80x32xf32, #tpu.memory_space<vmem>> -> memref<80x32xf32, #tpu.memory_space<vmem>>
    %dma_wait3A_271 = arith.constant 0 : i32
    %dma_wait3A_272 = tpu.memref_slice %arg9[%add3A_265, %dma_wait3A_271] : memref<10240x32xf32, #tpu.memory_space<vmem_shared>> -> memref<80x32xf32, #tpu.memory_space<vmem_shared>>
    %dma_wait3A_273 = arith.constant 0 : i32
    %dma_wait3A_274 = tpu.memref_slice %arg9[%add3A_265, %dma_wait3A_273] : memref<10240x32xf32, #tpu.memory_space<vmem_shared>> -> memref<80x32xf32, #tpu.memory_space<vmem_shared>>
    %dma_wait3A_275 = arith.constant 0 : i32
    %dma_wait3A_276 = arith.constant 0 : i32
    %dma_wait3A_277 = tpu.memref_slice %arg8[%dma_wait3A_266, %dma_wait3A_275, %dma_wait3A_276] : memref<5x80x32xf32, #tpu.memory_space<vmem>> -> memref<1x80x32xf32, #tpu.memory_space<vmem>>
    %dma_wait3A_278 = tpu.memref_squeeze %dma_wait3A_277 : memref<1x80x32xf32, #tpu.memory_space<vmem>> -> memref<80x32xf32, #tpu.memory_space<vmem>>
    tpu.wait_dma2 semaphore(%arg24 : memref<!tpu.dma_semaphore, #tpu.memory_space<semaphore_mem>>) src(%dma_wait3A_278 : memref<80x32xf32, #tpu.memory_space<vmem>>) dst(%dma_wait3A_274 : memref<80x32xf32, #tpu.memory_space<vmem_shared>>)
    %barrier3A = arith.constant 0 : index
    tpu.barrier barrier_id(%barrier3A)
    %dma_start3A_279 = arith.constant 0 : i32
    %dma_start3A_280 = arith.constant 0 : i32
    %dma_start3A_281 = arith.constant 0 : i32
    %dma_start3A_282 = arith.constant 0 : i32
    %dma_start3A_283 = tpu.memref_slice %arg8[%dma_start3A_280, %dma_start3A_281, %dma_start3A_282] : memref<5x80x32xf32, #tpu.memory_space<vmem>> -> memref<1x80x32xf32, #tpu.memory_space<vmem>>
    %dma_start3A_284 = tpu.memref_squeeze %dma_start3A_283 : memref<1x80x32xf32, #tpu.memory_space<vmem>> -> memref<80x32xf32, #tpu.memory_space<vmem>>
    %dma_start3A_285 = arith.constant 0 : i32
    %dma_start3A_286 = tpu.memref_slice %arg6[%dma_start3A_279, %dma_start3A_285] : memref<125x80xi32, #tpu.memory_space<vmem>> -> memref<1x80xi32, #tpu.memory_space<vmem>>
    %dma_start3A_287 = tpu.memref_squeeze %dma_start3A_286 : memref<1x80xi32, #tpu.memory_space<vmem>> -> memref<80xi32, #tpu.memory_space<vmem>>
    %dma_start3A_288 = arith.constant 0 : i32
    %dma_start3A_289 = arith.constant 0 : i32
    %dma_start3A_290 = tpu.memref_slice %arg2[%dma_start3A_288, %dma_start3A_289] : memref<10240x32xf32, #tpu.memory_space<hbm>> -> memref<10240x32xf32, #tpu.memory_space<hbm>>
    tpu.enqueue_indirect_dma source(%dma_start3A_290 : memref<10240x32xf32, #tpu.memory_space<hbm>>) target(%dma_start3A_284 : memref<80x32xf32, #tpu.memory_space<vmem>>) offsets(%dma_start3A_287 : memref<80xi32, #tpu.memory_space<vmem>>) semaphore(%arg10 : memref<!tpu.dma_semaphore, #tpu.memory_space<semaphore_mem>>)
    %dma_start3A_291 = arith.constant 1 : i32
    %dma_start3A_292 = arith.constant 1 : i32
    %dma_start3A_293 = arith.constant 0 : i32
    %dma_start3A_294 = arith.constant 0 : i32
    %dma_start3A_295 = tpu.memref_slice %arg8[%dma_start3A_292, %dma_start3A_293, %dma_start3A_294] : memref<5x80x32xf32, #tpu.memory_space<vmem>> -> memref<1x80x32xf32, #tpu.memory_space<vmem>>
    %dma_start3A_296 = tpu.memref_squeeze %dma_start3A_295 : memref<1x80x32xf32, #tpu.memory_space<vmem>> -> memref<80x32xf32, #tpu.memory_space<vmem>>
    %dma_start3A_297 = arith.constant 0 : i32
    %dma_start3A_298 = tpu.memref_slice %arg6[%dma_start3A_291, %dma_start3A_297] : memref<125x80xi32, #tpu.memory_space<vmem>> -> memref<1x80xi32, #tpu.memory_space<vmem>>
    %dma_start3A_299 = tpu.memref_squeeze %dma_start3A_298 : memref<1x80xi32, #tpu.memory_space<vmem>> -> memref<80xi32, #tpu.memory_space<vmem>>
    %dma_start3A_300 = arith.constant 0 : i32
    %dma_start3A_301 = arith.constant 0 : i32
    %dma_start3A_302 = tpu.memref_slice %arg2[%dma_start3A_300, %dma_start3A_301] : memref<10240x32xf32, #tpu.memory_space<hbm>> -> memref<10240x32xf32, #tpu.memory_space<hbm>>
    tpu.enqueue_indirect_dma source(%dma_start3A_302 : memref<10240x32xf32, #tpu.memory_space<hbm>>) target(%dma_start3A_296 : memref<80x32xf32, #tpu.memory_space<vmem>>) offsets(%dma_start3A_299 : memref<80xi32, #tpu.memory_space<vmem>>) semaphore(%arg11 : memref<!tpu.dma_semaphore, #tpu.memory_space<semaphore_mem>>)
    %dma_start3A_303 = arith.constant 2 : i32
    %dma_start3A_304 = arith.constant 2 : i32
    %dma_start3A_305 = arith.constant 0 : i32
    %dma_start3A_306 = arith.constant 0 : i32
    %dma_start3A_307 = tpu.memref_slice %arg8[%dma_start3A_304, %dma_start3A_305, %dma_start3A_306] : memref<5x80x32xf32, #tpu.memory_space<vmem>> -> memref<1x80x32xf32, #tpu.memory_space<vmem>>
    %dma_start3A_308 = tpu.memref_squeeze %dma_start3A_307 : memref<1x80x32xf32, #tpu.memory_space<vmem>> -> memref<80x32xf32, #tpu.memory_space<vmem>>
    %dma_start3A_309 = arith.constant 0 : i32
    %dma_start3A_310 = tpu.memref_slice %arg6[%dma_start3A_303, %dma_start3A_309] : memref<125x80xi32, #tpu.memory_space<vmem>> -> memref<1x80xi32, #tpu.memory_space<vmem>>
    %dma_start3A_311 = tpu.memref_squeeze %dma_start3A_310 : memref<1x80xi32, #tpu.memory_space<vmem>> -> memref<80xi32, #tpu.memory_space<vmem>>
    %dma_start3A_312 = arith.constant 0 : i32
    %dma_start3A_313 = arith.constant 0 : i32
    %dma_start3A_314 = tpu.memref_slice %arg2[%dma_start3A_312, %dma_start3A_313] : memref<10240x32xf32, #tpu.memory_space<hbm>> -> memref<10240x32xf32, #tpu.memory_space<hbm>>
    tpu.enqueue_indirect_dma source(%dma_start3A_314 : memref<10240x32xf32, #tpu.memory_space<hbm>>) target(%dma_start3A_308 : memref<80x32xf32, #tpu.memory_space<vmem>>) offsets(%dma_start3A_311 : memref<80xi32, #tpu.memory_space<vmem>>) semaphore(%arg12 : memref<!tpu.dma_semaphore, #tpu.memory_space<semaphore_mem>>)
    %scan3A_315 = arith.constant 0 : i32
    %scan3A_316 = arith.constant 0 : i32
    %scan3A_317 = arith.constant 13 : i32
    %scan3A_318 = arith.addi %scan3A_316, %scan3A_317 : i32
    %scan3A_319 = arith.constant 1 : i32
    scf.for %scan3A_349 = %scan3A_316 to %scan3A_318 step %scan3A_319  : i32 {
      %mul3A_350 = arith.constant 10 : i32
      %mul3A_351 = arith.muli %scan3A_349, %mul3A_350 : i32
      %add3A_352 = arith.constant 0 : i32
      %add3A_353 = arith.addi %mul3A_351, %add3A_352 : i32
      %lt3A = arith.constant 125 : i32
      %lt3A_354 = arith.cmpi slt, %add3A_353, %lt3A : i32
      %convert_element_type3A = arith.extui %lt3A_354 : i1 to i32
      %cond3A = arith.constant 0 : i32
      %cond3A_355 = arith.cmpi ne, %convert_element_type3A, %cond3A : i32
      scf.if %cond3A_355 {
        %ge3A = arith.constant 2 : i32
        %ge3A_437 = arith.cmpi sge, %add3A_353, %ge3A : i32
        %convert_element_type3A_438 = arith.extui %ge3A_437 : i1 to i32
        %cond3A_439 = arith.constant 0 : i32
        %cond3A_440 = arith.cmpi ne, %convert_element_type3A_438, %cond3A_439 : i32
        scf.if %cond3A_440 {
          %dma_wait3A_470 = arith.constant 0 : i32
          %dma_wait3A_471 = arith.constant 0 : i32
          %dma_wait3A_472 = arith.constant 0 : i32
          %dma_wait3A_473 = tpu.memref_slice %arg8[%dma_wait3A_470, %dma_wait3A_471, %dma_wait3A_472] : memref<5x80x32xf32, #tpu.memory_space<vmem>> -> memref<1x80x32xf32, #tpu.memory_space<vmem>>
          %dma_wait3A_474 = tpu.memref_squeeze %dma_wait3A_473 : memref<1x80x32xf32, #tpu.memory_space<vmem>> -> memref<80x32xf32, #tpu.memory_space<vmem>>
          %dma_wait3A_475 = arith.constant 0 : i32
          %dma_wait3A_476 = tpu.memref_slice %arg7[%add3A_353, %dma_wait3A_475] : memref<125x80xi32, #tpu.memory_space<vmem>> -> memref<1x80xi32, #tpu.memory_space<vmem>>
          %dma_wait3A_477 = tpu.memref_squeeze %dma_wait3A_476 : memref<1x80xi32, #tpu.memory_space<vmem>> -> memref<80xi32, #tpu.memory_space<vmem>>
          %dma_wait3A_478 = arith.constant 0 : i32
          %dma_wait3A_479 = arith.constant 0 : i32
          %dma_wait3A_480 = tpu.memref_slice %arg9[%dma_wait3A_478, %dma_wait3A_479] : memref<10240x32xf32, #tpu.memory_space<vmem_shared>> -> memref<10240x32xf32, #tpu.memory_space<vmem_shared>>
          tpu.wait_indirect_dma semaphore(%arg23 : memref<!tpu.dma_semaphore, #tpu.memory_space<semaphore_mem>>) src(%dma_wait3A_474 : memref<80x32xf32, #tpu.memory_space<vmem>>) dst(%dma_wait3A_480 : memref<10240x32xf32, #tpu.memory_space<vmem_shared>>)
        } else {
        }
        %add3A_441 = arith.constant 3 : i32
        %add3A_442 = arith.addi %add3A_353, %add3A_441 : i32
        %lt3A_443 = arith.constant 125 : i32
        %lt3A_444 = arith.cmpi slt, %add3A_442, %lt3A_443 : i32
        %convert_element_type3A_445 = arith.extui %lt3A_444 : i1 to i32
        %cond3A_446 = arith.constant 0 : i32
        %cond3A_447 = arith.cmpi ne, %convert_element_type3A_445, %cond3A_446 : i32
        scf.if %cond3A_447 {
          %add3A_470 = arith.constant 3 : i32
          %add3A_471 = arith.addi %add3A_353, %add3A_470 : i32
          %dma_start3A_472 = arith.constant 3 : i32
          %dma_start3A_473 = arith.constant 0 : i32
          %dma_start3A_474 = arith.constant 0 : i32
          %dma_start3A_475 = tpu.memref_slice %arg8[%dma_start3A_472, %dma_start3A_473, %dma_start3A_474] : memref<5x80x32xf32, #tpu.memory_space<vmem>> -> memref<1x80x32xf32, #tpu.memory_space<vmem>>
          %dma_start3A_476 = tpu.memref_squeeze %dma_start3A_475 : memref<1x80x32xf32, #tpu.memory_space<vmem>> -> memref<80x32xf32, #tpu.memory_space<vmem>>
          %dma_start3A_477 = arith.constant 0 : i32
          %dma_start3A_478 = tpu.memref_slice %arg6[%add3A_471, %dma_start3A_477] : memref<125x80xi32, #tpu.memory_space<vmem>> -> memref<1x80xi32, #tpu.memory_space<vmem>>
          %dma_start3A_479 = tpu.memref_squeeze %dma_start3A_478 : memref<1x80xi32, #tpu.memory_space<vmem>> -> memref<80xi32, #tpu.memory_space<vmem>>
          %dma_start3A_480 = arith.constant 0 : i32
          %dma_start3A_481 = arith.constant 0 : i32
          %dma_start3A_482 = tpu.memref_slice %arg2[%dma_start3A_480, %dma_start3A_481] : memref<10240x32xf32, #tpu.memory_space<hbm>> -> memref<10240x32xf32, #tpu.memory_space<hbm>>
          tpu.enqueue_indirect_dma source(%dma_start3A_482 : memref<10240x32xf32, #tpu.memory_space<hbm>>) target(%dma_start3A_476 : memref<80x32xf32, #tpu.memory_space<vmem>>) offsets(%dma_start3A_479 : memref<80xi32, #tpu.memory_space<vmem>>) semaphore(%arg13 : memref<!tpu.dma_semaphore, #tpu.memory_space<semaphore_mem>>)
        } else {
        }
        %dma_wait3A_448 = arith.constant 0 : i32
        %dma_wait3A_449 = arith.constant 0 : i32
        %dma_wait3A_450 = arith.constant 0 : i32
        %dma_wait3A_451 = tpu.memref_slice %arg8[%dma_wait3A_448, %dma_wait3A_449, %dma_wait3A_450] : memref<5x80x32xf32, #tpu.memory_space<vmem>> -> memref<1x80x32xf32, #tpu.memory_space<vmem>>
        %dma_wait3A_452 = tpu.memref_squeeze %dma_wait3A_451 : memref<1x80x32xf32, #tpu.memory_space<vmem>> -> memref<80x32xf32, #tpu.memory_space<vmem>>
        %dma_wait3A_453 = arith.constant 0 : i32
        %dma_wait3A_454 = tpu.memref_slice %arg6[%add3A_353, %dma_wait3A_453] : memref<125x80xi32, #tpu.memory_space<vmem>> -> memref<1x80xi32, #tpu.memory_space<vmem>>
        %dma_wait3A_455 = tpu.memref_squeeze %dma_wait3A_454 : memref<1x80xi32, #tpu.memory_space<vmem>> -> memref<80xi32, #tpu.memory_space<vmem>>
        %dma_wait3A_456 = arith.constant 0 : i32
        %dma_wait3A_457 = arith.constant 0 : i32
        %dma_wait3A_458 = tpu.memref_slice %arg2[%dma_wait3A_456, %dma_wait3A_457] : memref<10240x32xf32, #tpu.memory_space<hbm>> -> memref<10240x32xf32, #tpu.memory_space<hbm>>
        tpu.wait_indirect_dma semaphore(%arg10 : memref<!tpu.dma_semaphore, #tpu.memory_space<semaphore_mem>>) src(%dma_wait3A_458 : memref<10240x32xf32, #tpu.memory_space<hbm>>) dst(%dma_wait3A_452 : memref<80x32xf32, #tpu.memory_space<vmem>>)
        %dma_start3A_459 = arith.constant 0 : i32
        %dma_start3A_460 = arith.constant 0 : i32
        %dma_start3A_461 = arith.constant 0 : i32
        %dma_start3A_462 = tpu.memref_slice %arg8[%dma_start3A_459, %dma_start3A_460, %dma_start3A_461] : memref<5x80x32xf32, #tpu.memory_space<vmem>> -> memref<1x80x32xf32, #tpu.memory_space<vmem>>
        %dma_start3A_463 = tpu.memref_squeeze %dma_start3A_462 : memref<1x80x32xf32, #tpu.memory_space<vmem>> -> memref<80x32xf32, #tpu.memory_space<vmem>>
        %dma_start3A_464 = arith.constant 0 : i32
        %dma_start3A_465 = tpu.memref_slice %arg7[%add3A_353, %dma_start3A_464] : memref<125x80xi32, #tpu.memory_space<vmem>> -> memref<1x80xi32, #tpu.memory_space<vmem>>
        %dma_start3A_466 = tpu.memref_squeeze %dma_start3A_465 : memref<1x80xi32, #tpu.memory_space<vmem>> -> memref<80xi32, #tpu.memory_space<vmem>>
        %dma_start3A_467 = arith.constant 0 : i32
        %dma_start3A_468 = arith.constant 0 : i32
        %dma_start3A_469 = tpu.memref_slice %arg9[%dma_start3A_467, %dma_start3A_468] : memref<10240x32xf32, #tpu.memory_space<vmem_shared>> -> memref<10240x32xf32, #tpu.memory_space<vmem_shared>>
        tpu.enqueue_indirect_dma source(%dma_start3A_463 : memref<80x32xf32, #tpu.memory_space<vmem>>) target(%dma_start3A_469 : memref<10240x32xf32, #tpu.memory_space<vmem_shared>>) offsets(%dma_start3A_466 : memref<80xi32, #tpu.memory_space<vmem>>) semaphore(%arg23 : memref<!tpu.dma_semaphore, #tpu.memory_space<semaphore_mem>>) {add = true}
      } else {
      }
      %mul3A_356 = arith.constant 10 : i32
      %mul3A_357 = arith.muli %scan3A_349, %mul3A_356 : i32
      %add3A_358 = arith.constant 1 : i32
      %add3A_359 = arith.addi %mul3A_357, %add3A_358 : i32
      %lt3A_360 = arith.constant 125 : i32
      %lt3A_361 = arith.cmpi slt, %add3A_359, %lt3A_360 : i32
      %convert_element_type3A_362 = arith.extui %lt3A_361 : i1 to i32
      %cond3A_363 = arith.constant 0 : i32
      %cond3A_364 = arith.cmpi ne, %convert_element_type3A_362, %cond3A_363 : i32
      scf.if %cond3A_364 {
        %ge3A = arith.constant 2 : i32
        %ge3A_437 = arith.cmpi sge, %add3A_359, %ge3A : i32
        %convert_element_type3A_438 = arith.extui %ge3A_437 : i1 to i32
        %cond3A_439 = arith.constant 0 : i32
        %cond3A_440 = arith.cmpi ne, %convert_element_type3A_438, %cond3A_439 : i32
        scf.if %cond3A_440 {
          %dma_wait3A_470 = arith.constant 1 : i32
          %dma_wait3A_471 = arith.constant 0 : i32
          %dma_wait3A_472 = arith.constant 0 : i32
          %dma_wait3A_473 = tpu.memref_slice %arg8[%dma_wait3A_470, %dma_wait3A_471, %dma_wait3A_472] : memref<5x80x32xf32, #tpu.memory_space<vmem>> -> memref<1x80x32xf32, #tpu.memory_space<vmem>>
          %dma_wait3A_474 = tpu.memref_squeeze %dma_wait3A_473 : memref<1x80x32xf32, #tpu.memory_space<vmem>> -> memref<80x32xf32, #tpu.memory_space<vmem>>
          %dma_wait3A_475 = arith.constant 0 : i32
          %dma_wait3A_476 = tpu.memref_slice %arg7[%add3A_359, %dma_wait3A_475] : memref<125x80xi32, #tpu.memory_space<vmem>> -> memref<1x80xi32, #tpu.memory_space<vmem>>
          %dma_wait3A_477 = tpu.memref_squeeze %dma_wait3A_476 : memref<1x80xi32, #tpu.memory_space<vmem>> -> memref<80xi32, #tpu.memory_space<vmem>>
          %dma_wait3A_478 = arith.constant 0 : i32
          %dma_wait3A_479 = arith.constant 0 : i32
          %dma_wait3A_480 = tpu.memref_slice %arg9[%dma_wait3A_478, %dma_wait3A_479] : memref<10240x32xf32, #tpu.memory_space<vmem_shared>> -> memref<10240x32xf32, #tpu.memory_space<vmem_shared>>
          tpu.wait_indirect_dma semaphore(%arg24 : memref<!tpu.dma_semaphore, #tpu.memory_space<semaphore_mem>>) src(%dma_wait3A_474 : memref<80x32xf32, #tpu.memory_space<vmem>>) dst(%dma_wait3A_480 : memref<10240x32xf32, #tpu.memory_space<vmem_shared>>)
        } else {
        }
        %add3A_441 = arith.constant 3 : i32
        %add3A_442 = arith.addi %add3A_359, %add3A_441 : i32
        %lt3A_443 = arith.constant 125 : i32
        %lt3A_444 = arith.cmpi slt, %add3A_442, %lt3A_443 : i32
        %convert_element_type3A_445 = arith.extui %lt3A_444 : i1 to i32
        %cond3A_446 = arith.constant 0 : i32
        %cond3A_447 = arith.cmpi ne, %convert_element_type3A_445, %cond3A_446 : i32
        scf.if %cond3A_447 {
          %add3A_470 = arith.constant 3 : i32
          %add3A_471 = arith.addi %add3A_359, %add3A_470 : i32
          %dma_start3A_472 = arith.constant 4 : i32
          %dma_start3A_473 = arith.constant 0 : i32
          %dma_start3A_474 = arith.constant 0 : i32
          %dma_start3A_475 = tpu.memref_slice %arg8[%dma_start3A_472, %dma_start3A_473, %dma_start3A_474] : memref<5x80x32xf32, #tpu.memory_space<vmem>> -> memref<1x80x32xf32, #tpu.memory_space<vmem>>
          %dma_start3A_476 = tpu.memref_squeeze %dma_start3A_475 : memref<1x80x32xf32, #tpu.memory_space<vmem>> -> memref<80x32xf32, #tpu.memory_space<vmem>>
          %dma_start3A_477 = arith.constant 0 : i32
          %dma_start3A_478 = tpu.memref_slice %arg6[%add3A_471, %dma_start3A_477] : memref<125x80xi32, #tpu.memory_space<vmem>> -> memref<1x80xi32, #tpu.memory_space<vmem>>
          %dma_start3A_479 = tpu.memref_squeeze %dma_start3A_478 : memref<1x80xi32, #tpu.memory_space<vmem>> -> memref<80xi32, #tpu.memory_space<vmem>>
          %dma_start3A_480 = arith.constant 0 : i32
          %dma_start3A_481 = arith.constant 0 : i32
          %dma_start3A_482 = tpu.memref_slice %arg2[%dma_start3A_480, %dma_start3A_481] : memref<10240x32xf32, #tpu.memory_space<hbm>> -> memref<10240x32xf32, #tpu.memory_space<hbm>>
          tpu.enqueue_indirect_dma source(%dma_start3A_482 : memref<10240x32xf32, #tpu.memory_space<hbm>>) target(%dma_start3A_476 : memref<80x32xf32, #tpu.memory_space<vmem>>) offsets(%dma_start3A_479 : memref<80xi32, #tpu.memory_space<vmem>>) semaphore(%arg14 : memref<!tpu.dma_semaphore, #tpu.memory_space<semaphore_mem>>)
        } else {
        }
        %dma_wait3A_448 = arith.constant 1 : i32
        %dma_wait3A_449 = arith.constant 0 : i32
        %dma_wait3A_450 = arith.constant 0 : i32
        %dma_wait3A_451 = tpu.memref_slice %arg8[%dma_wait3A_448, %dma_wait3A_449, %dma_wait3A_450] : memref<5x80x32xf32, #tpu.memory_space<vmem>> -> memref<1x80x32xf32, #tpu.memory_space<vmem>>
        %dma_wait3A_452 = tpu.memref_squeeze %dma_wait3A_451 : memref<1x80x32xf32, #tpu.memory_space<vmem>> -> memref<80x32xf32, #tpu.memory_space<vmem>>
        %dma_wait3A_453 = arith.constant 0 : i32
        %dma_wait3A_454 = tpu.memref_slice %arg6[%add3A_359, %dma_wait3A_453] : memref<125x80xi32, #tpu.memory_space<vmem>> -> memref<1x80xi32, #tpu.memory_space<vmem>>
        %dma_wait3A_455 = tpu.memref_squeeze %dma_wait3A_454 : memref<1x80xi32, #tpu.memory_space<vmem>> -> memref<80xi32, #tpu.memory_space<vmem>>
        %dma_wait3A_456 = arith.constant 0 : i32
        %dma_wait3A_457 = arith.constant 0 : i32
        %dma_wait3A_458 = tpu.memref_slice %arg2[%dma_wait3A_456, %dma_wait3A_457] : memref<10240x32xf32, #tpu.memory_space<hbm>> -> memref<10240x32xf32, #tpu.memory_space<hbm>>
        tpu.wait_indirect_dma semaphore(%arg11 : memref<!tpu.dma_semaphore, #tpu.memory_space<semaphore_mem>>) src(%dma_wait3A_458 : memref<10240x32xf32, #tpu.memory_space<hbm>>) dst(%dma_wait3A_452 : memref<80x32xf32, #tpu.memory_space<vmem>>)
        %dma_start3A_459 = arith.constant 1 : i32
        %dma_start3A_460 = arith.constant 0 : i32
        %dma_start3A_461 = arith.constant 0 : i32
        %dma_start3A_462 = tpu.memref_slice %arg8[%dma_start3A_459, %dma_start3A_460, %dma_start3A_461] : memref<5x80x32xf32, #tpu.memory_space<vmem>> -> memref<1x80x32xf32, #tpu.memory_space<vmem>>
        %dma_start3A_463 = tpu.memref_squeeze %dma_start3A_462 : memref<1x80x32xf32, #tpu.memory_space<vmem>> -> memref<80x32xf32, #tpu.memory_space<vmem>>
        %dma_start3A_464 = arith.constant 0 : i32
        %dma_start3A_465 = tpu.memref_slice %arg7[%add3A_359, %dma_start3A_464] : memref<125x80xi32, #tpu.memory_space<vmem>> -> memref<1x80xi32, #tpu.memory_space<vmem>>
        %dma_start3A_466 = tpu.memref_squeeze %dma_start3A_465 : memref<1x80xi32, #tpu.memory_space<vmem>> -> memref<80xi32, #tpu.memory_space<vmem>>
        %dma_start3A_467 = arith.constant 0 : i32
        %dma_start3A_468 = arith.constant 0 : i32
        %dma_start3A_469 = tpu.memref_slice %arg9[%dma_start3A_467, %dma_start3A_468] : memref<10240x32xf32, #tpu.memory_space<vmem_shared>> -> memref<10240x32xf32, #tpu.memory_space<vmem_shared>>
        tpu.enqueue_indirect_dma source(%dma_start3A_463 : memref<80x32xf32, #tpu.memory_space<vmem>>) target(%dma_start3A_469 : memref<10240x32xf32, #tpu.memory_space<vmem_shared>>) offsets(%dma_start3A_466 : memref<80xi32, #tpu.memory_space<vmem>>) semaphore(%arg24 : memref<!tpu.dma_semaphore, #tpu.memory_space<semaphore_mem>>) {add = true}
      } else {
      }
      %mul3A_365 = arith.constant 10 : i32
      %mul3A_366 = arith.muli %scan3A_349, %mul3A_365 : i32
      %add3A_367 = arith.constant 2 : i32
      %add3A_368 = arith.addi %mul3A_366, %add3A_367 : i32
      %lt3A_369 = arith.constant 125 : i32
      %lt3A_370 = arith.cmpi slt, %add3A_368, %lt3A_369 : i32
      %convert_element_type3A_371 = arith.extui %lt3A_370 : i1 to i32
      %cond3A_372 = arith.constant 0 : i32
      %cond3A_373 = arith.cmpi ne, %convert_element_type3A_371, %cond3A_372 : i32
      scf.if %cond3A_373 {
        %ge3A = arith.constant 2 : i32
        %ge3A_437 = arith.cmpi sge, %add3A_368, %ge3A : i32
        %convert_element_type3A_438 = arith.extui %ge3A_437 : i1 to i32
        %cond3A_439 = arith.constant 0 : i32
        %cond3A_440 = arith.cmpi ne, %convert_element_type3A_438, %cond3A_439 : i32
        scf.if %cond3A_440 {
          %dma_wait3A_470 = arith.constant 2 : i32
          %dma_wait3A_471 = arith.constant 0 : i32
          %dma_wait3A_472 = arith.constant 0 : i32
          %dma_wait3A_473 = tpu.memref_slice %arg8[%dma_wait3A_470, %dma_wait3A_471, %dma_wait3A_472] : memref<5x80x32xf32, #tpu.memory_space<vmem>> -> memref<1x80x32xf32, #tpu.memory_space<vmem>>
          %dma_wait3A_474 = tpu.memref_squeeze %dma_wait3A_473 : memref<1x80x32xf32, #tpu.memory_space<vmem>> -> memref<80x32xf32, #tpu.memory_space<vmem>>
          %dma_wait3A_475 = arith.constant 0 : i32
          %dma_wait3A_476 = tpu.memref_slice %arg7[%add3A_368, %dma_wait3A_475] : memref<125x80xi32, #tpu.memory_space<vmem>> -> memref<1x80xi32, #tpu.memory_space<vmem>>
          %dma_wait3A_477 = tpu.memref_squeeze %dma_wait3A_476 : memref<1x80xi32, #tpu.memory_space<vmem>> -> memref<80xi32, #tpu.memory_space<vmem>>
          %dma_wait3A_478 = arith.constant 0 : i32
          %dma_wait3A_479 = arith.constant 0 : i32
          %dma_wait3A_480 = tpu.memref_slice %arg9[%dma_wait3A_478, %dma_wait3A_479] : memref<10240x32xf32, #tpu.memory_space<vmem_shared>> -> memref<10240x32xf32, #tpu.memory_space<vmem_shared>>
          tpu.wait_indirect_dma semaphore(%arg23 : memref<!tpu.dma_semaphore, #tpu.memory_space<semaphore_mem>>) src(%dma_wait3A_474 : memref<80x32xf32, #tpu.memory_space<vmem>>) dst(%dma_wait3A_480 : memref<10240x32xf32, #tpu.memory_space<vmem_shared>>)
        } else {
        }
        %add3A_441 = arith.constant 3 : i32
        %add3A_442 = arith.addi %add3A_368, %add3A_441 : i32
        %lt3A_443 = arith.constant 125 : i32
        %lt3A_444 = arith.cmpi slt, %add3A_442, %lt3A_443 : i32
        %convert_element_type3A_445 = arith.extui %lt3A_444 : i1 to i32
        %cond3A_446 = arith.constant 0 : i32
        %cond3A_447 = arith.cmpi ne, %convert_element_type3A_445, %cond3A_446 : i32
        scf.if %cond3A_447 {
          %add3A_470 = arith.constant 3 : i32
          %add3A_471 = arith.addi %add3A_368, %add3A_470 : i32
          %dma_start3A_472 = arith.constant 0 : i32
          %dma_start3A_473 = arith.constant 0 : i32
          %dma_start3A_474 = arith.constant 0 : i32
          %dma_start3A_475 = tpu.memref_slice %arg8[%dma_start3A_472, %dma_start3A_473, %dma_start3A_474] : memref<5x80x32xf32, #tpu.memory_space<vmem>> -> memref<1x80x32xf32, #tpu.memory_space<vmem>>
          %dma_start3A_476 = tpu.memref_squeeze %dma_start3A_475 : memref<1x80x32xf32, #tpu.memory_space<vmem>> -> memref<80x32xf32, #tpu.memory_space<vmem>>
          %dma_start3A_477 = arith.constant 0 : i32
          %dma_start3A_478 = tpu.memref_slice %arg6[%add3A_471, %dma_start3A_477] : memref<125x80xi32, #tpu.memory_space<vmem>> -> memref<1x80xi32, #tpu.memory_space<vmem>>
          %dma_start3A_479 = tpu.memref_squeeze %dma_start3A_478 : memref<1x80xi32, #tpu.memory_space<vmem>> -> memref<80xi32, #tpu.memory_space<vmem>>
          %dma_start3A_480 = arith.constant 0 : i32
          %dma_start3A_481 = arith.constant 0 : i32
          %dma_start3A_482 = tpu.memref_slice %arg2[%dma_start3A_480, %dma_start3A_481] : memref<10240x32xf32, #tpu.memory_space<hbm>> -> memref<10240x32xf32, #tpu.memory_space<hbm>>
          tpu.enqueue_indirect_dma source(%dma_start3A_482 : memref<10240x32xf32, #tpu.memory_space<hbm>>) target(%dma_start3A_476 : memref<80x32xf32, #tpu.memory_space<vmem>>) offsets(%dma_start3A_479 : memref<80xi32, #tpu.memory_space<vmem>>) semaphore(%arg10 : memref<!tpu.dma_semaphore, #tpu.memory_space<semaphore_mem>>)
        } else {
        }
        %dma_wait3A_448 = arith.constant 2 : i32
        %dma_wait3A_449 = arith.constant 0 : i32
        %dma_wait3A_450 = arith.constant 0 : i32
        %dma_wait3A_451 = tpu.memref_slice %arg8[%dma_wait3A_448, %dma_wait3A_449, %dma_wait3A_450] : memref<5x80x32xf32, #tpu.memory_space<vmem>> -> memref<1x80x32xf32, #tpu.memory_space<vmem>>
        %dma_wait3A_452 = tpu.memref_squeeze %dma_wait3A_451 : memref<1x80x32xf32, #tpu.memory_space<vmem>> -> memref<80x32xf32, #tpu.memory_space<vmem>>
        %dma_wait3A_453 = arith.constant 0 : i32
        %dma_wait3A_454 = tpu.memref_slice %arg6[%add3A_368, %dma_wait3A_453] : memref<125x80xi32, #tpu.memory_space<vmem>> -> memref<1x80xi32, #tpu.memory_space<vmem>>
        %dma_wait3A_455 = tpu.memref_squeeze %dma_wait3A_454 : memref<1x80xi32, #tpu.memory_space<vmem>> -> memref<80xi32, #tpu.memory_space<vmem>>
        %dma_wait3A_456 = arith.constant 0 : i32
        %dma_wait3A_457 = arith.constant 0 : i32
        %dma_wait3A_458 = tpu.memref_slice %arg2[%dma_wait3A_456, %dma_wait3A_457] : memref<10240x32xf32, #tpu.memory_space<hbm>> -> memref<10240x32xf32, #tpu.memory_space<hbm>>
        tpu.wait_indirect_dma semaphore(%arg12 : memref<!tpu.dma_semaphore, #tpu.memory_space<semaphore_mem>>) src(%dma_wait3A_458 : memref<10240x32xf32, #tpu.memory_space<hbm>>) dst(%dma_wait3A_452 : memref<80x32xf32, #tpu.memory_space<vmem>>)
        %dma_start3A_459 = arith.constant 2 : i32
        %dma_start3A_460 = arith.constant 0 : i32
        %dma_start3A_461 = arith.constant 0 : i32
        %dma_start3A_462 = tpu.memref_slice %arg8[%dma_start3A_459, %dma_start3A_460, %dma_start3A_461] : memref<5x80x32xf32, #tpu.memory_space<vmem>> -> memref<1x80x32xf32, #tpu.memory_space<vmem>>
        %dma_start3A_463 = tpu.memref_squeeze %dma_start3A_462 : memref<1x80x32xf32, #tpu.memory_space<vmem>> -> memref<80x32xf32, #tpu.memory_space<vmem>>
        %dma_start3A_464 = arith.constant 0 : i32
        %dma_start3A_465 = tpu.memref_slice %arg7[%add3A_368, %dma_start3A_464] : memref<125x80xi32, #tpu.memory_space<vmem>> -> memref<1x80xi32, #tpu.memory_space<vmem>>
        %dma_start3A_466 = tpu.memref_squeeze %dma_start3A_465 : memref<1x80xi32, #tpu.memory_space<vmem>> -> memref<80xi32, #tpu.memory_space<vmem>>
        %dma_start3A_467 = arith.constant 0 : i32
        %dma_start3A_468 = arith.constant 0 : i32
        %dma_start3A_469 = tpu.memref_slice %arg9[%dma_start3A_467, %dma_start3A_468] : memref<10240x32xf32, #tpu.memory_space<vmem_shared>> -> memref<10240x32xf32, #tpu.memory_space<vmem_shared>>
        tpu.enqueue_indirect_dma source(%dma_start3A_463 : memref<80x32xf32, #tpu.memory_space<vmem>>) target(%dma_start3A_469 : memref<10240x32xf32, #tpu.memory_space<vmem_shared>>) offsets(%dma_start3A_466 : memref<80xi32, #tpu.memory_space<vmem>>) semaphore(%arg23 : memref<!tpu.dma_semaphore, #tpu.memory_space<semaphore_mem>>) {add = true}
      } else {
      }
      %mul3A_374 = arith.constant 10 : i32
      %mul3A_375 = arith.muli %scan3A_349, %mul3A_374 : i32
      %add3A_376 = arith.constant 3 : i32
      %add3A_377 = arith.addi %mul3A_375, %add3A_376 : i32
      %lt3A_378 = arith.constant 125 : i32
      %lt3A_379 = arith.cmpi slt, %add3A_377, %lt3A_378 : i32
      %convert_element_type3A_380 = arith.extui %lt3A_379 : i1 to i32
      %cond3A_381 = arith.constant 0 : i32
      %cond3A_382 = arith.cmpi ne, %convert_element_type3A_380, %cond3A_381 : i32
      scf.if %cond3A_382 {
        %ge3A = arith.constant 2 : i32
        %ge3A_437 = arith.cmpi sge, %add3A_377, %ge3A : i32
        %convert_element_type3A_438 = arith.extui %ge3A_437 : i1 to i32
        %cond3A_439 = arith.constant 0 : i32
        %cond3A_440 = arith.cmpi ne, %convert_element_type3A_438, %cond3A_439 : i32
        scf.if %cond3A_440 {
          %dma_wait3A_470 = arith.constant 3 : i32
          %dma_wait3A_471 = arith.constant 0 : i32
          %dma_wait3A_472 = arith.constant 0 : i32
          %dma_wait3A_473 = tpu.memref_slice %arg8[%dma_wait3A_470, %dma_wait3A_471, %dma_wait3A_472] : memref<5x80x32xf32, #tpu.memory_space<vmem>> -> memref<1x80x32xf32, #tpu.memory_space<vmem>>
          %dma_wait3A_474 = tpu.memref_squeeze %dma_wait3A_473 : memref<1x80x32xf32, #tpu.memory_space<vmem>> -> memref<80x32xf32, #tpu.memory_space<vmem>>
          %dma_wait3A_475 = arith.constant 0 : i32
          %dma_wait3A_476 = tpu.memref_slice %arg7[%add3A_377, %dma_wait3A_475] : memref<125x80xi32, #tpu.memory_space<vmem>> -> memref<1x80xi32, #tpu.memory_space<vmem>>
          %dma_wait3A_477 = tpu.memref_squeeze %dma_wait3A_476 : memref<1x80xi32, #tpu.memory_space<vmem>> -> memref<80xi32, #tpu.memory_space<vmem>>
          %dma_wait3A_478 = arith.constant 0 : i32
          %dma_wait3A_479 = arith.constant 0 : i32
          %dma_wait3A_480 = tpu.memref_slice %arg9[%dma_wait3A_478, %dma_wait3A_479] : memref<10240x32xf32, #tpu.memory_space<vmem_shared>> -> memref<10240x32xf32, #tpu.memory_space<vmem_shared>>
          tpu.wait_indirect_dma semaphore(%arg24 : memref<!tpu.dma_semaphore, #tpu.memory_space<semaphore_mem>>) src(%dma_wait3A_474 : memref<80x32xf32, #tpu.memory_space<vmem>>) dst(%dma_wait3A_480 : memref<10240x32xf32, #tpu.memory_space<vmem_shared>>)
        } else {
        }
        %add3A_441 = arith.constant 3 : i32
        %add3A_442 = arith.addi %add3A_377, %add3A_441 : i32
        %lt3A_443 = arith.constant 125 : i32
        %lt3A_444 = arith.cmpi slt, %add3A_442, %lt3A_443 : i32
        %convert_element_type3A_445 = arith.extui %lt3A_444 : i1 to i32
        %cond3A_446 = arith.constant 0 : i32
        %cond3A_447 = arith.cmpi ne, %convert_element_type3A_445, %cond3A_446 : i32
        scf.if %cond3A_447 {
          %add3A_470 = arith.constant 3 : i32
          %add3A_471 = arith.addi %add3A_377, %add3A_470 : i32
          %dma_start3A_472 = arith.constant 1 : i32
          %dma_start3A_473 = arith.constant 0 : i32
          %dma_start3A_474 = arith.constant 0 : i32
          %dma_start3A_475 = tpu.memref_slice %arg8[%dma_start3A_472, %dma_start3A_473, %dma_start3A_474] : memref<5x80x32xf32, #tpu.memory_space<vmem>> -> memref<1x80x32xf32, #tpu.memory_space<vmem>>
          %dma_start3A_476 = tpu.memref_squeeze %dma_start3A_475 : memref<1x80x32xf32, #tpu.memory_space<vmem>> -> memref<80x32xf32, #tpu.memory_space<vmem>>
          %dma_start3A_477 = arith.constant 0 : i32
          %dma_start3A_478 = tpu.memref_slice %arg6[%add3A_471, %dma_start3A_477] : memref<125x80xi32, #tpu.memory_space<vmem>> -> memref<1x80xi32, #tpu.memory_space<vmem>>
          %dma_start3A_479 = tpu.memref_squeeze %dma_start3A_478 : memref<1x80xi32, #tpu.memory_space<vmem>> -> memref<80xi32, #tpu.memory_space<vmem>>
          %dma_start3A_480 = arith.constant 0 : i32
          %dma_start3A_481 = arith.constant 0 : i32
          %dma_start3A_482 = tpu.memref_slice %arg2[%dma_start3A_480, %dma_start3A_481] : memref<10240x32xf32, #tpu.memory_space<hbm>> -> memref<10240x32xf32, #tpu.memory_space<hbm>>
          tpu.enqueue_indirect_dma source(%dma_start3A_482 : memref<10240x32xf32, #tpu.memory_space<hbm>>) target(%dma_start3A_476 : memref<80x32xf32, #tpu.memory_space<vmem>>) offsets(%dma_start3A_479 : memref<80xi32, #tpu.memory_space<vmem>>) semaphore(%arg11 : memref<!tpu.dma_semaphore, #tpu.memory_space<semaphore_mem>>)
        } else {
        }
        %dma_wait3A_448 = arith.constant 3 : i32
        %dma_wait3A_449 = arith.constant 0 : i32
        %dma_wait3A_450 = arith.constant 0 : i32
        %dma_wait3A_451 = tpu.memref_slice %arg8[%dma_wait3A_448, %dma_wait3A_449, %dma_wait3A_450] : memref<5x80x32xf32, #tpu.memory_space<vmem>> -> memref<1x80x32xf32, #tpu.memory_space<vmem>>
        %dma_wait3A_452 = tpu.memref_squeeze %dma_wait3A_451 : memref<1x80x32xf32, #tpu.memory_space<vmem>> -> memref<80x32xf32, #tpu.memory_space<vmem>>
        %dma_wait3A_453 = arith.constant 0 : i32
        %dma_wait3A_454 = tpu.memref_slice %arg6[%add3A_377, %dma_wait3A_453] : memref<125x80xi32, #tpu.memory_space<vmem>> -> memref<1x80xi32, #tpu.memory_space<vmem>>
        %dma_wait3A_455 = tpu.memref_squeeze %dma_wait3A_454 : memref<1x80xi32, #tpu.memory_space<vmem>> -> memref<80xi32, #tpu.memory_space<vmem>>
        %dma_wait3A_456 = arith.constant 0 : i32
        %dma_wait3A_457 = arith.constant 0 : i32
        %dma_wait3A_458 = tpu.memref_slice %arg2[%dma_wait3A_456, %dma_wait3A_457] : memref<10240x32xf32, #tpu.memory_space<hbm>> -> memref<10240x32xf32, #tpu.memory_space<hbm>>
        tpu.wait_indirect_dma semaphore(%arg13 : memref<!tpu.dma_semaphore, #tpu.memory_space<semaphore_mem>>) src(%dma_wait3A_458 : memref<10240x32xf32, #tpu.memory_space<hbm>>) dst(%dma_wait3A_452 : memref<80x32xf32, #tpu.memory_space<vmem>>)
        %dma_start3A_459 = arith.constant 3 : i32
        %dma_start3A_460 = arith.constant 0 : i32
        %dma_start3A_461 = arith.constant 0 : i32
        %dma_start3A_462 = tpu.memref_slice %arg8[%dma_start3A_459, %dma_start3A_460, %dma_start3A_461] : memref<5x80x32xf32, #tpu.memory_space<vmem>> -> memref<1x80x32xf32, #tpu.memory_space<vmem>>
        %dma_start3A_463 = tpu.memref_squeeze %dma_start3A_462 : memref<1x80x32xf32, #tpu.memory_space<vmem>> -> memref<80x32xf32, #tpu.memory_space<vmem>>
        %dma_start3A_464 = arith.constant 0 : i32
        %dma_start3A_465 = tpu.memref_slice %arg7[%add3A_377, %dma_start3A_464] : memref<125x80xi32, #tpu.memory_space<vmem>> -> memref<1x80xi32, #tpu.memory_space<vmem>>
        %dma_start3A_466 = tpu.memref_squeeze %dma_start3A_465 : memref<1x80xi32, #tpu.memory_space<vmem>> -> memref<80xi32, #tpu.memory_space<vmem>>
        %dma_start3A_467 = arith.constant 0 : i32
        %dma_start3A_468 = arith.constant 0 : i32
        %dma_start3A_469 = tpu.memref_slice %arg9[%dma_start3A_467, %dma_start3A_468] : memref<10240x32xf32, #tpu.memory_space<vmem_shared>> -> memref<10240x32xf32, #tpu.memory_space<vmem_shared>>
        tpu.enqueue_indirect_dma source(%dma_start3A_463 : memref<80x32xf32, #tpu.memory_space<vmem>>) target(%dma_start3A_469 : memref<10240x32xf32, #tpu.memory_space<vmem_shared>>) offsets(%dma_start3A_466 : memref<80xi32, #tpu.memory_space<vmem>>) semaphore(%arg24 : memref<!tpu.dma_semaphore, #tpu.memory_space<semaphore_mem>>) {add = true}
      } else {
      }
      %mul3A_383 = arith.constant 10 : i32
      %mul3A_384 = arith.muli %scan3A_349, %mul3A_383 : i32
      %add3A_385 = arith.constant 4 : i32
      %add3A_386 = arith.addi %mul3A_384, %add3A_385 : i32
      %lt3A_387 = arith.constant 125 : i32
      %lt3A_388 = arith.cmpi slt, %add3A_386, %lt3A_387 : i32
      %convert_element_type3A_389 = arith.extui %lt3A_388 : i1 to i32
      %cond3A_390 = arith.constant 0 : i32
      %cond3A_391 = arith.cmpi ne, %convert_element_type3A_389, %cond3A_390 : i32
      scf.if %cond3A_391 {
        %ge3A = arith.constant 2 : i32
        %ge3A_437 = arith.cmpi sge, %add3A_386, %ge3A : i32
        %convert_element_type3A_438 = arith.extui %ge3A_437 : i1 to i32
        %cond3A_439 = arith.constant 0 : i32
        %cond3A_440 = arith.cmpi ne, %convert_element_type3A_438, %cond3A_439 : i32
        scf.if %cond3A_440 {
          %dma_wait3A_470 = arith.constant 4 : i32
          %dma_wait3A_471 = arith.constant 0 : i32
          %dma_wait3A_472 = arith.constant 0 : i32
          %dma_wait3A_473 = tpu.memref_slice %arg8[%dma_wait3A_470, %dma_wait3A_471, %dma_wait3A_472] : memref<5x80x32xf32, #tpu.memory_space<vmem>> -> memref<1x80x32xf32, #tpu.memory_space<vmem>>
          %dma_wait3A_474 = tpu.memref_squeeze %dma_wait3A_473 : memref<1x80x32xf32, #tpu.memory_space<vmem>> -> memref<80x32xf32, #tpu.memory_space<vmem>>
          %dma_wait3A_475 = arith.constant 0 : i32
          %dma_wait3A_476 = tpu.memref_slice %arg7[%add3A_386, %dma_wait3A_475] : memref<125x80xi32, #tpu.memory_space<vmem>> -> memref<1x80xi32, #tpu.memory_space<vmem>>
          %dma_wait3A_477 = tpu.memref_squeeze %dma_wait3A_476 : memref<1x80xi32, #tpu.memory_space<vmem>> -> memref<80xi32, #tpu.memory_space<vmem>>
          %dma_wait3A_478 = arith.constant 0 : i32
          %dma_wait3A_479 = arith.constant 0 : i32
          %dma_wait3A_480 = tpu.memref_slice %arg9[%dma_wait3A_478, %dma_wait3A_479] : memref<10240x32xf32, #tpu.memory_space<vmem_shared>> -> memref<10240x32xf32, #tpu.memory_space<vmem_shared>>
          tpu.wait_indirect_dma semaphore(%arg23 : memref<!tpu.dma_semaphore, #tpu.memory_space<semaphore_mem>>) src(%dma_wait3A_474 : memref<80x32xf32, #tpu.memory_space<vmem>>) dst(%dma_wait3A_480 : memref<10240x32xf32, #tpu.memory_space<vmem_shared>>)
        } else {
        }
        %add3A_441 = arith.constant 3 : i32
        %add3A_442 = arith.addi %add3A_386, %add3A_441 : i32
        %lt3A_443 = arith.constant 125 : i32
        %lt3A_444 = arith.cmpi slt, %add3A_442, %lt3A_443 : i32
        %convert_element_type3A_445 = arith.extui %lt3A_444 : i1 to i32
        %cond3A_446 = arith.constant 0 : i32
        %cond3A_447 = arith.cmpi ne, %convert_element_type3A_445, %cond3A_446 : i32
        scf.if %cond3A_447 {
          %add3A_470 = arith.constant 3 : i32
          %add3A_471 = arith.addi %add3A_386, %add3A_470 : i32
          %dma_start3A_472 = arith.constant 2 : i32
          %dma_start3A_473 = arith.constant 0 : i32
          %dma_start3A_474 = arith.constant 0 : i32
          %dma_start3A_475 = tpu.memref_slice %arg8[%dma_start3A_472, %dma_start3A_473, %dma_start3A_474] : memref<5x80x32xf32, #tpu.memory_space<vmem>> -> memref<1x80x32xf32, #tpu.memory_space<vmem>>
          %dma_start3A_476 = tpu.memref_squeeze %dma_start3A_475 : memref<1x80x32xf32, #tpu.memory_space<vmem>> -> memref<80x32xf32, #tpu.memory_space<vmem>>
          %dma_start3A_477 = arith.constant 0 : i32
          %dma_start3A_478 = tpu.memref_slice %arg6[%add3A_471, %dma_start3A_477] : memref<125x80xi32, #tpu.memory_space<vmem>> -> memref<1x80xi32, #tpu.memory_space<vmem>>
          %dma_start3A_479 = tpu.memref_squeeze %dma_start3A_478 : memref<1x80xi32, #tpu.memory_space<vmem>> -> memref<80xi32, #tpu.memory_space<vmem>>
          %dma_start3A_480 = arith.constant 0 : i32
          %dma_start3A_481 = arith.constant 0 : i32
          %dma_start3A_482 = tpu.memref_slice %arg2[%dma_start3A_480, %dma_start3A_481] : memref<10240x32xf32, #tpu.memory_space<hbm>> -> memref<10240x32xf32, #tpu.memory_space<hbm>>
          tpu.enqueue_indirect_dma source(%dma_start3A_482 : memref<10240x32xf32, #tpu.memory_space<hbm>>) target(%dma_start3A_476 : memref<80x32xf32, #tpu.memory_space<vmem>>) offsets(%dma_start3A_479 : memref<80xi32, #tpu.memory_space<vmem>>) semaphore(%arg12 : memref<!tpu.dma_semaphore, #tpu.memory_space<semaphore_mem>>)
        } else {
        }
        %dma_wait3A_448 = arith.constant 4 : i32
        %dma_wait3A_449 = arith.constant 0 : i32
        %dma_wait3A_450 = arith.constant 0 : i32
        %dma_wait3A_451 = tpu.memref_slice %arg8[%dma_wait3A_448, %dma_wait3A_449, %dma_wait3A_450] : memref<5x80x32xf32, #tpu.memory_space<vmem>> -> memref<1x80x32xf32, #tpu.memory_space<vmem>>
        %dma_wait3A_452 = tpu.memref_squeeze %dma_wait3A_451 : memref<1x80x32xf32, #tpu.memory_space<vmem>> -> memref<80x32xf32, #tpu.memory_space<vmem>>
        %dma_wait3A_453 = arith.constant 0 : i32
        %dma_wait3A_454 = tpu.memref_slice %arg6[%add3A_386, %dma_wait3A_453] : memref<125x80xi32, #tpu.memory_space<vmem>> -> memref<1x80xi32, #tpu.memory_space<vmem>>
        %dma_wait3A_455 = tpu.memref_squeeze %dma_wait3A_454 : memref<1x80xi32, #tpu.memory_space<vmem>> -> memref<80xi32, #tpu.memory_space<vmem>>
        %dma_wait3A_456 = arith.constant 0 : i32
        %dma_wait3A_457 = arith.constant 0 : i32
        %dma_wait3A_458 = tpu.memref_slice %arg2[%dma_wait3A_456, %dma_wait3A_457] : memref<10240x32xf32, #tpu.memory_space<hbm>> -> memref<10240x32xf32, #tpu.memory_space<hbm>>
        tpu.wait_indirect_dma semaphore(%arg14 : memref<!tpu.dma_semaphore, #tpu.memory_space<semaphore_mem>>) src(%dma_wait3A_458 : memref<10240x32xf32, #tpu.memory_space<hbm>>) dst(%dma_wait3A_452 : memref<80x32xf32, #tpu.memory_space<vmem>>)
        %dma_start3A_459 = arith.constant 4 : i32
        %dma_start3A_460 = arith.constant 0 : i32
        %dma_start3A_461 = arith.constant 0 : i32
        %dma_start3A_462 = tpu.memref_slice %arg8[%dma_start3A_459, %dma_start3A_460, %dma_start3A_461] : memref<5x80x32xf32, #tpu.memory_space<vmem>> -> memref<1x80x32xf32, #tpu.memory_space<vmem>>
        %dma_start3A_463 = tpu.memref_squeeze %dma_start3A_462 : memref<1x80x32xf32, #tpu.memory_space<vmem>> -> memref<80x32xf32, #tpu.memory_space<vmem>>
        %dma_start3A_464 = arith.constant 0 : i32
        %dma_start3A_465 = tpu.memref_slice %arg7[%add3A_386, %dma_start3A_464] : memref<125x80xi32, #tpu.memory_space<vmem>> -> memref<1x80xi32, #tpu.memory_space<vmem>>
        %dma_start3A_466 = tpu.memref_squeeze %dma_start3A_465 : memref<1x80xi32, #tpu.memory_space<vmem>> -> memref<80xi32, #tpu.memory_space<vmem>>
        %dma_start3A_467 = arith.constant 0 : i32
        %dma_start3A_468 = arith.constant 0 : i32
        %dma_start3A_469 = tpu.memref_slice %arg9[%dma_start3A_467, %dma_start3A_468] : memref<10240x32xf32, #tpu.memory_space<vmem_shared>> -> memref<10240x32xf32, #tpu.memory_space<vmem_shared>>
        tpu.enqueue_indirect_dma source(%dma_start3A_463 : memref<80x32xf32, #tpu.memory_space<vmem>>) target(%dma_start3A_469 : memref<10240x32xf32, #tpu.memory_space<vmem_shared>>) offsets(%dma_start3A_466 : memref<80xi32, #tpu.memory_space<vmem>>) semaphore(%arg23 : memref<!tpu.dma_semaphore, #tpu.memory_space<semaphore_mem>>) {add = true}
      } else {
      }
      %mul3A_392 = arith.constant 10 : i32
      %mul3A_393 = arith.muli %scan3A_349, %mul3A_392 : i32
      %add3A_394 = arith.constant 5 : i32
      %add3A_395 = arith.addi %mul3A_393, %add3A_394 : i32
      %lt3A_396 = arith.constant 125 : i32
      %lt3A_397 = arith.cmpi slt, %add3A_395, %lt3A_396 : i32
      %convert_element_type3A_398 = arith.extui %lt3A_397 : i1 to i32
      %cond3A_399 = arith.constant 0 : i32
      %cond3A_400 = arith.cmpi ne, %convert_element_type3A_398, %cond3A_399 : i32
      scf.if %cond3A_400 {
        %ge3A = arith.constant 2 : i32
        %ge3A_437 = arith.cmpi sge, %add3A_395, %ge3A : i32
        %convert_element_type3A_438 = arith.extui %ge3A_437 : i1 to i32
        %cond3A_439 = arith.constant 0 : i32
        %cond3A_440 = arith.cmpi ne, %convert_element_type3A_438, %cond3A_439 : i32
        scf.if %cond3A_440 {
          %dma_wait3A_470 = arith.constant 0 : i32
          %dma_wait3A_471 = arith.constant 0 : i32
          %dma_wait3A_472 = arith.constant 0 : i32
          %dma_wait3A_473 = tpu.memref_slice %arg8[%dma_wait3A_470, %dma_wait3A_471, %dma_wait3A_472] : memref<5x80x32xf32, #tpu.memory_space<vmem>> -> memref<1x80x32xf32, #tpu.memory_space<vmem>>
          %dma_wait3A_474 = tpu.memref_squeeze %dma_wait3A_473 : memref<1x80x32xf32, #tpu.memory_space<vmem>> -> memref<80x32xf32, #tpu.memory_space<vmem>>
          %dma_wait3A_475 = arith.constant 0 : i32
          %dma_wait3A_476 = tpu.memref_slice %arg7[%add3A_395, %dma_wait3A_475] : memref<125x80xi32, #tpu.memory_space<vmem>> -> memref<1x80xi32, #tpu.memory_space<vmem>>
          %dma_wait3A_477 = tpu.memref_squeeze %dma_wait3A_476 : memref<1x80xi32, #tpu.memory_space<vmem>> -> memref<80xi32, #tpu.memory_space<vmem>>
          %dma_wait3A_478 = arith.constant 0 : i32
          %dma_wait3A_479 = arith.constant 0 : i32
          %dma_wait3A_480 = tpu.memref_slice %arg9[%dma_wait3A_478, %dma_wait3A_479] : memref<10240x32xf32, #tpu.memory_space<vmem_shared>> -> memref<10240x32xf32, #tpu.memory_space<vmem_shared>>
          tpu.wait_indirect_dma semaphore(%arg24 : memref<!tpu.dma_semaphore, #tpu.memory_space<semaphore_mem>>) src(%dma_wait3A_474 : memref<80x32xf32, #tpu.memory_space<vmem>>) dst(%dma_wait3A_480 : memref<10240x32xf32, #tpu.memory_space<vmem_shared>>)
        } else {
        }
        %add3A_441 = arith.constant 3 : i32
        %add3A_442 = arith.addi %add3A_395, %add3A_441 : i32
        %lt3A_443 = arith.constant 125 : i32
        %lt3A_444 = arith.cmpi slt, %add3A_442, %lt3A_443 : i32
        %convert_element_type3A_445 = arith.extui %lt3A_444 : i1 to i32
        %cond3A_446 = arith.constant 0 : i32
        %cond3A_447 = arith.cmpi ne, %convert_element_type3A_445, %cond3A_446 : i32
        scf.if %cond3A_447 {
          %add3A_470 = arith.constant 3 : i32
          %add3A_471 = arith.addi %add3A_395, %add3A_470 : i32
          %dma_start3A_472 = arith.constant 3 : i32
          %dma_start3A_473 = arith.constant 0 : i32
          %dma_start3A_474 = arith.constant 0 : i32
          %dma_start3A_475 = tpu.memref_slice %arg8[%dma_start3A_472, %dma_start3A_473, %dma_start3A_474] : memref<5x80x32xf32, #tpu.memory_space<vmem>> -> memref<1x80x32xf32, #tpu.memory_space<vmem>>
          %dma_start3A_476 = tpu.memref_squeeze %dma_start3A_475 : memref<1x80x32xf32, #tpu.memory_space<vmem>> -> memref<80x32xf32, #tpu.memory_space<vmem>>
          %dma_start3A_477 = arith.constant 0 : i32
          %dma_start3A_478 = tpu.memref_slice %arg6[%add3A_471, %dma_start3A_477] : memref<125x80xi32, #tpu.memory_space<vmem>> -> memref<1x80xi32, #tpu.memory_space<vmem>>
          %dma_start3A_479 = tpu.memref_squeeze %dma_start3A_478 : memref<1x80xi32, #tpu.memory_space<vmem>> -> memref<80xi32, #tpu.memory_space<vmem>>
          %dma_start3A_480 = arith.constant 0 : i32
          %dma_start3A_481 = arith.constant 0 : i32
          %dma_start3A_482 = tpu.memref_slice %arg2[%dma_start3A_480, %dma_start3A_481] : memref<10240x32xf32, #tpu.memory_space<hbm>> -> memref<10240x32xf32, #tpu.memory_space<hbm>>
          tpu.enqueue_indirect_dma source(%dma_start3A_482 : memref<10240x32xf32, #tpu.memory_space<hbm>>) target(%dma_start3A_476 : memref<80x32xf32, #tpu.memory_space<vmem>>) offsets(%dma_start3A_479 : memref<80xi32, #tpu.memory_space<vmem>>) semaphore(%arg13 : memref<!tpu.dma_semaphore, #tpu.memory_space<semaphore_mem>>)
        } else {
        }
        %dma_wait3A_448 = arith.constant 0 : i32
        %dma_wait3A_449 = arith.constant 0 : i32
        %dma_wait3A_450 = arith.constant 0 : i32
        %dma_wait3A_451 = tpu.memref_slice %arg8[%dma_wait3A_448, %dma_wait3A_449, %dma_wait3A_450] : memref<5x80x32xf32, #tpu.memory_space<vmem>> -> memref<1x80x32xf32, #tpu.memory_space<vmem>>
        %dma_wait3A_452 = tpu.memref_squeeze %dma_wait3A_451 : memref<1x80x32xf32, #tpu.memory_space<vmem>> -> memref<80x32xf32, #tpu.memory_space<vmem>>
        %dma_wait3A_453 = arith.constant 0 : i32
        %dma_wait3A_454 = tpu.memref_slice %arg6[%add3A_395, %dma_wait3A_453] : memref<125x80xi32, #tpu.memory_space<vmem>> -> memref<1x80xi32, #tpu.memory_space<vmem>>
        %dma_wait3A_455 = tpu.memref_squeeze %dma_wait3A_454 : memref<1x80xi32, #tpu.memory_space<vmem>> -> memref<80xi32, #tpu.memory_space<vmem>>
        %dma_wait3A_456 = arith.constant 0 : i32
        %dma_wait3A_457 = arith.constant 0 : i32
        %dma_wait3A_458 = tpu.memref_slice %arg2[%dma_wait3A_456, %dma_wait3A_457] : memref<10240x32xf32, #tpu.memory_space<hbm>> -> memref<10240x32xf32, #tpu.memory_space<hbm>>
        tpu.wait_indirect_dma semaphore(%arg10 : memref<!tpu.dma_semaphore, #tpu.memory_space<semaphore_mem>>) src(%dma_wait3A_458 : memref<10240x32xf32, #tpu.memory_space<hbm>>) dst(%dma_wait3A_452 : memref<80x32xf32, #tpu.memory_space<vmem>>)
        %dma_start3A_459 = arith.constant 0 : i32
        %dma_start3A_460 = arith.constant 0 : i32
        %dma_start3A_461 = arith.constant 0 : i32
        %dma_start3A_462 = tpu.memref_slice %arg8[%dma_start3A_459, %dma_start3A_460, %dma_start3A_461] : memref<5x80x32xf32, #tpu.memory_space<vmem>> -> memref<1x80x32xf32, #tpu.memory_space<vmem>>
        %dma_start3A_463 = tpu.memref_squeeze %dma_start3A_462 : memref<1x80x32xf32, #tpu.memory_space<vmem>> -> memref<80x32xf32, #tpu.memory_space<vmem>>
        %dma_start3A_464 = arith.constant 0 : i32
        %dma_start3A_465 = tpu.memref_slice %arg7[%add3A_395, %dma_start3A_464] : memref<125x80xi32, #tpu.memory_space<vmem>> -> memref<1x80xi32, #tpu.memory_space<vmem>>
        %dma_start3A_466 = tpu.memref_squeeze %dma_start3A_465 : memref<1x80xi32, #tpu.memory_space<vmem>> -> memref<80xi32, #tpu.memory_space<vmem>>
        %dma_start3A_467 = arith.constant 0 : i32
        %dma_start3A_468 = arith.constant 0 : i32
        %dma_start3A_469 = tpu.memref_slice %arg9[%dma_start3A_467, %dma_start3A_468] : memref<10240x32xf32, #tpu.memory_space<vmem_shared>> -> memref<10240x32xf32, #tpu.memory_space<vmem_shared>>
        tpu.enqueue_indirect_dma source(%dma_start3A_463 : memref<80x32xf32, #tpu.memory_space<vmem>>) target(%dma_start3A_469 : memref<10240x32xf32, #tpu.memory_space<vmem_shared>>) offsets(%dma_start3A_466 : memref<80xi32, #tpu.memory_space<vmem>>) semaphore(%arg24 : memref<!tpu.dma_semaphore, #tpu.memory_space<semaphore_mem>>) {add = true}
      } else {
      }
      %mul3A_401 = arith.constant 10 : i32
      %mul3A_402 = arith.muli %scan3A_349, %mul3A_401 : i32
      %add3A_403 = arith.constant 6 : i32
      %add3A_404 = arith.addi %mul3A_402, %add3A_403 : i32
      %lt3A_405 = arith.constant 125 : i32
      %lt3A_406 = arith.cmpi slt, %add3A_404, %lt3A_405 : i32
      %convert_element_type3A_407 = arith.extui %lt3A_406 : i1 to i32
      %cond3A_408 = arith.constant 0 : i32
      %cond3A_409 = arith.cmpi ne, %convert_element_type3A_407, %cond3A_408 : i32
      scf.if %cond3A_409 {
        %ge3A = arith.constant 2 : i32
        %ge3A_437 = arith.cmpi sge, %add3A_404, %ge3A : i32
        %convert_element_type3A_438 = arith.extui %ge3A_437 : i1 to i32
        %cond3A_439 = arith.constant 0 : i32
        %cond3A_440 = arith.cmpi ne, %convert_element_type3A_438, %cond3A_439 : i32
        scf.if %cond3A_440 {
          %dma_wait3A_470 = arith.constant 1 : i32
          %dma_wait3A_471 = arith.constant 0 : i32
          %dma_wait3A_472 = arith.constant 0 : i32
          %dma_wait3A_473 = tpu.memref_slice %arg8[%dma_wait3A_470, %dma_wait3A_471, %dma_wait3A_472] : memref<5x80x32xf32, #tpu.memory_space<vmem>> -> memref<1x80x32xf32, #tpu.memory_space<vmem>>
          %dma_wait3A_474 = tpu.memref_squeeze %dma_wait3A_473 : memref<1x80x32xf32, #tpu.memory_space<vmem>> -> memref<80x32xf32, #tpu.memory_space<vmem>>
          %dma_wait3A_475 = arith.constant 0 : i32
          %dma_wait3A_476 = tpu.memref_slice %arg7[%add3A_404, %dma_wait3A_475] : memref<125x80xi32, #tpu.memory_space<vmem>> -> memref<1x80xi32, #tpu.memory_space<vmem>>
          %dma_wait3A_477 = tpu.memref_squeeze %dma_wait3A_476 : memref<1x80xi32, #tpu.memory_space<vmem>> -> memref<80xi32, #tpu.memory_space<vmem>>
          %dma_wait3A_478 = arith.constant 0 : i32
          %dma_wait3A_479 = arith.constant 0 : i32
          %dma_wait3A_480 = tpu.memref_slice %arg9[%dma_wait3A_478, %dma_wait3A_479] : memref<10240x32xf32, #tpu.memory_space<vmem_shared>> -> memref<10240x32xf32, #tpu.memory_space<vmem_shared>>
          tpu.wait_indirect_dma semaphore(%arg23 : memref<!tpu.dma_semaphore, #tpu.memory_space<semaphore_mem>>) src(%dma_wait3A_474 : memref<80x32xf32, #tpu.memory_space<vmem>>) dst(%dma_wait3A_480 : memref<10240x32xf32, #tpu.memory_space<vmem_shared>>)
        } else {
        }
        %add3A_441 = arith.constant 3 : i32
        %add3A_442 = arith.addi %add3A_404, %add3A_441 : i32
        %lt3A_443 = arith.constant 125 : i32
        %lt3A_444 = arith.cmpi slt, %add3A_442, %lt3A_443 : i32
        %convert_element_type3A_445 = arith.extui %lt3A_444 : i1 to i32
        %cond3A_446 = arith.constant 0 : i32
        %cond3A_447 = arith.cmpi ne, %convert_element_type3A_445, %cond3A_446 : i32
        scf.if %cond3A_447 {
          %add3A_470 = arith.constant 3 : i32
          %add3A_471 = arith.addi %add3A_404, %add3A_470 : i32
          %dma_start3A_472 = arith.constant 4 : i32
          %dma_start3A_473 = arith.constant 0 : i32
          %dma_start3A_474 = arith.constant 0 : i32
          %dma_start3A_475 = tpu.memref_slice %arg8[%dma_start3A_472, %dma_start3A_473, %dma_start3A_474] : memref<5x80x32xf32, #tpu.memory_space<vmem>> -> memref<1x80x32xf32, #tpu.memory_space<vmem>>
          %dma_start3A_476 = tpu.memref_squeeze %dma_start3A_475 : memref<1x80x32xf32, #tpu.memory_space<vmem>> -> memref<80x32xf32, #tpu.memory_space<vmem>>
          %dma_start3A_477 = arith.constant 0 : i32
          %dma_start3A_478 = tpu.memref_slice %arg6[%add3A_471, %dma_start3A_477] : memref<125x80xi32, #tpu.memory_space<vmem>> -> memref<1x80xi32, #tpu.memory_space<vmem>>
          %dma_start3A_479 = tpu.memref_squeeze %dma_start3A_478 : memref<1x80xi32, #tpu.memory_space<vmem>> -> memref<80xi32, #tpu.memory_space<vmem>>
          %dma_start3A_480 = arith.constant 0 : i32
          %dma_start3A_481 = arith.constant 0 : i32
          %dma_start3A_482 = tpu.memref_slice %arg2[%dma_start3A_480, %dma_start3A_481] : memref<10240x32xf32, #tpu.memory_space<hbm>> -> memref<10240x32xf32, #tpu.memory_space<hbm>>
          tpu.enqueue_indirect_dma source(%dma_start3A_482 : memref<10240x32xf32, #tpu.memory_space<hbm>>) target(%dma_start3A_476 : memref<80x32xf32, #tpu.memory_space<vmem>>) offsets(%dma_start3A_479 : memref<80xi32, #tpu.memory_space<vmem>>) semaphore(%arg14 : memref<!tpu.dma_semaphore, #tpu.memory_space<semaphore_mem>>)
        } else {
        }
        %dma_wait3A_448 = arith.constant 1 : i32
        %dma_wait3A_449 = arith.constant 0 : i32
        %dma_wait3A_450 = arith.constant 0 : i32
        %dma_wait3A_451 = tpu.memref_slice %arg8[%dma_wait3A_448, %dma_wait3A_449, %dma_wait3A_450] : memref<5x80x32xf32, #tpu.memory_space<vmem>> -> memref<1x80x32xf32, #tpu.memory_space<vmem>>
        %dma_wait3A_452 = tpu.memref_squeeze %dma_wait3A_451 : memref<1x80x32xf32, #tpu.memory_space<vmem>> -> memref<80x32xf32, #tpu.memory_space<vmem>>
        %dma_wait3A_453 = arith.constant 0 : i32
        %dma_wait3A_454 = tpu.memref_slice %arg6[%add3A_404, %dma_wait3A_453] : memref<125x80xi32, #tpu.memory_space<vmem>> -> memref<1x80xi32, #tpu.memory_space<vmem>>
        %dma_wait3A_455 = tpu.memref_squeeze %dma_wait3A_454 : memref<1x80xi32, #tpu.memory_space<vmem>> -> memref<80xi32, #tpu.memory_space<vmem>>
        %dma_wait3A_456 = arith.constant 0 : i32
        %dma_wait3A_457 = arith.constant 0 : i32
        %dma_wait3A_458 = tpu.memref_slice %arg2[%dma_wait3A_456, %dma_wait3A_457] : memref<10240x32xf32, #tpu.memory_space<hbm>> -> memref<10240x32xf32, #tpu.memory_space<hbm>>
        tpu.wait_indirect_dma semaphore(%arg11 : memref<!tpu.dma_semaphore, #tpu.memory_space<semaphore_mem>>) src(%dma_wait3A_458 : memref<10240x32xf32, #tpu.memory_space<hbm>>) dst(%dma_wait3A_452 : memref<80x32xf32, #tpu.memory_space<vmem>>)
        %dma_start3A_459 = arith.constant 1 : i32
        %dma_start3A_460 = arith.constant 0 : i32
        %dma_start3A_461 = arith.constant 0 : i32
        %dma_start3A_462 = tpu.memref_slice %arg8[%dma_start3A_459, %dma_start3A_460, %dma_start3A_461] : memref<5x80x32xf32, #tpu.memory_space<vmem>> -> memref<1x80x32xf32, #tpu.memory_space<vmem>>
        %dma_start3A_463 = tpu.memref_squeeze %dma_start3A_462 : memref<1x80x32xf32, #tpu.memory_space<vmem>> -> memref<80x32xf32, #tpu.memory_space<vmem>>
        %dma_start3A_464 = arith.constant 0 : i32
        %dma_start3A_465 = tpu.memref_slice %arg7[%add3A_404, %dma_start3A_464] : memref<125x80xi32, #tpu.memory_space<vmem>> -> memref<1x80xi32, #tpu.memory_space<vmem>>
        %dma_start3A_466 = tpu.memref_squeeze %dma_start3A_465 : memref<1x80xi32, #tpu.memory_space<vmem>> -> memref<80xi32, #tpu.memory_space<vmem>>
        %dma_start3A_467 = arith.constant 0 : i32
        %dma_start3A_468 = arith.constant 0 : i32
        %dma_start3A_469 = tpu.memref_slice %arg9[%dma_start3A_467, %dma_start3A_468] : memref<10240x32xf32, #tpu.memory_space<vmem_shared>> -> memref<10240x32xf32, #tpu.memory_space<vmem_shared>>
        tpu.enqueue_indirect_dma source(%dma_start3A_463 : memref<80x32xf32, #tpu.memory_space<vmem>>) target(%dma_start3A_469 : memref<10240x32xf32, #tpu.memory_space<vmem_shared>>) offsets(%dma_start3A_466 : memref<80xi32, #tpu.memory_space<vmem>>) semaphore(%arg23 : memref<!tpu.dma_semaphore, #tpu.memory_space<semaphore_mem>>) {add = true}
      } else {
      }
      %mul3A_410 = arith.constant 10 : i32
      %mul3A_411 = arith.muli %scan3A_349, %mul3A_410 : i32
      %add3A_412 = arith.constant 7 : i32
      %add3A_413 = arith.addi %mul3A_411, %add3A_412 : i32
      %lt3A_414 = arith.constant 125 : i32
      %lt3A_415 = arith.cmpi slt, %add3A_413, %lt3A_414 : i32
      %convert_element_type3A_416 = arith.extui %lt3A_415 : i1 to i32
      %cond3A_417 = arith.constant 0 : i32
      %cond3A_418 = arith.cmpi ne, %convert_element_type3A_416, %cond3A_417 : i32
      scf.if %cond3A_418 {
        %ge3A = arith.constant 2 : i32
        %ge3A_437 = arith.cmpi sge, %add3A_413, %ge3A : i32
        %convert_element_type3A_438 = arith.extui %ge3A_437 : i1 to i32
        %cond3A_439 = arith.constant 0 : i32
        %cond3A_440 = arith.cmpi ne, %convert_element_type3A_438, %cond3A_439 : i32
        scf.if %cond3A_440 {
          %dma_wait3A_470 = arith.constant 2 : i32
          %dma_wait3A_471 = arith.constant 0 : i32
          %dma_wait3A_472 = arith.constant 0 : i32
          %dma_wait3A_473 = tpu.memref_slice %arg8[%dma_wait3A_470, %dma_wait3A_471, %dma_wait3A_472] : memref<5x80x32xf32, #tpu.memory_space<vmem>> -> memref<1x80x32xf32, #tpu.memory_space<vmem>>
          %dma_wait3A_474 = tpu.memref_squeeze %dma_wait3A_473 : memref<1x80x32xf32, #tpu.memory_space<vmem>> -> memref<80x32xf32, #tpu.memory_space<vmem>>
          %dma_wait3A_475 = arith.constant 0 : i32
          %dma_wait3A_476 = tpu.memref_slice %arg7[%add3A_413, %dma_wait3A_475] : memref<125x80xi32, #tpu.memory_space<vmem>> -> memref<1x80xi32, #tpu.memory_space<vmem>>
          %dma_wait3A_477 = tpu.memref_squeeze %dma_wait3A_476 : memref<1x80xi32, #tpu.memory_space<vmem>> -> memref<80xi32, #tpu.memory_space<vmem>>
          %dma_wait3A_478 = arith.constant 0 : i32
          %dma_wait3A_479 = arith.constant 0 : i32
          %dma_wait3A_480 = tpu.memref_slice %arg9[%dma_wait3A_478, %dma_wait3A_479] : memref<10240x32xf32, #tpu.memory_space<vmem_shared>> -> memref<10240x32xf32, #tpu.memory_space<vmem_shared>>
          tpu.wait_indirect_dma semaphore(%arg24 : memref<!tpu.dma_semaphore, #tpu.memory_space<semaphore_mem>>) src(%dma_wait3A_474 : memref<80x32xf32, #tpu.memory_space<vmem>>) dst(%dma_wait3A_480 : memref<10240x32xf32, #tpu.memory_space<vmem_shared>>)
        } else {
        }
        %add3A_441 = arith.constant 3 : i32
        %add3A_442 = arith.addi %add3A_413, %add3A_441 : i32
        %lt3A_443 = arith.constant 125 : i32
        %lt3A_444 = arith.cmpi slt, %add3A_442, %lt3A_443 : i32
        %convert_element_type3A_445 = arith.extui %lt3A_444 : i1 to i32
        %cond3A_446 = arith.constant 0 : i32
        %cond3A_447 = arith.cmpi ne, %convert_element_type3A_445, %cond3A_446 : i32
        scf.if %cond3A_447 {
          %add3A_470 = arith.constant 3 : i32
          %add3A_471 = arith.addi %add3A_413, %add3A_470 : i32
          %dma_start3A_472 = arith.constant 0 : i32
          %dma_start3A_473 = arith.constant 0 : i32
          %dma_start3A_474 = arith.constant 0 : i32
          %dma_start3A_475 = tpu.memref_slice %arg8[%dma_start3A_472, %dma_start3A_473, %dma_start3A_474] : memref<5x80x32xf32, #tpu.memory_space<vmem>> -> memref<1x80x32xf32, #tpu.memory_space<vmem>>
          %dma_start3A_476 = tpu.memref_squeeze %dma_start3A_475 : memref<1x80x32xf32, #tpu.memory_space<vmem>> -> memref<80x32xf32, #tpu.memory_space<vmem>>
          %dma_start3A_477 = arith.constant 0 : i32
          %dma_start3A_478 = tpu.memref_slice %arg6[%add3A_471, %dma_start3A_477] : memref<125x80xi32, #tpu.memory_space<vmem>> -> memref<1x80xi32, #tpu.memory_space<vmem>>
          %dma_start3A_479 = tpu.memref_squeeze %dma_start3A_478 : memref<1x80xi32, #tpu.memory_space<vmem>> -> memref<80xi32, #tpu.memory_space<vmem>>
          %dma_start3A_480 = arith.constant 0 : i32
          %dma_start3A_481 = arith.constant 0 : i32
          %dma_start3A_482 = tpu.memref_slice %arg2[%dma_start3A_480, %dma_start3A_481] : memref<10240x32xf32, #tpu.memory_space<hbm>> -> memref<10240x32xf32, #tpu.memory_space<hbm>>
          tpu.enqueue_indirect_dma source(%dma_start3A_482 : memref<10240x32xf32, #tpu.memory_space<hbm>>) target(%dma_start3A_476 : memref<80x32xf32, #tpu.memory_space<vmem>>) offsets(%dma_start3A_479 : memref<80xi32, #tpu.memory_space<vmem>>) semaphore(%arg10 : memref<!tpu.dma_semaphore, #tpu.memory_space<semaphore_mem>>)
        } else {
        }
        %dma_wait3A_448 = arith.constant 2 : i32
        %dma_wait3A_449 = arith.constant 0 : i32
        %dma_wait3A_450 = arith.constant 0 : i32
        %dma_wait3A_451 = tpu.memref_slice %arg8[%dma_wait3A_448, %dma_wait3A_449, %dma_wait3A_450] : memref<5x80x32xf32, #tpu.memory_space<vmem>> -> memref<1x80x32xf32, #tpu.memory_space<vmem>>
        %dma_wait3A_452 = tpu.memref_squeeze %dma_wait3A_451 : memref<1x80x32xf32, #tpu.memory_space<vmem>> -> memref<80x32xf32, #tpu.memory_space<vmem>>
        %dma_wait3A_453 = arith.constant 0 : i32
        %dma_wait3A_454 = tpu.memref_slice %arg6[%add3A_413, %dma_wait3A_453] : memref<125x80xi32, #tpu.memory_space<vmem>> -> memref<1x80xi32, #tpu.memory_space<vmem>>
        %dma_wait3A_455 = tpu.memref_squeeze %dma_wait3A_454 : memref<1x80xi32, #tpu.memory_space<vmem>> -> memref<80xi32, #tpu.memory_space<vmem>>
        %dma_wait3A_456 = arith.constant 0 : i32
        %dma_wait3A_457 = arith.constant 0 : i32
        %dma_wait3A_458 = tpu.memref_slice %arg2[%dma_wait3A_456, %dma_wait3A_457] : memref<10240x32xf32, #tpu.memory_space<hbm>> -> memref<10240x32xf32, #tpu.memory_space<hbm>>
        tpu.wait_indirect_dma semaphore(%arg12 : memref<!tpu.dma_semaphore, #tpu.memory_space<semaphore_mem>>) src(%dma_wait3A_458 : memref<10240x32xf32, #tpu.memory_space<hbm>>) dst(%dma_wait3A_452 : memref<80x32xf32, #tpu.memory_space<vmem>>)
        %dma_start3A_459 = arith.constant 2 : i32
        %dma_start3A_460 = arith.constant 0 : i32
        %dma_start3A_461 = arith.constant 0 : i32
        %dma_start3A_462 = tpu.memref_slice %arg8[%dma_start3A_459, %dma_start3A_460, %dma_start3A_461] : memref<5x80x32xf32, #tpu.memory_space<vmem>> -> memref<1x80x32xf32, #tpu.memory_space<vmem>>
        %dma_start3A_463 = tpu.memref_squeeze %dma_start3A_462 : memref<1x80x32xf32, #tpu.memory_space<vmem>> -> memref<80x32xf32, #tpu.memory_space<vmem>>
        %dma_start3A_464 = arith.constant 0 : i32
        %dma_start3A_465 = tpu.memref_slice %arg7[%add3A_413, %dma_start3A_464] : memref<125x80xi32, #tpu.memory_space<vmem>> -> memref<1x80xi32, #tpu.memory_space<vmem>>
        %dma_start3A_466 = tpu.memref_squeeze %dma_start3A_465 : memref<1x80xi32, #tpu.memory_space<vmem>> -> memref<80xi32, #tpu.memory_space<vmem>>
        %dma_start3A_467 = arith.constant 0 : i32
        %dma_start3A_468 = arith.constant 0 : i32
        %dma_start3A_469 = tpu.memref_slice %arg9[%dma_start3A_467, %dma_start3A_468] : memref<10240x32xf32, #tpu.memory_space<vmem_shared>> -> memref<10240x32xf32, #tpu.memory_space<vmem_shared>>
        tpu.enqueue_indirect_dma source(%dma_start3A_463 : memref<80x32xf32, #tpu.memory_space<vmem>>) target(%dma_start3A_469 : memref<10240x32xf32, #tpu.memory_space<vmem_shared>>) offsets(%dma_start3A_466 : memref<80xi32, #tpu.memory_space<vmem>>) semaphore(%arg24 : memref<!tpu.dma_semaphore, #tpu.memory_space<semaphore_mem>>) {add = true}
      } else {
      }
      %mul3A_419 = arith.constant 10 : i32
      %mul3A_420 = arith.muli %scan3A_349, %mul3A_419 : i32
      %add3A_421 = arith.constant 8 : i32
      %add3A_422 = arith.addi %mul3A_420, %add3A_421 : i32
      %lt3A_423 = arith.constant 125 : i32
      %lt3A_424 = arith.cmpi slt, %add3A_422, %lt3A_423 : i32
      %convert_element_type3A_425 = arith.extui %lt3A_424 : i1 to i32
      %cond3A_426 = arith.constant 0 : i32
      %cond3A_427 = arith.cmpi ne, %convert_element_type3A_425, %cond3A_426 : i32
      scf.if %cond3A_427 {
        %ge3A = arith.constant 2 : i32
        %ge3A_437 = arith.cmpi sge, %add3A_422, %ge3A : i32
        %convert_element_type3A_438 = arith.extui %ge3A_437 : i1 to i32
        %cond3A_439 = arith.constant 0 : i32
        %cond3A_440 = arith.cmpi ne, %convert_element_type3A_438, %cond3A_439 : i32
        scf.if %cond3A_440 {
          %dma_wait3A_470 = arith.constant 3 : i32
          %dma_wait3A_471 = arith.constant 0 : i32
          %dma_wait3A_472 = arith.constant 0 : i32
          %dma_wait3A_473 = tpu.memref_slice %arg8[%dma_wait3A_470, %dma_wait3A_471, %dma_wait3A_472] : memref<5x80x32xf32, #tpu.memory_space<vmem>> -> memref<1x80x32xf32, #tpu.memory_space<vmem>>
          %dma_wait3A_474 = tpu.memref_squeeze %dma_wait3A_473 : memref<1x80x32xf32, #tpu.memory_space<vmem>> -> memref<80x32xf32, #tpu.memory_space<vmem>>
          %dma_wait3A_475 = arith.constant 0 : i32
          %dma_wait3A_476 = tpu.memref_slice %arg7[%add3A_422, %dma_wait3A_475] : memref<125x80xi32, #tpu.memory_space<vmem>> -> memref<1x80xi32, #tpu.memory_space<vmem>>
          %dma_wait3A_477 = tpu.memref_squeeze %dma_wait3A_476 : memref<1x80xi32, #tpu.memory_space<vmem>> -> memref<80xi32, #tpu.memory_space<vmem>>
          %dma_wait3A_478 = arith.constant 0 : i32
          %dma_wait3A_479 = arith.constant 0 : i32
          %dma_wait3A_480 = tpu.memref_slice %arg9[%dma_wait3A_478, %dma_wait3A_479] : memref<10240x32xf32, #tpu.memory_space<vmem_shared>> -> memref<10240x32xf32, #tpu.memory_space<vmem_shared>>
          tpu.wait_indirect_dma semaphore(%arg23 : memref<!tpu.dma_semaphore, #tpu.memory_space<semaphore_mem>>) src(%dma_wait3A_474 : memref<80x32xf32, #tpu.memory_space<vmem>>) dst(%dma_wait3A_480 : memref<10240x32xf32, #tpu.memory_space<vmem_shared>>)
        } else {
        }
        %add3A_441 = arith.constant 3 : i32
        %add3A_442 = arith.addi %add3A_422, %add3A_441 : i32
        %lt3A_443 = arith.constant 125 : i32
        %lt3A_444 = arith.cmpi slt, %add3A_442, %lt3A_443 : i32
        %convert_element_type3A_445 = arith.extui %lt3A_444 : i1 to i32
        %cond3A_446 = arith.constant 0 : i32
        %cond3A_447 = arith.cmpi ne, %convert_element_type3A_445, %cond3A_446 : i32
        scf.if %cond3A_447 {
          %add3A_470 = arith.constant 3 : i32
          %add3A_471 = arith.addi %add3A_422, %add3A_470 : i32
          %dma_start3A_472 = arith.constant 1 : i32
          %dma_start3A_473 = arith.constant 0 : i32
          %dma_start3A_474 = arith.constant 0 : i32
          %dma_start3A_475 = tpu.memref_slice %arg8[%dma_start3A_472, %dma_start3A_473, %dma_start3A_474] : memref<5x80x32xf32, #tpu.memory_space<vmem>> -> memref<1x80x32xf32, #tpu.memory_space<vmem>>
          %dma_start3A_476 = tpu.memref_squeeze %dma_start3A_475 : memref<1x80x32xf32, #tpu.memory_space<vmem>> -> memref<80x32xf32, #tpu.memory_space<vmem>>
          %dma_start3A_477 = arith.constant 0 : i32
          %dma_start3A_478 = tpu.memref_slice %arg6[%add3A_471, %dma_start3A_477] : memref<125x80xi32, #tpu.memory_space<vmem>> -> memref<1x80xi32, #tpu.memory_space<vmem>>
          %dma_start3A_479 = tpu.memref_squeeze %dma_start3A_478 : memref<1x80xi32, #tpu.memory_space<vmem>> -> memref<80xi32, #tpu.memory_space<vmem>>
          %dma_start3A_480 = arith.constant 0 : i32
          %dma_start3A_481 = arith.constant 0 : i32
          %dma_start3A_482 = tpu.memref_slice %arg2[%dma_start3A_480, %dma_start3A_481] : memref<10240x32xf32, #tpu.memory_space<hbm>> -> memref<10240x32xf32, #tpu.memory_space<hbm>>
          tpu.enqueue_indirect_dma source(%dma_start3A_482 : memref<10240x32xf32, #tpu.memory_space<hbm>>) target(%dma_start3A_476 : memref<80x32xf32, #tpu.memory_space<vmem>>) offsets(%dma_start3A_479 : memref<80xi32, #tpu.memory_space<vmem>>) semaphore(%arg11 : memref<!tpu.dma_semaphore, #tpu.memory_space<semaphore_mem>>)
        } else {
        }
        %dma_wait3A_448 = arith.constant 3 : i32
        %dma_wait3A_449 = arith.constant 0 : i32
        %dma_wait3A_450 = arith.constant 0 : i32
        %dma_wait3A_451 = tpu.memref_slice %arg8[%dma_wait3A_448, %dma_wait3A_449, %dma_wait3A_450] : memref<5x80x32xf32, #tpu.memory_space<vmem>> -> memref<1x80x32xf32, #tpu.memory_space<vmem>>
        %dma_wait3A_452 = tpu.memref_squeeze %dma_wait3A_451 : memref<1x80x32xf32, #tpu.memory_space<vmem>> -> memref<80x32xf32, #tpu.memory_space<vmem>>
        %dma_wait3A_453 = arith.constant 0 : i32
        %dma_wait3A_454 = tpu.memref_slice %arg6[%add3A_422, %dma_wait3A_453] : memref<125x80xi32, #tpu.memory_space<vmem>> -> memref<1x80xi32, #tpu.memory_space<vmem>>
        %dma_wait3A_455 = tpu.memref_squeeze %dma_wait3A_454 : memref<1x80xi32, #tpu.memory_space<vmem>> -> memref<80xi32, #tpu.memory_space<vmem>>
        %dma_wait3A_456 = arith.constant 0 : i32
        %dma_wait3A_457 = arith.constant 0 : i32
        %dma_wait3A_458 = tpu.memref_slice %arg2[%dma_wait3A_456, %dma_wait3A_457] : memref<10240x32xf32, #tpu.memory_space<hbm>> -> memref<10240x32xf32, #tpu.memory_space<hbm>>
        tpu.wait_indirect_dma semaphore(%arg13 : memref<!tpu.dma_semaphore, #tpu.memory_space<semaphore_mem>>) src(%dma_wait3A_458 : memref<10240x32xf32, #tpu.memory_space<hbm>>) dst(%dma_wait3A_452 : memref<80x32xf32, #tpu.memory_space<vmem>>)
        %dma_start3A_459 = arith.constant 3 : i32
        %dma_start3A_460 = arith.constant 0 : i32
        %dma_start3A_461 = arith.constant 0 : i32
        %dma_start3A_462 = tpu.memref_slice %arg8[%dma_start3A_459, %dma_start3A_460, %dma_start3A_461] : memref<5x80x32xf32, #tpu.memory_space<vmem>> -> memref<1x80x32xf32, #tpu.memory_space<vmem>>
        %dma_start3A_463 = tpu.memref_squeeze %dma_start3A_462 : memref<1x80x32xf32, #tpu.memory_space<vmem>> -> memref<80x32xf32, #tpu.memory_space<vmem>>
        %dma_start3A_464 = arith.constant 0 : i32
        %dma_start3A_465 = tpu.memref_slice %arg7[%add3A_422, %dma_start3A_464] : memref<125x80xi32, #tpu.memory_space<vmem>> -> memref<1x80xi32, #tpu.memory_space<vmem>>
        %dma_start3A_466 = tpu.memref_squeeze %dma_start3A_465 : memref<1x80xi32, #tpu.memory_space<vmem>> -> memref<80xi32, #tpu.memory_space<vmem>>
        %dma_start3A_467 = arith.constant 0 : i32
        %dma_start3A_468 = arith.constant 0 : i32
        %dma_start3A_469 = tpu.memref_slice %arg9[%dma_start3A_467, %dma_start3A_468] : memref<10240x32xf32, #tpu.memory_space<vmem_shared>> -> memref<10240x32xf32, #tpu.memory_space<vmem_shared>>
        tpu.enqueue_indirect_dma source(%dma_start3A_463 : memref<80x32xf32, #tpu.memory_space<vmem>>) target(%dma_start3A_469 : memref<10240x32xf32, #tpu.memory_space<vmem_shared>>) offsets(%dma_start3A_466 : memref<80xi32, #tpu.memory_space<vmem>>) semaphore(%arg23 : memref<!tpu.dma_semaphore, #tpu.memory_space<semaphore_mem>>) {add = true}
      } else {
      }
      %mul3A_428 = arith.constant 10 : i32
      %mul3A_429 = arith.muli %scan3A_349, %mul3A_428 : i32
      %add3A_430 = arith.constant 9 : i32
      %add3A_431 = arith.addi %mul3A_429, %add3A_430 : i32
      %lt3A_432 = arith.constant 125 : i32
      %lt3A_433 = arith.cmpi slt, %add3A_431, %lt3A_432 : i32
      %convert_element_type3A_434 = arith.extui %lt3A_433 : i1 to i32
      %cond3A_435 = arith.constant 0 : i32
      %cond3A_436 = arith.cmpi ne, %convert_element_type3A_434, %cond3A_435 : i32
      scf.if %cond3A_436 {
        %ge3A = arith.constant 2 : i32
        %ge3A_437 = arith.cmpi sge, %add3A_431, %ge3A : i32
        %convert_element_type3A_438 = arith.extui %ge3A_437 : i1 to i32
        %cond3A_439 = arith.constant 0 : i32
        %cond3A_440 = arith.cmpi ne, %convert_element_type3A_438, %cond3A_439 : i32
        scf.if %cond3A_440 {
          %dma_wait3A_470 = arith.constant 4 : i32
          %dma_wait3A_471 = arith.constant 0 : i32
          %dma_wait3A_472 = arith.constant 0 : i32
          %dma_wait3A_473 = tpu.memref_slice %arg8[%dma_wait3A_470, %dma_wait3A_471, %dma_wait3A_472] : memref<5x80x32xf32, #tpu.memory_space<vmem>> -> memref<1x80x32xf32, #tpu.memory_space<vmem>>
          %dma_wait3A_474 = tpu.memref_squeeze %dma_wait3A_473 : memref<1x80x32xf32, #tpu.memory_space<vmem>> -> memref<80x32xf32, #tpu.memory_space<vmem>>
          %dma_wait3A_475 = arith.constant 0 : i32
          %dma_wait3A_476 = tpu.memref_slice %arg7[%add3A_431, %dma_wait3A_475] : memref<125x80xi32, #tpu.memory_space<vmem>> -> memref<1x80xi32, #tpu.memory_space<vmem>>
          %dma_wait3A_477 = tpu.memref_squeeze %dma_wait3A_476 : memref<1x80xi32, #tpu.memory_space<vmem>> -> memref<80xi32, #tpu.memory_space<vmem>>
          %dma_wait3A_478 = arith.constant 0 : i32
          %dma_wait3A_479 = arith.constant 0 : i32
          %dma_wait3A_480 = tpu.memref_slice %arg9[%dma_wait3A_478, %dma_wait3A_479] : memref<10240x32xf32, #tpu.memory_space<vmem_shared>> -> memref<10240x32xf32, #tpu.memory_space<vmem_shared>>
          tpu.wait_indirect_dma semaphore(%arg24 : memref<!tpu.dma_semaphore, #tpu.memory_space<semaphore_mem>>) src(%dma_wait3A_474 : memref<80x32xf32, #tpu.memory_space<vmem>>) dst(%dma_wait3A_480 : memref<10240x32xf32, #tpu.memory_space<vmem_shared>>)
        } else {
        }
        %add3A_441 = arith.constant 3 : i32
        %add3A_442 = arith.addi %add3A_431, %add3A_441 : i32
        %lt3A_443 = arith.constant 125 : i32
        %lt3A_444 = arith.cmpi slt, %add3A_442, %lt3A_443 : i32
        %convert_element_type3A_445 = arith.extui %lt3A_444 : i1 to i32
        %cond3A_446 = arith.constant 0 : i32
        %cond3A_447 = arith.cmpi ne, %convert_element_type3A_445, %cond3A_446 : i32
        scf.if %cond3A_447 {
          %add3A_470 = arith.constant 3 : i32
          %add3A_471 = arith.addi %add3A_431, %add3A_470 : i32
          %dma_start3A_472 = arith.constant 2 : i32
          %dma_start3A_473 = arith.constant 0 : i32
          %dma_start3A_474 = arith.constant 0 : i32
          %dma_start3A_475 = tpu.memref_slice %arg8[%dma_start3A_472, %dma_start3A_473, %dma_start3A_474] : memref<5x80x32xf32, #tpu.memory_space<vmem>> -> memref<1x80x32xf32, #tpu.memory_space<vmem>>
          %dma_start3A_476 = tpu.memref_squeeze %dma_start3A_475 : memref<1x80x32xf32, #tpu.memory_space<vmem>> -> memref<80x32xf32, #tpu.memory_space<vmem>>
          %dma_start3A_477 = arith.constant 0 : i32
          %dma_start3A_478 = tpu.memref_slice %arg6[%add3A_471, %dma_start3A_477] : memref<125x80xi32, #tpu.memory_space<vmem>> -> memref<1x80xi32, #tpu.memory_space<vmem>>
          %dma_start3A_479 = tpu.memref_squeeze %dma_start3A_478 : memref<1x80xi32, #tpu.memory_space<vmem>> -> memref<80xi32, #tpu.memory_space<vmem>>
          %dma_start3A_480 = arith.constant 0 : i32
          %dma_start3A_481 = arith.constant 0 : i32
          %dma_start3A_482 = tpu.memref_slice %arg2[%dma_start3A_480, %dma_start3A_481] : memref<10240x32xf32, #tpu.memory_space<hbm>> -> memref<10240x32xf32, #tpu.memory_space<hbm>>
          tpu.enqueue_indirect_dma source(%dma_start3A_482 : memref<10240x32xf32, #tpu.memory_space<hbm>>) target(%dma_start3A_476 : memref<80x32xf32, #tpu.memory_space<vmem>>) offsets(%dma_start3A_479 : memref<80xi32, #tpu.memory_space<vmem>>) semaphore(%arg12 : memref<!tpu.dma_semaphore, #tpu.memory_space<semaphore_mem>>)
        } else {
        }
        %dma_wait3A_448 = arith.constant 4 : i32
        %dma_wait3A_449 = arith.constant 0 : i32
        %dma_wait3A_450 = arith.constant 0 : i32
        %dma_wait3A_451 = tpu.memref_slice %arg8[%dma_wait3A_448, %dma_wait3A_449, %dma_wait3A_450] : memref<5x80x32xf32, #tpu.memory_space<vmem>> -> memref<1x80x32xf32, #tpu.memory_space<vmem>>
        %dma_wait3A_452 = tpu.memref_squeeze %dma_wait3A_451 : memref<1x80x32xf32, #tpu.memory_space<vmem>> -> memref<80x32xf32, #tpu.memory_space<vmem>>
        %dma_wait3A_453 = arith.constant 0 : i32
        %dma_wait3A_454 = tpu.memref_slice %arg6[%add3A_431, %dma_wait3A_453] : memref<125x80xi32, #tpu.memory_space<vmem>> -> memref<1x80xi32, #tpu.memory_space<vmem>>
        %dma_wait3A_455 = tpu.memref_squeeze %dma_wait3A_454 : memref<1x80xi32, #tpu.memory_space<vmem>> -> memref<80xi32, #tpu.memory_space<vmem>>
        %dma_wait3A_456 = arith.constant 0 : i32
        %dma_wait3A_457 = arith.constant 0 : i32
        %dma_wait3A_458 = tpu.memref_slice %arg2[%dma_wait3A_456, %dma_wait3A_457] : memref<10240x32xf32, #tpu.memory_space<hbm>> -> memref<10240x32xf32, #tpu.memory_space<hbm>>
        tpu.wait_indirect_dma semaphore(%arg14 : memref<!tpu.dma_semaphore, #tpu.memory_space<semaphore_mem>>) src(%dma_wait3A_458 : memref<10240x32xf32, #tpu.memory_space<hbm>>) dst(%dma_wait3A_452 : memref<80x32xf32, #tpu.memory_space<vmem>>)
        %dma_start3A_459 = arith.constant 4 : i32
        %dma_start3A_460 = arith.constant 0 : i32
        %dma_start3A_461 = arith.constant 0 : i32
        %dma_start3A_462 = tpu.memref_slice %arg8[%dma_start3A_459, %dma_start3A_460, %dma_start3A_461] : memref<5x80x32xf32, #tpu.memory_space<vmem>> -> memref<1x80x32xf32, #tpu.memory_space<vmem>>
        %dma_start3A_463 = tpu.memref_squeeze %dma_start3A_462 : memref<1x80x32xf32, #tpu.memory_space<vmem>> -> memref<80x32xf32, #tpu.memory_space<vmem>>
        %dma_start3A_464 = arith.constant 0 : i32
        %dma_start3A_465 = tpu.memref_slice %arg7[%add3A_431, %dma_start3A_464] : memref<125x80xi32, #tpu.memory_space<vmem>> -> memref<1x80xi32, #tpu.memory_space<vmem>>
        %dma_start3A_466 = tpu.memref_squeeze %dma_start3A_465 : memref<1x80xi32, #tpu.memory_space<vmem>> -> memref<80xi32, #tpu.memory_space<vmem>>
        %dma_start3A_467 = arith.constant 0 : i32
        %dma_start3A_468 = arith.constant 0 : i32
        %dma_start3A_469 = tpu.memref_slice %arg9[%dma_start3A_467, %dma_start3A_468] : memref<10240x32xf32, #tpu.memory_space<vmem_shared>> -> memref<10240x32xf32, #tpu.memory_space<vmem_shared>>
        tpu.enqueue_indirect_dma source(%dma_start3A_463 : memref<80x32xf32, #tpu.memory_space<vmem>>) target(%dma_start3A_469 : memref<10240x32xf32, #tpu.memory_space<vmem_shared>>) offsets(%dma_start3A_466 : memref<80xi32, #tpu.memory_space<vmem>>) semaphore(%arg24 : memref<!tpu.dma_semaphore, #tpu.memory_space<semaphore_mem>>) {add = true}
      } else {
      }
    }
    %scan3A_320 = arith.constant 13 : i32
    %dma_wait3A_321 = arith.constant 3 : i32
    %dma_wait3A_322 = arith.constant 123 : i32
    %dma_wait3A_323 = arith.constant 0 : i32
    %dma_wait3A_324 = arith.constant 0 : i32
    %dma_wait3A_325 = tpu.memref_slice %arg8[%dma_wait3A_321, %dma_wait3A_323, %dma_wait3A_324] : memref<5x80x32xf32, #tpu.memory_space<vmem>> -> memref<1x80x32xf32, #tpu.memory_space<vmem>>
    %dma_wait3A_326 = tpu.memref_squeeze %dma_wait3A_325 : memref<1x80x32xf32, #tpu.memory_space<vmem>> -> memref<80x32xf32, #tpu.memory_space<vmem>>
    %dma_wait3A_327 = arith.constant 0 : i32
    %dma_wait3A_328 = tpu.memref_slice %arg7[%dma_wait3A_322, %dma_wait3A_327] : memref<125x80xi32, #tpu.memory_space<vmem>> -> memref<1x80xi32, #tpu.memory_space<vmem>>
    %dma_wait3A_329 = tpu.memref_squeeze %dma_wait3A_328 : memref<1x80xi32, #tpu.memory_space<vmem>> -> memref<80xi32, #tpu.memory_space<vmem>>
    %dma_wait3A_330 = arith.constant 0 : i32
    %dma_wait3A_331 = arith.constant 0 : i32
    %dma_wait3A_332 = tpu.memref_slice %arg9[%dma_wait3A_330, %dma_wait3A_331] : memref<10240x32xf32, #tpu.memory_space<vmem_shared>> -> memref<10240x32xf32, #tpu.memory_space<vmem_shared>>
    tpu.wait_indirect_dma semaphore(%arg24 : memref<!tpu.dma_semaphore, #tpu.memory_space<semaphore_mem>>) src(%dma_wait3A_326 : memref<80x32xf32, #tpu.memory_space<vmem>>) dst(%dma_wait3A_332 : memref<10240x32xf32, #tpu.memory_space<vmem_shared>>)
    %dma_wait3A_333 = arith.constant 4 : i32
    %dma_wait3A_334 = arith.constant 124 : i32
    %dma_wait3A_335 = arith.constant 0 : i32
    %dma_wait3A_336 = arith.constant 0 : i32
    %dma_wait3A_337 = tpu.memref_slice %arg8[%dma_wait3A_333, %dma_wait3A_335, %dma_wait3A_336] : memref<5x80x32xf32, #tpu.memory_space<vmem>> -> memref<1x80x32xf32, #tpu.memory_space<vmem>>
    %dma_wait3A_338 = tpu.memref_squeeze %dma_wait3A_337 : memref<1x80x32xf32, #tpu.memory_space<vmem>> -> memref<80x32xf32, #tpu.memory_space<vmem>>
    %dma_wait3A_339 = arith.constant 0 : i32
    %dma_wait3A_340 = tpu.memref_slice %arg7[%dma_wait3A_334, %dma_wait3A_339] : memref<125x80xi32, #tpu.memory_space<vmem>> -> memref<1x80xi32, #tpu.memory_space<vmem>>
    %dma_wait3A_341 = tpu.memref_squeeze %dma_wait3A_340 : memref<1x80xi32, #tpu.memory_space<vmem>> -> memref<80xi32, #tpu.memory_space<vmem>>
    %dma_wait3A_342 = arith.constant 0 : i32
    %dma_wait3A_343 = arith.constant 0 : i32
    %dma_wait3A_344 = tpu.memref_slice %arg9[%dma_wait3A_342, %dma_wait3A_343] : memref<10240x32xf32, #tpu.memory_space<vmem_shared>> -> memref<10240x32xf32, #tpu.memory_space<vmem_shared>>
    tpu.wait_indirect_dma semaphore(%arg23 : memref<!tpu.dma_semaphore, #tpu.memory_space<semaphore_mem>>) src(%dma_wait3A_338 : memref<80x32xf32, #tpu.memory_space<vmem>>) dst(%dma_wait3A_344 : memref<10240x32xf32, #tpu.memory_space<vmem_shared>>)
    %barrier3A_345 = arith.constant 0 : index
    tpu.barrier barrier_id(%barrier3A_345)
    %mul3A_346 = arith.constant 10240 : i32
    %mul3A_347 = arith.muli %arg0, %mul3A_346 : i32
    %add3A_348 = arith.addi %mul3A_347, %mul3A_3 : i32
    "tpu.region"() ({
      %run_scoped3A = tpu.sem_alloc : memref<!tpu.dma_semaphore, #tpu.memory_space<semaphore_mem>>
      %dma_start3A_349 = arith.constant 0 : i32
      %dma_start3A_350 = tpu.memref_slice %arg5[%add3A_348, %dma_start3A_349] : memref<20480x32xf32, #tpu.memory_space<hbm>> -> memref<640x32xf32, #tpu.memory_space<hbm>>
      %dma_start3A_351 = arith.constant 0 : i32
      %dma_start3A_352 = tpu.memref_slice %arg9[%mul3A_3, %dma_start3A_351] : memref<10240x32xf32, #tpu.memory_space<vmem_shared>> -> memref<640x32xf32, #tpu.memory_space<vmem_shared>>
      tpu.enqueue_dma source(%dma_start3A_352 : memref<640x32xf32, #tpu.memory_space<vmem_shared>>) target(%dma_start3A_350 : memref<640x32xf32, #tpu.memory_space<hbm>>) target_semaphore(%run_scoped3A : memref<!tpu.dma_semaphore, #tpu.memory_space<semaphore_mem>>)
      %dma_wait3A_353 = arith.constant 0 : i32
      %dma_wait3A_354 = tpu.memref_slice %arg5[%add3A_348, %dma_wait3A_353] : memref<20480x32xf32, #tpu.memory_space<hbm>> -> memref<640x32xf32, #tpu.memory_space<hbm>>
      %dma_wait3A_355 = arith.constant 0 : i32
      %dma_wait3A_356 = tpu.memref_slice %arg9[%mul3A_3, %dma_wait3A_355] : memref<10240x32xf32, #tpu.memory_space<vmem_shared>> -> memref<640x32xf32, #tpu.memory_space<vmem_shared>>
      tpu.wait_dma2 semaphore(%run_scoped3A : memref<!tpu.dma_semaphore, #tpu.memory_space<semaphore_mem>>) src(%dma_wait3A_356 : memref<640x32xf32, #tpu.memory_space<vmem_shared>>) dst(%dma_wait3A_354 : memref<640x32xf32, #tpu.memory_space<hbm>>)
      tpu.yield
    }) : () -> ()
    return
  }
}

module attributes {stable_mosaic.version = 14 : i64} {
  func.func @body(%arg0: i32, %arg1: memref<1x1024x128xf32, #tpu.memory_space<vmem>>, %arg2: memref<1x1024x128xf32, #tpu.memory_space<vmem>>, %arg3: memref<1x1024x1xf32, #tpu.memory_space<vmem>>, %arg4: memref<1x1024x1xf32, #tpu.memory_space<vmem>>, %arg5: memref<1024x128xf32, #tpu.memory_space<vmem>>) attributes {dimension_semantics = [#tpu.dimension_semantics<arbitrary>], iteration_bounds = array<i64: 10>, scalar_prefetch = 0 : i64, scratch_operands = 0 : i64, tpu.core_type = #tpu.core_type<tc>, window_params = [{transform_indices = @transform_0, window_bounds = array<i64: 1, 1024, 128>}, {transform_indices = @transform_1, window_bounds = array<i64: 1, 1024, 128>}, {transform_indices = @transform_2, window_bounds = array<i64: 1, 1024, 1>}, {transform_indices = @transform_3, window_bounds = array<i64: 1, 1024, 1>}, {transform_indices = @transform_4, window_bounds = array<i64: 1024, 128>}]} {
    %get3A = arith.constant 0 : index
    %get3A_0 = arith.constant 0 : index
    %get3A_1 = arith.constant 0 : index
    %get3A_2 = vector.load %arg1[%get3A, %get3A_0, %get3A_1] : memref<1x1024x128xf32, #tpu.memory_space<vmem>>, vector<1x1024x128xf32>
    %get3A_3 = vector.shape_cast %get3A_2 : vector<1x1024x128xf32> to vector<1024x128xf32>
    %get3A_4 = arith.constant 0 : index
    %get3A_5 = arith.constant 0 : index
    %get3A_6 = arith.constant 0 : index
    %get3A_7 = vector.load %arg2[%get3A_4, %get3A_5, %get3A_6] : memref<1x1024x128xf32, #tpu.memory_space<vmem>>, vector<1x1024x128xf32>
    %get3A_8 = vector.shape_cast %get3A_7 : vector<1x1024x128xf32> to vector<1024x128xf32>
    %add3A = arith.addf %get3A_3, %get3A_8 : vector<1024x128xf32>
    %get3A_9 = arith.constant 0 : index
    %get3A_10 = arith.constant 0 : index
    %get3A_11 = arith.constant 0 : index
    %get3A_12 = vector.load %arg3[%get3A_9, %get3A_10, %get3A_11] : memref<1x1024x1xf32, #tpu.memory_space<vmem>>, vector<1x1024x1xf32>
    %get3A_13 = vector.shape_cast %get3A_12 : vector<1x1024x1xf32> to vector<1024x1xf32>
    %get3A_14 = arith.constant 0 : index
    %get3A_15 = arith.constant 0 : index
    %get3A_16 = arith.constant 0 : index
    %get3A_17 = vector.load %arg4[%get3A_14, %get3A_15, %get3A_16] : memref<1x1024x1xf32, #tpu.memory_space<vmem>>, vector<1x1024x1xf32>
    %get3A_18 = vector.shape_cast %get3A_17 : vector<1x1024x1xf32> to vector<1024x1xf32>
    %add3A_19 = arith.addf %get3A_13, %get3A_18 : vector<1024x1xf32>
    %gt3A = arith.constant 0.000000e+00 : f32
    %gt3A_20 = vector.broadcast %gt3A : f32 to vector<1024x1xf32>
    %gt3A_21 = arith.cmpf ogt, %add3A_19, %gt3A_20 : vector<1024x1xf32>
    %div3A = arith.constant 1.000000e+00 : f32
    %div3A_22 = vector.broadcast %div3A : f32 to vector<1024x1xf32>
    %div3A_23 = arith.divf %div3A_22, %add3A_19 : vector<1024x1xf32>
    %jit3A = arith.constant 0.000000e+00 : f32
    %broadcast_in_dim3A = vector.broadcast %jit3A : f32 to vector<1024x1xf32>
    %select_n3A = arith.select %gt3A_21, %div3A_23, %broadcast_in_dim3A : vector<1024x1xi1>, vector<1024x1xf32>
    %mul3A = vector.broadcast %select_n3A : vector<1024x1xf32> to vector<1024x128xf32>
    %mul3A_24 = arith.mulf %mul3A, %add3A : vector<1024x128xf32>
    %swap3A = arith.constant 0 : index
    %swap3A_25 = arith.constant 0 : index
    %swap3A_26 = vector.load %arg5[%swap3A, %swap3A_25] : memref<1024x128xf32, #tpu.memory_space<vmem>>, vector<1024x128xf32>
    tpu.vector_store %arg5[%swap3A, %swap3A_25], %mul3A_24 {strides = array<i32>} : memref<1024x128xf32, #tpu.memory_space<vmem>>, vector<1024x128xf32>,
    return
  }
  func.func @transform_0(%arg0: i32) -> (i32, i32, i32) {
    %c0_i32 = arith.constant 0 : i32
    %c0_i32_0 = arith.constant 0 : i32
    %c0_i32_1 = arith.constant 0 : i32
    return %c0_i32, %arg0, %c0_i32_0 : i32, i32, i32
  }
  func.func @transform_1(%arg0: i32) -> (i32, i32, i32) {
    %c1_i32 = arith.constant 1 : i32
    %c0_i32 = arith.constant 0 : i32
    %c0_i32_0 = arith.constant 0 : i32
    return %c1_i32, %arg0, %c0_i32 : i32, i32, i32
  }
  func.func @transform_2(%arg0: i32) -> (i32, i32, i32) {
    %c0_i32 = arith.constant 0 : i32
    %c0_i32_0 = arith.constant 0 : i32
    %c0_i32_1 = arith.constant 0 : i32
    return %c0_i32, %arg0, %c0_i32_0 : i32, i32, i32
  }
  func.func @transform_3(%arg0: i32) -> (i32, i32, i32) {
    %c1_i32 = arith.constant 1 : i32
    %c0_i32 = arith.constant 0 : i32
    %c0_i32_0 = arith.constant 0 : i32
    return %c1_i32, %arg0, %c0_i32 : i32, i32, i32
  }
  func.func @transform_4(%arg0: i32) -> (i32, i32) {
    %c0_i32 = arith.constant 0 : i32
    %c0_i32_0 = arith.constant 0 : i32
    return %arg0, %c0_i32 : i32, i32
  }
}

module attributes {stable_mosaic.version = 14 : i64} {
  func.func @body(%arg0: i32, %arg1: memref<1000x128xf32, #tpu.memory_space<vmem>>, %arg2: memref<128x128xf32, #tpu.memory_space<vmem>>, %arg3: memref<1000x128xf32, #tpu.memory_space<vmem>>) attributes {dimension_semantics = [#tpu.dimension_semantics<arbitrary>], iteration_bounds = array<i64: 10>, scalar_prefetch = 0 : i64, scratch_operands = 0 : i64, tpu.core_type = #tpu.core_type<tc>, window_params = [{transform_indices = @transform_0, window_bounds = array<i64: 1000, 128>}, {pipeline_mode = #tpu.pipeline_mode<synchronous>, transform_indices = @transform_1, window_bounds = array<i64: 128, 128>}, {transform_indices = @transform_2, window_bounds = array<i64: 1000, 128>}]} {
    %get3A = arith.constant 0 : index
    %get3A_0 = arith.constant 0 : index
    %get3A_1 = vector.load %arg1[%get3A, %get3A_0] : memref<1000x128xf32, #tpu.memory_space<vmem>>, vector<1000x128xf32>
    %get3A_2 = arith.constant 0 : index
    %get3A_3 = arith.constant 0 : index
    %get3A_4 = vector.load %arg2[%get3A_2, %get3A_3] : memref<128x128xf32, #tpu.memory_space<vmem>>, vector<128x128xf32>
    %dot_general3A = arith.constant dense<0.000000e+00> : vector<1000x128xf32>
    %dot_general3A_5 = tpu.matmul %get3A_1, %get3A_4, %dot_general3A {dimension_numbers = #tpu.dot_dimension_numbers<[1], [0], [0], [1], [0, 0, 1, 1], [], []>, transpose_lhs_hint = false} : vector<1000x128xf32>, vector<128x128xf32>, vector<1000x128xf32> -> vector<1000x128xf32>
    %swap3A = arith.constant 0 : index
    %swap3A_6 = arith.constant 0 : index
    %swap3A_7 = vector.load %arg3[%swap3A, %swap3A_6] : memref<1000x128xf32, #tpu.memory_space<vmem>>, vector<1000x128xf32>
    tpu.vector_store %arg3[%swap3A, %swap3A_6], %dot_general3A_5 {strides = array<i32>} : memref<1000x128xf32, #tpu.memory_space<vmem>>, vector<1000x128xf32>,
    return
  }
  func.func @transform_0(%arg0: i32) -> (i32, i32) {
    %c0_i32 = arith.constant 0 : i32
    %c0_i32_0 = arith.constant 0 : i32
    return %arg0, %c0_i32 : i32, i32
  }
  func.func @transform_1(%arg0: i32) -> (i32, i32) {
    %c0_i32 = arith.constant 0 : i32
    %c0_i32_0 = arith.constant 0 : i32
    %c0_i32_1 = arith.constant 0 : i32
    return %c0_i32, %c0_i32_0 : i32, i32
  }
  func.func @transform_2(%arg0: i32) -> (i32, i32) {
    %c0_i32 = arith.constant 0 : i32
    %c0_i32_0 = arith.constant 0 : i32
    return %arg0, %c0_i32 : i32, i32
  }
}

module attributes {stable_mosaic.version = 14 : i64} {
  func.func @body(%arg0: i32, %arg1: memref<1x1024x128xf32, #tpu.memory_space<vmem>>, %arg2: memref<1x1024x128xf32, #tpu.memory_space<vmem>>, %arg3: memref<1x1024x1xf32, #tpu.memory_space<vmem>>, %arg4: memref<1x1024x1xf32, #tpu.memory_space<vmem>>, %arg5: memref<1x128xf32, #tpu.memory_space<vmem>>, %arg6: memref<128x32xf32, #tpu.memory_space<vmem>>, %arg7: memref<1024x32xf32, #tpu.memory_space<vmem>>) attributes {dimension_semantics = [#tpu.dimension_semantics<arbitrary>], iteration_bounds = array<i64: 10>, scalar_prefetch = 0 : i64, scratch_operands = 0 : i64, tpu.core_type = #tpu.core_type<tc>, window_params = [{transform_indices = @transform_0, window_bounds = array<i64: 1, 1024, 128>}, {transform_indices = @transform_1, window_bounds = array<i64: 1, 1024, 128>}, {transform_indices = @transform_2, window_bounds = array<i64: 1, 1024, 1>}, {transform_indices = @transform_3, window_bounds = array<i64: 1, 1024, 1>}, {pipeline_mode = #tpu.pipeline_mode<synchronous>, transform_indices = @transform_4, window_bounds = array<i64: 1, 128>}, {pipeline_mode = #tpu.pipeline_mode<synchronous>, transform_indices = @transform_5, window_bounds = array<i64: 128, 32>}, {transform_indices = @transform_6, window_bounds = array<i64: 1024, 32>}]} {
    %get3A = arith.constant 0 : index
    %get3A_0 = arith.constant 0 : index
    %get3A_1 = arith.constant 0 : index
    %get3A_2 = vector.load %arg1[%get3A, %get3A_0, %get3A_1] : memref<1x1024x128xf32, #tpu.memory_space<vmem>>, vector<1x1024x128xf32>
    %get3A_3 = vector.shape_cast %get3A_2 : vector<1x1024x128xf32> to vector<1024x128xf32>
    %get3A_4 = arith.constant 0 : index
    %get3A_5 = arith.constant 0 : index
    %get3A_6 = arith.constant 0 : index
    %get3A_7 = vector.load %arg2[%get3A_4, %get3A_5, %get3A_6] : memref<1x1024x128xf32, #tpu.memory_space<vmem>>, vector<1x1024x128xf32>
    %get3A_8 = vector.shape_cast %get3A_7 : vector<1x1024x128xf32> to vector<1024x128xf32>
    %add3A = arith.addf %get3A_3, %get3A_8 : vector<1024x128xf32>
    %get3A_9 = arith.constant 0 : index
    %get3A_10 = arith.constant 0 : index
    %get3A_11 = arith.constant 0 : index
    %get3A_12 = vector.load %arg3[%get3A_9, %get3A_10, %get3A_11] : memref<1x1024x1xf32, #tpu.memory_space<vmem>>, vector<1x1024x1xf32>
    %get3A_13 = vector.shape_cast %get3A_12 : vector<1x1024x1xf32> to vector<1024x1xf32>
    %get3A_14 = arith.constant 0 : index
    %get3A_15 = arith.constant 0 : index
    %get3A_16 = arith.constant 0 : index
    %get3A_17 = vector.load %arg4[%get3A_14, %get3A_15, %get3A_16] : memref<1x1024x1xf32, #tpu.memory_space<vmem>>, vector<1x1024x1xf32>
    %get3A_18 = vector.shape_cast %get3A_17 : vector<1x1024x1xf32> to vector<1024x1xf32>
    %add3A_19 = arith.addf %get3A_13, %get3A_18 : vector<1024x1xf32>
    %gt3A = arith.constant 0.000000e+00 : f32
    %gt3A_20 = vector.broadcast %gt3A : f32 to vector<1024x1xf32>
    %gt3A_21 = arith.cmpf ogt, %add3A_19, %gt3A_20 : vector<1024x1xf32>
    %div3A = arith.constant 1.000000e+00 : f32
    %div3A_22 = vector.broadcast %div3A : f32 to vector<1024x1xf32>
    %div3A_23 = arith.divf %div3A_22, %add3A_19 : vector<1024x1xf32>
    %jit3A = arith.constant 0.000000e+00 : f32
    %broadcast_in_dim3A = vector.broadcast %jit3A : f32 to vector<1024x1xf32>
    %select_n3A = arith.select %gt3A_21, %div3A_23, %broadcast_in_dim3A : vector<1024x1xi1>, vector<1024x1xf32>
    %mul3A = vector.broadcast %select_n3A : vector<1024x1xf32> to vector<1024x128xf32>
    %mul3A_24 = arith.mulf %mul3A, %add3A : vector<1024x128xf32>
    %get3A_25 = arith.constant 0 : index
    %get3A_26 = arith.constant 0 : index
    %get3A_27 = vector.load %arg5[%get3A_25, %get3A_26] : memref<1x128xf32, #tpu.memory_space<vmem>>, vector<1x128xf32>
    %add3A_28 = vector.broadcast %get3A_27 : vector<1x128xf32> to vector<1024x128xf32>
    %add3A_29 = arith.addf %mul3A_24, %add3A_28 : vector<1024x128xf32>
    %max3A = arith.constant 0.000000e+00 : f32
    %max3A_30 = vector.broadcast %max3A : f32 to vector<1024x128xf32>
    %max3A_31 = arith.maximumf %add3A_29, %max3A_30 : vector<1024x128xf32>
    %get3A_32 = arith.constant 0 : index
    %get3A_33 = arith.constant 0 : index
    %get3A_34 = vector.load %arg6[%get3A_32, %get3A_33] : memref<128x32xf32, #tpu.memory_space<vmem>>, vector<128x32xf32>
    %dot_general3A = arith.constant dense<0.000000e+00> : vector<1024x32xf32>
    %dot_general3A_35 = tpu.matmul %max3A_31, %get3A_34, %dot_general3A {dimension_numbers = #tpu.dot_dimension_numbers<[1], [0], [0], [1], [0, 0, 1, 1], [], []>, transpose_lhs_hint = false} : vector<1024x128xf32>, vector<128x32xf32>, vector<1024x32xf32> -> vector<1024x32xf32>
    %swap3A = arith.constant 0 : index
    %swap3A_36 = arith.constant 0 : index
    %swap3A_37 = vector.load %arg7[%swap3A, %swap3A_36] : memref<1024x32xf32, #tpu.memory_space<vmem>>, vector<1024x32xf32>
    tpu.vector_store %arg7[%swap3A, %swap3A_36], %dot_general3A_35 {strides = array<i32>} : memref<1024x32xf32, #tpu.memory_space<vmem>>, vector<1024x32xf32>,
    return
  }
  func.func @transform_0(%arg0: i32) -> (i32, i32, i32) {
    %c0_i32 = arith.constant 0 : i32
    %c0_i32_0 = arith.constant 0 : i32
    %c0_i32_1 = arith.constant 0 : i32
    return %c0_i32, %arg0, %c0_i32_0 : i32, i32, i32
  }
  func.func @transform_1(%arg0: i32) -> (i32, i32, i32) {
    %c1_i32 = arith.constant 1 : i32
    %c0_i32 = arith.constant 0 : i32
    %c0_i32_0 = arith.constant 0 : i32
    return %c1_i32, %arg0, %c0_i32 : i32, i32, i32
  }
  func.func @transform_2(%arg0: i32) -> (i32, i32, i32) {
    %c0_i32 = arith.constant 0 : i32
    %c0_i32_0 = arith.constant 0 : i32
    %c0_i32_1 = arith.constant 0 : i32
    return %c0_i32, %arg0, %c0_i32_0 : i32, i32, i32
  }
  func.func @transform_3(%arg0: i32) -> (i32, i32, i32) {
    %c1_i32 = arith.constant 1 : i32
    %c0_i32 = arith.constant 0 : i32
    %c0_i32_0 = arith.constant 0 : i32
    return %c1_i32, %arg0, %c0_i32 : i32, i32, i32
  }
  func.func @transform_4(%arg0: i32) -> (i32, i32) {
    %c0_i32 = arith.constant 0 : i32
    %c0_i32_0 = arith.constant 0 : i32
    %c0_i32_1 = arith.constant 0 : i32
    return %c0_i32, %c0_i32_0 : i32, i32
  }
  func.func @transform_5(%arg0: i32) -> (i32, i32) {
    %c0_i32 = arith.constant 0 : i32
    %c0_i32_0 = arith.constant 0 : i32
    %c0_i32_1 = arith.constant 0 : i32
    return %c0_i32, %c0_i32_0 : i32, i32
  }
  func.func @transform_6(%arg0: i32) -> (i32, i32) {
    %c0_i32 = arith.constant 0 : i32
    %c0_i32_0 = arith.constant 0 : i32
    return %arg0, %c0_i32 : i32, i32
  }
}

module attributes {stable_mosaic.version = 14 : i64} {
  func.func @body(%arg0: i32, %arg1: memref<1x1024x32xf32, #tpu.memory_space<vmem>>, %arg2: memref<1x1024x32xf32, #tpu.memory_space<vmem>>, %arg3: memref<1x1024x1xf32, #tpu.memory_space<vmem>>, %arg4: memref<1x1024x1xf32, #tpu.memory_space<vmem>>, %arg5: memref<1024x32xf32, #tpu.memory_space<vmem>>) attributes {dimension_semantics = [#tpu.dimension_semantics<arbitrary>], iteration_bounds = array<i64: 10>, scalar_prefetch = 0 : i64, scratch_operands = 0 : i64, tpu.core_type = #tpu.core_type<tc>, window_params = [{transform_indices = @transform_0, window_bounds = array<i64: 1, 1024, 32>}, {transform_indices = @transform_1, window_bounds = array<i64: 1, 1024, 32>}, {transform_indices = @transform_2, window_bounds = array<i64: 1, 1024, 1>}, {transform_indices = @transform_3, window_bounds = array<i64: 1, 1024, 1>}, {transform_indices = @transform_4, window_bounds = array<i64: 1024, 32>}]} {
    %get3A = arith.constant 0 : index
    %get3A_0 = arith.constant 0 : index
    %get3A_1 = arith.constant 0 : index
    %get3A_2 = vector.load %arg1[%get3A, %get3A_0, %get3A_1] : memref<1x1024x32xf32, #tpu.memory_space<vmem>>, vector<1x1024x32xf32>
    %get3A_3 = vector.shape_cast %get3A_2 : vector<1x1024x32xf32> to vector<1024x32xf32>
    %get3A_4 = arith.constant 0 : index
    %get3A_5 = arith.constant 0 : index
    %get3A_6 = arith.constant 0 : index
    %get3A_7 = vector.load %arg2[%get3A_4, %get3A_5, %get3A_6] : memref<1x1024x32xf32, #tpu.memory_space<vmem>>, vector<1x1024x32xf32>
    %get3A_8 = vector.shape_cast %get3A_7 : vector<1x1024x32xf32> to vector<1024x32xf32>
    %add3A = arith.addf %get3A_3, %get3A_8 : vector<1024x32xf32>
    %get3A_9 = arith.constant 0 : index
    %get3A_10 = arith.constant 0 : index
    %get3A_11 = arith.constant 0 : index
    %get3A_12 = vector.load %arg3[%get3A_9, %get3A_10, %get3A_11] : memref<1x1024x1xf32, #tpu.memory_space<vmem>>, vector<1x1024x1xf32>
    %get3A_13 = vector.shape_cast %get3A_12 : vector<1x1024x1xf32> to vector<1024x1xf32>
    %get3A_14 = arith.constant 0 : index
    %get3A_15 = arith.constant 0 : index
    %get3A_16 = arith.constant 0 : index
    %get3A_17 = vector.load %arg4[%get3A_14, %get3A_15, %get3A_16] : memref<1x1024x1xf32, #tpu.memory_space<vmem>>, vector<1x1024x1xf32>
    %get3A_18 = vector.shape_cast %get3A_17 : vector<1x1024x1xf32> to vector<1024x1xf32>
    %add3A_19 = arith.addf %get3A_13, %get3A_18 : vector<1024x1xf32>
    %gt3A = arith.constant 0.000000e+00 : f32
    %gt3A_20 = vector.broadcast %gt3A : f32 to vector<1024x1xf32>
    %gt3A_21 = arith.cmpf ogt, %add3A_19, %gt3A_20 : vector<1024x1xf32>
    %div3A = arith.constant 1.000000e+00 : f32
    %div3A_22 = vector.broadcast %div3A : f32 to vector<1024x1xf32>
    %div3A_23 = arith.divf %div3A_22, %add3A_19 : vector<1024x1xf32>
    %jit3A = arith.constant 0.000000e+00 : f32
    %broadcast_in_dim3A = vector.broadcast %jit3A : f32 to vector<1024x1xf32>
    %select_n3A = arith.select %gt3A_21, %div3A_23, %broadcast_in_dim3A : vector<1024x1xi1>, vector<1024x1xf32>
    %mul3A = vector.broadcast %select_n3A : vector<1024x1xf32> to vector<1024x32xf32>
    %mul3A_24 = arith.mulf %mul3A, %add3A : vector<1024x32xf32>
    %swap3A = arith.constant 0 : index
    %swap3A_25 = arith.constant 0 : index
    %swap3A_26 = vector.load %arg5[%swap3A, %swap3A_25] : memref<1024x32xf32, #tpu.memory_space<vmem>>, vector<1024x32xf32>
    tpu.vector_store %arg5[%swap3A, %swap3A_25], %mul3A_24 {strides = array<i32>} : memref<1024x32xf32, #tpu.memory_space<vmem>>, vector<1024x32xf32>,
    return
  }
  func.func @transform_0(%arg0: i32) -> (i32, i32, i32) {
    %c0_i32 = arith.constant 0 : i32
    %c0_i32_0 = arith.constant 0 : i32
    %c0_i32_1 = arith.constant 0 : i32
    return %c0_i32, %arg0, %c0_i32_0 : i32, i32, i32
  }
  func.func @transform_1(%arg0: i32) -> (i32, i32, i32) {
    %c1_i32 = arith.constant 1 : i32
    %c0_i32 = arith.constant 0 : i32
    %c0_i32_0 = arith.constant 0 : i32
    return %c1_i32, %arg0, %c0_i32 : i32, i32, i32
  }
  func.func @transform_2(%arg0: i32) -> (i32, i32, i32) {
    %c0_i32 = arith.constant 0 : i32
    %c0_i32_0 = arith.constant 0 : i32
    %c0_i32_1 = arith.constant 0 : i32
    return %c0_i32, %arg0, %c0_i32_0 : i32, i32, i32
  }
  func.func @transform_3(%arg0: i32) -> (i32, i32, i32) {
    %c1_i32 = arith.constant 1 : i32
    %c0_i32 = arith.constant 0 : i32
    %c0_i32_0 = arith.constant 0 : i32
    return %c1_i32, %arg0, %c0_i32 : i32, i32, i32
  }
  func.func @transform_4(%arg0: i32) -> (i32, i32) {
    %c0_i32 = arith.constant 0 : i32
    %c0_i32_0 = arith.constant 0 : i32
    return %arg0, %c0_i32 : i32, i32
  }
}

module attributes {stable_mosaic.version = 14 : i64} {
  func.func @body(%arg0: i32, %arg1: memref<1x1024x32xf32, #tpu.memory_space<vmem>>, %arg2: memref<1x1024x32xf32, #tpu.memory_space<vmem>>, %arg3: memref<1x1024x1xf32, #tpu.memory_space<vmem>>, %arg4: memref<1x1024x1xf32, #tpu.memory_space<vmem>>, %arg5: memref<1x32xf32, #tpu.memory_space<vmem>>, %arg6: memref<1024x32xf32, #tpu.memory_space<vmem>>) attributes {dimension_semantics = [#tpu.dimension_semantics<arbitrary>], iteration_bounds = array<i64: 10>, scalar_prefetch = 0 : i64, scratch_operands = 0 : i64, tpu.core_type = #tpu.core_type<tc>, window_params = [{transform_indices = @transform_0, window_bounds = array<i64: 1, 1024, 32>}, {transform_indices = @transform_1, window_bounds = array<i64: 1, 1024, 32>}, {transform_indices = @transform_2, window_bounds = array<i64: 1, 1024, 1>}, {transform_indices = @transform_3, window_bounds = array<i64: 1, 1024, 1>}, {pipeline_mode = #tpu.pipeline_mode<synchronous>, transform_indices = @transform_4, window_bounds = array<i64: 1, 32>}, {transform_indices = @transform_5, window_bounds = array<i64: 1024, 32>}]} {
    %get3A = arith.constant 0 : index
    %get3A_0 = arith.constant 0 : index
    %get3A_1 = arith.constant 0 : index
    %get3A_2 = vector.load %arg1[%get3A, %get3A_0, %get3A_1] : memref<1x1024x32xf32, #tpu.memory_space<vmem>>, vector<1x1024x32xf32>
    %get3A_3 = vector.shape_cast %get3A_2 : vector<1x1024x32xf32> to vector<1024x32xf32>
    %get3A_4 = arith.constant 0 : index
    %get3A_5 = arith.constant 0 : index
    %get3A_6 = arith.constant 0 : index
    %get3A_7 = vector.load %arg2[%get3A_4, %get3A_5, %get3A_6] : memref<1x1024x32xf32, #tpu.memory_space<vmem>>, vector<1x1024x32xf32>
    %get3A_8 = vector.shape_cast %get3A_7 : vector<1x1024x32xf32> to vector<1024x32xf32>
    %add3A = arith.addf %get3A_3, %get3A_8 : vector<1024x32xf32>
    %get3A_9 = arith.constant 0 : index
    %get3A_10 = arith.constant 0 : index
    %get3A_11 = arith.constant 0 : index
    %get3A_12 = vector.load %arg3[%get3A_9, %get3A_10, %get3A_11] : memref<1x1024x1xf32, #tpu.memory_space<vmem>>, vector<1x1024x1xf32>
    %get3A_13 = vector.shape_cast %get3A_12 : vector<1x1024x1xf32> to vector<1024x1xf32>
    %get3A_14 = arith.constant 0 : index
    %get3A_15 = arith.constant 0 : index
    %get3A_16 = arith.constant 0 : index
    %get3A_17 = vector.load %arg4[%get3A_14, %get3A_15, %get3A_16] : memref<1x1024x1xf32, #tpu.memory_space<vmem>>, vector<1x1024x1xf32>
    %get3A_18 = vector.shape_cast %get3A_17 : vector<1x1024x1xf32> to vector<1024x1xf32>
    %add3A_19 = arith.addf %get3A_13, %get3A_18 : vector<1024x1xf32>
    %gt3A = arith.constant 0.000000e+00 : f32
    %gt3A_20 = vector.broadcast %gt3A : f32 to vector<1024x1xf32>
    %gt3A_21 = arith.cmpf ogt, %add3A_19, %gt3A_20 : vector<1024x1xf32>
    %div3A = arith.constant 1.000000e+00 : f32
    %div3A_22 = vector.broadcast %div3A : f32 to vector<1024x1xf32>
    %div3A_23 = arith.divf %div3A_22, %add3A_19 : vector<1024x1xf32>
    %jit3A = arith.constant 0.000000e+00 : f32
    %broadcast_in_dim3A = vector.broadcast %jit3A : f32 to vector<1024x1xf32>
    %select_n3A = arith.select %gt3A_21, %div3A_23, %broadcast_in_dim3A : vector<1024x1xi1>, vector<1024x1xf32>
    %mul3A = vector.broadcast %select_n3A : vector<1024x1xf32> to vector<1024x32xf32>
    %mul3A_24 = arith.mulf %mul3A, %add3A : vector<1024x32xf32>
    %get3A_25 = arith.constant 0 : index
    %get3A_26 = arith.constant 0 : index
    %get3A_27 = vector.load %arg5[%get3A_25, %get3A_26] : memref<1x32xf32, #tpu.memory_space<vmem>>, vector<1x32xf32>
    %add3A_28 = vector.broadcast %get3A_27 : vector<1x32xf32> to vector<1024x32xf32>
    %add3A_29 = arith.addf %mul3A_24, %add3A_28 : vector<1024x32xf32>
    %max3A = arith.constant 0.000000e+00 : f32
    %max3A_30 = vector.broadcast %max3A : f32 to vector<1024x32xf32>
    %max3A_31 = arith.maximumf %add3A_29, %max3A_30 : vector<1024x32xf32>
    %swap3A = arith.constant 0 : index
    %swap3A_32 = arith.constant 0 : index
    %swap3A_33 = vector.load %arg6[%swap3A, %swap3A_32] : memref<1024x32xf32, #tpu.memory_space<vmem>>, vector<1024x32xf32>
    tpu.vector_store %arg6[%swap3A, %swap3A_32], %max3A_31 {strides = array<i32>} : memref<1024x32xf32, #tpu.memory_space<vmem>>, vector<1024x32xf32>,
    return
  }
  func.func @transform_0(%arg0: i32) -> (i32, i32, i32) {
    %c0_i32 = arith.constant 0 : i32
    %c0_i32_0 = arith.constant 0 : i32
    %c0_i32_1 = arith.constant 0 : i32
    return %c0_i32, %arg0, %c0_i32_0 : i32, i32, i32
  }
  func.func @transform_1(%arg0: i32) -> (i32, i32, i32) {
    %c1_i32 = arith.constant 1 : i32
    %c0_i32 = arith.constant 0 : i32
    %c0_i32_0 = arith.constant 0 : i32
    return %c1_i32, %arg0, %c0_i32 : i32, i32, i32
  }
  func.func @transform_2(%arg0: i32) -> (i32, i32, i32) {
    %c0_i32 = arith.constant 0 : i32
    %c0_i32_0 = arith.constant 0 : i32
    %c0_i32_1 = arith.constant 0 : i32
    return %c0_i32, %arg0, %c0_i32_0 : i32, i32, i32
  }
  func.func @transform_3(%arg0: i32) -> (i32, i32, i32) {
    %c1_i32 = arith.constant 1 : i32
    %c0_i32 = arith.constant 0 : i32
    %c0_i32_0 = arith.constant 0 : i32
    return %c1_i32, %arg0, %c0_i32 : i32, i32, i32
  }
  func.func @transform_4(%arg0: i32) -> (i32, i32) {
    %c0_i32 = arith.constant 0 : i32
    %c0_i32_0 = arith.constant 0 : i32
    %c0_i32_1 = arith.constant 0 : i32
    return %c0_i32, %c0_i32_0 : i32, i32
  }
  func.func @transform_5(%arg0: i32) -> (i32, i32) {
    %c0_i32 = arith.constant 0 : i32
    %c0_i32_0 = arith.constant 0 : i32
    return %arg0, %c0_i32 : i32, i32
  }
}

</mosaic_0001>

<sc_bundles>
// kernel: kernel.11.cloned.1.call-start
scs
__scs_entry_jumppad:
0x0: {  	(pc) =	sbr.rel $0x88, $3  }
0x1: {  	(tag) =	ssettag $0x0;
	lr =	simm.s32 $0x1  }
0x2: {  	[smem:$0x3F9B] =	sst lr;
	_ =	strace $0xD0000000  }
0x3: {  	_ = 	snop  }
0x4: {  	_ = 	snop  }
0x5: {  	_ = 	snop  }
0x6: {  	_ = 	snop  }
0x7: {  	_ = 	snop  }
__scs_overlays_trampoline_lowered:
0x8: {  	[smem:$0x3FAA] =	sst s0  }
0x9: {  	[smem:$0x3FAB] =	sst s1  }
0xa: {  	[smem:$0x3FAC] =	sst s2  }
0xb: {  	[smem:$0x3FAD] =	sst s3  }
0xc: {  	[smem:$0x3FAE] =	sst s4  }
0xd: {  	[smem:$0x3FAF] =	sst s5  }
0xe: {  	[smem:$0x3FB0] =	sst s6  }
0xf: {  	[smem:$0x3FB1] =	sst s7  }
0x10: {  	[smem:$0x3FB2] =	sst s8  }
0x11: {  	[smem:$0x3FB3] =	sst s9;
	s0 =	simm.s32 @!p0 $0x0  }
0x12: {  	s1 =	sld [smem:$0x3F99];
	s0 =	simm.s32 @p0 $0x1  }
0x13: {  	[smem:$0x3FB4] =	sst s0;
	s0 =	simm.s32 @!p1 $0x0  }
0x14: {  	s2 =	sld [smem:$0x3F98];
	s0 =	simm.s32 @p1 $0x1  }
0x15: {  	[smem:$0x3FB5] =	sst s0;
	s0 =	simm.s32 @!p2 $0x0  }
0x16: {  	s3 =	sld [smem:$0x3FDB];
	s0 =	simm.s32 @p2 $0x1  }
0x17: {  	s4 =	simm.s32 $0x1BF5;
	[smem:$0x3FB7] =	sst s0  }
0x18: {  	s0 =	sld [smem:$0x3F9A];
	_ =	swait.ge [sflag:s4], $0x0  }
0x19: {  	s7 =	sld [smem:$0x3F9B]  }
0x1a: {  	s8 =	sadd.s32 $0xFFFFE003, lr  }
0x1b: {  	s9 =	sadd.s32 $0xFFFFFEF7, lr;
	s5 =	simm.s32 $0xFFFFFFFF;
	p2 =	slt.u32 s8, $0xFFFFF086  }
0x1c: {  	p1 =	slt.u32 s9, $0xF7A;
	s5 =	simm.s32 @!p2 $0x0  }
0x1d: {  	s5 =	simm.s32 @p1 $0x1;
	p0 =	seq.s32 s7, s2  }
0x1e: {  	s7 =	smul.u32 @!p0 $0xF7A, s2;
	p2 =	seq.s32 @!p0 s5, $0x0  }
0x1f: {  	s9 =	smul.u32 $0xF7A, s1;
	s8 =	simm.s32 @!p0 $0x1BF5;
	p2 =	por !p2, p0  }
0x20: {  	[sflag:s8] =	ssyncset.s32 @!p0 $0xFFFFF086;
	s6 =	sadd.s32 @!p0 s3, s7;
	s7 =	simm.s32 @!p0 $0x108  }
0x21: {  	s3 =	sadd.s32 s3, s9;
	s6 =	sadd.s32 @!p0 $0x88, s6;
	s7 =	simm.s32 @p2 $0x1082  }
0x22: {  	[simem:s7], [sflag:s8] =	dma.local @!p0 [hbm:s6], $0xF7A  }
0x23: {  	s9 =	sor.u32 $0xD0000000, s2;
	s6 =	simm.s32 $0x108;
	_ =	swait.ge @!p0 [sflag:s8], $0x0  }
0x24: {  	s3 =	sadd.s32 $0x88, s3;
	s6 =	simm.s32 @!p1 $0x1082;
	[sflag:s4] =	ssyncset.s32 $0xFFFFF086  }
0x25: {  	[simem:s6], [sflag:s4] =	dma.local [hbm:s3], $0xF7A  }
0x26: {  	[smem:$0x3F9B] =	sst s1;
	(tag) =	ssettag s2;
	_ =	strace s9  }
0x27: {  	s1 =	sld [smem:$0x3FAB]  }
0x28: {  	s2 =	sld [smem:$0x3FAC]  }
0x29: {  	s4 =	sld [smem:$0x3FAE]  }
0x2a: {  	p0 =	seq.s32 s5, $0x0;
	s5 =	sld [smem:$0x3FAF]  }
0x2b: {  	s6 =	sld [smem:$0x3FB0]  }
0x2c: {  	s7 =	sld [smem:$0x3FB1]  }
0x2d: {  	s3 =	simm.s32 $0x108;
	s8 =	sld [smem:$0x3FB2]  }
0x2e: {  	s3 =	simm.s32 @!p0 $0x1082;
	s9 =	sld [smem:$0x3FB3]  }
0x2f: {  	lr =	sadd.s32 s0, s3;
	s0 =	sld [smem:$0x3FAA]  }
0x30: {  	s3 =	sld [smem:$0x3FAD]  }
0x31: {  	[smem:$0x3FB6] =	sst s10  }
0x32: {  	s10 =	sld [smem:$0x3FB4];
	_ =	sdelay $0x3  }
0x33: {  	p0 =	seq.s32 s10, $0x1;
	s10 =	sld [smem:$0x3FB6];
	_ =	sdelay $0x3  }
0x34: {  	[smem:$0x3FB6] =	sst s10  }
0x35: {  	s10 =	sld [smem:$0x3FB5];
	_ =	sdelay $0x3  }
0x36: {  	p1 =	seq.s32 s10, $0x1;
	s10 =	sld [smem:$0x3FB6];
	_ =	sdelay $0x3  }
0x37: {  	[smem:$0x3FB6] =	sst s10  }
0x38: {  	s10 =	sld [smem:$0x3FB7]  }
0x39: {  	_ = 	snop;
	(pc) =	sbr.ind lr, $3  }
0x3a: {  	_ = 	snop  }
0x3b: {  	_ = 	snop  }
0x3c: {  	p2 =	seq.s32 s10, $0x1;
	s10 =	sld [smem:$0x3FB6]  }
0x3d: {  	_ =	shalt  }
0x3e: {  	_ =	shalt  }
0x3f: {  	_ =	shalt  }
0x40: {  	_ =	shalt  }
0x41: {  	_ =	shalt  }
0x42: {  	_ =	shalt  }
0x43: {  	_ =	shalt  }
0x44: {  	_ =	shalt  }
0x45: {  	_ =	shalt  }
0x46: {  	_ =	shalt  }
0x47: {  	_ =	shalt  }
0x48: {  	_ =	shalt  }
0x49: {  	_ =	shalt  }
0x4a: {  	_ =	shalt  }
0x4b: {  	_ =	shalt  }
0x4c: {  	_ =	shalt  }
0x4d: {  	_ =	shalt  }
0x4e: {  	_ =	shalt  }
0x4f: {  	_ =	shalt  }
0x50: {  	_ =	shalt  }
0x51: {  	_ =	shalt  }
0x52: {  	_ =	shalt  }
0x53: {  	_ =	shalt  }
0x54: {  	_ =	shalt  }
0x55: {  	_ =	shalt  }
0x56: {  	_ =	shalt  }
0x57: {  	_ =	shalt  }
0x58: {  	_ =	shalt  }
0x59: {  	_ =	shalt  }
0x5a: {  	_ =	shalt  }
0x5b: {  	_ =	shalt  }
0x5c: {  	_ =	shalt  }
0x5d: {  	_ =	shalt  }
0x5e: {  	_ =	shalt  }
0x5f: {  	_ =	shalt  }
0x60: {  	_ =	shalt  }
0x61: {  	_ =	shalt  }
0x62: {  	_ =	shalt  }
0x63: {  	_ =	shalt  }
0x64: {  	_ =	shalt  }
0x65: {  	_ =	shalt  }
0x66: {  	_ =	shalt  }
0x67: {  	_ =	shalt  }
0x68: {  	_ =	shalt  }
0x69: {  	_ =	shalt  }
0x6a: {  	_ =	shalt  }
0x6b: {  	_ =	shalt  }
0x6c: {  	_ =	shalt  }
0x6d: {  	_ =	shalt  }
0x6e: {  	_ =	shalt  }
0x6f: {  	_ =	shalt  }
0x70: {  	_ =	shalt  }
0x71: {  	_ =	shalt  }
0x72: {  	_ =	shalt  }
0x73: {  	_ =	shalt  }
0x74: {  	_ =	shalt  }
0x75: {  	_ =	shalt  }
0x76: {  	_ =	shalt  }
0x77: {  	_ =	shalt  }
0x78: {  	_ =	shalt  }
0x79: {  	_ =	shalt  }
0x7a: {  	_ =	shalt  }
0x7b: {  	_ =	shalt  }
0x7c: {  	_ =	shalt  }
0x7d: {  	_ =	shalt  }
0x7e: {  	_ =	shalt  }
0x7f: {  	_ =	shalt  }
0x80: {  	_ =	shalt  }
0x81: {  	_ =	shalt  }
0x82: {  	_ =	shalt  }
0x83: {  	_ =	shalt  }
0x84: {  	_ =	shalt  }
0x85: {  	_ =	shalt  }
0x86: {  	_ =	shalt  }
0x87: {  	_ =	shalt  }
.Lfunc_end0:
.L_simem_size_0:
called_computation_lowered:
.L_overlay_start_0:
0x88: {  	s2 =	sld [smem:$0x3FD9]  }
0x89: {  	s3 =	sld [smem:$0x3FFE];
	_ =	sdelay $0x1  }
0x8a: {  	s1 =	srdreg.scid  }
0x8b: {  	s0 =	sand.u32 $0x1, s1  }
0x8c: {  	s17 =	sshll.u32 s0, $0xA;
	s2 =	sadd.s32 s3, s2  }
0x8d: {  	s2 =	sadd.s32 s2, s17  }
0x8e: {  	[smem:$0x3FC2] =	sst s2  }
0x8f: {  	_ = 	snop  }
0x90: {  	s2 =	sld [smem:$0x3FD0];
	(tm) =	ssettm $0x1  }
0x91: {  	s18 =	sld [smem:$0x3FFB];
	_ =	sdelay $0x3  }
0x92: {  	_ =	strace s18  }
0x93: {  	s3 =	sld [smem:$0x3FFC];
	_ =	sdelay $0x3  }
0x94: {  	_ =	strace s3  }
0x95: {  	s3 =	sld [smem:$0x3FFD];
	_ =	sdelay $0x3  }
0x96: {  	_ =	strace s3  }
0x97: {  	_ =	strace $0x8FFFFFFF  }
0x98: {  	s19 =	sld [smem:$0x3FDB];
	_ =	sdelay $0x1  }
0x99: {  	s4 =	simm.s32 $_scs_section_size  }
0x9a: {  	s5 =	simm.s32 $_size__tile_overlayer_lowered;
	s6 =	simm.s32 $_tile_overlayer_lowered  }
0x9b: {  	s22 =	simm.s32 $0x1BFF;
	s21 =	sshll.u32 s6, $0x1;
	s3 =	sadd.s32 s4, s19  }
0x9c: {  	s7 =	simm.s32 $0x0;
	s20 =	sshll.u32 s5, $0x1;
	s5 =	sadd.s32 s21, s3  }
0x9d: {  	[timem:s7], [sflag:s22] =	dma.local [hbm:s5], s20  }
0x9e: {  	_ =	swait.ge [sflag:s22], s20  }
0x9f: {  	s4 =	ssub.s32 $0x0, s20;
	[sflag:s22] =	ssyncset.done $0x0  }
0xa0: {  	[sflag:s22] =	ssyncadd.s32 s4;
	_ =	sdelay $0x1  }
0xa1: {  	s23 =	simm.s32 $0x1B8B  }
0xa2: {  	_ =	swait.ge [sflag:s23], $0x1  }
0xa3: {  	[sflag:s23] =	ssyncset.done $0x0  }
0xa4: {  	s25 =	simm.s32 $0x1B8E;
	s24 =	sld [smem:$0x3FFE];
	[sflag:s23] =	ssyncadd.s32 $0xFFFFFFFF  }
0xa5: {  	s26 =	simm.s32 $execute0_lowered;
	[smem:$0x3FD2] =	sst s25  }
0xa6: {  	s5 =	sshll.u32 s26, $0x1;
	_ =	strace $0x80000046;
	[dreg:$0x1] =	wrdreg $0xFFFFFFFF  }
0xa7: {  	s28 =	simm.s32 $_size_execute0_lowered;
	s3 =	sadd.s32 s3, s5;
	[dreg:$0x0] =	wrdreg $0x0  }
0xa8: {  	s5 =	sshll.u32 s28, $0x1;
	[dreg:$0x2] =	wrdreg s3  }
0xa9: {  	[dreg:$0x3] =	wrdreg s5  }
0xaa: {  	[dreg:$0x4] =	wrdreg $0xC0  }
0xab: {  	_ =	task [dreg:s7], $0x5FFFF  }
0xac: {  	[dreg:$0x1] =	wrdreg $0xFFFFFFFF  }
0xad: {  	[dreg:$0x0] =	wrdreg $0x60  }
0xae: {  	[dreg:$0x2] =	wrdreg s24  }
0xaf: {  	[dreg:$0x3] =	wrdreg s2  }
0xb0: {  	[dreg:$0x4] =	wrdreg $0x9E200  }
0xb1: {  	[dreg:$0x5] =	wrdreg $0x1E0F00  }
0xb2: {  	[dreg:$0x6] =	wrdreg $0x1E3700  }
0xb3: {  	[dreg:$0x7] =	wrdreg $0x9  }
0xb4: {  	_ =	task.clear_ibuf [dreg:s7], $0x8FFFF;
	_ =	strace $0x90000046  }
0xb5: {  	s29 =	simm.s32 $0x9;
	_ =	strace $0x80000048  }
0xb6: {  	_ =	swait.ge [sflag:s29], $0x1  }
0xb7: {  	[sflag:s29] =	ssyncadd.s32 $0xFFFFFFFF  }
0xb8: {  	_ =	strace $0x90000048  }
0xb9: {  	_ =	sfence  }
0xba: {  	s30 =	sld [smem:$0x0];
	_ =	sdelay $0x2  }
0xbb: {  	s31 =	sshll.u32 s1, $0xD;
	s1 =	sshrl.u32 s1, $0x2  }
0xbc: {  	s3 =	sand.u32 $0x4000, s31;
	s1 =	sadd.s32 s1, s30  }
0xbd: {  	s0 =	sor.u32 s3, s0;
	s1 =	sshll.u32 s1, $0x11  }
0xbe: {  	s0 =	sor.u32 s1, s0  }
0xbf: {  	s0 =	sadd.s32 $0x8F2B, s0  }
0xc0: {  	[sflag:s0] =	ssyncadd.remote.s32 $0x1  }
0xc1: {  	_ =	sfence.sel $0xFFFF  }
0xc2: {  	[dreg:$0x0] =	wrdreg $0xFFFFFFFF;
	(pc) =	sbr.abs _section_cstart, $3  }
0xc3: {  	[dreg:$0x1] =	wrdreg $0xFFFFFFFF  }
0xc4: {  	_ =	task.clear_ibuf [dreg:s7], $0x2FFFF;
	_ =	strace $0x9FFFFFFF  }
0xc5: {  	(tm) =	ssettm $0x7FFFFFFF  }
tec
execute0_lowered:
.L_overlay_start_1:
0x0: {  	(tag) =	ssettag $0x1  }
0x1: {  	s0 =	rddreg [dreg:$0x0]  }
0x2: {  	s2 =	rddreg [dreg:$0x1]  }
0x3: {  	s1 =	rddreg [dreg:$0x2]  }
0x4: {  	s3 =	rddreg [dreg:$0x3]  }
0x5: {  	s4 =	rddreg [dreg:$0x4];
	s5 =	srdreg.scid  }
0x6: {  	s12 =	stileid.u32;
	s9 =	simm.s32 $0x0;
	s28 =	simm.s32 $0x5  }
0x7: {  	s29 =	simm.s32 $0x6;
	s30 =	simm.s32 $0x7;
	s31 =	simm.s32 $0x8  }
0x8: {  	s13 =	simm.s32 $0x1DE20;
	s5 =	sand.u32 $0x1, s5;
	s7 =	smul.u32 $0x280, s12  }
0x9: {  	s6 =	sshll.u32 s12, $0x1;
	[smem:$0x7FF] =	sst s9;
	s12 =	smul.u32 $0x50000, s12  }
0xa: {  	s6 =	sor.u32 s5, s6;
	s8 =	smul.u32 $0x2800, s5;
	_ =	strace $0x80000047  }
0xb: {  	s5 =	ssub.s32 $0x2, s5;
	s14 =	smul.u32 $0x4E2, s6;
	s6 =	sadd.s32 $0xBE00, s0  }
0xc: {  	s15 =	sshrl.u32 s5, $0x1;
	s12 =	sshrl.u32 s12, $0x2;
	s8 =	sadd.s32 s7, s8  }
0xd: {  	s5 =	ssub.s32 s5, s15;
	s10 =	sadd.s32 s14, s0;
	s11 =	sshll.u32 s8, $0x4  }
0xe: {  	s8 =	sshrl.u32 s8, $0x3;
	s2 =	sadd.s32 s2, s14;
	s26 =	smax.u32 s5, $0x1  }
0xf: {  	s11 =	sadd.s32 s11, s0;
	s0 =	sadd.s32 s8, s0;
	[dreg:$0x7] =	wrdreg s2  }
0x10: {  	s16 =	sadd.s32 $0x2000, s10;
	s8 =	sadd.s32 s12, s1;
	[dreg:$0x12] =	wrdreg s26  }
0x11: {  	s9 =	simm.s32 $0x2;
	[dreg:$0x6] =	wrdreg s16;
	s17 =	sadd.s32 $0x2800, s8  }
0x12: {  	s15 =	simm.s32 $0x1;
	s18 =	sadd.s32 $0x5000, s8;
	[dreg:$0x8] =	wrdreg s17  }
0x13: {  	s5 =	simm.s32 $0xB;
	s19 =	sadd.s32 $0x7800, s8;
	[dreg:$0x9] =	wrdreg s18  }
0x14: {  	s26 =	simm.s32 $0x4;
	s20 =	sadd.s32 $0xA000, s8;
	[dreg:$0xa] =	wrdreg s19  }
0x15: {  	s2 =	simm.s32 $0xA;
	s21 =	sadd.s32 $0xC800, s8;
	[dreg:$0xb] =	wrdreg s20  }
0x16: {  	s10 =	simm.s32 $0x50;
	s22 =	sadd.s32 $0xF000, s8;
	[dreg:$0xc] =	wrdreg s21  }
0x17: {  	s12 =	simm.s32 $0xD;
	s23 =	sadd.s32 $0x11800, s8;
	[dreg:$0xd] =	wrdreg s22  }
0x18: {  	s24 =	sadd.s32 $0x33A00, s11;
	s25 =	sadd.s32 $0x83A00, s0;
	[dreg:$0xe] =	wrdreg s23  }
0x19: {  	s0 =	sadd.s32 $0x33000, s0;
	s11 =	simm.s32 $0x7620;
	[dreg:$0xf] =	wrdreg s24  }
0x1a: {  	s16 =	simm.s32 $0x0;
	s17 =	sadd.s32 s7, s3;
	[dreg:$0x10] =	wrdreg s25  }
0x1b: {  	s18 =	sadd.s32 s7, s4;
	[dreg:$0x11] =	wrdreg s0;
	s21 =	simm.s32 $0x2710  }
0x1c: {  	v0 =	vimm.f32 $0.0e+00;
	v1 =	vimm.f32 $1.000000000e+00;
	s24 =	simm.s32 $0x4E20;
	s0 =	simm.s32 $0x9;
	s7 =	simm.s32 $0xC  }
.LBB2_1:
0x1d: {  	s14 =	simm.s32 $0x0;
	s19 =	rddreg [dreg:$0x6]  }
0x1e: {  	[tilespmem:s14], [sflag:$0x3] =	stream.linear.gather [hbm4b:s19+s14], $0x2710, $0x38;
	[tilespmem:$0x1E5F0] =	vst v63  }
0x1f: {  	s25 =	rddreg [dreg:$0x7];
	s20 =	simm.s32 $0x200;
	s19 =	simm.s32 $0x0  }
0x20: {  	[tilespmem:s21], [sflag:$0x4] =	stream.linear.gather [hbm4b:s25+s14], $0x2710, $0x38;
	[tilespmem:$0x1E5F0] =	vst v63  }
.LBB2_2:
0x21: {  	p0 =	sne.s32 s20, $0x9E00;
	[tilespmem:s19+$0x4E90] =	vst v0  }
0x22: {  	[tilespmem:s19+$0x4E20] =	vst v0  }
0x23: {  	[tilespmem:s19+$0x4E30] =	vst v0  }
.Ltmp0:
0x24: {  	[tilespmem:s19+$0x4E40] =	vst v0;
	(pc) =	sbr.rel @p0 .LBB2_2-.Ltmp0, $4  }
0x25: {  	[tilespmem:s19+$0x4E50] =	vst v0  }
0x26: {  	[tilespmem:s19+$0x4E60] =	vst v0  }
0x27: {  	[tilespmem:s19+$0x4E70] =	vst v0  }
0x28: {  	[tilespmem:s19+$0x4E80] =	vst v0;
	s19 =	sshra.s32 s20, $0x2;
	s20 =	sadd.s32 $0x200, s20  }
0x29: {  	[tilespmem:s19+$0x4E90] =	vst v0  }
0x2a: {  	[tilespmem:s19+$0x4E20] =	vst v0  }
0x2b: {  	[tilespmem:s19+$0x4E30] =	vst v0  }
0x2c: {  	[tilespmem:s19+$0x4E40] =	vst v0  }
0x2d: {  	[tilespmem:s19+$0x4E50] =	vst v0  }
0x2e: {  	[tilespmem:s19+$0x4E60] =	vst v0  }
0x2f: {  	[tilespmem:s19+$0x4E70] =	vst v0  }
0x30: {  	[tilespmem:s19+$0x4E80] =	vst v0  }
0x31: {  	[spmem:s8] =	stream.linear.scatter [tilespmem:s24], [sflag:$0x5], $0x2800, $0x38;
	[tilespmem:$0x1E5F0] =	vst v63  }
0x32: {  	s14 =	rddreg [dreg:$0x8]  }
0x33: {  	[spmem:s14] =	stream.linear.scatter [tilespmem:s24], [sflag:$0x6], $0x2800, $0x38;
	[tilespmem:$0x1E5F0] =	vst v63  }
0x34: {  	s19 =	rddreg [dreg:$0x9]  }
0x35: {  	[spmem:s19] =	stream.linear.scatter [tilespmem:s24], [sflag:$0x7], $0x2800, $0x38;
	[tilespmem:$0x1E5F0] =	vst v63  }
0x36: {  	s20 =	rddreg [dreg:$0xa]  }
0x37: {  	[spmem:s20] =	stream.linear.scatter [tilespmem:s24], [sflag:$0x8], $0x2800, $0x38;
	[tilespmem:$0x1E5F0] =	vst v63  }
0x38: {  	s22 =	rddreg [dreg:$0xb]  }
0x39: {  	[spmem:s22] =	stream.linear.scatter [tilespmem:s24], [sflag:$0x9], $0x2800, $0x38;
	[tilespmem:$0x1E5F0] =	vst v63  }
0x3a: {  	s23 =	rddreg [dreg:$0xc]  }
0x3b: {  	[spmem:s23] =	stream.linear.scatter [tilespmem:s24], [sflag:$0xA], $0x2800, $0x38;
	[tilespmem:$0x1E5F0] =	vst v63  }
0x3c: {  	s25 =	rddreg [dreg:$0xd]  }
0x3d: {  	[spmem:s25] =	stream.linear.scatter [tilespmem:s24], [sflag:$0xB], $0x2800, $0x38;
	[tilespmem:$0x1E5F0] =	vst v63  }
0x3e: {  	s19 =	rddreg [dreg:$0xe]  }
0x3f: {  	[spmem:s19] =	stream.linear.scatter [tilespmem:s24], [sflag:$0xC], $0x2800, $0x38;
	[tilespmem:$0x1E5F0] =	vst v63  }
0x40: {  	[tilespmem:$0x1DE70] =	vst v0  }
0x41: {  	[tilespmem:$0x1DE80] =	vst v0  }
0x42: {  	[tilespmem:$0x1DE90] =	vst v0  }
0x43: {  	[tilespmem:$0x1DEA0] =	vst v0  }
0x44: {  	[tilespmem:$0x1DEB0] =	vst v0  }
0x45: {  	[tilespmem:$0x1DEC0] =	vst v0  }
0x46: {  	[tilespmem:$0x1DED0] =	vst v0  }
0x47: {  	[tilespmem:$0x1DEE0] =	vst v0  }
0x48: {  	[tilespmem:$0x1DEF0] =	vst v0  }
0x49: {  	[tilespmem:$0x1DF00] =	vst v0  }
0x4a: {  	[tilespmem:$0x1DF10] =	vst v0  }
0x4b: {  	[tilespmem:$0x1DF20] =	vst v0  }
0x4c: {  	[tilespmem:$0x1DF30] =	vst v0  }
0x4d: {  	[tilespmem:$0x1DF40] =	vst v0  }
0x4e: {  	[tilespmem:$0x1DF50] =	vst v0  }
0x4f: {  	[tilespmem:$0x1DF60] =	vst v0  }
0x50: {  	[tilespmem:$0x1DF70] =	vst v0  }
0x51: {  	[tilespmem:$0x1DF80] =	vst v0  }
0x52: {  	[tilespmem:$0x1DF90] =	vst v0  }
0x53: {  	[tilespmem:$0x1DFA0] =	vst v0  }
0x54: {  	[tilespmem:$0x1DFB0] =	vst v0  }
0x55: {  	[tilespmem:$0x1DFC0] =	vst v0  }
0x56: {  	[tilespmem:$0x1DFD0] =	vst v0  }
0x57: {  	[tilespmem:$0x1DFE0] =	vst v0  }
0x58: {  	[tilespmem:$0x1DFF0] =	vst v0  }
0x59: {  	[tilespmem:$0x1E000] =	vst v0  }
0x5a: {  	[tilespmem:$0x1E010] =	vst v0  }
0x5b: {  	[tilespmem:$0x1E020] =	vst v0  }
0x5c: {  	[tilespmem:$0x1E030] =	vst v0  }
0x5d: {  	[tilespmem:$0x1E040] =	vst v0  }
0x5e: {  	[tilespmem:$0x1E050] =	vst v0  }
0x5f: {  	[tilespmem:$0x1E060] =	vst v0  }
0x60: {  	[tilespmem:$0x1E070] =	vst v0  }
0x61: {  	[tilespmem:$0x1E080] =	vst v0  }
0x62: {  	[tilespmem:$0x1E090] =	vst v0  }
0x63: {  	[tilespmem:$0x1E0A0] =	vst v0  }
0x64: {  	[tilespmem:$0x1E0B0] =	vst v0  }
0x65: {  	[tilespmem:$0x1E0C0] =	vst v0  }
0x66: {  	[tilespmem:$0x1E0D0] =	vst v0  }
0x67: {  	[tilespmem:$0x1E0E0] =	vst v0  }
0x68: {  	[tilespmem:$0x1DE20] =	vst v1  }
0x69: {  	[tilespmem:$0x1DE30] =	vst v1  }
0x6a: {  	[tilespmem:$0x1DE40] =	vst v1  }
0x6b: {  	[tilespmem:$0x1DE50] =	vst v1  }
0x6c: {  	s20 =	simm.s32 $0x1DE70;
	[tilespmem:$0x1DE60] =	vst v1  }
0x6d: {  	[spmem:s17] =	stream.linear.scatter [tilespmem:s20], [sflag:$0x1], $0x280, $0x38;
	[tilespmem:$0x1E5F0] =	vst v63  }
0x6e: {  	s19 =	simm.s32 $0x3  }
0x6f: {  	[spmem:s18] =	stream.linear.scatter [tilespmem:s20], [sflag:$0x2], $0x280, $0x38;
	[tilespmem:$0x1E5F0] =	vst v63  }
0x70: {  	_ =	swait.ge [sflag:s19], $0x2710  }
0x71: {  	[sflag:s19] =	ssyncset.done $0x0  }
0x72: {  	[sflag:s19] =	ssyncadd.s32 $0xFFFFD8F0  }
0x73: {  	_ =	swait.ge [sflag:s26], $0x2710  }
0x74: {  	[sflag:s26] =	ssyncset.done $0x0  }
0x75: {  	[sflag:s26] =	ssyncadd.s32 $0xFFFFD8F0  }
0x76: {  	_ =	swait.ge [sflag:s28], $0x2800  }
0x77: {  	[sflag:s28] =	ssyncset.done $0x0  }
0x78: {  	[sflag:s28] =	ssyncadd.s32 $0xFFFFD800  }
0x79: {  	_ =	swait.ge [sflag:s29], $0x2800  }
0x7a: {  	[sflag:s29] =	ssyncset.done $0x0  }
0x7b: {  	[sflag:s29] =	ssyncadd.s32 $0xFFFFD800  }
0x7c: {  	_ =	swait.ge [sflag:s30], $0x2800  }
0x7d: {  	[sflag:s30] =	ssyncset.done $0x0  }
0x7e: {  	[sflag:s30] =	ssyncadd.s32 $0xFFFFD800  }
0x7f: {  	_ =	swait.ge [sflag:s31], $0x2800  }
0x80: {  	[sflag:s31] =	ssyncset.done $0x0  }
0x81: {  	[sflag:s31] =	ssyncadd.s32 $0xFFFFD800  }
0x82: {  	_ =	swait.ge [sflag:s0], $0x2800  }
0x83: {  	[sflag:s0] =	ssyncset.done $0x0  }
0x84: {  	[sflag:s0] =	ssyncadd.s32 $0xFFFFD800  }
0x85: {  	_ =	swait.ge [sflag:s2], $0x2800  }
0x86: {  	[sflag:s2] =	ssyncset.done $0x0  }
0x87: {  	[sflag:s2] =	ssyncadd.s32 $0xFFFFD800  }
0x88: {  	_ =	swait.ge [sflag:s5], $0x2800  }
0x89: {  	[sflag:s5] =	ssyncset.done $0x0  }
0x8a: {  	[sflag:s5] =	ssyncadd.s32 $0xFFFFD800  }
0x8b: {  	_ =	swait.ge [sflag:s7], $0x2800  }
0x8c: {  	[sflag:s7] =	ssyncset.done $0x0  }
0x8d: {  	s20 =	simm.s32 $0x1;
	[sflag:s7] =	ssyncadd.s32 $0xFFFFD800  }
0x8e: {  	_ =	swait.ge [sflag:s20], $0x280  }
0x8f: {  	[sflag:s20] =	ssyncset.done $0x0  }
0x90: {  	[sflag:s20] =	ssyncadd.s32 $0xFFFFFD80  }
0x91: {  	_ =	swait.ge [sflag:s9], $0x280  }
0x92: {  	[sflag:s9] =	ssyncset.done $0x0  }
0x93: {  	[sflag:s9] =	ssyncadd.s32 $0xFFFFFD80  }
0x94: {  	s25 =	simm.s32 $0x0;
	[bflag:$0x0] =	sbarrier.arrive $0xFFFF  }
0x95: {  	[tilespmem:s24], [sflag:$0x1] =	stream.indirect.gather [hbm4b:s6+s10], $0x80, s25, s10, $0xb8;
	[tilespmem:$0x1E5F0] =	vst v63  }
0x96: {  	_ = 	snop  }
0x97: {  	[tilespmem:s11], [sflag:$0x2] =	stream.indirect.gather [hbm4b:s6+s10], $0x80, s10, s10, $0xb8;
	[tilespmem:$0x1E5F0] =	vst v63  }
0x98: {  	_ =	swait.ge [sflag:s20], $0x2800  }
0x99: {  	[sflag:s20] =	ssyncset.done $0x0  }
0x9a: {  	[sflag:s20] =	ssyncadd.s32 $0xFFFFD800  }
0x9b: {  	[spmem:s1] =	stream.indirect.scatter.add.f32 [tilespmem:s24], [sflag:$0xD], $0x80, s21, s10, $0xb8;
	[tilespmem:$0x1E5F0] =	vst v63  }
0x9c: {  	_ =	swait.ge [sflag:s12], $0x2800  }
0x9d: {  	[sflag:s12] =	ssyncset.done $0x0  }
0x9e: {  	[sflag:s12] =	ssyncadd.s32 $0xFFFFD800  }
0x9f: {  	[spmem:s3] =	stream.indirect.scatter.add.f32 [tilespmem:s13], [sflag:$0x5], $0x1, s25, s10, $0xb8;
	[tilespmem:$0x1E5F0] =	vst v63  }
0xa0: {  	_ = 	snop  }
0xa1: {  	[spmem:s4] =	stream.indirect.scatter.add.f32 [tilespmem:s13], [sflag:$0x6], $0x1, s21, s10, $0xb8;
	[tilespmem:$0x1E5F0] =	vst v63  }
0xa2: {  	s21 =	simm.s32 $0xA0  }
0xa3: {  	[tilespmem:s24], [sflag:$0x1] =	stream.indirect.gather [hbm4b:s6+s10], $0x80, s21, s10, $0xb8;
	[tilespmem:$0x1E5F0] =	vst v63  }
0xa4: {  	_ =	swait.ge [sflag:s9], $0x2800  }
0xa5: {  	[sflag:s9] =	ssyncset.done $0x0  }
0xa6: {  	s22 =	simm.s32 $0x2760;
	[sflag:s9] =	ssyncadd.s32 $0xFFFFD800  }
0xa7: {  	[spmem:s1] =	stream.indirect.scatter.add.f32 [tilespmem:s11], [sflag:$0xD], $0x80, s22, s10, $0xb8;
	[tilespmem:$0x1E5F0] =	vst v63  }
0xa8: {  	_ =	swait.ge [sflag:s12], $0x2800  }
0xa9: {  	[sflag:s12] =	ssyncset.done $0x0  }
0xaa: {  	[sflag:s12] =	ssyncadd.s32 $0xFFFFD800  }
0xab: {  	_ =	swait.ge [sflag:s28], $0x50  }
0xac: {  	[sflag:s28] =	ssyncset.done $0x0  }
0xad: {  	[sflag:s28] =	ssyncadd.s32 $0xFFFFFFB0  }
0xae: {  	_ =	swait.ge [sflag:s29], $0x50  }
0xaf: {  	[sflag:s29] =	ssyncset.done $0x0  }
0xb0: {  	[sflag:s29] =	ssyncadd.s32 $0xFFFFFFB0  }
0xb1: {  	[spmem:s3] =	stream.indirect.scatter.add.f32 [tilespmem:s13], [sflag:$0x5], $0x1, s10, s10, $0xb8;
	[tilespmem:$0x1E5F0] =	vst v63  }
0xb2: {  	_ = 	snop  }
0xb3: {  	[spmem:s4] =	stream.indirect.scatter.add.f32 [tilespmem:s13], [sflag:$0x6], $0x1, s22, s10, $0xb8;
	[tilespmem:$0x1E5F0] =	vst v63  }
0xb4: {  	s23 =	simm.s32 $0xF0  }
0xb5: {  	[tilespmem:s11], [sflag:$0x2] =	stream.indirect.gather [hbm4b:s6+s10], $0x80, s23, s10, $0xb8;
	[tilespmem:$0x1E5F0] =	vst v63  }
.LBB2_4:
0xb6: {  	_ =	swait.ge [sflag:s15], $0x2800  }
0xb7: {  	s21 =	sshra.s32 s25, $0x2;
	[sflag:s15] =	ssyncset.done $0x0  }
0xb8: {  	s22 =	sadd.s32 $0x27B0, s21;
	[sflag:s15] =	ssyncadd.s32 $0xFFFFD800  }
0xb9: {  	[spmem:s1] =	stream.indirect.scatter.add.f32 [tilespmem:s24], [sflag:$0xD], $0x80, s22, s10, $0xb8;
	[tilespmem:$0x1E5F0] =	vst v63  }
0xba: {  	_ =	swait.ge [sflag:s12], $0x2800  }
0xbb: {  	[sflag:s12] =	ssyncset.done $0x0  }
0xbc: {  	[sflag:s12] =	ssyncadd.s32 $0xFFFFD800  }
0xbd: {  	_ =	swait.ge [sflag:s28], $0x50  }
0xbe: {  	[sflag:s28] =	ssyncset.done $0x0  }
0xbf: {  	[sflag:s28] =	ssyncadd.s32 $0xFFFFFFB0  }
0xc0: {  	_ =	swait.ge [sflag:s29], $0x50  }
0xc1: {  	[sflag:s29] =	ssyncset.done $0x0  }
0xc2: {  	p0 =	seq.s32 s25, $0x9880;
	s21 =	sadd.s32 $0xA0, s21;
	[sflag:s29] =	ssyncadd.s32 $0xFFFFFFB0  }
0xc3: {  	[spmem:s3] =	stream.indirect.scatter.add.f32 [tilespmem:s13], [sflag:$0x5], $0x1, s21, s10, $0xb8;
	[tilespmem:$0x1E5F0] =	vst v63  }
0xc4: {  	s14 =	simm.s32 @!p0 $0x4E20;
	p1 =	sgt.u32 @!p0 s19, $0x7C;
	s21 =	sshra.s32 @!p0 s25, $0x2  }
0xc5: {  	[spmem:s4] =	stream.indirect.scatter.add.f32 [tilespmem:s13], [sflag:$0x6], $0x1, s22, s10, $0xb8;
	[tilespmem:$0x1E5F0] =	vst v63  }
0xc6: {  	p2 =	por p1, p0;
	s21 =	sadd.s32 @!p0 $0x140, s21;
	s22 =	simm.s32 @!p0 $0x50  }
0xc7: {  	[tilespmem:s14], [sflag:$0x1] =	stream.indirect.gather @!p0 [hbm4b:s6+s22], $0x80, s21, s22, $0xb8;
	[tilespmem:$0x1E5F0] =	vst v63  }
0xc8: {  	s14 =	simm.s32 @!p2 $0x2  }
0xc9: {  	_ =	swait.ge @!p2 [sflag:s14], $0x2800  }
0xca: {  	[sflag:s14] =	ssyncset.done @!p2 $0x0  }
0xcb: {  	[sflag:s14] =	ssyncadd.s32 @!p2 $0xFFFFD800;
	s14 =	sshra.s32 @!p2 s25, $0x2  }
0xcc: {  	s23 =	simm.s32 @!p2 $0x7620;
	s22 =	simm.s32 @!p2 $0x50;
	s21 =	sadd.s32 @!p2 $0x2800, s14  }
0xcd: {  	[spmem:s1] =	stream.indirect.scatter.add.f32 @!p2 [tilespmem:s23], [sflag:$0xD], $0x80, s21, s22, $0xb8;
	[tilespmem:$0x1E5F0] =	vst v63  }
0xce: {  	s23 =	simm.s32 @!p2 $0xD  }
0xcf: {  	_ =	swait.ge @!p2 [sflag:s23], $0x2800  }
0xd0: {  	[sflag:s23] =	ssyncset.done @!p2 $0x0  }
0xd1: {  	[sflag:s23] =	ssyncadd.s32 @!p2 $0xFFFFD800;
	s23 =	simm.s32 @!p2 $0x5  }
0xd2: {  	_ =	swait.ge @!p2 [sflag:s23], $0x50  }
0xd3: {  	[sflag:s23] =	ssyncset.done @!p2 $0x0  }
0xd4: {  	[sflag:s23] =	ssyncadd.s32 @!p2 $0xFFFFFFB0;
	s23 =	simm.s32 @!p2 $0x6  }
0xd5: {  	_ =	swait.ge @!p2 [sflag:s23], $0x50  }
0xd6: {  	[sflag:s23] =	ssyncset.done @!p2 $0x0  }
0xd7: {  	s14 =	sadd.s32 @!p2 $0xF0, s14;
	[sflag:s23] =	ssyncadd.s32 @!p2 $0xFFFFFFB0;
	s23 =	simm.s32 @!p2 $0x1DE20  }
0xd8: {  	[spmem:s3] =	stream.indirect.scatter.add.f32 @!p2 [tilespmem:s23], [sflag:$0x5], $0x1, s14, s22, $0xb8;
	[tilespmem:$0x1E5F0] =	vst v63  }
0xd9: {  	_ = 	snop  }
0xda: {  	[spmem:s4] =	stream.indirect.scatter.add.f32 @!p2 [tilespmem:s23], [sflag:$0x6], $0x1, s21, s22, $0xb8;
	[tilespmem:$0x1E5F0] =	vst v63  }
0xdb: {  	p2 =	sgt.u32 @!p2 s20, $0x3C  }
0xdc: {  	p1 =	por @!p0 p2, p1  }
0xdd: {  	p1 =	por p1, p0  }
0xde: {  	s14 =	sshra.s32 @!p1 s25, $0x2;
	s21 =	simm.s32 @!p1 $0x50  }
0xdf: {  	s22 =	simm.s32 @!p1 $0x7620;
	s25 =	sadd.s32 @!p0 $0x280, s25;
	s14 =	sadd.s32 @!p1 $0x190, s14  }
0xe0: {  	[tilespmem:s22], [sflag:$0x2] =	stream.indirect.gather @!p1 [hbm4b:s6+s21], $0x80, s14, s21, $0xb8;
	[tilespmem:$0x1E5F0] =	vst v63  }
0xe1: {  	p1 =	sne.s32 @!p0 s25, $0x9B00  }
0xe2: {  	p1 =	por p0, !p1  }
.Ltmp1:
0xe3: {  	_ = 	snop;
	(pc) =	sbr.rel @!p1 .LBB2_4-.Ltmp1, $2  }
0xe4: {  	_ =	sdelay $0x2  }
0xe5: {  	s19 =	sadd.s32 @!p0 $0x2, s19;
	s20 =	sadd.s32 @!p0 $0x1, s20  }
0xe6: {  	_ =	swait.ge [sflag:s28], $0x50  }
0xe7: {  	[sflag:s28] =	ssyncset.done $0x0  }
0xe8: {  	[sflag:s28] =	ssyncadd.s32 $0xFFFFFFB0  }
0xe9: {  	_ =	swait.ge [sflag:s29], $0x50  }
0xea: {  	[sflag:s29] =	ssyncset.done $0x0  }
0xeb: {  	s14 =	stileid.u32;
	[sflag:s29] =	ssyncadd.s32 $0xFFFFFFB0  }
0xec: {  	s14 =	sshll.u32 s14, $0x6;
	[bflag:$0x0] =	sbarrier.arrive $0xFFFF  }
0xed: {  	s19 =	sshrl.u32 s8, $0x3;
	s14 =	sor.u32 $0x1C0D, s14;
	s20 =	rddreg [dreg:$0xf]  }
0xee: {  	[hbm:s20], [sflag:s14] =	dma.local [spmem:s19], $0x2800  }
0xef: {  	_ =	swait.ge [sflag:s12], $0x2800  }
0xf0: {  	[sflag:s12] =	ssyncset.done $0x0  }
0xf1: {  	s20 =	sshrl.u32 s17, $0x3;
	s21 =	rddreg [dreg:$0x10];
	[sflag:s12] =	ssyncadd.s32 $0xFFFFD800  }
0xf2: {  	[hbm:s21], [sflag:s14] =	dma.local [spmem:s20], $0x50  }
0xf3: {  	_ =	swait.ge [sflag:s12], $0x50  }
0xf4: {  	[sflag:s12] =	ssyncset.done $0x0  }
0xf5: {  	s22 =	sshrl.u32 s18, $0x3;
	s23 =	rddreg [dreg:$0x11];
	[sflag:s12] =	ssyncadd.s32 $0xFFFFFFB0  }
0xf6: {  	[hbm:s23], [sflag:s14] =	dma.local [spmem:s22], $0x50  }
0xf7: {  	_ =	swait.ge [sflag:s12], $0x50  }
0xf8: {  	s16 =	sadd.s32 $0x1, s16;
	s25 =	rddreg [dreg:$0x12]  }
0xf9: {  	p0 =	sne.s32 s16, s25  }
.Ltmp2:
0xfa: {  	_ = 	snop;
	(pc) =	sbr.rel @p0 .LBB2_1-.Ltmp2, $3  }
0xfb: {  	_ =	sdelay $0x1  }
0xfc: {  	[sflag:s12] =	ssyncset.done $0x0  }
0xfd: {  	s21 =	simm.s32 $0x2710;
	[sflag:s12] =	ssyncadd.s32 $0xFFFFFFB0  }
0xfe: {  	_ =	sfence.sel $0x180000  }
0xff: {  	[bflag:$0x0] =	sbarrier.arrive $0xFFFF  }
0x100: {  	_ =	strace $0x90000047  }
0x101: {  	s0 =	stileid.u32;
	[bflag:$0x2] =	sbarrier.arrive $0xFFFF  }
0x102: {  	p0 =	sne.s32 s0, $0x0;
	s0 =	rddreg [dreg:$0x5]  }
0x103: {  	s0 =	sadd.s32 @!p0 $0x100000, s0  }
0x104: {  	[sflag:s0] =	ssyncadd.tile.s32 @!p0 $0x1;
	_ =	shalt  }
.Lfunc_end2:
_tile_overlayer_lowered:
.L_overlay_start_2:
0x105: {  	(tag) =	ssettag $0x2  }
0x106: {  	s0 =	rddreg [dreg:$0x0];
	s2 =	stileid.u32  }
0x107: {  	s1 =	rddreg [dreg:$0x1];
	p0 =	sne.s32 s2, $0x0  }
0x108: {  	s3 =	rddreg [dreg:$0x2];
	[bflag:$0x3] =	sbarrier.arrive $0xFFFF;
	s2 =	simm.s32 @!p0 $0x1C0D  }
0x109: {  	[timem:s3], [sflag:s2] =	dma.local @!p0 [hbm:s0], s1  }
0x10a: {  	s0 =	simm.s32 @!p0 $0xD  }
0x10b: {  	_ =	swait.ge @!p0 [sflag:s0], s1  }
0x10c: {  	s1 =	ssub.s32 @!p0 $0x0, s1;
	[sflag:s0] =	ssyncset.done @!p0 $0x0  }
0x10d: {  	[sflag:s0] =	ssyncadd.s32 @!p0 s1  }
0x10e: {  	[bflag:$0x3] =	sbarrier.arrive $0xFFFF  }
0x10f: {  	_ =	shalt  }

// kernel: kernel.14.cloned.1.call-start
scs
__scs_entry_jumppad:
0x0: {  	(pc) =	sbr.rel $0x88, $3  }
0x1: {  	(tag) =	ssettag $0x0;
	lr =	simm.s32 $0x1  }
0x2: {  	[smem:$0x3F9B] =	sst lr;
	_ =	strace $0xD0000000  }
0x3: {  	_ = 	snop  }
0x4: {  	_ = 	snop  }
0x5: {  	_ = 	snop  }
0x6: {  	_ = 	snop  }
0x7: {  	_ = 	snop  }
__scs_overlays_trampoline_lowered:
0x8: {  	[smem:$0x3FAA] =	sst s0  }
0x9: {  	[smem:$0x3FAB] =	sst s1  }
0xa: {  	[smem:$0x3FAC] =	sst s2  }
0xb: {  	[smem:$0x3FAD] =	sst s3  }
0xc: {  	[smem:$0x3FAE] =	sst s4  }
0xd: {  	[smem:$0x3FAF] =	sst s5  }
0xe: {  	[smem:$0x3FB0] =	sst s6  }
0xf: {  	[smem:$0x3FB1] =	sst s7  }
0x10: {  	[smem:$0x3FB2] =	sst s8  }
0x11: {  	[smem:$0x3FB3] =	sst s9;
	s0 =	simm.s32 @!p0 $0x0  }
0x12: {  	s1 =	sld [smem:$0x3F99];
	s0 =	simm.s32 @p0 $0x1  }
0x13: {  	[smem:$0x3FB4] =	sst s0;
	s0 =	simm.s32 @!p1 $0x0  }
0x14: {  	s2 =	sld [smem:$0x3F98];
	s0 =	simm.s32 @p1 $0x1  }
0x15: {  	[smem:$0x3FB5] =	sst s0;
	s0 =	simm.s32 @!p2 $0x0  }
0x16: {  	s3 =	sld [smem:$0x3FDB];
	s0 =	simm.s32 @p2 $0x1  }
0x17: {  	s4 =	simm.s32 $0x1BF5;
	[smem:$0x3FB7] =	sst s0  }
0x18: {  	s0 =	sld [smem:$0x3F9A];
	_ =	swait.ge [sflag:s4], $0x0  }
0x19: {  	s7 =	sld [smem:$0x3F9B]  }
0x1a: {  	s8 =	sadd.s32 $0xFFFFE003, lr  }
0x1b: {  	s9 =	sadd.s32 $0xFFFFFEF7, lr;
	s5 =	simm.s32 $0xFFFFFFFF;
	p2 =	slt.u32 s8, $0xFFFFF086  }
0x1c: {  	p1 =	slt.u32 s9, $0xF7A;
	s5 =	simm.s32 @!p2 $0x0  }
0x1d: {  	s5 =	simm.s32 @p1 $0x1;
	p0 =	seq.s32 s7, s2  }
0x1e: {  	s7 =	smul.u32 @!p0 $0xF7A, s2;
	p2 =	seq.s32 @!p0 s5, $0x0  }
0x1f: {  	s9 =	smul.u32 $0xF7A, s1;
	s8 =	simm.s32 @!p0 $0x1BF5;
	p2 =	por !p2, p0  }
0x20: {  	[sflag:s8] =	ssyncset.s32 @!p0 $0xFFFFF086;
	s6 =	sadd.s32 @!p0 s3, s7;
	s7 =	simm.s32 @!p0 $0x108  }
0x21: {  	s3 =	sadd.s32 s3, s9;
	s6 =	sadd.s32 @!p0 $0x88, s6;
	s7 =	simm.s32 @p2 $0x1082  }
0x22: {  	[simem:s7], [sflag:s8] =	dma.local @!p0 [hbm:s6], $0xF7A  }
0x23: {  	s9 =	sor.u32 $0xD0000000, s2;
	s6 =	simm.s32 $0x108;
	_ =	swait.ge @!p0 [sflag:s8], $0x0  }
0x24: {  	s3 =	sadd.s32 $0x88, s3;
	s6 =	simm.s32 @!p1 $0x1082;
	[sflag:s4] =	ssyncset.s32 $0xFFFFF086  }
0x25: {  	[simem:s6], [sflag:s4] =	dma.local [hbm:s3], $0xF7A  }
0x26: {  	[smem:$0x3F9B] =	sst s1;
	(tag) =	ssettag s2;
	_ =	strace s9  }
0x27: {  	s1 =	sld [smem:$0x3FAB]  }
0x28: {  	s2 =	sld [smem:$0x3FAC]  }
0x29: {  	s4 =	sld [smem:$0x3FAE]  }
0x2a: {  	p0 =	seq.s32 s5, $0x0;
	s5 =	sld [smem:$0x3FAF]  }
0x2b: {  	s6 =	sld [smem:$0x3FB0]  }
0x2c: {  	s7 =	sld [smem:$0x3FB1]  }
0x2d: {  	s3 =	simm.s32 $0x108;
	s8 =	sld [smem:$0x3FB2]  }
0x2e: {  	s3 =	simm.s32 @!p0 $0x1082;
	s9 =	sld [smem:$0x3FB3]  }
0x2f: {  	lr =	sadd.s32 s0, s3;
	s0 =	sld [smem:$0x3FAA]  }
0x30: {  	s3 =	sld [smem:$0x3FAD]  }
0x31: {  	[smem:$0x3FB6] =	sst s10  }
0x32: {  	s10 =	sld [smem:$0x3FB4];
	_ =	sdelay $0x3  }
0x33: {  	p0 =	seq.s32 s10, $0x1;
	s10 =	sld [smem:$0x3FB6];
	_ =	sdelay $0x3  }
0x34: {  	[smem:$0x3FB6] =	sst s10  }
0x35: {  	s10 =	sld [smem:$0x3FB5];
	_ =	sdelay $0x3  }
0x36: {  	p1 =	seq.s32 s10, $0x1;
	s10 =	sld [smem:$0x3FB6];
	_ =	sdelay $0x3  }
0x37: {  	[smem:$0x3FB6] =	sst s10  }
0x38: {  	s10 =	sld [smem:$0x3FB7]  }
0x39: {  	_ = 	snop;
	(pc) =	sbr.ind lr, $3  }
0x3a: {  	_ = 	snop  }
0x3b: {  	_ = 	snop  }
0x3c: {  	p2 =	seq.s32 s10, $0x1;
	s10 =	sld [smem:$0x3FB6]  }
0x3d: {  	_ =	shalt  }
0x3e: {  	_ =	shalt  }
0x3f: {  	_ =	shalt  }
0x40: {  	_ =	shalt  }
0x41: {  	_ =	shalt  }
0x42: {  	_ =	shalt  }
0x43: {  	_ =	shalt  }
0x44: {  	_ =	shalt  }
0x45: {  	_ =	shalt  }
0x46: {  	_ =	shalt  }
0x47: {  	_ =	shalt  }
0x48: {  	_ =	shalt  }
0x49: {  	_ =	shalt  }
0x4a: {  	_ =	shalt  }
0x4b: {  	_ =	shalt  }
0x4c: {  	_ =	shalt  }
0x4d: {  	_ =	shalt  }
0x4e: {  	_ =	shalt  }
0x4f: {  	_ =	shalt  }
0x50: {  	_ =	shalt  }
0x51: {  	_ =	shalt  }
0x52: {  	_ =	shalt  }
0x53: {  	_ =	shalt  }
0x54: {  	_ =	shalt  }
0x55: {  	_ =	shalt  }
0x56: {  	_ =	shalt  }
0x57: {  	_ =	shalt  }
0x58: {  	_ =	shalt  }
0x59: {  	_ =	shalt  }
0x5a: {  	_ =	shalt  }
0x5b: {  	_ =	shalt  }
0x5c: {  	_ =	shalt  }
0x5d: {  	_ =	shalt  }
0x5e: {  	_ =	shalt  }
0x5f: {  	_ =	shalt  }
0x60: {  	_ =	shalt  }
0x61: {  	_ =	shalt  }
0x62: {  	_ =	shalt  }
0x63: {  	_ =	shalt  }
0x64: {  	_ =	shalt  }
0x65: {  	_ =	shalt  }
0x66: {  	_ =	shalt  }
0x67: {  	_ =	shalt  }
0x68: {  	_ =	shalt  }
0x69: {  	_ =	shalt  }
0x6a: {  	_ =	shalt  }
0x6b: {  	_ =	shalt  }
0x6c: {  	_ =	shalt  }
0x6d: {  	_ =	shalt  }
0x6e: {  	_ =	shalt  }
0x6f: {  	_ =	shalt  }
0x70: {  	_ =	shalt  }
0x71: {  	_ =	shalt  }
0x72: {  	_ =	shalt  }
0x73: {  	_ =	shalt  }
0x74: {  	_ =	shalt  }
0x75: {  	_ =	shalt  }
0x76: {  	_ =	shalt  }
0x77: {  	_ =	shalt  }
0x78: {  	_ =	shalt  }
0x79: {  	_ =	shalt  }
0x7a: {  	_ =	shalt  }
0x7b: {  	_ =	shalt  }
0x7c: {  	_ =	shalt  }
0x7d: {  	_ =	shalt  }
0x7e: {  	_ =	shalt  }
0x7f: {  	_ =	shalt  }
0x80: {  	_ =	shalt  }
0x81: {  	_ =	shalt  }
0x82: {  	_ =	shalt  }
0x83: {  	_ =	shalt  }
0x84: {  	_ =	shalt  }
0x85: {  	_ =	shalt  }
0x86: {  	_ =	shalt  }
0x87: {  	_ =	shalt  }
.Lfunc_end0:
.L_simem_size_0:
called_computation.1_lowered:
.L_overlay_start_0:
0x88: {  	s2 =	sld [smem:$0x3FD9]  }
0x89: {  	s3 =	sld [smem:$0x3FFE];
	_ =	sdelay $0x1  }
0x8a: {  	s1 =	srdreg.scid  }
0x8b: {  	s0 =	sand.u32 $0x1, s1  }
0x8c: {  	s17 =	sshll.u32 s0, $0xA;
	s2 =	sadd.s32 s3, s2  }
0x8d: {  	s2 =	sadd.s32 s2, s17  }
0x8e: {  	[smem:$0x3FC2] =	sst s2  }
0x8f: {  	_ = 	snop  }
0x90: {  	s2 =	sld [smem:$0x3FD0];
	(tm) =	ssettm $0x1  }
0x91: {  	s18 =	sld [smem:$0x3FFB];
	_ =	sdelay $0x3  }
0x92: {  	_ =	strace s18  }
0x93: {  	s3 =	sld [smem:$0x3FFC];
	_ =	sdelay $0x3  }
0x94: {  	_ =	strace s3  }
0x95: {  	s3 =	sld [smem:$0x3FFD];
	_ =	sdelay $0x3  }
0x96: {  	_ =	strace s3  }
0x97: {  	_ =	strace $0x8FFFFFFF  }
0x98: {  	s19 =	sld [smem:$0x3FDB];
	_ =	sdelay $0x1  }
0x99: {  	s4 =	simm.s32 $_scs_section_size  }
0x9a: {  	s5 =	simm.s32 $_size__tile_overlayer_lowered;
	s6 =	simm.s32 $_tile_overlayer_lowered  }
0x9b: {  	s22 =	simm.s32 $0x1BFF;
	s21 =	sshll.u32 s6, $0x1;
	s3 =	sadd.s32 s4, s19  }
0x9c: {  	s7 =	simm.s32 $0x0;
	s20 =	sshll.u32 s5, $0x1;
	s5 =	sadd.s32 s21, s3  }
0x9d: {  	[timem:s7], [sflag:s22] =	dma.local [hbm:s5], s20  }
0x9e: {  	_ =	swait.ge [sflag:s22], s20  }
0x9f: {  	s4 =	ssub.s32 $0x0, s20;
	[sflag:s22] =	ssyncset.done $0x0  }
0xa0: {  	[sflag:s22] =	ssyncadd.s32 s4;
	_ =	sdelay $0x1  }
0xa1: {  	s23 =	simm.s32 $0x1B8B  }
0xa2: {  	_ =	swait.ge [sflag:s23], $0x1  }
0xa3: {  	[sflag:s23] =	ssyncset.done $0x0  }
0xa4: {  	s25 =	simm.s32 $0x1B8E;
	s24 =	sld [smem:$0x3FFE];
	[sflag:s23] =	ssyncadd.s32 $0xFFFFFFFF  }
0xa5: {  	s26 =	simm.s32 $execute0_lowered;
	[smem:$0x3FD2] =	sst s25  }
0xa6: {  	s5 =	sshll.u32 s26, $0x1;
	_ =	strace $0x80000049;
	[dreg:$0x1] =	wrdreg $0xFFFFFFFF  }
0xa7: {  	s28 =	simm.s32 $_size_execute0_lowered;
	s3 =	sadd.s32 s3, s5;
	[dreg:$0x0] =	wrdreg $0x0  }
0xa8: {  	s5 =	sshll.u32 s28, $0x1;
	[dreg:$0x2] =	wrdreg s3  }
0xa9: {  	[dreg:$0x3] =	wrdreg s5  }
0xaa: {  	[dreg:$0x4] =	wrdreg $0xC0  }
0xab: {  	_ =	task [dreg:s7], $0x5FFFF  }
0xac: {  	[dreg:$0x1] =	wrdreg $0xFFFFFFFF  }
0xad: {  	[dreg:$0x0] =	wrdreg $0x60  }
0xae: {  	[dreg:$0x2] =	wrdreg s24  }
0xaf: {  	[dreg:$0x3] =	wrdreg s2  }
0xb0: {  	[dreg:$0x4] =	wrdreg $0x9E200  }
0xb1: {  	[dreg:$0x5] =	wrdreg $0x9  }
0xb2: {  	_ =	task.clear_ibuf [dreg:s7], $0x6FFFF;
	_ =	strace $0x90000049  }
0xb3: {  	s29 =	simm.s32 $0x9;
	_ =	strace $0x8000004B  }
0xb4: {  	_ =	swait.ge [sflag:s29], $0x1  }
0xb5: {  	[sflag:s29] =	ssyncadd.s32 $0xFFFFFFFF  }
0xb6: {  	_ =	strace $0x9000004B  }
0xb7: {  	_ =	sfence  }
0xb8: {  	s30 =	sld [smem:$0x0];
	_ =	sdelay $0x2  }
0xb9: {  	s31 =	sshll.u32 s1, $0xD;
	s1 =	sshrl.u32 s1, $0x2  }
0xba: {  	s3 =	sand.u32 $0x4000, s31;
	s1 =	sadd.s32 s1, s30  }
0xbb: {  	s0 =	sor.u32 s3, s0;
	s1 =	sshll.u32 s1, $0x11  }
0xbc: {  	s0 =	sor.u32 s1, s0  }
0xbd: {  	s0 =	sadd.s32 $0x8F2B, s0  }
0xbe: {  	[sflag:s0] =	ssyncadd.remote.s32 $0x1  }
0xbf: {  	_ =	sfence.sel $0xFFFF  }
0xc0: {  	[dreg:$0x0] =	wrdreg $0xFFFFFFFF;
	(pc) =	sbr.abs _section_cstart, $3  }
0xc1: {  	[dreg:$0x1] =	wrdreg $0xFFFFFFFF  }
0xc2: {  	_ =	task.clear_ibuf [dreg:s7], $0x2FFFF;
	_ =	strace $0x9FFFFFFF  }
0xc3: {  	(tm) =	ssettm $0x7FFFFFFF  }
tec
execute0_lowered:
.L_overlay_start_1:
0x0: {  	(tag) =	ssettag $0x1  }
0x1: {  	s0 =	srdreg.scid;
	s1 =	rddreg [dreg:$0x0]  }
0x2: {  	s8 =	stileid.u32;
	s3 =	rddreg [dreg:$0x1]  }
0x3: {  	s23 =	simm.s32 $0x0;
	s18 =	simm.s32 $0x4E20;
	s19 =	simm.s32 $0x3  }
0x4: {  	s20 =	simm.s32 $0x4;
	s21 =	simm.s32 $0x5;
	s22 =	simm.s32 $0x6  }
0x5: {  	s28 =	simm.s32 $0xB;
	s29 =	simm.s32 $0xC;
	s30 =	simm.s32 $0x50  }
0x6: {  	s31 =	simm.s32 $0x7620;
	s17 =	simm.s32 $0x2;
	s0 =	sand.u32 $0x1, s0  }
0x7: {  	s2 =	sshll.u32 s8, $0x1;
	s5 =	smul.u32 $0x2800, s8;
	[smem:$0x7FF] =	sst s23  }
0x8: {  	s8 =	smul.u32 $0x50000, s8;
	s23 =	simm.s32 $0x7;
	s4 =	sor.u32 s0, s2  }
0x9: {  	s2 =	rddreg [dreg:$0x2];
	s7 =	smul.u32 $0x28000, s0;
	_ =	strace $0x8000004A  }
0xa: {  	s0 =	ssub.s32 $0x2, s0;
	s6 =	smul.u32 $0x4E2, s4;
	s4 =	sadd.s32 $0xBE00, s1  }
0xb: {  	s24 =	sshrl.u32 s0, $0x1;
	s8 =	sshrl.u32 s8, $0x2;
	s5 =	sadd.s32 s5, s7  }
0xc: {  	s0 =	ssub.s32 s0, s24;
	s24 =	simm.s32 $0x8;
	s9 =	sadd.s32 s6, s1  }
0xd: {  	s1 =	sadd.s32 s5, s1;
	s5 =	sadd.s32 s8, s2;
	s3 =	sadd.s32 s3, s6  }
0xe: {  	s16 =	smax.u32 s0, $0x1;
	s0 =	simm.s32 $0xD;
	[dreg:$0x4] =	wrdreg s3  }
0xf: {  	s25 =	sadd.s32 $0x2000, s9;
	s26 =	sadd.s32 $0x2800, s5;
	s9 =	sadd.s32 $0x5000, s5  }
0x10: {  	s10 =	sadd.s32 $0x7800, s5;
	s11 =	sadd.s32 $0xA000, s5;
	s12 =	sadd.s32 $0xC800, s5  }
0x11: {  	s13 =	sadd.s32 $0xF000, s5;
	s14 =	sadd.s32 $0x11800, s5;
	s15 =	sadd.s32 $0xD4400, s1  }
0x12: {  	s1 =	simm.s32 $0x1;
	s3 =	simm.s32 $0x0;
	[dreg:$0x5] =	wrdreg s25  }
0x13: {  	v0 =	vimm.f32 $0.0e+00;
	[dreg:$0x6] =	wrdreg s26;
	s25 =	simm.s32 $0x9;
	s26 =	simm.s32 $0xA  }
.LBB2_1:
0x14: {  	s6 =	simm.s32 $0x0;
	s7 =	rddreg [dreg:$0x4]  }
0x15: {  	[tilespmem:s6], [sflag:$0x3] =	stream.linear.gather [hbm4b:s7+s6], $0x2710, $0x38;
	[tilespmem:$0x1DE20] =	vst v63  }
0x16: {  	s8 =	simm.s32 $0x2710;
	s7 =	rddreg [dreg:$0x5]  }
0x17: {  	[tilespmem:s8], [sflag:$0x4] =	stream.linear.gather [hbm4b:s7+s6], $0x2710, $0x38;
	[tilespmem:$0x1DE20] =	vst v63  }
0x18: {  	s6 =	simm.s32 $0x0;
	s7 =	simm.s32 $0x200  }
.LBB2_2:
0x19: {  	p0 =	sne.s32 s7, $0x9E00;
	[tilespmem:s6+$0x4E90] =	vst v0  }
0x1a: {  	[tilespmem:s6+$0x4E20] =	vst v0  }
0x1b: {  	[tilespmem:s6+$0x4E30] =	vst v0  }
.Ltmp0:
0x1c: {  	[tilespmem:s6+$0x4E40] =	vst v0;
	(pc) =	sbr.rel @p0 .LBB2_2-.Ltmp0, $4  }
0x1d: {  	[tilespmem:s6+$0x4E50] =	vst v0  }
0x1e: {  	[tilespmem:s6+$0x4E60] =	vst v0  }
0x1f: {  	[tilespmem:s6+$0x4E70] =	vst v0  }
0x20: {  	[tilespmem:s6+$0x4E80] =	vst v0;
	s6 =	sshra.s32 s7, $0x2;
	s7 =	sadd.s32 $0x200, s7  }
0x21: {  	[tilespmem:s6+$0x4E90] =	vst v0  }
0x22: {  	[tilespmem:s6+$0x4E20] =	vst v0  }
0x23: {  	[tilespmem:s6+$0x4E30] =	vst v0  }
0x24: {  	[tilespmem:s6+$0x4E40] =	vst v0  }
0x25: {  	[tilespmem:s6+$0x4E50] =	vst v0  }
0x26: {  	[tilespmem:s6+$0x4E60] =	vst v0  }
0x27: {  	[tilespmem:s6+$0x4E70] =	vst v0  }
0x28: {  	[tilespmem:s6+$0x4E80] =	vst v0  }
0x29: {  	[spmem:s5] =	stream.linear.scatter [tilespmem:s18], [sflag:$0x5], $0x2800, $0x38;
	[tilespmem:$0x1DE20] =	vst v63  }
0x2a: {  	s8 =	rddreg [dreg:$0x6]  }
0x2b: {  	[spmem:s8] =	stream.linear.scatter [tilespmem:s18], [sflag:$0x6], $0x2800, $0x38;
	[tilespmem:$0x1DE20] =	vst v63  }
0x2c: {  	_ = 	snop  }
0x2d: {  	[spmem:s9] =	stream.linear.scatter [tilespmem:s18], [sflag:$0x7], $0x2800, $0x38;
	[tilespmem:$0x1DE20] =	vst v63  }
0x2e: {  	_ = 	snop  }
0x2f: {  	[spmem:s10] =	stream.linear.scatter [tilespmem:s18], [sflag:$0x8], $0x2800, $0x38;
	[tilespmem:$0x1DE20] =	vst v63  }
0x30: {  	_ = 	snop  }
0x31: {  	[spmem:s11] =	stream.linear.scatter [tilespmem:s18], [sflag:$0x9], $0x2800, $0x38;
	[tilespmem:$0x1DE20] =	vst v63  }
0x32: {  	_ = 	snop  }
0x33: {  	[spmem:s12] =	stream.linear.scatter [tilespmem:s18], [sflag:$0xA], $0x2800, $0x38;
	[tilespmem:$0x1DE20] =	vst v63  }
0x34: {  	_ = 	snop  }
0x35: {  	[spmem:s13] =	stream.linear.scatter [tilespmem:s18], [sflag:$0xB], $0x2800, $0x38;
	[tilespmem:$0x1DE20] =	vst v63  }
0x36: {  	_ = 	snop  }
0x37: {  	[spmem:s14] =	stream.linear.scatter [tilespmem:s18], [sflag:$0xC], $0x2800, $0x38;
	[tilespmem:$0x1DE20] =	vst v63  }
0x38: {  	_ =	swait.ge [sflag:s19], $0x2710  }
0x39: {  	[sflag:s19] =	ssyncset.done $0x0  }
0x3a: {  	[sflag:s19] =	ssyncadd.s32 $0xFFFFD8F0  }
0x3b: {  	_ =	swait.ge [sflag:s20], $0x2710  }
0x3c: {  	[sflag:s20] =	ssyncset.done $0x0  }
0x3d: {  	[sflag:s20] =	ssyncadd.s32 $0xFFFFD8F0  }
0x3e: {  	_ =	swait.ge [sflag:s21], $0x2800  }
0x3f: {  	[sflag:s21] =	ssyncset.done $0x0  }
0x40: {  	[sflag:s21] =	ssyncadd.s32 $0xFFFFD800  }
0x41: {  	_ =	swait.ge [sflag:s22], $0x2800  }
0x42: {  	[sflag:s22] =	ssyncset.done $0x0  }
0x43: {  	[sflag:s22] =	ssyncadd.s32 $0xFFFFD800  }
0x44: {  	_ =	swait.ge [sflag:s23], $0x2800  }
0x45: {  	[sflag:s23] =	ssyncset.done $0x0  }
0x46: {  	[sflag:s23] =	ssyncadd.s32 $0xFFFFD800  }
0x47: {  	_ =	swait.ge [sflag:s24], $0x2800  }
0x48: {  	[sflag:s24] =	ssyncset.done $0x0  }
0x49: {  	[sflag:s24] =	ssyncadd.s32 $0xFFFFD800  }
0x4a: {  	_ =	swait.ge [sflag:s25], $0x2800  }
0x4b: {  	[sflag:s25] =	ssyncset.done $0x0  }
0x4c: {  	[sflag:s25] =	ssyncadd.s32 $0xFFFFD800  }
0x4d: {  	_ =	swait.ge [sflag:s26], $0x2800  }
0x4e: {  	[sflag:s26] =	ssyncset.done $0x0  }
0x4f: {  	[sflag:s26] =	ssyncadd.s32 $0xFFFFD800  }
0x50: {  	_ =	swait.ge [sflag:s28], $0x2800  }
0x51: {  	[sflag:s28] =	ssyncset.done $0x0  }
0x52: {  	[sflag:s28] =	ssyncadd.s32 $0xFFFFD800  }
0x53: {  	_ =	swait.ge [sflag:s29], $0x2800  }
0x54: {  	[sflag:s29] =	ssyncset.done $0x0  }
0x55: {  	[sflag:s29] =	ssyncadd.s32 $0xFFFFD800  }
0x56: {  	s7 =	simm.s32 $0x0;
	[bflag:$0x0] =	sbarrier.arrive $0xFFFF  }
0x57: {  	[tilespmem:s18], [sflag:$0x1] =	stream.indirect.gather [hbm4b:s4+s30], $0x80, s7, s30, $0xb8;
	[tilespmem:$0x1DE20] =	vst v63  }
0x58: {  	_ = 	snop  }
0x59: {  	[tilespmem:s31], [sflag:$0x2] =	stream.indirect.gather [hbm4b:s4+s30], $0x80, s30, s30, $0xb8;
	[tilespmem:$0x1DE20] =	vst v63  }
0x5a: {  	_ =	swait.ge [sflag:s1], $0x2800  }
0x5b: {  	[sflag:s1] =	ssyncset.done $0x0  }
0x5c: {  	s8 =	simm.s32 $0x2710;
	[sflag:s1] =	ssyncadd.s32 $0xFFFFD800  }
0x5d: {  	[spmem:s2] =	stream.indirect.scatter.add.f32 [tilespmem:s18], [sflag:$0xD], $0x80, s8, s30, $0xb8;
	[tilespmem:$0x1DE20] =	vst v63  }
0x5e: {  	_ =	swait.ge [sflag:s0], $0x2800  }
0x5f: {  	[sflag:s0] =	ssyncset.done $0x0  }
0x60: {  	s7 =	simm.s32 $0xA0;
	[sflag:s0] =	ssyncadd.s32 $0xFFFFD800  }
0x61: {  	[tilespmem:s18], [sflag:$0x1] =	stream.indirect.gather [hbm4b:s4+s30], $0x80, s7, s30, $0xb8;
	[tilespmem:$0x1DE20] =	vst v63  }
0x62: {  	_ =	swait.ge [sflag:s17], $0x2800  }
0x63: {  	[sflag:s17] =	ssyncset.done $0x0  }
0x64: {  	s8 =	simm.s32 $0x2760;
	[sflag:s17] =	ssyncadd.s32 $0xFFFFD800  }
0x65: {  	[spmem:s2] =	stream.indirect.scatter.add.f32 [tilespmem:s31], [sflag:$0xD], $0x80, s8, s30, $0xb8;
	[tilespmem:$0x1DE20] =	vst v63  }
0x66: {  	_ =	swait.ge [sflag:s0], $0x2800  }
0x67: {  	[sflag:s0] =	ssyncset.done $0x0  }
0x68: {  	s6 =	simm.s32 $0x280;
	s7 =	simm.s32 $0xF0;
	[sflag:s0] =	ssyncadd.s32 $0xFFFFD800  }
.LBB2_4:
0x69: {  	[tilespmem:s31], [sflag:$0x2] =	stream.indirect.gather [hbm4b:s4+s30], $0x80, s7, s30, $0xb8;
	[tilespmem:$0x1DE20] =	vst v63  }
0x6a: {  	s7 =	smov.u32 s6;
	s6 =	sadd.s32 $0x280, s6;
	_ =	swait.ge [sflag:s1], $0x2800  }
0x6b: {  	s7 =	sshra.s32 s7, $0x2;
	p0 =	sne.s32 s6, $0x9880;
	[sflag:s1] =	ssyncset.done $0x0  }
0x6c: {  	s8 =	sadd.s32 $0x2710, s7;
	[sflag:s1] =	ssyncadd.s32 $0xFFFFD800  }
0x6d: {  	[spmem:s2] =	stream.indirect.scatter.add.f32 [tilespmem:s18], [sflag:$0xD], $0x80, s8, s30, $0xb8;
	[tilespmem:$0x1DE20] =	vst v63  }
0x6e: {  	_ =	swait.ge [sflag:s0], $0x2800  }
0x6f: {  	[sflag:s0] =	ssyncset.done $0x0  }
0x70: {  	s8 =	sadd.s32 $0xA0, s7;
	[sflag:s0] =	ssyncadd.s32 $0xFFFFD800  }
0x71: {  	[tilespmem:s18], [sflag:$0x1] =	stream.indirect.gather [hbm4b:s4+s30], $0x80, s8, s30, $0xb8;
	[tilespmem:$0x1DE20] =	vst v63  }
0x72: {  	_ =	swait.ge [sflag:s17], $0x2800  }
0x73: {  	[sflag:s17] =	ssyncset.done $0x0  }
.Ltmp1:
0x74: {  	s8 =	sadd.s32 $0x2760, s7;
	[sflag:s17] =	ssyncadd.s32 $0xFFFFD800;
	(pc) =	sbr.rel @p0 .LBB2_4-.Ltmp1, $4  }
0x75: {  	[spmem:s2] =	stream.indirect.scatter.add.f32 [tilespmem:s31], [sflag:$0xD], $0x80, s8, s30, $0xb8;
	[tilespmem:$0x1DE20] =	vst v63  }
0x76: {  	_ =	swait.ge [sflag:s0], $0x2800  }
0x77: {  	[sflag:s0] =	ssyncset.done $0x0  }
0x78: {  	s7 =	sadd.s32 $0xF0, s7;
	[sflag:s0] =	ssyncadd.s32 $0xFFFFD800  }
0x79: {  	[tilespmem:s31], [sflag:$0x2] =	stream.indirect.gather [hbm4b:s4+s30], $0x80, s7, s30, $0xb8;
	[tilespmem:$0x1DE20] =	vst v63  }
0x7a: {  	_ =	swait.ge [sflag:s1], $0x2800  }
0x7b: {  	s6 =	sshra.s32 s6, $0x2;
	[sflag:s1] =	ssyncset.done $0x0  }
0x7c: {  	s8 =	sadd.s32 $0x2710, s6;
	[sflag:s1] =	ssyncadd.s32 $0xFFFFD800  }
0x7d: {  	[spmem:s2] =	stream.indirect.scatter.add.f32 [tilespmem:s18], [sflag:$0xD], $0x80, s8, s30, $0xb8;
	[tilespmem:$0x1DE20] =	vst v63  }
0x7e: {  	_ =	swait.ge [sflag:s0], $0x2800  }
0x7f: {  	[sflag:s0] =	ssyncset.done $0x0  }
0x80: {  	s8 =	sadd.s32 $0xA0, s6;
	[sflag:s0] =	ssyncadd.s32 $0xFFFFD800  }
0x81: {  	[tilespmem:s18], [sflag:$0x1] =	stream.indirect.gather [hbm4b:s4+s30], $0x80, s8, s30, $0xb8;
	[tilespmem:$0x1DE20] =	vst v63  }
0x82: {  	_ =	swait.ge [sflag:s17], $0x2800  }
0x83: {  	[sflag:s17] =	ssyncset.done $0x0  }
0x84: {  	s6 =	sadd.s32 $0x2760, s6;
	[sflag:s17] =	ssyncadd.s32 $0xFFFFD800  }
0x85: {  	[spmem:s2] =	stream.indirect.scatter.add.f32 [tilespmem:s31], [sflag:$0xD], $0x80, s6, s30, $0xb8;
	[tilespmem:$0x1DE20] =	vst v63  }
0x86: {  	_ =	swait.ge [sflag:s0], $0x2800  }
0x87: {  	[sflag:s0] =	ssyncset.done $0x0  }
0x88: {  	[sflag:s0] =	ssyncadd.s32 $0xFFFFD800  }
0x89: {  	_ =	swait.ge [sflag:s1], $0x2800  }
0x8a: {  	[sflag:s1] =	ssyncset.done $0x0  }
0x8b: {  	s8 =	simm.s32 $0x4DD0;
	[sflag:s1] =	ssyncadd.s32 $0xFFFFD800  }
0x8c: {  	[spmem:s2] =	stream.indirect.scatter.add.f32 [tilespmem:s18], [sflag:$0xD], $0x80, s8, s30, $0xb8;
	[tilespmem:$0x1DE20] =	vst v63  }
0x8d: {  	s7 =	stileid.u32;
	_ =	swait.ge [sflag:s0], $0x2800  }
0x8e: {  	s3 =	sadd.s32 $0x1, s3;
	s6 =	sshll.u32 s7, $0x6;
	[sflag:s0] =	ssyncset.done $0x0  }
0x8f: {  	p0 =	sne.s32 s3, s16;
	s6 =	sor.u32 $0x1C0D, s6;
	[sflag:s0] =	ssyncadd.s32 $0xFFFFD800  }
.Ltmp2:
0x90: {  	s8 =	sshrl.u32 s5, $0x3;
	[bflag:$0x0] =	sbarrier.arrive $0xFFFF;
	(pc) =	sbr.rel @p0 .LBB2_1-.Ltmp2, $4  }
0x91: {  	[hbm:s15], [sflag:s6] =	dma.local [spmem:s8], $0x2800  }
0x92: {  	_ =	swait.ge [sflag:s0], $0x2800  }
0x93: {  	[sflag:s0] =	ssyncset.done $0x0  }
0x94: {  	[sflag:s0] =	ssyncadd.s32 $0xFFFFD800  }
0x95: {  	_ =	sfence.sel $0x180000  }
0x96: {  	[bflag:$0x0] =	sbarrier.arrive $0xFFFF  }
0x97: {  	_ =	strace $0x9000004A  }
0x98: {  	s0 =	stileid.u32;
	[bflag:$0x2] =	sbarrier.arrive $0xFFFF  }
0x99: {  	p0 =	sne.s32 s0, $0x0;
	s0 =	rddreg [dreg:$0x3]  }
0x9a: {  	s0 =	sadd.s32 @!p0 $0x100000, s0  }
0x9b: {  	[sflag:s0] =	ssyncadd.tile.s32 @!p0 $0x1;
	_ =	shalt  }
.Lfunc_end2:
_tile_overlayer_lowered:
.L_overlay_start_2:
0x9c: {  	(tag) =	ssettag $0x2  }
0x9d: {  	s0 =	rddreg [dreg:$0x0];
	s2 =	stileid.u32  }
0x9e: {  	s1 =	rddreg [dreg:$0x1];
	p0 =	sne.s32 s2, $0x0  }
0x9f: {  	s3 =	rddreg [dreg:$0x2];
	[bflag:$0x3] =	sbarrier.arrive $0xFFFF;
	s2 =	simm.s32 @!p0 $0x1C0D  }
0xa0: {  	[timem:s3], [sflag:s2] =	dma.local @!p0 [hbm:s0], s1  }
0xa1: {  	s0 =	simm.s32 @!p0 $0xD  }
0xa2: {  	_ =	swait.ge @!p0 [sflag:s0], s1  }
0xa3: {  	s1 =	ssub.s32 @!p0 $0x0, s1;
	[sflag:s0] =	ssyncset.done @!p0 $0x0  }
0xa4: {  	[sflag:s0] =	ssyncadd.s32 @!p0 s1  }
0xa5: {  	[bflag:$0x3] =	sbarrier.arrive $0xFFFF  }
0xa6: {  	_ =	shalt  }

// kernel: kernel.17.cloned.1.call-start
scs
__scs_entry_jumppad:
0x0: {  	(pc) =	sbr.rel $0x88, $3  }
0x1: {  	(tag) =	ssettag $0x0;
	lr =	simm.s32 $0x1  }
0x2: {  	[smem:$0x3F9B] =	sst lr;
	_ =	strace $0xD0000000  }
0x3: {  	_ = 	snop  }
0x4: {  	_ = 	snop  }
0x5: {  	_ = 	snop  }
0x6: {  	_ = 	snop  }
0x7: {  	_ = 	snop  }
__scs_overlays_trampoline_lowered:
0x8: {  	[smem:$0x3FAA] =	sst s0  }
0x9: {  	[smem:$0x3FAB] =	sst s1  }
0xa: {  	[smem:$0x3FAC] =	sst s2  }
0xb: {  	[smem:$0x3FAD] =	sst s3  }
0xc: {  	[smem:$0x3FAE] =	sst s4  }
0xd: {  	[smem:$0x3FAF] =	sst s5  }
0xe: {  	[smem:$0x3FB0] =	sst s6  }
0xf: {  	[smem:$0x3FB1] =	sst s7  }
0x10: {  	[smem:$0x3FB2] =	sst s8  }
0x11: {  	[smem:$0x3FB3] =	sst s9;
	s0 =	simm.s32 @!p0 $0x0  }
0x12: {  	s1 =	sld [smem:$0x3F99];
	s0 =	simm.s32 @p0 $0x1  }
0x13: {  	[smem:$0x3FB4] =	sst s0;
	s0 =	simm.s32 @!p1 $0x0  }
0x14: {  	s2 =	sld [smem:$0x3F98];
	s0 =	simm.s32 @p1 $0x1  }
0x15: {  	[smem:$0x3FB5] =	sst s0;
	s0 =	simm.s32 @!p2 $0x0  }
0x16: {  	s3 =	sld [smem:$0x3FDB];
	s0 =	simm.s32 @p2 $0x1  }
0x17: {  	s4 =	simm.s32 $0x1BF5;
	[smem:$0x3FB7] =	sst s0  }
0x18: {  	s0 =	sld [smem:$0x3F9A];
	_ =	swait.ge [sflag:s4], $0x0  }
0x19: {  	s7 =	sld [smem:$0x3F9B]  }
0x1a: {  	s8 =	sadd.s32 $0xFFFFE003, lr  }
0x1b: {  	s9 =	sadd.s32 $0xFFFFFEF7, lr;
	s5 =	simm.s32 $0xFFFFFFFF;
	p2 =	slt.u32 s8, $0xFFFFF086  }
0x1c: {  	p1 =	slt.u32 s9, $0xF7A;
	s5 =	simm.s32 @!p2 $0x0  }
0x1d: {  	s5 =	simm.s32 @p1 $0x1;
	p0 =	seq.s32 s7, s2  }
0x1e: {  	s7 =	smul.u32 @!p0 $0xF7A, s2;
	p2 =	seq.s32 @!p0 s5, $0x0  }
0x1f: {  	s9 =	smul.u32 $0xF7A, s1;
	s8 =	simm.s32 @!p0 $0x1BF5;
	p2 =	por !p2, p0  }
0x20: {  	[sflag:s8] =	ssyncset.s32 @!p0 $0xFFFFF086;
	s6 =	sadd.s32 @!p0 s3, s7;
	s7 =	simm.s32 @!p0 $0x108  }
0x21: {  	s3 =	sadd.s32 s3, s9;
	s6 =	sadd.s32 @!p0 $0x88, s6;
	s7 =	simm.s32 @p2 $0x1082  }
0x22: {  	[simem:s7], [sflag:s8] =	dma.local @!p0 [hbm:s6], $0xF7A  }
0x23: {  	s9 =	sor.u32 $0xD0000000, s2;
	s6 =	simm.s32 $0x108;
	_ =	swait.ge @!p0 [sflag:s8], $0x0  }
0x24: {  	s3 =	sadd.s32 $0x88, s3;
	s6 =	simm.s32 @!p1 $0x1082;
	[sflag:s4] =	ssyncset.s32 $0xFFFFF086  }
0x25: {  	[simem:s6], [sflag:s4] =	dma.local [hbm:s3], $0xF7A  }
0x26: {  	[smem:$0x3F9B] =	sst s1;
	(tag) =	ssettag s2;
	_ =	strace s9  }
0x27: {  	s1 =	sld [smem:$0x3FAB]  }
0x28: {  	s2 =	sld [smem:$0x3FAC]  }
0x29: {  	s4 =	sld [smem:$0x3FAE]  }
0x2a: {  	p0 =	seq.s32 s5, $0x0;
	s5 =	sld [smem:$0x3FAF]  }
0x2b: {  	s6 =	sld [smem:$0x3FB0]  }
0x2c: {  	s7 =	sld [smem:$0x3FB1]  }
0x2d: {  	s3 =	simm.s32 $0x108;
	s8 =	sld [smem:$0x3FB2]  }
0x2e: {  	s3 =	simm.s32 @!p0 $0x1082;
	s9 =	sld [smem:$0x3FB3]  }
0x2f: {  	lr =	sadd.s32 s0, s3;
	s0 =	sld [smem:$0x3FAA]  }
0x30: {  	s3 =	sld [smem:$0x3FAD]  }
0x31: {  	[smem:$0x3FB6] =	sst s10  }
0x32: {  	s10 =	sld [smem:$0x3FB4];
	_ =	sdelay $0x3  }
0x33: {  	p0 =	seq.s32 s10, $0x1;
	s10 =	sld [smem:$0x3FB6];
	_ =	sdelay $0x3  }
0x34: {  	[smem:$0x3FB6] =	sst s10  }
0x35: {  	s10 =	sld [smem:$0x3FB5];
	_ =	sdelay $0x3  }
0x36: {  	p1 =	seq.s32 s10, $0x1;
	s10 =	sld [smem:$0x3FB6];
	_ =	sdelay $0x3  }
0x37: {  	[smem:$0x3FB6] =	sst s10  }
0x38: {  	s10 =	sld [smem:$0x3FB7]  }
0x39: {  	_ = 	snop;
	(pc) =	sbr.ind lr, $3  }
0x3a: {  	_ = 	snop  }
0x3b: {  	_ = 	snop  }
0x3c: {  	p2 =	seq.s32 s10, $0x1;
	s10 =	sld [smem:$0x3FB6]  }
0x3d: {  	_ =	shalt  }
0x3e: {  	_ =	shalt  }
0x3f: {  	_ =	shalt  }
0x40: {  	_ =	shalt  }
0x41: {  	_ =	shalt  }
0x42: {  	_ =	shalt  }
0x43: {  	_ =	shalt  }
0x44: {  	_ =	shalt  }
0x45: {  	_ =	shalt  }
0x46: {  	_ =	shalt  }
0x47: {  	_ =	shalt  }
0x48: {  	_ =	shalt  }
0x49: {  	_ =	shalt  }
0x4a: {  	_ =	shalt  }
0x4b: {  	_ =	shalt  }
0x4c: {  	_ =	shalt  }
0x4d: {  	_ =	shalt  }
0x4e: {  	_ =	shalt  }
0x4f: {  	_ =	shalt  }
0x50: {  	_ =	shalt  }
0x51: {  	_ =	shalt  }
0x52: {  	_ =	shalt  }
0x53: {  	_ =	shalt  }
0x54: {  	_ =	shalt  }
0x55: {  	_ =	shalt  }
0x56: {  	_ =	shalt  }
0x57: {  	_ =	shalt  }
0x58: {  	_ =	shalt  }
0x59: {  	_ =	shalt  }
0x5a: {  	_ =	shalt  }
0x5b: {  	_ =	shalt  }
0x5c: {  	_ =	shalt  }
0x5d: {  	_ =	shalt  }
0x5e: {  	_ =	shalt  }
0x5f: {  	_ =	shalt  }
0x60: {  	_ =	shalt  }
0x61: {  	_ =	shalt  }
0x62: {  	_ =	shalt  }
0x63: {  	_ =	shalt  }
0x64: {  	_ =	shalt  }
0x65: {  	_ =	shalt  }
0x66: {  	_ =	shalt  }
0x67: {  	_ =	shalt  }
0x68: {  	_ =	shalt  }
0x69: {  	_ =	shalt  }
0x6a: {  	_ =	shalt  }
0x6b: {  	_ =	shalt  }
0x6c: {  	_ =	shalt  }
0x6d: {  	_ =	shalt  }
0x6e: {  	_ =	shalt  }
0x6f: {  	_ =	shalt  }
0x70: {  	_ =	shalt  }
0x71: {  	_ =	shalt  }
0x72: {  	_ =	shalt  }
0x73: {  	_ =	shalt  }
0x74: {  	_ =	shalt  }
0x75: {  	_ =	shalt  }
0x76: {  	_ =	shalt  }
0x77: {  	_ =	shalt  }
0x78: {  	_ =	shalt  }
0x79: {  	_ =	shalt  }
0x7a: {  	_ =	shalt  }
0x7b: {  	_ =	shalt  }
0x7c: {  	_ =	shalt  }
0x7d: {  	_ =	shalt  }
0x7e: {  	_ =	shalt  }
0x7f: {  	_ =	shalt  }
0x80: {  	_ =	shalt  }
0x81: {  	_ =	shalt  }
0x82: {  	_ =	shalt  }
0x83: {  	_ =	shalt  }
0x84: {  	_ =	shalt  }
0x85: {  	_ =	shalt  }
0x86: {  	_ =	shalt  }
0x87: {  	_ =	shalt  }
.Lfunc_end0:
.L_simem_size_0:
called_computation.2_lowered:
.L_overlay_start_0:
0x88: {  	s2 =	sld [smem:$0x3FD9]  }
0x89: {  	s3 =	sld [smem:$0x3FFE];
	_ =	sdelay $0x1  }
0x8a: {  	s1 =	srdreg.scid  }
0x8b: {  	s0 =	sand.u32 $0x1, s1  }
0x8c: {  	s17 =	sshll.u32 s0, $0xA;
	s2 =	sadd.s32 s3, s2  }
0x8d: {  	s2 =	sadd.s32 s2, s17  }
0x8e: {  	[smem:$0x3FC2] =	sst s2  }
0x8f: {  	_ = 	snop  }
0x90: {  	s2 =	sld [smem:$0x3FD0];
	(tm) =	ssettm $0x1  }
0x91: {  	s18 =	sld [smem:$0x3FFB];
	_ =	sdelay $0x3  }
0x92: {  	_ =	strace s18  }
0x93: {  	s3 =	sld [smem:$0x3FFC];
	_ =	sdelay $0x3  }
0x94: {  	_ =	strace s3  }
0x95: {  	s3 =	sld [smem:$0x3FFD];
	_ =	sdelay $0x3  }
0x96: {  	_ =	strace s3  }
0x97: {  	_ =	strace $0x8FFFFFFF  }
0x98: {  	s19 =	sld [smem:$0x3FDB];
	_ =	sdelay $0x1  }
0x99: {  	s4 =	simm.s32 $_scs_section_size  }
0x9a: {  	s5 =	simm.s32 $_size__tile_overlayer_lowered;
	s6 =	simm.s32 $_tile_overlayer_lowered  }
0x9b: {  	s22 =	simm.s32 $0x1BFF;
	s21 =	sshll.u32 s6, $0x1;
	s3 =	sadd.s32 s4, s19  }
0x9c: {  	s7 =	simm.s32 $0x0;
	s20 =	sshll.u32 s5, $0x1;
	s5 =	sadd.s32 s21, s3  }
0x9d: {  	[timem:s7], [sflag:s22] =	dma.local [hbm:s5], s20  }
0x9e: {  	_ =	swait.ge [sflag:s22], s20  }
0x9f: {  	s4 =	ssub.s32 $0x0, s20;
	[sflag:s22] =	ssyncset.done $0x0  }
0xa0: {  	[sflag:s22] =	ssyncadd.s32 s4;
	_ =	sdelay $0x1  }
0xa1: {  	s23 =	simm.s32 $0x1B8B  }
0xa2: {  	_ =	swait.ge [sflag:s23], $0x1  }
0xa3: {  	[sflag:s23] =	ssyncset.done $0x0  }
0xa4: {  	s25 =	simm.s32 $0x1B8E;
	s24 =	sld [smem:$0x3FFE];
	[sflag:s23] =	ssyncadd.s32 $0xFFFFFFFF  }
0xa5: {  	s26 =	simm.s32 $execute0_lowered;
	[smem:$0x3FD2] =	sst s25  }
0xa6: {  	s5 =	sshll.u32 s26, $0x1;
	_ =	strace $0x8000004C;
	[dreg:$0x1] =	wrdreg $0xFFFFFFFF  }
0xa7: {  	s28 =	simm.s32 $_size_execute0_lowered;
	s3 =	sadd.s32 s3, s5;
	[dreg:$0x0] =	wrdreg $0x0  }
0xa8: {  	s5 =	sshll.u32 s28, $0x1;
	[dreg:$0x2] =	wrdreg s3  }
0xa9: {  	[dreg:$0x3] =	wrdreg s5  }
0xaa: {  	[dreg:$0x4] =	wrdreg $0xC0  }
0xab: {  	_ =	task [dreg:s7], $0x5FFFF  }
0xac: {  	[dreg:$0x1] =	wrdreg $0xFFFFFFFF  }
0xad: {  	[dreg:$0x0] =	wrdreg $0x60  }
0xae: {  	[dreg:$0x2] =	wrdreg s24  }
0xaf: {  	[dreg:$0x3] =	wrdreg s2  }
0xb0: {  	[dreg:$0x4] =	wrdreg $0x80200  }
0xb1: {  	[dreg:$0x5] =	wrdreg $0x9  }
0xb2: {  	_ =	task.clear_ibuf [dreg:s7], $0x6FFFF;
	_ =	strace $0x9000004C  }
0xb3: {  	s29 =	simm.s32 $0x9;
	_ =	strace $0x8000004E  }
0xb4: {  	_ =	swait.ge [sflag:s29], $0x1  }
0xb5: {  	[sflag:s29] =	ssyncadd.s32 $0xFFFFFFFF  }
0xb6: {  	_ =	strace $0x9000004E  }
0xb7: {  	_ =	sfence  }
0xb8: {  	s30 =	sld [smem:$0x0];
	_ =	sdelay $0x2  }
0xb9: {  	s31 =	sshll.u32 s1, $0xD;
	s1 =	sshrl.u32 s1, $0x2  }
0xba: {  	s3 =	sand.u32 $0x4000, s31;
	s1 =	sadd.s32 s1, s30  }
0xbb: {  	s0 =	sor.u32 s3, s0;
	s1 =	sshll.u32 s1, $0x11  }
0xbc: {  	s0 =	sor.u32 s1, s0  }
0xbd: {  	s0 =	sadd.s32 $0x8F2B, s0  }
0xbe: {  	[sflag:s0] =	ssyncadd.remote.s32 $0x1  }
0xbf: {  	_ =	sfence.sel $0xFFFF  }
0xc0: {  	[dreg:$0x0] =	wrdreg $0xFFFFFFFF;
	(pc) =	sbr.abs _section_cstart, $3  }
0xc1: {  	[dreg:$0x1] =	wrdreg $0xFFFFFFFF  }
0xc2: {  	_ =	task.clear_ibuf [dreg:s7], $0x2FFFF;
	_ =	strace $0x9FFFFFFF  }
0xc3: {  	(tm) =	ssettm $0x7FFFFFFF  }
tec
execute0_lowered:
.L_overlay_start_1:
0x0: {  	(tag) =	ssettag $0x1  }
0x1: {  	s0 =	srdreg.scid  }
0x2: {  	s8 =	stileid.u32;
	s1 =	rddreg [dreg:$0x0]  }
0x3: {  	s3 =	rddreg [dreg:$0x1];
	s17 =	simm.s32 $0x0;
	s28 =	simm.s32 $0xE  }
0x4: {  	s29 =	simm.s32 $0xF;
	s30 =	simm.s32 $0x50;
	s31 =	simm.s32 $0x5820  }
0x5: {  	s10 =	simm.s32 $0x3;
	s11 =	simm.s32 $0x0;
	s0 =	sand.u32 $0x1, s0  }
0x6: {  	s2 =	sshll.u32 s8, $0x1;
	s5 =	smul.u32 $0xA00, s8;
	[smem:$0x7FF] =	sst s17  }
0x7: {  	s8 =	smul.u32 $0x14000, s8;
	s17 =	simm.s32 $0x6C20;
	s4 =	sor.u32 s0, s2  }
0x8: {  	s2 =	rddreg [dreg:$0x2];
	s7 =	smul.u32 $0xA000, s0;
	_ =	strace $0x8000004D  }
0x9: {  	s0 =	ssub.s32 $0x2, s0;
	s6 =	smul.u32 $0x4E2, s4;
	s4 =	sadd.s32 $0xBE00, s1  }
0xa: {  	s18 =	sshrl.u32 s0, $0x1;
	s8 =	sshrl.u32 s8, $0x2;
	s5 =	sadd.s32 s5, s7  }
0xb: {  	s0 =	ssub.s32 s0, s18;
	s9 =	sadd.s32 s6, s1;
	s3 =	sadd.s32 s3, s6  }
0xc: {  	s1 =	sadd.s32 s5, s1;
	s0 =	smax.u32 s0, $0x1;
	[dreg:$0x5] =	wrdreg s3  }
0xd: {  	s5 =	sadd.s32 s8, s2;
	s19 =	sadd.s32 $0x2000, s9;
	[dreg:$0xe] =	wrdreg s0  }
0xe: {  	s18 =	simm.s32 $0x4E20;
	s20 =	sadd.s32 $0xA00, s5;
	[dreg:$0x4] =	wrdreg s19  }
0xf: {  	s7 =	simm.s32 $0x4;
	s21 =	sadd.s32 $0x1400, s5;
	[dreg:$0x6] =	wrdreg s20  }
0x10: {  	s6 =	simm.s32 $0x2;
	s22 =	sadd.s32 $0x1E00, s5;
	[dreg:$0x7] =	wrdreg s21  }
0x11: {  	s8 =	simm.s32 $0x5;
	s23 =	sadd.s32 $0x2800, s5;
	[dreg:$0x8] =	wrdreg s22  }
0x12: {  	s24 =	sadd.s32 $0x3200, s5;
	s25 =	sadd.s32 $0x3C00, s5;
	[dreg:$0x9] =	wrdreg s23  }
0x13: {  	s26 =	sadd.s32 $0x4600, s5;
	s1 =	sadd.s32 $0x15E00, s1;
	[dreg:$0xa] =	wrdreg s24  }
.Ltmp0:
0x14: {  	s0 =	simm.s32 $0x6220;
	[dreg:$0xb] =	wrdreg s25;
	(pc) =	sbr.rel .LBB2_1-.Ltmp0, $4  }
0x15: {  	s3 =	simm.s32 $0x7620;
	s9 =	simm.s32 $0x10;
	[dreg:$0xc] =	wrdreg s26  }
0x16: {  	[dreg:$0xd] =	wrdreg s1;
	s20 =	simm.s32 $0x7;
	s21 =	simm.s32 $0x8  }
0x17: {  	s22 =	simm.s32 $0x9;
	s23 =	simm.s32 $0xA;
	s24 =	simm.s32 $0xB  }
0x18: {  	v0 =	vimm.f32 $0.0e+00;
	s25 =	simm.s32 $0xC;
	s26 =	simm.s32 $0xD;
	s1 =	simm.s32 $0x1  }
.LBB2_6:
0x19: {  	_ =	swait.ge [sflag:s8], $0xA00  }
0x1a: {  	[sflag:s8] =	ssyncset.done $0x0  }
0x1b: {  	[sflag:s8] =	ssyncadd.s32 $0xFFFFF600  }
0x1c: {  	[spmem:s2] =	stream.indirect.scatter.add.f32 [tilespmem:s3], [sflag:$0xE], $0x20, s14, s30, $0xb8;
	[tilespmem:$0xD020] =	vst v63  }
0x1d: {  	_ =	swait.ge [sflag:s29], $0xA00  }
0x1e: {  	[sflag:s29] =	ssyncset.done $0x0  }
0x1f: {  	[sflag:s29] =	ssyncadd.s32 $0xFFFFF600  }
0x20: {  	_ =	swait.ge [sflag:s28], $0xA00  }
0x21: {  	[sflag:s28] =	ssyncset.done $0x0  }
0x22: {  	s12 =	stileid.u32;
	[sflag:s28] =	ssyncadd.s32 $0xFFFFF600  }
0x23: {  	s12 =	sshll.u32 s12, $0x6;
	[bflag:$0x0] =	sbarrier.arrive $0xFFFF  }
0x24: {  	s13 =	sshrl.u32 s5, $0x3;
	s12 =	sor.u32 $0x1C10, s12;
	s16 =	rddreg [dreg:$0xd]  }
0x25: {  	[hbm:s16], [sflag:s12] =	dma.local [spmem:s13], $0xA00  }
0x26: {  	_ =	swait.ge [sflag:s9], $0xA00  }
0x27: {  	s11 =	sadd.s32 $0x1, s11;
	s19 =	rddreg [dreg:$0xe]  }
0x28: {  	p0 =	sne.s32 s11, s19  }
.Ltmp1:
0x29: {  	_ = 	snop;
	(pc) =	sbr.rel @!p0 .LBB2_7-.Ltmp1, $3  }
0x2a: {  	_ =	sdelay $0x1  }
0x2b: {  	[sflag:s9] =	ssyncset.done $0x0  }
0x2c: {  	[sflag:s9] =	ssyncadd.s32 $0xFFFFF600  }
.LBB2_1:
0x2d: {  	s12 =	simm.s32 $0x0;
	s13 =	rddreg [dreg:$0x4]  }
0x2e: {  	[tilespmem:s12], [sflag:$0x6] =	stream.linear.gather [hbm4b:s13+s12], $0x2710, $0x38;
	[tilespmem:$0xD020] =	vst v63  }
0x2f: {  	s19 =	rddreg [dreg:$0x5];
	s14 =	simm.s32 $0x2710  }
0x30: {  	[tilespmem:s14], [sflag:$0x7] =	stream.linear.gather [hbm4b:s19+s12], $0x2710, $0x38;
	[tilespmem:$0xD020] =	vst v63  }
0x31: {  	s13 =	simm.s32 $0x0;
	s12 =	simm.s32 $0x80  }
.LBB2_2:
0x32: {  	p0 =	sne.s32 s12, $0x2780;
	[tilespmem:s13+$0x4E20] =	vst v0;
	s14 =	smov.u32 s12;
	s12 =	sadd.s32 $0x80, s12  }
.Ltmp2:
0x33: {  	[tilespmem:s13+$0x4E30] =	vst v0;
	(pc) =	sbr.rel @p0 .LBB2_2-.Ltmp2, $2  }
0x34: {  	_ =	sdelay $0x2  }
0x35: {  	s13 =	sshra.s32 s14, $0x2  }
0x36: {  	[tilespmem:s13+$0x4E20] =	vst v0  }
0x37: {  	[tilespmem:s13+$0x4E30] =	vst v0  }
0x38: {  	[spmem:s5] =	stream.linear.scatter [tilespmem:s18], [sflag:$0x8], $0xA00, $0x38;
	[tilespmem:$0xD020] =	vst v63  }
0x39: {  	s12 =	rddreg [dreg:$0x6]  }
0x3a: {  	[spmem:s12] =	stream.linear.scatter [tilespmem:s18], [sflag:$0x9], $0xA00, $0x38;
	[tilespmem:$0xD020] =	vst v63  }
0x3b: {  	s15 =	rddreg [dreg:$0x7]  }
0x3c: {  	[spmem:s15] =	stream.linear.scatter [tilespmem:s18], [sflag:$0xA], $0xA00, $0x38;
	[tilespmem:$0xD020] =	vst v63  }
0x3d: {  	s16 =	rddreg [dreg:$0x8]  }
0x3e: {  	[spmem:s16] =	stream.linear.scatter [tilespmem:s18], [sflag:$0xB], $0xA00, $0x38;
	[tilespmem:$0xD020] =	vst v63  }
0x3f: {  	s19 =	rddreg [dreg:$0x9]  }
0x40: {  	[spmem:s19] =	stream.linear.scatter [tilespmem:s18], [sflag:$0xC], $0xA00, $0x38;
	[tilespmem:$0xD020] =	vst v63  }
0x41: {  	s13 =	rddreg [dreg:$0xa]  }
0x42: {  	[spmem:s13] =	stream.linear.scatter [tilespmem:s18], [sflag:$0xD], $0xA00, $0x38;
	[tilespmem:$0xD020] =	vst v63  }
0x43: {  	s14 =	rddreg [dreg:$0xb]  }
0x44: {  	[spmem:s14] =	stream.linear.scatter [tilespmem:s18], [sflag:$0xE], $0xA00, $0x38;
	[tilespmem:$0xD020] =	vst v63  }
0x45: {  	s15 =	rddreg [dreg:$0xc];
	s16 =	simm.s32 $0x6  }
0x46: {  	[spmem:s15] =	stream.linear.scatter [tilespmem:s18], [sflag:$0xF], $0xA00, $0x38;
	[tilespmem:$0xD020] =	vst v63  }
0x47: {  	_ =	swait.ge [sflag:s16], $0x2710  }
0x48: {  	[sflag:s16] =	ssyncset.done $0x0  }
0x49: {  	[sflag:s16] =	ssyncadd.s32 $0xFFFFD8F0  }
0x4a: {  	_ =	swait.ge [sflag:s20], $0x2710  }
0x4b: {  	[sflag:s20] =	ssyncset.done $0x0  }
0x4c: {  	[sflag:s20] =	ssyncadd.s32 $0xFFFFD8F0  }
0x4d: {  	_ =	swait.ge [sflag:s21], $0xA00  }
0x4e: {  	[sflag:s21] =	ssyncset.done $0x0  }
0x4f: {  	[sflag:s21] =	ssyncadd.s32 $0xFFFFF600  }
0x50: {  	_ =	swait.ge [sflag:s22], $0xA00  }
0x51: {  	[sflag:s22] =	ssyncset.done $0x0  }
0x52: {  	[sflag:s22] =	ssyncadd.s32 $0xFFFFF600  }
0x53: {  	_ =	swait.ge [sflag:s23], $0xA00  }
0x54: {  	[sflag:s23] =	ssyncset.done $0x0  }
0x55: {  	[sflag:s23] =	ssyncadd.s32 $0xFFFFF600  }
0x56: {  	_ =	swait.ge [sflag:s24], $0xA00  }
0x57: {  	[sflag:s24] =	ssyncset.done $0x0  }
0x58: {  	[sflag:s24] =	ssyncadd.s32 $0xFFFFF600  }
0x59: {  	_ =	swait.ge [sflag:s25], $0xA00  }
0x5a: {  	[sflag:s25] =	ssyncset.done $0x0  }
0x5b: {  	[sflag:s25] =	ssyncadd.s32 $0xFFFFF600  }
0x5c: {  	_ =	swait.ge [sflag:s26], $0xA00  }
0x5d: {  	[sflag:s26] =	ssyncset.done $0x0  }
0x5e: {  	[sflag:s26] =	ssyncadd.s32 $0xFFFFF600  }
0x5f: {  	_ =	swait.ge [sflag:s28], $0xA00  }
0x60: {  	[sflag:s28] =	ssyncset.done $0x0  }
0x61: {  	[sflag:s28] =	ssyncadd.s32 $0xFFFFF600  }
0x62: {  	_ =	swait.ge [sflag:s29], $0xA00  }
0x63: {  	[sflag:s29] =	ssyncset.done $0x0  }
0x64: {  	[sflag:s29] =	ssyncadd.s32 $0xFFFFF600  }
0x65: {  	s12 =	simm.s32 $0x0;
	[bflag:$0x0] =	sbarrier.arrive $0xFFFF  }
0x66: {  	[tilespmem:s18], [sflag:$0x1] =	stream.indirect.gather [hbm4b:s4+s30], $0x20, s12, s30, $0xb8;
	[tilespmem:$0xD020] =	vst v63  }
0x67: {  	_ = 	snop  }
0x68: {  	[tilespmem:s31], [sflag:$0x2] =	stream.indirect.gather [hbm4b:s4+s30], $0x20, s30, s30, $0xb8;
	[tilespmem:$0xD020] =	vst v63  }
0x69: {  	s19 =	simm.s32 $0xA0  }
0x6a: {  	[tilespmem:s0], [sflag:$0x3] =	stream.indirect.gather [hbm4b:s4+s30], $0x20, s19, s30, $0xb8;
	[tilespmem:$0xD020] =	vst v63  }
.LBB2_4:
0x6b: {  	p0 =	seq.s32 s12, $0x0  }
0x6c: {  	s14 =	simm.s32 @!p0 $0xE  }
0x6d: {  	_ =	swait.ge @!p0 [sflag:s14], $0xA00  }
0x6e: {  	s13 =	sshra.s32 s12, $0x2;
	[sflag:s14] =	ssyncset.done @!p0 $0x0  }
0x6f: {  	s16 =	sadd.s32 $0xF0, s13;
	[sflag:s14] =	ssyncadd.s32 @!p0 $0xFFFFF600  }
0x70: {  	[tilespmem:s17], [sflag:$0x4] =	stream.indirect.gather [hbm4b:s4+s30], $0x20, s16, s30, $0xb8;
	[tilespmem:$0xD020] =	vst v63  }
0x71: {  	_ =	swait.ge [sflag:s1], $0xA00  }
0x72: {  	[sflag:s1] =	ssyncset.done $0x0  }
0x73: {  	s19 =	sadd.s32 $0x2710, s13;
	s14 =	simm.s32 @!p0 $0xF;
	[sflag:s1] =	ssyncadd.s32 $0xFFFFF600  }
0x74: {  	[spmem:s2] =	stream.indirect.scatter.add.f32 [tilespmem:s18], [sflag:$0xE], $0x20, s19, s30, $0xb8;
	[tilespmem:$0xD020] =	vst v63  }
0x75: {  	_ =	swait.ge @!p0 [sflag:s14], $0xA00  }
0x76: {  	[sflag:s14] =	ssyncset.done @!p0 $0x0  }
0x77: {  	s15 =	sadd.s32 $0x140, s13;
	[sflag:s14] =	ssyncadd.s32 @!p0 $0xFFFFF600  }
0x78: {  	[tilespmem:s3], [sflag:$0x5] =	stream.indirect.gather [hbm4b:s4+s30], $0x20, s15, s30, $0xb8;
	[tilespmem:$0xD020] =	vst v63  }
0x79: {  	_ =	swait.ge [sflag:s6], $0xA00  }
0x7a: {  	[sflag:s6] =	ssyncset.done $0x0  }
0x7b: {  	s16 =	sadd.s32 $0x2760, s13;
	[sflag:s6] =	ssyncadd.s32 $0xFFFFF600  }
0x7c: {  	[spmem:s2] =	stream.indirect.scatter.add.f32 [tilespmem:s31], [sflag:$0xF], $0x20, s16, s30, $0xb8;
	[tilespmem:$0xD020] =	vst v63  }
0x7d: {  	_ =	swait.ge [sflag:s28], $0xA00  }
0x7e: {  	p0 =	seq.s32 s12, $0x9600;
	[sflag:s28] =	ssyncset.done $0x0  }
0x7f: {  	s14 =	simm.s32 @p0 $0x3;
	[sflag:s28] =	ssyncadd.s32 $0xFFFFF600  }
0x80: {  	_ =	swait.ge @p0 [sflag:s14], $0xA00  }
0x81: {  	[sflag:s14] =	ssyncset.done @p0 $0x0  }
0x82: {  	[sflag:s14] =	ssyncadd.s32 @p0 $0xFFFFF600;
	s14 =	sshra.s32 @p0 s12, $0x2  }
0x83: {  	s15 =	simm.s32 @p0 $0x50;
	s16 =	simm.s32 @p0 $0x6220;
	s14 =	sadd.s32 @p0 $0x27B0, s14  }
0x84: {  	[spmem:s2] =	stream.indirect.scatter.add.f32 @p0 [tilespmem:s16], [sflag:$0xE], $0x20, s14, s15, $0xb8;
	[tilespmem:$0xD020] =	vst v63  }
0x85: {  	s14 =	simm.s32 @p0 $0xF  }
0x86: {  	_ =	swait.ge @p0 [sflag:s14], $0xA00  }
0x87: {  	[sflag:s14] =	ssyncset.done @p0 $0x0  }
0x88: {  	[sflag:s14] =	ssyncadd.s32 @p0 $0xFFFFF600;
	s14 =	sshra.s32 @!p0 s12, $0x2  }
0x89: {  	s19 =	simm.s32 @!p0 $0x4E20;
	s16 =	simm.s32 @!p0 $0x50;
	s15 =	sadd.s32 @!p0 $0x190, s14  }
0x8a: {  	[tilespmem:s19], [sflag:$0x1] =	stream.indirect.gather @!p0 [hbm4b:s4+s16], $0x20, s15, s16, $0xb8;
	[tilespmem:$0xD020] =	vst v63  }
0x8b: {  	s15 =	simm.s32 @!p0 $0x3  }
0x8c: {  	_ =	swait.ge @!p0 [sflag:s15], $0xA00  }
0x8d: {  	[sflag:s15] =	ssyncset.done @!p0 $0x0  }
0x8e: {  	s19 =	simm.s32 @!p0 $0x6220;
	[sflag:s15] =	ssyncadd.s32 @!p0 $0xFFFFF600;
	s15 =	sadd.s32 @!p0 $0x27B0, s14  }
0x8f: {  	[spmem:s2] =	stream.indirect.scatter.add.f32 @!p0 [tilespmem:s19], [sflag:$0xE], $0x20, s15, s16, $0xb8;
	[tilespmem:$0xD020] =	vst v63  }
0x90: {  	s15 =	simm.s32 @!p0 $0xF  }
0x91: {  	_ =	swait.ge @!p0 [sflag:s15], $0xA00  }
0x92: {  	[sflag:s15] =	ssyncset.done @!p0 $0x0  }
0x93: {  	s14 =	sadd.s32 @!p0 $0x1E0, s14;
	[sflag:s15] =	ssyncadd.s32 @!p0 $0xFFFFF600;
	s15 =	simm.s32 @!p0 $0x5820  }
0x94: {  	[tilespmem:s15], [sflag:$0x2] =	stream.indirect.gather @!p0 [hbm4b:s4+s16], $0x20, s14, s16, $0xb8;
	[tilespmem:$0xD020] =	vst v63  }
0x95: {  	_ =	swait.ge [sflag:s7], $0xA00  }
0x96: {  	[sflag:s7] =	ssyncset.done $0x0  }
.Ltmp3:
0x97: {  	s19 =	sadd.s32 $0x2800, s13;
	[sflag:s7] =	ssyncadd.s32 $0xFFFFF600;
	(pc) =	sbr.rel @p0 .LBB2_6-.Ltmp3, $4  }
0x98: {  	[spmem:s2] =	stream.indirect.scatter.add.f32 [tilespmem:s17], [sflag:$0xF], $0x20, s19, s30, $0xb8;
	[tilespmem:$0xD020] =	vst v63  }
0x99: {  	_ =	swait.ge [sflag:s28], $0xA00  }
0x9a: {  	[sflag:s28] =	ssyncset.done $0x0  }
0x9b: {  	s14 =	sadd.s32 $0x2850, s13;
	[sflag:s28] =	ssyncadd.s32 $0xFFFFF600  }
0x9c: {  	s15 =	sadd.s32 $0x230, s13  }
0x9d: {  	[tilespmem:s0], [sflag:$0x3] =	stream.indirect.gather [hbm4b:s4+s30], $0x20, s15, s30, $0xb8;
	[tilespmem:$0xD020] =	vst v63  }
0x9e: {  	_ =	swait.ge [sflag:s8], $0xA00  }
0x9f: {  	[sflag:s8] =	ssyncset.done $0x0  }
0xa0: {  	[sflag:s8] =	ssyncadd.s32 $0xFFFFF600  }
0xa1: {  	[spmem:s2] =	stream.indirect.scatter.add.f32 [tilespmem:s3], [sflag:$0xE], $0x20, s14, s30, $0xb8;
	[tilespmem:$0xD020] =	vst v63  }
0xa2: {  	_ =	swait.ge [sflag:s29], $0xA00  }
0xa3: {  	[sflag:s29] =	ssyncset.done $0x0  }
0xa4: {  	s19 =	sadd.s32 $0x280, s13;
	[sflag:s29] =	ssyncadd.s32 $0xFFFFF600  }
0xa5: {  	[tilespmem:s17], [sflag:$0x4] =	stream.indirect.gather [hbm4b:s4+s30], $0x20, s19, s30, $0xb8;
	[tilespmem:$0xD020] =	vst v63  }
0xa6: {  	_ =	swait.ge [sflag:s1], $0xA00  }
0xa7: {  	[sflag:s1] =	ssyncset.done $0x0  }
0xa8: {  	s15 =	sadd.s32 $0x28A0, s13;
	[sflag:s1] =	ssyncadd.s32 $0xFFFFF600  }
0xa9: {  	[spmem:s2] =	stream.indirect.scatter.add.f32 [tilespmem:s18], [sflag:$0xF], $0x20, s15, s30, $0xb8;
	[tilespmem:$0xD020] =	vst v63  }
0xaa: {  	_ =	swait.ge [sflag:s28], $0xA00  }
0xab: {  	[sflag:s28] =	ssyncset.done $0x0  }
0xac: {  	s16 =	sadd.s32 $0x2D0, s13;
	[sflag:s28] =	ssyncadd.s32 $0xFFFFF600  }
0xad: {  	[tilespmem:s3], [sflag:$0x5] =	stream.indirect.gather [hbm4b:s4+s30], $0x20, s16, s30, $0xb8;
	[tilespmem:$0xD020] =	vst v63  }
0xae: {  	_ =	swait.ge [sflag:s6], $0xA00  }
0xaf: {  	[sflag:s6] =	ssyncset.done $0x0  }
0xb0: {  	s19 =	sadd.s32 $0x28F0, s13;
	[sflag:s6] =	ssyncadd.s32 $0xFFFFF600  }
0xb1: {  	[spmem:s2] =	stream.indirect.scatter.add.f32 [tilespmem:s31], [sflag:$0xE], $0x20, s19, s30, $0xb8;
	[tilespmem:$0xD020] =	vst v63  }
0xb2: {  	_ =	swait.ge [sflag:s29], $0xA00  }
0xb3: {  	[sflag:s29] =	ssyncset.done $0x0  }
0xb4: {  	s15 =	sadd.s32 $0x320, s13;
	[sflag:s29] =	ssyncadd.s32 $0xFFFFF600  }
0xb5: {  	[tilespmem:s18], [sflag:$0x1] =	stream.indirect.gather [hbm4b:s4+s30], $0x20, s15, s30, $0xb8;
	[tilespmem:$0xD020] =	vst v63  }
0xb6: {  	_ =	swait.ge [sflag:s10], $0xA00  }
0xb7: {  	[sflag:s10] =	ssyncset.done $0x0  }
0xb8: {  	s16 =	sadd.s32 $0x2940, s13;
	[sflag:s10] =	ssyncadd.s32 $0xFFFFF600  }
0xb9: {  	[spmem:s2] =	stream.indirect.scatter.add.f32 [tilespmem:s0], [sflag:$0xF], $0x20, s16, s30, $0xb8;
	[tilespmem:$0xD020] =	vst v63  }
0xba: {  	_ =	swait.ge [sflag:s28], $0xA00  }
0xbb: {  	[sflag:s28] =	ssyncset.done $0x0  }
0xbc: {  	s19 =	sadd.s32 $0x370, s13;
	[sflag:s28] =	ssyncadd.s32 $0xFFFFF600  }
0xbd: {  	[tilespmem:s31], [sflag:$0x2] =	stream.indirect.gather [hbm4b:s4+s30], $0x20, s19, s30, $0xb8;
	[tilespmem:$0xD020] =	vst v63  }
0xbe: {  	_ =	swait.ge [sflag:s7], $0xA00  }
0xbf: {  	[sflag:s7] =	ssyncset.done $0x0  }
0xc0: {  	s15 =	sadd.s32 $0x2990, s13;
	[sflag:s7] =	ssyncadd.s32 $0xFFFFF600  }
0xc1: {  	[spmem:s2] =	stream.indirect.scatter.add.f32 [tilespmem:s17], [sflag:$0xE], $0x20, s15, s30, $0xb8;
	[tilespmem:$0xD020] =	vst v63  }
0xc2: {  	_ =	swait.ge [sflag:s29], $0xA00  }
0xc3: {  	[sflag:s29] =	ssyncset.done $0x0  }
0xc4: {  	s16 =	sadd.s32 $0x3C0, s13;
	[sflag:s29] =	ssyncadd.s32 $0xFFFFF600  }
0xc5: {  	[tilespmem:s0], [sflag:$0x3] =	stream.indirect.gather [hbm4b:s4+s30], $0x20, s16, s30, $0xb8;
	[tilespmem:$0xD020] =	vst v63  }
.Ltmp4:
0xc6: {  	_ = 	snop;
	(pc) =	sbr.rel .LBB2_4-.Ltmp4, $4  }
0xc7: {  	_ =	swait.ge [sflag:s8], $0xA00  }
0xc8: {  	[sflag:s8] =	ssyncset.done $0x0  }
0xc9: {  	s12 =	sadd.s32 $0xC80, s12;
	s19 =	sadd.s32 $0x29E0, s13;
	[sflag:s8] =	ssyncadd.s32 $0xFFFFF600  }
0xca: {  	[spmem:s2] =	stream.indirect.scatter.add.f32 [tilespmem:s3], [sflag:$0xF], $0x20, s19, s30, $0xb8;
	[tilespmem:$0xD020] =	vst v63  }
.LBB2_7:
0xcb: {  	_ =	sfence.sel $0x180000  }
0xcc: {  	[bflag:$0x0] =	sbarrier.arrive $0xFFFF  }
0xcd: {  	_ =	strace $0x9000004D  }
0xce: {  	s0 =	stileid.u32;
	[bflag:$0x2] =	sbarrier.arrive $0xFFFF  }
0xcf: {  	p0 =	sne.s32 s0, $0x0;
	s0 =	rddreg [dreg:$0x3]  }
0xd0: {  	s0 =	sadd.s32 @!p0 $0x100000, s0  }
0xd1: {  	[sflag:s0] =	ssyncadd.tile.s32 @!p0 $0x1;
	_ =	shalt  }
.Lfunc_end2:
_tile_overlayer_lowered:
.L_overlay_start_2:
0xd2: {  	(tag) =	ssettag $0x2  }
0xd3: {  	s0 =	rddreg [dreg:$0x0];
	s2 =	stileid.u32  }
0xd4: {  	s1 =	rddreg [dreg:$0x1];
	p0 =	sne.s32 s2, $0x0  }
0xd5: {  	s3 =	rddreg [dreg:$0x2];
	[bflag:$0x3] =	sbarrier.arrive $0xFFFF;
	s2 =	simm.s32 @!p0 $0x1C10  }
0xd6: {  	[timem:s3], [sflag:s2] =	dma.local @!p0 [hbm:s0], s1  }
0xd7: {  	s0 =	simm.s32 @!p0 $0x10  }
0xd8: {  	_ =	swait.ge @!p0 [sflag:s0], s1  }
0xd9: {  	s1 =	ssub.s32 @!p0 $0x0, s1;
	[sflag:s0] =	ssyncset.done @!p0 $0x0  }
0xda: {  	[sflag:s0] =	ssyncadd.s32 @!p0 s1  }
0xdb: {  	[bflag:$0x3] =	sbarrier.arrive $0xFFFF  }
0xdc: {  	_ =	shalt  }

// kernel: kernel.20.cloned.1.call-start
scs
__scs_entry_jumppad:
0x0: {  	(pc) =	sbr.rel $0x88, $3  }
0x1: {  	(tag) =	ssettag $0x0;
	lr =	simm.s32 $0x1  }
0x2: {  	[smem:$0x3F9B] =	sst lr;
	_ =	strace $0xD0000000  }
0x3: {  	_ = 	snop  }
0x4: {  	_ = 	snop  }
0x5: {  	_ = 	snop  }
0x6: {  	_ = 	snop  }
0x7: {  	_ = 	snop  }
__scs_overlays_trampoline_lowered:
0x8: {  	[smem:$0x3FAA] =	sst s0  }
0x9: {  	[smem:$0x3FAB] =	sst s1  }
0xa: {  	[smem:$0x3FAC] =	sst s2  }
0xb: {  	[smem:$0x3FAD] =	sst s3  }
0xc: {  	[smem:$0x3FAE] =	sst s4  }
0xd: {  	[smem:$0x3FAF] =	sst s5  }
0xe: {  	[smem:$0x3FB0] =	sst s6  }
0xf: {  	[smem:$0x3FB1] =	sst s7  }
0x10: {  	[smem:$0x3FB2] =	sst s8  }
0x11: {  	[smem:$0x3FB3] =	sst s9;
	s0 =	simm.s32 @!p0 $0x0  }
0x12: {  	s1 =	sld [smem:$0x3F99];
	s0 =	simm.s32 @p0 $0x1  }
0x13: {  	[smem:$0x3FB4] =	sst s0;
	s0 =	simm.s32 @!p1 $0x0  }
0x14: {  	s2 =	sld [smem:$0x3F98];
	s0 =	simm.s32 @p1 $0x1  }
0x15: {  	[smem:$0x3FB5] =	sst s0;
	s0 =	simm.s32 @!p2 $0x0  }
0x16: {  	s3 =	sld [smem:$0x3FDB];
	s0 =	simm.s32 @p2 $0x1  }
0x17: {  	s4 =	simm.s32 $0x1BF5;
	[smem:$0x3FB7] =	sst s0  }
0x18: {  	s0 =	sld [smem:$0x3F9A];
	_ =	swait.ge [sflag:s4], $0x0  }
0x19: {  	s7 =	sld [smem:$0x3F9B]  }
0x1a: {  	s8 =	sadd.s32 $0xFFFFE003, lr  }
0x1b: {  	s9 =	sadd.s32 $0xFFFFFEF7, lr;
	s5 =	simm.s32 $0xFFFFFFFF;
	p2 =	slt.u32 s8, $0xFFFFF086  }
0x1c: {  	p1 =	slt.u32 s9, $0xF7A;
	s5 =	simm.s32 @!p2 $0x0  }
0x1d: {  	s5 =	simm.s32 @p1 $0x1;
	p0 =	seq.s32 s7, s2  }
0x1e: {  	s7 =	smul.u32 @!p0 $0xF7A, s2;
	p2 =	seq.s32 @!p0 s5, $0x0  }
0x1f: {  	s9 =	smul.u32 $0xF7A, s1;
	s8 =	simm.s32 @!p0 $0x1BF5;
	p2 =	por !p2, p0  }
0x20: {  	[sflag:s8] =	ssyncset.s32 @!p0 $0xFFFFF086;
	s6 =	sadd.s32 @!p0 s3, s7;
	s7 =	simm.s32 @!p0 $0x108  }
0x21: {  	s3 =	sadd.s32 s3, s9;
	s6 =	sadd.s32 @!p0 $0x88, s6;
	s7 =	simm.s32 @p2 $0x1082  }
0x22: {  	[simem:s7], [sflag:s8] =	dma.local @!p0 [hbm:s6], $0xF7A  }
0x23: {  	s9 =	sor.u32 $0xD0000000, s2;
	s6 =	simm.s32 $0x108;
	_ =	swait.ge @!p0 [sflag:s8], $0x0  }
0x24: {  	s3 =	sadd.s32 $0x88, s3;
	s6 =	simm.s32 @!p1 $0x1082;
	[sflag:s4] =	ssyncset.s32 $0xFFFFF086  }
0x25: {  	[simem:s6], [sflag:s4] =	dma.local [hbm:s3], $0xF7A  }
0x26: {  	[smem:$0x3F9B] =	sst s1;
	(tag) =	ssettag s2;
	_ =	strace s9  }
0x27: {  	s1 =	sld [smem:$0x3FAB]  }
0x28: {  	s2 =	sld [smem:$0x3FAC]  }
0x29: {  	s4 =	sld [smem:$0x3FAE]  }
0x2a: {  	p0 =	seq.s32 s5, $0x0;
	s5 =	sld [smem:$0x3FAF]  }
0x2b: {  	s6 =	sld [smem:$0x3FB0]  }
0x2c: {  	s7 =	sld [smem:$0x3FB1]  }
0x2d: {  	s3 =	simm.s32 $0x108;
	s8 =	sld [smem:$0x3FB2]  }
0x2e: {  	s3 =	simm.s32 @!p0 $0x1082;
	s9 =	sld [smem:$0x3FB3]  }
0x2f: {  	lr =	sadd.s32 s0, s3;
	s0 =	sld [smem:$0x3FAA]  }
0x30: {  	s3 =	sld [smem:$0x3FAD]  }
0x31: {  	[smem:$0x3FB6] =	sst s10  }
0x32: {  	s10 =	sld [smem:$0x3FB4];
	_ =	sdelay $0x3  }
0x33: {  	p0 =	seq.s32 s10, $0x1;
	s10 =	sld [smem:$0x3FB6];
	_ =	sdelay $0x3  }
0x34: {  	[smem:$0x3FB6] =	sst s10  }
0x35: {  	s10 =	sld [smem:$0x3FB5];
	_ =	sdelay $0x3  }
0x36: {  	p1 =	seq.s32 s10, $0x1;
	s10 =	sld [smem:$0x3FB6];
	_ =	sdelay $0x3  }
0x37: {  	[smem:$0x3FB6] =	sst s10  }
0x38: {  	s10 =	sld [smem:$0x3FB7]  }
0x39: {  	_ = 	snop;
	(pc) =	sbr.ind lr, $3  }
0x3a: {  	_ = 	snop  }
0x3b: {  	_ = 	snop  }
0x3c: {  	p2 =	seq.s32 s10, $0x1;
	s10 =	sld [smem:$0x3FB6]  }
0x3d: {  	_ =	shalt  }
0x3e: {  	_ =	shalt  }
0x3f: {  	_ =	shalt  }
0x40: {  	_ =	shalt  }
0x41: {  	_ =	shalt  }
0x42: {  	_ =	shalt  }
0x43: {  	_ =	shalt  }
0x44: {  	_ =	shalt  }
0x45: {  	_ =	shalt  }
0x46: {  	_ =	shalt  }
0x47: {  	_ =	shalt  }
0x48: {  	_ =	shalt  }
0x49: {  	_ =	shalt  }
0x4a: {  	_ =	shalt  }
0x4b: {  	_ =	shalt  }
0x4c: {  	_ =	shalt  }
0x4d: {  	_ =	shalt  }
0x4e: {  	_ =	shalt  }
0x4f: {  	_ =	shalt  }
0x50: {  	_ =	shalt  }
0x51: {  	_ =	shalt  }
0x52: {  	_ =	shalt  }
0x53: {  	_ =	shalt  }
0x54: {  	_ =	shalt  }
0x55: {  	_ =	shalt  }
0x56: {  	_ =	shalt  }
0x57: {  	_ =	shalt  }
0x58: {  	_ =	shalt  }
0x59: {  	_ =	shalt  }
0x5a: {  	_ =	shalt  }
0x5b: {  	_ =	shalt  }
0x5c: {  	_ =	shalt  }
0x5d: {  	_ =	shalt  }
0x5e: {  	_ =	shalt  }
0x5f: {  	_ =	shalt  }
0x60: {  	_ =	shalt  }
0x61: {  	_ =	shalt  }
0x62: {  	_ =	shalt  }
0x63: {  	_ =	shalt  }
0x64: {  	_ =	shalt  }
0x65: {  	_ =	shalt  }
0x66: {  	_ =	shalt  }
0x67: {  	_ =	shalt  }
0x68: {  	_ =	shalt  }
0x69: {  	_ =	shalt  }
0x6a: {  	_ =	shalt  }
0x6b: {  	_ =	shalt  }
0x6c: {  	_ =	shalt  }
0x6d: {  	_ =	shalt  }
0x6e: {  	_ =	shalt  }
0x6f: {  	_ =	shalt  }
0x70: {  	_ =	shalt  }
0x71: {  	_ =	shalt  }
0x72: {  	_ =	shalt  }
0x73: {  	_ =	shalt  }
0x74: {  	_ =	shalt  }
0x75: {  	_ =	shalt  }
0x76: {  	_ =	shalt  }
0x77: {  	_ =	shalt  }
0x78: {  	_ =	shalt  }
0x79: {  	_ =	shalt  }
0x7a: {  	_ =	shalt  }
0x7b: {  	_ =	shalt  }
0x7c: {  	_ =	shalt  }
0x7d: {  	_ =	shalt  }
0x7e: {  	_ =	shalt  }
0x7f: {  	_ =	shalt  }
0x80: {  	_ =	shalt  }
0x81: {  	_ =	shalt  }
0x82: {  	_ =	shalt  }
0x83: {  	_ =	shalt  }
0x84: {  	_ =	shalt  }
0x85: {  	_ =	shalt  }
0x86: {  	_ =	shalt  }
0x87: {  	_ =	shalt  }
.Lfunc_end0:
.L_simem_size_0:
called_computation.3_lowered:
.L_overlay_start_0:
0x88: {  	s2 =	sld [smem:$0x3FD9]  }
0x89: {  	s3 =	sld [smem:$0x3FFE];
	_ =	sdelay $0x1  }
0x8a: {  	s1 =	srdreg.scid  }
0x8b: {  	s0 =	sand.u32 $0x1, s1  }
0x8c: {  	s17 =	sshll.u32 s0, $0xA;
	s2 =	sadd.s32 s3, s2  }
0x8d: {  	s2 =	sadd.s32 s2, s17  }
0x8e: {  	[smem:$0x3FC2] =	sst s2  }
0x8f: {  	_ = 	snop  }
0x90: {  	s2 =	sld [smem:$0x3FD0];
	(tm) =	ssettm $0x1  }
0x91: {  	s18 =	sld [smem:$0x3FFB];
	_ =	sdelay $0x3  }
0x92: {  	_ =	strace s18  }
0x93: {  	s3 =	sld [smem:$0x3FFC];
	_ =	sdelay $0x3  }
0x94: {  	_ =	strace s3  }
0x95: {  	s3 =	sld [smem:$0x3FFD];
	_ =	sdelay $0x3  }
0x96: {  	_ =	strace s3  }
0x97: {  	_ =	strace $0x8FFFFFFF  }
0x98: {  	s19 =	sld [smem:$0x3FDB];
	_ =	sdelay $0x1  }
0x99: {  	s4 =	simm.s32 $_scs_section_size  }
0x9a: {  	s5 =	simm.s32 $_size__tile_overlayer_lowered;
	s6 =	simm.s32 $_tile_overlayer_lowered  }
0x9b: {  	s22 =	simm.s32 $0x1BFF;
	s21 =	sshll.u32 s6, $0x1;
	s3 =	sadd.s32 s4, s19  }
0x9c: {  	s7 =	simm.s32 $0x0;
	s20 =	sshll.u32 s5, $0x1;
	s5 =	sadd.s32 s21, s3  }
0x9d: {  	[timem:s7], [sflag:s22] =	dma.local [hbm:s5], s20  }
0x9e: {  	_ =	swait.ge [sflag:s22], s20  }
0x9f: {  	s4 =	ssub.s32 $0x0, s20;
	[sflag:s22] =	ssyncset.done $0x0  }
0xa0: {  	[sflag:s22] =	ssyncadd.s32 s4;
	_ =	sdelay $0x1  }
0xa1: {  	s23 =	simm.s32 $0x1B8B  }
0xa2: {  	_ =	swait.ge [sflag:s23], $0x1  }
0xa3: {  	[sflag:s23] =	ssyncset.done $0x0  }
0xa4: {  	s25 =	simm.s32 $0x1B8E;
	s24 =	sld [smem:$0x3FFE];
	[sflag:s23] =	ssyncadd.s32 $0xFFFFFFFF  }
0xa5: {  	s26 =	simm.s32 $execute0_lowered;
	[smem:$0x3FD2] =	sst s25  }
0xa6: {  	s5 =	sshll.u32 s26, $0x1;
	_ =	strace $0x8000004F;
	[dreg:$0x1] =	wrdreg $0xFFFFFFFF  }
0xa7: {  	s28 =	simm.s32 $_size_execute0_lowered;
	s3 =	sadd.s32 s3, s5;
	[dreg:$0x0] =	wrdreg $0x0  }
0xa8: {  	s5 =	sshll.u32 s28, $0x1;
	[dreg:$0x2] =	wrdreg s3  }
0xa9: {  	[dreg:$0x3] =	wrdreg s5  }
0xaa: {  	[dreg:$0x4] =	wrdreg $0xC0  }
0xab: {  	_ =	task [dreg:s7], $0x5FFFF  }
0xac: {  	[dreg:$0x1] =	wrdreg $0xFFFFFFFF  }
0xad: {  	[dreg:$0x0] =	wrdreg $0x60  }
0xae: {  	[dreg:$0x2] =	wrdreg s24  }
0xaf: {  	[dreg:$0x3] =	wrdreg s2  }
0xb0: {  	[dreg:$0x4] =	wrdreg $0x80200  }
0xb1: {  	[dreg:$0x5] =	wrdreg $0x9  }
0xb2: {  	_ =	task.clear_ibuf [dreg:s7], $0x6FFFF;
	_ =	strace $0x9000004F  }
0xb3: {  	s29 =	simm.s32 $0x9;
	_ =	strace $0x80000051  }
0xb4: {  	_ =	swait.ge [sflag:s29], $0x1  }
0xb5: {  	[sflag:s29] =	ssyncadd.s32 $0xFFFFFFFF  }
0xb6: {  	_ =	strace $0x90000051  }
0xb7: {  	_ =	sfence  }
0xb8: {  	s30 =	sld [smem:$0x0];
	_ =	sdelay $0x2  }
0xb9: {  	s31 =	sshll.u32 s1, $0xD;
	s1 =	sshrl.u32 s1, $0x2  }
0xba: {  	s3 =	sand.u32 $0x4000, s31;
	s1 =	sadd.s32 s1, s30  }
0xbb: {  	s0 =	sor.u32 s3, s0;
	s1 =	sshll.u32 s1, $0x11  }
0xbc: {  	s0 =	sor.u32 s1, s0  }
0xbd: {  	s0 =	sadd.s32 $0x8F2B, s0  }
0xbe: {  	[sflag:s0] =	ssyncadd.remote.s32 $0x1  }
0xbf: {  	_ =	sfence.sel $0xFFFF  }
0xc0: {  	[dreg:$0x0] =	wrdreg $0xFFFFFFFF;
	(pc) =	sbr.abs _section_cstart, $3  }
0xc1: {  	[dreg:$0x1] =	wrdreg $0xFFFFFFFF  }
0xc2: {  	_ =	task.clear_ibuf [dreg:s7], $0x2FFFF;
	_ =	strace $0x9FFFFFFF  }
0xc3: {  	(tm) =	ssettm $0x7FFFFFFF  }
tec
execute0_lowered:
.L_overlay_start_1:
0x0: {  	(tag) =	ssettag $0x1  }
0x1: {  	s0 =	srdreg.scid  }
0x2: {  	s8 =	stileid.u32;
	s1 =	rddreg [dreg:$0x0]  }
0x3: {  	s3 =	rddreg [dreg:$0x1];
	s17 =	simm.s32 $0x0;
	s28 =	simm.s32 $0xE  }
0x4: {  	s29 =	simm.s32 $0xF;
	s30 =	simm.s32 $0x50;
	s31 =	simm.s32 $0x5820  }
0x5: {  	s10 =	simm.s32 $0x3;
	s11 =	simm.s32 $0x0;
	s0 =	sand.u32 $0x1, s0  }
0x6: {  	s2 =	sshll.u32 s8, $0x1;
	s5 =	smul.u32 $0xA00, s8;
	[smem:$0x7FF] =	sst s17  }
0x7: {  	s8 =	smul.u32 $0x14000, s8;
	s17 =	simm.s32 $0x6C20;
	s4 =	sor.u32 s0, s2  }
0x8: {  	s2 =	rddreg [dreg:$0x2];
	s7 =	smul.u32 $0xA000, s0;
	_ =	strace $0x80000050  }
0x9: {  	s0 =	ssub.s32 $0x2, s0;
	s6 =	smul.u32 $0x4E2, s4;
	s4 =	sadd.s32 $0xBE00, s1  }
0xa: {  	s18 =	sshrl.u32 s0, $0x1;
	s8 =	sshrl.u32 s8, $0x2;
	s5 =	sadd.s32 s5, s7  }
0xb: {  	s0 =	ssub.s32 s0, s18;
	s9 =	sadd.s32 s6, s1;
	s3 =	sadd.s32 s3, s6  }
0xc: {  	s1 =	sadd.s32 s5, s1;
	s0 =	smax.u32 s0, $0x1;
	[dreg:$0x4] =	wrdreg s3  }
0xd: {  	s5 =	sadd.s32 s8, s2;
	s19 =	sadd.s32 $0x2000, s9;
	[dreg:$0xe] =	wrdreg s0  }
0xe: {  	s18 =	simm.s32 $0x4E20;
	s20 =	sadd.s32 $0xA00, s5;
	[dreg:$0x5] =	wrdreg s19  }
0xf: {  	s7 =	simm.s32 $0x4;
	s21 =	sadd.s32 $0x1400, s5;
	[dreg:$0x6] =	wrdreg s20  }
0x10: {  	s6 =	simm.s32 $0x2;
	s22 =	sadd.s32 $0x1E00, s5;
	[dreg:$0x7] =	wrdreg s21  }
0x11: {  	s8 =	simm.s32 $0x5;
	s23 =	sadd.s32 $0x2800, s5;
	[dreg:$0x8] =	wrdreg s22  }
0x12: {  	s24 =	sadd.s32 $0x3200, s5;
	s25 =	sadd.s32 $0x3C00, s5;
	[dreg:$0x9] =	wrdreg s23  }
0x13: {  	s26 =	sadd.s32 $0x4600, s5;
	s1 =	sadd.s32 $0x15E00, s1;
	[dreg:$0xa] =	wrdreg s24  }
.Ltmp0:
0x14: {  	s0 =	simm.s32 $0x6220;
	[dreg:$0xb] =	wrdreg s25;
	(pc) =	sbr.rel .LBB2_1-.Ltmp0, $4  }
0x15: {  	s3 =	simm.s32 $0x7620;
	s9 =	simm.s32 $0x10;
	[dreg:$0xc] =	wrdreg s26  }
0x16: {  	[dreg:$0xd] =	wrdreg s1;
	s20 =	simm.s32 $0x7;
	s21 =	simm.s32 $0x8  }
0x17: {  	s22 =	simm.s32 $0x9;
	s23 =	simm.s32 $0xA;
	s24 =	simm.s32 $0xB  }
0x18: {  	v0 =	vimm.f32 $0.0e+00;
	s25 =	simm.s32 $0xC;
	s26 =	simm.s32 $0xD;
	s1 =	simm.s32 $0x1  }
.LBB2_6:
0x19: {  	_ =	swait.ge [sflag:s8], $0xA00  }
0x1a: {  	[sflag:s8] =	ssyncset.done $0x0  }
0x1b: {  	[sflag:s8] =	ssyncadd.s32 $0xFFFFF600  }
0x1c: {  	[spmem:s2] =	stream.indirect.scatter.add.f32 [tilespmem:s3], [sflag:$0xE], $0x20, s14, s30, $0xb8;
	[tilespmem:$0xD020] =	vst v63  }
0x1d: {  	_ =	swait.ge [sflag:s29], $0xA00  }
0x1e: {  	[sflag:s29] =	ssyncset.done $0x0  }
0x1f: {  	[sflag:s29] =	ssyncadd.s32 $0xFFFFF600  }
0x20: {  	_ =	swait.ge [sflag:s28], $0xA00  }
0x21: {  	[sflag:s28] =	ssyncset.done $0x0  }
0x22: {  	s12 =	stileid.u32;
	[sflag:s28] =	ssyncadd.s32 $0xFFFFF600  }
0x23: {  	s12 =	sshll.u32 s12, $0x6;
	[bflag:$0x0] =	sbarrier.arrive $0xFFFF  }
0x24: {  	s13 =	sshrl.u32 s5, $0x3;
	s12 =	sor.u32 $0x1C10, s12;
	s16 =	rddreg [dreg:$0xd]  }
0x25: {  	[hbm:s16], [sflag:s12] =	dma.local [spmem:s13], $0xA00  }
0x26: {  	_ =	swait.ge [sflag:s9], $0xA00  }
0x27: {  	s11 =	sadd.s32 $0x1, s11;
	s19 =	rddreg [dreg:$0xe]  }
0x28: {  	p0 =	sne.s32 s11, s19  }
.Ltmp1:
0x29: {  	_ = 	snop;
	(pc) =	sbr.rel @!p0 .LBB2_7-.Ltmp1, $3  }
0x2a: {  	_ =	sdelay $0x1  }
0x2b: {  	[sflag:s9] =	ssyncset.done $0x0  }
0x2c: {  	[sflag:s9] =	ssyncadd.s32 $0xFFFFF600  }
.LBB2_1:
0x2d: {  	s12 =	simm.s32 $0x0;
	s13 =	rddreg [dreg:$0x4]  }
0x2e: {  	[tilespmem:s12], [sflag:$0x6] =	stream.linear.gather [hbm4b:s13+s12], $0x2710, $0x38;
	[tilespmem:$0xD020] =	vst v63  }
0x2f: {  	s19 =	rddreg [dreg:$0x5];
	s14 =	simm.s32 $0x2710  }
0x30: {  	[tilespmem:s14], [sflag:$0x7] =	stream.linear.gather [hbm4b:s19+s12], $0x2710, $0x38;
	[tilespmem:$0xD020] =	vst v63  }
0x31: {  	s13 =	simm.s32 $0x0;
	s12 =	simm.s32 $0x80  }
.LBB2_2:
0x32: {  	p0 =	sne.s32 s12, $0x2780;
	[tilespmem:s13+$0x4E20] =	vst v0;
	s14 =	smov.u32 s12;
	s12 =	sadd.s32 $0x80, s12  }
.Ltmp2:
0x33: {  	[tilespmem:s13+$0x4E30] =	vst v0;
	(pc) =	sbr.rel @p0 .LBB2_2-.Ltmp2, $2  }
0x34: {  	_ =	sdelay $0x2  }
0x35: {  	s13 =	sshra.s32 s14, $0x2  }
0x36: {  	[tilespmem:s13+$0x4E20] =	vst v0  }
0x37: {  	[tilespmem:s13+$0x4E30] =	vst v0  }
0x38: {  	[spmem:s5] =	stream.linear.scatter [tilespmem:s18], [sflag:$0x8], $0xA00, $0x38;
	[tilespmem:$0xD020] =	vst v63  }
0x39: {  	s12 =	rddreg [dreg:$0x6]  }
0x3a: {  	[spmem:s12] =	stream.linear.scatter [tilespmem:s18], [sflag:$0x9], $0xA00, $0x38;
	[tilespmem:$0xD020] =	vst v63  }
0x3b: {  	s15 =	rddreg [dreg:$0x7]  }
0x3c: {  	[spmem:s15] =	stream.linear.scatter [tilespmem:s18], [sflag:$0xA], $0xA00, $0x38;
	[tilespmem:$0xD020] =	vst v63  }
0x3d: {  	s16 =	rddreg [dreg:$0x8]  }
0x3e: {  	[spmem:s16] =	stream.linear.scatter [tilespmem:s18], [sflag:$0xB], $0xA00, $0x38;
	[tilespmem:$0xD020] =	vst v63  }
0x3f: {  	s19 =	rddreg [dreg:$0x9]  }
0x40: {  	[spmem:s19] =	stream.linear.scatter [tilespmem:s18], [sflag:$0xC], $0xA00, $0x38;
	[tilespmem:$0xD020] =	vst v63  }
0x41: {  	s13 =	rddreg [dreg:$0xa]  }
0x42: {  	[spmem:s13] =	stream.linear.scatter [tilespmem:s18], [sflag:$0xD], $0xA00, $0x38;
	[tilespmem:$0xD020] =	vst v63  }
0x43: {  	s14 =	rddreg [dreg:$0xb]  }
0x44: {  	[spmem:s14] =	stream.linear.scatter [tilespmem:s18], [sflag:$0xE], $0xA00, $0x38;
	[tilespmem:$0xD020] =	vst v63  }
0x45: {  	s15 =	rddreg [dreg:$0xc];
	s16 =	simm.s32 $0x6  }
0x46: {  	[spmem:s15] =	stream.linear.scatter [tilespmem:s18], [sflag:$0xF], $0xA00, $0x38;
	[tilespmem:$0xD020] =	vst v63  }
0x47: {  	_ =	swait.ge [sflag:s16], $0x2710  }
0x48: {  	[sflag:s16] =	ssyncset.done $0x0  }
0x49: {  	[sflag:s16] =	ssyncadd.s32 $0xFFFFD8F0  }
0x4a: {  	_ =	swait.ge [sflag:s20], $0x2710  }
0x4b: {  	[sflag:s20] =	ssyncset.done $0x0  }
0x4c: {  	[sflag:s20] =	ssyncadd.s32 $0xFFFFD8F0  }
0x4d: {  	_ =	swait.ge [sflag:s21], $0xA00  }
0x4e: {  	[sflag:s21] =	ssyncset.done $0x0  }
0x4f: {  	[sflag:s21] =	ssyncadd.s32 $0xFFFFF600  }
0x50: {  	_ =	swait.ge [sflag:s22], $0xA00  }
0x51: {  	[sflag:s22] =	ssyncset.done $0x0  }
0x52: {  	[sflag:s22] =	ssyncadd.s32 $0xFFFFF600  }
0x53: {  	_ =	swait.ge [sflag:s23], $0xA00  }
0x54: {  	[sflag:s23] =	ssyncset.done $0x0  }
0x55: {  	[sflag:s23] =	ssyncadd.s32 $0xFFFFF600  }
0x56: {  	_ =	swait.ge [sflag:s24], $0xA00  }
0x57: {  	[sflag:s24] =	ssyncset.done $0x0  }
0x58: {  	[sflag:s24] =	ssyncadd.s32 $0xFFFFF600  }
0x59: {  	_ =	swait.ge [sflag:s25], $0xA00  }
0x5a: {  	[sflag:s25] =	ssyncset.done $0x0  }
0x5b: {  	[sflag:s25] =	ssyncadd.s32 $0xFFFFF600  }
0x5c: {  	_ =	swait.ge [sflag:s26], $0xA00  }
0x5d: {  	[sflag:s26] =	ssyncset.done $0x0  }
0x5e: {  	[sflag:s26] =	ssyncadd.s32 $0xFFFFF600  }
0x5f: {  	_ =	swait.ge [sflag:s28], $0xA00  }
0x60: {  	[sflag:s28] =	ssyncset.done $0x0  }
0x61: {  	[sflag:s28] =	ssyncadd.s32 $0xFFFFF600  }
0x62: {  	_ =	swait.ge [sflag:s29], $0xA00  }
0x63: {  	[sflag:s29] =	ssyncset.done $0x0  }
0x64: {  	[sflag:s29] =	ssyncadd.s32 $0xFFFFF600  }
0x65: {  	s12 =	simm.s32 $0x0;
	[bflag:$0x0] =	sbarrier.arrive $0xFFFF  }
0x66: {  	[tilespmem:s18], [sflag:$0x1] =	stream.indirect.gather [hbm4b:s4+s30], $0x20, s12, s30, $0xb8;
	[tilespmem:$0xD020] =	vst v63  }
0x67: {  	_ = 	snop  }
0x68: {  	[tilespmem:s31], [sflag:$0x2] =	stream.indirect.gather [hbm4b:s4+s30], $0x20, s30, s30, $0xb8;
	[tilespmem:$0xD020] =	vst v63  }
0x69: {  	s19 =	simm.s32 $0xA0  }
0x6a: {  	[tilespmem:s0], [sflag:$0x3] =	stream.indirect.gather [hbm4b:s4+s30], $0x20, s19, s30, $0xb8;
	[tilespmem:$0xD020] =	vst v63  }
.LBB2_4:
0x6b: {  	p0 =	seq.s32 s12, $0x0  }
0x6c: {  	s14 =	simm.s32 @!p0 $0xE  }
0x6d: {  	_ =	swait.ge @!p0 [sflag:s14], $0xA00  }
0x6e: {  	s13 =	sshra.s32 s12, $0x2;
	[sflag:s14] =	ssyncset.done @!p0 $0x0  }
0x6f: {  	s16 =	sadd.s32 $0xF0, s13;
	[sflag:s14] =	ssyncadd.s32 @!p0 $0xFFFFF600  }
0x70: {  	[tilespmem:s17], [sflag:$0x4] =	stream.indirect.gather [hbm4b:s4+s30], $0x20, s16, s30, $0xb8;
	[tilespmem:$0xD020] =	vst v63  }
0x71: {  	_ =	swait.ge [sflag:s1], $0xA00  }
0x72: {  	[sflag:s1] =	ssyncset.done $0x0  }
0x73: {  	s19 =	sadd.s32 $0x2710, s13;
	s14 =	simm.s32 @!p0 $0xF;
	[sflag:s1] =	ssyncadd.s32 $0xFFFFF600  }
0x74: {  	[spmem:s2] =	stream.indirect.scatter.add.f32 [tilespmem:s18], [sflag:$0xE], $0x20, s19, s30, $0xb8;
	[tilespmem:$0xD020] =	vst v63  }
0x75: {  	_ =	swait.ge @!p0 [sflag:s14], $0xA00  }
0x76: {  	[sflag:s14] =	ssyncset.done @!p0 $0x0  }
0x77: {  	s15 =	sadd.s32 $0x140, s13;
	[sflag:s14] =	ssyncadd.s32 @!p0 $0xFFFFF600  }
0x78: {  	[tilespmem:s3], [sflag:$0x5] =	stream.indirect.gather [hbm4b:s4+s30], $0x20, s15, s30, $0xb8;
	[tilespmem:$0xD020] =	vst v63  }
0x79: {  	_ =	swait.ge [sflag:s6], $0xA00  }
0x7a: {  	[sflag:s6] =	ssyncset.done $0x0  }
0x7b: {  	s16 =	sadd.s32 $0x2760, s13;
	[sflag:s6] =	ssyncadd.s32 $0xFFFFF600  }
0x7c: {  	[spmem:s2] =	stream.indirect.scatter.add.f32 [tilespmem:s31], [sflag:$0xF], $0x20, s16, s30, $0xb8;
	[tilespmem:$0xD020] =	vst v63  }
0x7d: {  	_ =	swait.ge [sflag:s28], $0xA00  }
0x7e: {  	p0 =	seq.s32 s12, $0x9600;
	[sflag:s28] =	ssyncset.done $0x0  }
0x7f: {  	s14 =	simm.s32 @p0 $0x3;
	[sflag:s28] =	ssyncadd.s32 $0xFFFFF600  }
0x80: {  	_ =	swait.ge @p0 [sflag:s14], $0xA00  }
0x81: {  	[sflag:s14] =	ssyncset.done @p0 $0x0  }
0x82: {  	[sflag:s14] =	ssyncadd.s32 @p0 $0xFFFFF600;
	s14 =	sshra.s32 @p0 s12, $0x2  }
0x83: {  	s15 =	simm.s32 @p0 $0x50;
	s16 =	simm.s32 @p0 $0x6220;
	s14 =	sadd.s32 @p0 $0x27B0, s14  }
0x84: {  	[spmem:s2] =	stream.indirect.scatter.add.f32 @p0 [tilespmem:s16], [sflag:$0xE], $0x20, s14, s15, $0xb8;
	[tilespmem:$0xD020] =	vst v63  }
0x85: {  	s14 =	simm.s32 @p0 $0xF  }
0x86: {  	_ =	swait.ge @p0 [sflag:s14], $0xA00  }
0x87: {  	[sflag:s14] =	ssyncset.done @p0 $0x0  }
0x88: {  	[sflag:s14] =	ssyncadd.s32 @p0 $0xFFFFF600;
	s14 =	sshra.s32 @!p0 s12, $0x2  }
0x89: {  	s19 =	simm.s32 @!p0 $0x4E20;
	s16 =	simm.s32 @!p0 $0x50;
	s15 =	sadd.s32 @!p0 $0x190, s14  }
0x8a: {  	[tilespmem:s19], [sflag:$0x1] =	stream.indirect.gather @!p0 [hbm4b:s4+s16], $0x20, s15, s16, $0xb8;
	[tilespmem:$0xD020] =	vst v63  }
0x8b: {  	s15 =	simm.s32 @!p0 $0x3  }
0x8c: {  	_ =	swait.ge @!p0 [sflag:s15], $0xA00  }
0x8d: {  	[sflag:s15] =	ssyncset.done @!p0 $0x0  }
0x8e: {  	s19 =	simm.s32 @!p0 $0x6220;
	[sflag:s15] =	ssyncadd.s32 @!p0 $0xFFFFF600;
	s15 =	sadd.s32 @!p0 $0x27B0, s14  }
0x8f: {  	[spmem:s2] =	stream.indirect.scatter.add.f32 @!p0 [tilespmem:s19], [sflag:$0xE], $0x20, s15, s16, $0xb8;
	[tilespmem:$0xD020] =	vst v63  }
0x90: {  	s15 =	simm.s32 @!p0 $0xF  }
0x91: {  	_ =	swait.ge @!p0 [sflag:s15], $0xA00  }
0x92: {  	[sflag:s15] =	ssyncset.done @!p0 $0x0  }
0x93: {  	s14 =	sadd.s32 @!p0 $0x1E0, s14;
	[sflag:s15] =	ssyncadd.s32 @!p0 $0xFFFFF600;
	s15 =	simm.s32 @!p0 $0x5820  }
0x94: {  	[tilespmem:s15], [sflag:$0x2] =	stream.indirect.gather @!p0 [hbm4b:s4+s16], $0x20, s14, s16, $0xb8;
	[tilespmem:$0xD020] =	vst v63  }
0x95: {  	_ =	swait.ge [sflag:s7], $0xA00  }
0x96: {  	[sflag:s7] =	ssyncset.done $0x0  }
.Ltmp3:
0x97: {  	s19 =	sadd.s32 $0x2800, s13;
	[sflag:s7] =	ssyncadd.s32 $0xFFFFF600;
	(pc) =	sbr.rel @p0 .LBB2_6-.Ltmp3, $4  }
0x98: {  	[spmem:s2] =	stream.indirect.scatter.add.f32 [tilespmem:s17], [sflag:$0xF], $0x20, s19, s30, $0xb8;
	[tilespmem:$0xD020] =	vst v63  }
0x99: {  	_ =	swait.ge [sflag:s28], $0xA00  }
0x9a: {  	[sflag:s28] =	ssyncset.done $0x0  }
0x9b: {  	s14 =	sadd.s32 $0x2850, s13;
	[sflag:s28] =	ssyncadd.s32 $0xFFFFF600  }
0x9c: {  	s15 =	sadd.s32 $0x230, s13  }
0x9d: {  	[tilespmem:s0], [sflag:$0x3] =	stream.indirect.gather [hbm4b:s4+s30], $0x20, s15, s30, $0xb8;
	[tilespmem:$0xD020] =	vst v63  }
0x9e: {  	_ =	swait.ge [sflag:s8], $0xA00  }
0x9f: {  	[sflag:s8] =	ssyncset.done $0x0  }
0xa0: {  	[sflag:s8] =	ssyncadd.s32 $0xFFFFF600  }
0xa1: {  	[spmem:s2] =	stream.indirect.scatter.add.f32 [tilespmem:s3], [sflag:$0xE], $0x20, s14, s30, $0xb8;
	[tilespmem:$0xD020] =	vst v63  }
0xa2: {  	_ =	swait.ge [sflag:s29], $0xA00  }
0xa3: {  	[sflag:s29] =	ssyncset.done $0x0  }
0xa4: {  	s19 =	sadd.s32 $0x280, s13;
	[sflag:s29] =	ssyncadd.s32 $0xFFFFF600  }
0xa5: {  	[tilespmem:s17], [sflag:$0x4] =	stream.indirect.gather [hbm4b:s4+s30], $0x20, s19, s30, $0xb8;
	[tilespmem:$0xD020] =	vst v63  }
0xa6: {  	_ =	swait.ge [sflag:s1], $0xA00  }
0xa7: {  	[sflag:s1] =	ssyncset.done $0x0  }
0xa8: {  	s15 =	sadd.s32 $0x28A0, s13;
	[sflag:s1] =	ssyncadd.s32 $0xFFFFF600  }
0xa9: {  	[spmem:s2] =	stream.indirect.scatter.add.f32 [tilespmem:s18], [sflag:$0xF], $0x20, s15, s30, $0xb8;
	[tilespmem:$0xD020] =	vst v63  }
0xaa: {  	_ =	swait.ge [sflag:s28], $0xA00  }
0xab: {  	[sflag:s28] =	ssyncset.done $0x0  }
0xac: {  	s16 =	sadd.s32 $0x2D0, s13;
	[sflag:s28] =	ssyncadd.s32 $0xFFFFF600  }
0xad: {  	[tilespmem:s3], [sflag:$0x5] =	stream.indirect.gather [hbm4b:s4+s30], $0x20, s16, s30, $0xb8;
	[tilespmem:$0xD020] =	vst v63  }
0xae: {  	_ =	swait.ge [sflag:s6], $0xA00  }
0xaf: {  	[sflag:s6] =	ssyncset.done $0x0  }
0xb0: {  	s19 =	sadd.s32 $0x28F0, s13;
	[sflag:s6] =	ssyncadd.s32 $0xFFFFF600  }
0xb1: {  	[spmem:s2] =	stream.indirect.scatter.add.f32 [tilespmem:s31], [sflag:$0xE], $0x20, s19, s30, $0xb8;
	[tilespmem:$0xD020] =	vst v63  }
0xb2: {  	_ =	swait.ge [sflag:s29], $0xA00  }
0xb3: {  	[sflag:s29] =	ssyncset.done $0x0  }
0xb4: {  	s15 =	sadd.s32 $0x320, s13;
	[sflag:s29] =	ssyncadd.s32 $0xFFFFF600  }
0xb5: {  	[tilespmem:s18], [sflag:$0x1] =	stream.indirect.gather [hbm4b:s4+s30], $0x20, s15, s30, $0xb8;
	[tilespmem:$0xD020] =	vst v63  }
0xb6: {  	_ =	swait.ge [sflag:s10], $0xA00  }
0xb7: {  	[sflag:s10] =	ssyncset.done $0x0  }
0xb8: {  	s16 =	sadd.s32 $0x2940, s13;
	[sflag:s10] =	ssyncadd.s32 $0xFFFFF600  }
0xb9: {  	[spmem:s2] =	stream.indirect.scatter.add.f32 [tilespmem:s0], [sflag:$0xF], $0x20, s16, s30, $0xb8;
	[tilespmem:$0xD020] =	vst v63  }
0xba: {  	_ =	swait.ge [sflag:s28], $0xA00  }
0xbb: {  	[sflag:s28] =	ssyncset.done $0x0  }
0xbc: {  	s19 =	sadd.s32 $0x370, s13;
	[sflag:s28] =	ssyncadd.s32 $0xFFFFF600  }
0xbd: {  	[tilespmem:s31], [sflag:$0x2] =	stream.indirect.gather [hbm4b:s4+s30], $0x20, s19, s30, $0xb8;
	[tilespmem:$0xD020] =	vst v63  }
0xbe: {  	_ =	swait.ge [sflag:s7], $0xA00  }
0xbf: {  	[sflag:s7] =	ssyncset.done $0x0  }
0xc0: {  	s15 =	sadd.s32 $0x2990, s13;
	[sflag:s7] =	ssyncadd.s32 $0xFFFFF600  }
0xc1: {  	[spmem:s2] =	stream.indirect.scatter.add.f32 [tilespmem:s17], [sflag:$0xE], $0x20, s15, s30, $0xb8;
	[tilespmem:$0xD020] =	vst v63  }
0xc2: {  	_ =	swait.ge [sflag:s29], $0xA00  }
0xc3: {  	[sflag:s29] =	ssyncset.done $0x0  }
0xc4: {  	s16 =	sadd.s32 $0x3C0, s13;
	[sflag:s29] =	ssyncadd.s32 $0xFFFFF600  }
0xc5: {  	[tilespmem:s0], [sflag:$0x3] =	stream.indirect.gather [hbm4b:s4+s30], $0x20, s16, s30, $0xb8;
	[tilespmem:$0xD020] =	vst v63  }
.Ltmp4:
0xc6: {  	_ = 	snop;
	(pc) =	sbr.rel .LBB2_4-.Ltmp4, $4  }
0xc7: {  	_ =	swait.ge [sflag:s8], $0xA00  }
0xc8: {  	[sflag:s8] =	ssyncset.done $0x0  }
0xc9: {  	s12 =	sadd.s32 $0xC80, s12;
	s19 =	sadd.s32 $0x29E0, s13;
	[sflag:s8] =	ssyncadd.s32 $0xFFFFF600  }
0xca: {  	[spmem:s2] =	stream.indirect.scatter.add.f32 [tilespmem:s3], [sflag:$0xF], $0x20, s19, s30, $0xb8;
	[tilespmem:$0xD020] =	vst v63  }
.LBB2_7:
0xcb: {  	_ =	sfence.sel $0x180000  }
0xcc: {  	[bflag:$0x0] =	sbarrier.arrive $0xFFFF  }
0xcd: {  	_ =	strace $0x90000050  }
0xce: {  	s0 =	stileid.u32;
	[bflag:$0x2] =	sbarrier.arrive $0xFFFF  }
0xcf: {  	p0 =	sne.s32 s0, $0x0;
	s0 =	rddreg [dreg:$0x3]  }
0xd0: {  	s0 =	sadd.s32 @!p0 $0x100000, s0  }
0xd1: {  	[sflag:s0] =	ssyncadd.tile.s32 @!p0 $0x1;
	_ =	shalt  }
.Lfunc_end2:
_tile_overlayer_lowered:
.L_overlay_start_2:
0xd2: {  	(tag) =	ssettag $0x2  }
0xd3: {  	s0 =	rddreg [dreg:$0x0];
	s2 =	stileid.u32  }
0xd4: {  	s1 =	rddreg [dreg:$0x1];
	p0 =	sne.s32 s2, $0x0  }
0xd5: {  	s3 =	rddreg [dreg:$0x2];
	[bflag:$0x3] =	sbarrier.arrive $0xFFFF;
	s2 =	simm.s32 @!p0 $0x1C10  }
0xd6: {  	[timem:s3], [sflag:s2] =	dma.local @!p0 [hbm:s0], s1  }
0xd7: {  	s0 =	simm.s32 @!p0 $0x10  }
0xd8: {  	_ =	swait.ge @!p0 [sflag:s0], s1  }
0xd9: {  	s1 =	ssub.s32 @!p0 $0x0, s1;
	[sflag:s0] =	ssyncset.done @!p0 $0x0  }
0xda: {  	[sflag:s0] =	ssyncadd.s32 @!p0 s1  }
0xdb: {  	[bflag:$0x3] =	sbarrier.arrive $0xFFFF  }
0xdc: {  	_ =	shalt  }

</sc_bundles>
